<compile_context>
chip_gen: v7x
topology: tpu7x:2x2x1
jax: 0.10.2.dev20260603
libtpu: 0.0.44.dev20260713+nightly
codegen_flags: <defaults>
</compile_context>

<pallas_src>
import functools

import jax
import jax.numpy as jnp
from jax import lax
from jax.experimental import pallas as pl
from jax.experimental.pallas import tpu as pltpu
from jax.experimental.pallas import tpu_sc as plsc

N = 10000
NP = 10240
D = 128
HD = 64
E = 320000

NC = 2
NS = 16

EP = 327680
B = 128
NB = EP // NS // B
CH = 16
NCH = NB // CH
ROWS_PER_TILE = N // NS
ZR = 125


def _sc_halves(ego0, ego1, src_w, dst_w, val_w):
  mesh = plsc.VectorSubcoreMesh(core_axis_name="c", subcore_axis_name="s")

  @functools.partial(
      pl.kernel,
      out_type=jax.ShapeDtypeStruct((N, D), jnp.float32),
      mesh=mesh,
      scratch_types=[
          pltpu.VMEM((2, CH, B), jnp.int32),
          pltpu.VMEM((2, CH, B), jnp.int32),
          pltpu.VMEM((2, CH, B), jnp.float32),
          pltpu.VMEM((6, B, HD // 2), jnp.int32),
          pltpu.VMEM((4, B, HD), jnp.float32),
          pltpu.VMEM_SHARED((N, HD), jnp.float32),
          pltpu.SemaphoreType.DMA((6,)),
          pltpu.SemaphoreType.DMA((4,)),
          pltpu.SemaphoreType.DMA((2,)),
      ],
      compiler_params=pltpu.CompilerParams(use_tc_tiling_on_sc=False,
                                           needs_layout_passes=False),
  )
  def k(ego0_hbm, ego1_hbm, src_hbm, dst_hbm, val_hbm, out_hbm,
        src_v, dst_v, val_v, rows_v, srow_v, accum, gsem, ssem, isem):
    c = lax.axis_index("c")
    s = lax.axis_index("s")

    def zrow(i, carry):
      for kk in range(HD // 16):
        srow_v[0, i, pl.ds(kk * 16, 16)] = jnp.zeros((16,), jnp.float32)
      return carry
    lax.fori_loop(0, ZR, zrow, 0)
    zdescs = [
        pltpu.async_copy(srow_v.at[0, pl.ds(0, ZR)],
                         accum.at[pl.ds(s * ROWS_PER_TILE + t * ZR, ZR)],
                         isem.at[0])
        for t in range(ROWS_PER_TILE // ZR)]
    for d in zdescs:
      d.wait()
    plsc.subcore_barrier()

    def stage_sync(ci, slot):
      pltpu.sync_copy(src_hbm.at[s, pl.ds(ci * CH, CH)], src_v.at[slot])
      pltpu.sync_copy(dst_hbm.at[s, pl.ds(ci * CH, CH)], dst_v.at[slot])
      pltpu.sync_copy(val_hbm.at[s, pl.ds(ci * CH, CH)], val_v.at[slot])

    def stage_async(ci, slot):
      pltpu.async_copy(src_hbm.at[s, pl.ds(ci * CH, CH)], src_v.at[slot],
                       isem.at[slot])
      pltpu.async_copy(dst_hbm.at[s, pl.ds(ci * CH, CH)], dst_v.at[slot],
                       isem.at[slot])
      pltpu.async_copy(val_hbm.at[s, pl.ds(ci * CH, CH)], val_v.at[slot],
                       isem.at[slot])

    def wait_stage(slot):
      for hbm, ref in ((src_hbm, src_v), (dst_hbm, dst_v), (val_hbm, val_v)):
        pltpu.make_async_copy(hbm.at[s, pl.ds(0, CH)], ref.at[slot],
                              isem.at[slot]).wait()

    def issue_gather(t):
      slot = (t // CH) % 2
      buf = t % 6
      idx = src_v.at[slot, t % CH]

      @pl.when(c == 0)
      def _():
        pltpu.async_copy(ego0_hbm.at[idx], rows_v.at[buf], gsem.at[buf])

      @pl.when(c == 1)
      def _():
        pltpu.async_copy(ego1_hbm.at[idx], rows_v.at[buf], gsem.at[buf])

    def wait_scatter(buf):
      pltpu.make_async_copy(
          srow_v.at[buf], accum.at[dst_v.at[0, 0]], ssem.at[buf]).wait()

    stage_sync(0, 0)
    issue_gather(0)
    issue_gather(1)
    issue_gather(2)
    issue_gather(3)

    def batch(j, carry):
      b = j % 6
      sb = j % 4
      slot = (j // CH) % 2
      bb = j % CH
      nxt = j + 4

      @pl.when(nxt < NB)
      def _():
        @pl.when(nxt % CH == 0)
        def _():
          wait_stage((nxt // CH) % 2)
        issue_gather(nxt)

      @pl.when(jnp.logical_and(j % CH == 3, j // CH + 1 < NCH))
      def _():
        stage_async(j // CH + 1, (j // CH + 1) % 2)

      pltpu.make_async_copy(
          ego0_hbm.at[src_v.at[slot, bb]], rows_v.at[b],
          gsem.at[b]).wait()

      @pl.when(j >= 4)
      def _():
        wait_scatter(sb)

      shamt = jnp.full((16,), 16, jnp.int32)
      mask = jnp.full((16,), -65536, jnp.int32)

      @plsc.parallel_loop(0, B // 16, unroll=2)
      def group(g):
        vals16 = val_v[slot, bb, pl.ds(g * 16, 16)]
        base = g * 16
        for e in range(16):
          v = vals16[e]
          for blk in range(HD // 32):
            w = rows_v[b, base + e, pl.ds(blk * 16, 16)]
            lo = plsc.bitcast(lax.shift_left(w, shamt), jnp.float32)
            hi = plsc.bitcast(lax.bitwise_and(w, mask), jnp.float32)
            srow_v[sb, base + e, pl.ds(blk * 32, 16)] = lo * v
            srow_v[sb, base + e, pl.ds(blk * 32 + 16, 16)] = hi * v

      pltpu.async_copy(srow_v.at[sb], accum.at[dst_v.at[slot, bb]],
                       ssem.at[sb], add=True)
      return carry
    lax.fori_loop(0, NB, batch, 0)

    for buf in range(4):
      wait_scatter(buf)

    plsc.subcore_barrier()

    base = s * ROWS_PER_TILE
    pltpu.sync_copy(accum.at[pl.ds(base, ROWS_PER_TILE)],
                    out_hbm.at[pl.ds(base, ROWS_PER_TILE),
                               pl.ds(c * HD, HD)])

  return k(ego0, ego1, src_w, dst_w, val_w)


def kernel(ego_embeddings, edge_index, edge_vals):
  pad = EP - E
  ei = jnp.pad(edge_index, ((0, 0), (0, pad)))
  src_w = ei[0].reshape(NS, NB, B)
  dst_w = ei[1].reshape(NS, NB, B)
  val_w = jnp.pad(edge_vals, (0, pad)).reshape(NS, NB, B)
  def pack_half(h):
    hp = h.reshape(N, 2, 2, 16).transpose(0, 1, 3, 2).reshape(N, 32, 2)
    return jax.lax.bitcast_convert_type(
        hp.astype(jnp.bfloat16), jnp.int32)

  ego0 = pack_half(ego_embeddings[:, :HD])
  ego1 = pack_half(ego_embeddings[:, HD:])
  return _sc_halves(ego0, ego1, src_w, dst_w, val_w)

# --- scband reference (transcript-rebuilt; emitter-appended) ---
"""Pipeline reference for scband-graph-conv-79242146611301 (READ-ONLY COPY).

The authoritative reference and input builder live on the scoring server;
editing this copy changes nothing except your own understanding.
"""

import jax, jax.numpy as jnp
import numpy as np

N = 10000
E = 320000
D = 128


def setup_inputs(seed: int = 0) -> dict:
    key = jax.random.key(seed)
    k1, k2, k3 = jax.random.split(key, 3)
    ego_embeddings = jax.random.normal(k1, (N, D), dtype=jnp.float32)
    edge_index = jax.random.randint(k2, (2, E), 0, N, dtype=jnp.int32)
    # nonzero values of the sparse adjacency matrix (e.g. sym-normalized weights)
    edge_vals = jax.random.uniform(k3, (E,), dtype=jnp.float32)
    return {"ego_embeddings": ego_embeddings, "edge_index": edge_index, "edge_vals": edge_vals}


def reference(ego_embeddings, edge_index, edge_vals):
    # tf.sparse.sparse_dense_matmul(adj, ego) == scatter-add of weighted source rows into dst rows
    src = edge_index[0]
    dst = edge_index[1]
    msgs = jnp.take(ego_embeddings, src, axis=0) * edge_vals[:, None]
    out = jax.ops.segment_sum(msgs, dst, num_segments=N)
    return out

if __name__ == "__main__":
    import jax
    _d = setup_inputs()
    print(jax.jit(kernel)(*tuple(_d.values())))

</pallas_src>

<mosaic_0001>
#map = affine_map<(d0, d1) -> (0, 0)>
#map1 = affine_map<(d0, d1) -> (0, 0, 0)>
module attributes {stable_mosaic.version = 14 : i64} {
  func.func @k(%arg0: i32, %arg1: i32, %arg2: memref<10000x32xi32, #tpu.memory_space<hbm>>, %arg3: memref<10000x32xi32, #tpu.memory_space<hbm>>, %arg4: memref<16x160x128xi32, #tpu.memory_space<hbm>>, %arg5: memref<16x160x128xi32, #tpu.memory_space<hbm>>, %arg6: memref<16x160x128xf32, #tpu.memory_space<hbm>>, %arg7: memref<10000x128xf32, #tpu.memory_space<hbm>>, %arg8: memref<2x16x128xi32, #tpu.memory_space<vmem>>, %arg9: memref<2x16x128xi32, #tpu.memory_space<vmem>>, %arg10: memref<2x16x128xf32, #tpu.memory_space<vmem>>, %arg11: memref<6x128x32xi32, #tpu.memory_space<vmem>>, %arg12: memref<4x128x64xf32, #tpu.memory_space<vmem>>, %arg13: memref<10000x64xf32, #tpu.memory_space<vmem_shared>>, %arg14: memref<6x!tpu.dma_semaphore, #tpu.memory_space<semaphore_mem>>, %arg15: memref<4x!tpu.dma_semaphore, #tpu.memory_space<semaphore_mem>>, %arg16: memref<2x!tpu.dma_semaphore, #tpu.memory_space<semaphore_mem>>) attributes {dimension_semantics = [#tpu.dimension_semantics<core_parallel>, #tpu.dimension_semantics<subcore_parallel>], iteration_bounds = array<i64: 2, 16>, scalar_prefetch = 0 : i64, scratch_operands = 9 : i64, tpu.core_type = #tpu.core_type<sc_vector_subcore>, window_params = [{transform_indices = #map}, {transform_indices = #map}, {transform_indices = #map1}, {transform_indices = #map1}, {transform_indices = #map1}, {transform_indices = #map}]} {
    %scan3A = arith.constant 0 : i32
    %scan3A_0 = arith.constant 0 : i32
    %scan3A_1 = arith.constant 125 : i32
    %scan3A_2 = arith.addi %scan3A_0, %scan3A_1 : i32
    %scan3A_3 = arith.constant 1 : i32
    scf.for %scan3A_311 = %scan3A_0 to %scan3A_2 step %scan3A_3  : i32 {
      %broadcast_in_dim3A = arith.constant 0.000000e+00 : f32
      %broadcast_in_dim3A_312 = vector.broadcast %broadcast_in_dim3A : f32 to vector<16xf32>
      %swap3A = arith.constant 0 : i32
      %swap3A_313 = arith.index_cast %swap3A : i32 to index
      %swap3A_314 = arith.index_cast %scan3A_311 : i32 to index
      %swap3A_315 = arith.constant 0 : index
      %swap3A_316 = tpu.vector_load %arg12[%swap3A_313, %swap3A_314, %swap3A_315] {strides = array<i32>} : memref<4x128x64xf32, #tpu.memory_space<vmem>>, vector<16xf32>,
      tpu.vector_store %arg12[%swap3A_313, %swap3A_314, %swap3A_315], %broadcast_in_dim3A_312 {strides = array<i32>} : memref<4x128x64xf32, #tpu.memory_space<vmem>>, vector<16xf32>,
      %broadcast_in_dim3A_317 = arith.constant 0.000000e+00 : f32
      %broadcast_in_dim3A_318 = vector.broadcast %broadcast_in_dim3A_317 : f32 to vector<16xf32>
      %swap3A_319 = arith.constant 0 : i32
      %swap3A_320 = arith.index_cast %swap3A_319 : i32 to index
      %swap3A_321 = arith.index_cast %scan3A_311 : i32 to index
      %swap3A_322 = arith.constant 16 : index
      %swap3A_323 = tpu.vector_load %arg12[%swap3A_320, %swap3A_321, %swap3A_322] {strides = array<i32>} : memref<4x128x64xf32, #tpu.memory_space<vmem>>, vector<16xf32>,
      tpu.vector_store %arg12[%swap3A_320, %swap3A_321, %swap3A_322], %broadcast_in_dim3A_318 {strides = array<i32>} : memref<4x128x64xf32, #tpu.memory_space<vmem>>, vector<16xf32>,
      %broadcast_in_dim3A_324 = arith.constant 0.000000e+00 : f32
      %broadcast_in_dim3A_325 = vector.broadcast %broadcast_in_dim3A_324 : f32 to vector<16xf32>
      %swap3A_326 = arith.constant 0 : i32
      %swap3A_327 = arith.index_cast %swap3A_326 : i32 to index
      %swap3A_328 = arith.index_cast %scan3A_311 : i32 to index
      %swap3A_329 = arith.constant 32 : index
      %swap3A_330 = tpu.vector_load %arg12[%swap3A_327, %swap3A_328, %swap3A_329] {strides = array<i32>} : memref<4x128x64xf32, #tpu.memory_space<vmem>>, vector<16xf32>,
      tpu.vector_store %arg12[%swap3A_327, %swap3A_328, %swap3A_329], %broadcast_in_dim3A_325 {strides = array<i32>} : memref<4x128x64xf32, #tpu.memory_space<vmem>>, vector<16xf32>,
      %broadcast_in_dim3A_331 = arith.constant 0.000000e+00 : f32
      %broadcast_in_dim3A_332 = vector.broadcast %broadcast_in_dim3A_331 : f32 to vector<16xf32>
      %swap3A_333 = arith.constant 0 : i32
      %swap3A_334 = arith.index_cast %swap3A_333 : i32 to index
      %swap3A_335 = arith.index_cast %scan3A_311 : i32 to index
      %swap3A_336 = arith.constant 48 : index
      %swap3A_337 = tpu.vector_load %arg12[%swap3A_334, %swap3A_335, %swap3A_336] {strides = array<i32>} : memref<4x128x64xf32, #tpu.memory_space<vmem>>, vector<16xf32>,
      tpu.vector_store %arg12[%swap3A_334, %swap3A_335, %swap3A_336], %broadcast_in_dim3A_332 {strides = array<i32>} : memref<4x128x64xf32, #tpu.memory_space<vmem>>, vector<16xf32>,
    }
    %scan3A_4 = arith.constant 125 : i32
    %mul3A = arith.constant 625 : i32
    %mul3A_5 = arith.muli %arg1, %mul3A : i32
    %add3A = arith.constant 0 : i32
    %add3A_6 = arith.addi %mul3A_5, %add3A : i32
    %dma_start3A = arith.constant 0 : i32
    %dma_start3A_7 = arith.constant 0 : i32
    %dma_start3A_8 = arith.constant 0 : i32
    %dma_start3A_9 = arith.constant 0 : i32
    %dma_start3A_10 = tpu.memref_slice %arg12[%dma_start3A, %dma_start3A_8, %dma_start3A_9] : memref<4x128x64xf32, #tpu.memory_space<vmem>> -> memref<1x125x64xf32, #tpu.memory_space<vmem>>
    %dma_start3A_11 = tpu.memref_squeeze %dma_start3A_10 : memref<1x125x64xf32, #tpu.memory_space<vmem>> -> memref<125x64xf32, #tpu.memory_space<vmem>>
    %dma_start3A_12 = arith.constant 0 : i32
    %dma_start3A_13 = tpu.memref_slice %arg13[%add3A_6, %dma_start3A_12] : memref<10000x64xf32, #tpu.memory_space<vmem_shared>> -> memref<125x64xf32, #tpu.memory_space<vmem_shared>>
    %dma_start3A_14 = tpu.memref_slice %arg16[%dma_start3A_7] : memref<2x!tpu.dma_semaphore, #tpu.memory_space<semaphore_mem>> -> memref<1x!tpu.dma_semaphore, #tpu.memory_space<semaphore_mem>>
    %dma_start3A_15 = tpu.memref_squeeze %dma_start3A_14 : memref<1x!tpu.dma_semaphore, #tpu.memory_space<semaphore_mem>> -> memref<!tpu.dma_semaphore, #tpu.memory_space<semaphore_mem>>
    %dma_start3A_16 = arith.constant 0 : i32
    %dma_start3A_17 = tpu.memref_slice %arg13[%add3A_6, %dma_start3A_16] : memref<10000x64xf32, #tpu.memory_space<vmem_shared>> -> memref<125x64xf32, #tpu.memory_space<vmem_shared>>
    %dma_start3A_18 = arith.constant 0 : i32
    %dma_start3A_19 = arith.constant 0 : i32
    %dma_start3A_20 = tpu.memref_slice %arg12[%dma_start3A, %dma_start3A_18, %dma_start3A_19] : memref<4x128x64xf32, #tpu.memory_space<vmem>> -> memref<1x125x64xf32, #tpu.memory_space<vmem>>
    %dma_start3A_21 = tpu.memref_squeeze %dma_start3A_20 : memref<1x125x64xf32, #tpu.memory_space<vmem>> -> memref<125x64xf32, #tpu.memory_space<vmem>>
    tpu.enqueue_dma source(%dma_start3A_21 : memref<125x64xf32, #tpu.memory_space<vmem>>) target(%dma_start3A_17 : memref<125x64xf32, #tpu.memory_space<vmem_shared>>) target_semaphore(%dma_start3A_15 : memref<!tpu.dma_semaphore, #tpu.memory_space<semaphore_mem>>)
    %mul3A_22 = arith.constant 625 : i32
    %mul3A_23 = arith.muli %arg1, %mul3A_22 : i32
    %add3A_24 = arith.constant 125 : i32
    %add3A_25 = arith.addi %mul3A_23, %add3A_24 : i32
    %dma_start3A_26 = arith.constant 0 : i32
    %dma_start3A_27 = arith.constant 0 : i32
    %dma_start3A_28 = arith.constant 0 : i32
    %dma_start3A_29 = arith.constant 0 : i32
    %dma_start3A_30 = tpu.memref_slice %arg12[%dma_start3A_26, %dma_start3A_28, %dma_start3A_29] : memref<4x128x64xf32, #tpu.memory_space<vmem>> -> memref<1x125x64xf32, #tpu.memory_space<vmem>>
    %dma_start3A_31 = tpu.memref_squeeze %dma_start3A_30 : memref<1x125x64xf32, #tpu.memory_space<vmem>> -> memref<125x64xf32, #tpu.memory_space<vmem>>
    %dma_start3A_32 = arith.constant 0 : i32
    %dma_start3A_33 = tpu.memref_slice %arg13[%add3A_25, %dma_start3A_32] : memref<10000x64xf32, #tpu.memory_space<vmem_shared>> -> memref<125x64xf32, #tpu.memory_space<vmem_shared>>
    %dma_start3A_34 = tpu.memref_slice %arg16[%dma_start3A_27] : memref<2x!tpu.dma_semaphore, #tpu.memory_space<semaphore_mem>> -> memref<1x!tpu.dma_semaphore, #tpu.memory_space<semaphore_mem>>
    %dma_start3A_35 = tpu.memref_squeeze %dma_start3A_34 : memref<1x!tpu.dma_semaphore, #tpu.memory_space<semaphore_mem>> -> memref<!tpu.dma_semaphore, #tpu.memory_space<semaphore_mem>>
    %dma_start3A_36 = arith.constant 0 : i32
    %dma_start3A_37 = tpu.memref_slice %arg13[%add3A_25, %dma_start3A_36] : memref<10000x64xf32, #tpu.memory_space<vmem_shared>> -> memref<125x64xf32, #tpu.memory_space<vmem_shared>>
    %dma_start3A_38 = arith.constant 0 : i32
    %dma_start3A_39 = arith.constant 0 : i32
    %dma_start3A_40 = tpu.memref_slice %arg12[%dma_start3A_26, %dma_start3A_38, %dma_start3A_39] : memref<4x128x64xf32, #tpu.memory_space<vmem>> -> memref<1x125x64xf32, #tpu.memory_space<vmem>>
    %dma_start3A_41 = tpu.memref_squeeze %dma_start3A_40 : memref<1x125x64xf32, #tpu.memory_space<vmem>> -> memref<125x64xf32, #tpu.memory_space<vmem>>
    tpu.enqueue_dma source(%dma_start3A_41 : memref<125x64xf32, #tpu.memory_space<vmem>>) target(%dma_start3A_37 : memref<125x64xf32, #tpu.memory_space<vmem_shared>>) target_semaphore(%dma_start3A_35 : memref<!tpu.dma_semaphore, #tpu.memory_space<semaphore_mem>>)
    %mul3A_42 = arith.constant 625 : i32
    %mul3A_43 = arith.muli %arg1, %mul3A_42 : i32
    %add3A_44 = arith.constant 250 : i32
    %add3A_45 = arith.addi %mul3A_43, %add3A_44 : i32
    %dma_start3A_46 = arith.constant 0 : i32
    %dma_start3A_47 = arith.constant 0 : i32
    %dma_start3A_48 = arith.constant 0 : i32
    %dma_start3A_49 = arith.constant 0 : i32
    %dma_start3A_50 = tpu.memref_slice %arg12[%dma_start3A_46, %dma_start3A_48, %dma_start3A_49] : memref<4x128x64xf32, #tpu.memory_space<vmem>> -> memref<1x125x64xf32, #tpu.memory_space<vmem>>
    %dma_start3A_51 = tpu.memref_squeeze %dma_start3A_50 : memref<1x125x64xf32, #tpu.memory_space<vmem>> -> memref<125x64xf32, #tpu.memory_space<vmem>>
    %dma_start3A_52 = arith.constant 0 : i32
    %dma_start3A_53 = tpu.memref_slice %arg13[%add3A_45, %dma_start3A_52] : memref<10000x64xf32, #tpu.memory_space<vmem_shared>> -> memref<125x64xf32, #tpu.memory_space<vmem_shared>>
    %dma_start3A_54 = tpu.memref_slice %arg16[%dma_start3A_47] : memref<2x!tpu.dma_semaphore, #tpu.memory_space<semaphore_mem>> -> memref<1x!tpu.dma_semaphore, #tpu.memory_space<semaphore_mem>>
    %dma_start3A_55 = tpu.memref_squeeze %dma_start3A_54 : memref<1x!tpu.dma_semaphore, #tpu.memory_space<semaphore_mem>> -> memref<!tpu.dma_semaphore, #tpu.memory_space<semaphore_mem>>
    %dma_start3A_56 = arith.constant 0 : i32
    %dma_start3A_57 = tpu.memref_slice %arg13[%add3A_45, %dma_start3A_56] : memref<10000x64xf32, #tpu.memory_space<vmem_shared>> -> memref<125x64xf32, #tpu.memory_space<vmem_shared>>
    %dma_start3A_58 = arith.constant 0 : i32
    %dma_start3A_59 = arith.constant 0 : i32
    %dma_start3A_60 = tpu.memref_slice %arg12[%dma_start3A_46, %dma_start3A_58, %dma_start3A_59] : memref<4x128x64xf32, #tpu.memory_space<vmem>> -> memref<1x125x64xf32, #tpu.memory_space<vmem>>
    %dma_start3A_61 = tpu.memref_squeeze %dma_start3A_60 : memref<1x125x64xf32, #tpu.memory_space<vmem>> -> memref<125x64xf32, #tpu.memory_space<vmem>>
    tpu.enqueue_dma source(%dma_start3A_61 : memref<125x64xf32, #tpu.memory_space<vmem>>) target(%dma_start3A_57 : memref<125x64xf32, #tpu.memory_space<vmem_shared>>) target_semaphore(%dma_start3A_55 : memref<!tpu.dma_semaphore, #tpu.memory_space<semaphore_mem>>)
    %mul3A_62 = arith.constant 625 : i32
    %mul3A_63 = arith.muli %arg1, %mul3A_62 : i32
    %add3A_64 = arith.constant 375 : i32
    %add3A_65 = arith.addi %mul3A_63, %add3A_64 : i32
    %dma_start3A_66 = arith.constant 0 : i32
    %dma_start3A_67 = arith.constant 0 : i32
    %dma_start3A_68 = arith.constant 0 : i32
    %dma_start3A_69 = arith.constant 0 : i32
    %dma_start3A_70 = tpu.memref_slice %arg12[%dma_start3A_66, %dma_start3A_68, %dma_start3A_69] : memref<4x128x64xf32, #tpu.memory_space<vmem>> -> memref<1x125x64xf32, #tpu.memory_space<vmem>>
    %dma_start3A_71 = tpu.memref_squeeze %dma_start3A_70 : memref<1x125x64xf32, #tpu.memory_space<vmem>> -> memref<125x64xf32, #tpu.memory_space<vmem>>
    %dma_start3A_72 = arith.constant 0 : i32
    %dma_start3A_73 = tpu.memref_slice %arg13[%add3A_65, %dma_start3A_72] : memref<10000x64xf32, #tpu.memory_space<vmem_shared>> -> memref<125x64xf32, #tpu.memory_space<vmem_shared>>
    %dma_start3A_74 = tpu.memref_slice %arg16[%dma_start3A_67] : memref<2x!tpu.dma_semaphore, #tpu.memory_space<semaphore_mem>> -> memref<1x!tpu.dma_semaphore, #tpu.memory_space<semaphore_mem>>
    %dma_start3A_75 = tpu.memref_squeeze %dma_start3A_74 : memref<1x!tpu.dma_semaphore, #tpu.memory_space<semaphore_mem>> -> memref<!tpu.dma_semaphore, #tpu.memory_space<semaphore_mem>>
    %dma_start3A_76 = arith.constant 0 : i32
    %dma_start3A_77 = tpu.memref_slice %arg13[%add3A_65, %dma_start3A_76] : memref<10000x64xf32, #tpu.memory_space<vmem_shared>> -> memref<125x64xf32, #tpu.memory_space<vmem_shared>>
    %dma_start3A_78 = arith.constant 0 : i32
    %dma_start3A_79 = arith.constant 0 : i32
    %dma_start3A_80 = tpu.memref_slice %arg12[%dma_start3A_66, %dma_start3A_78, %dma_start3A_79] : memref<4x128x64xf32, #tpu.memory_space<vmem>> -> memref<1x125x64xf32, #tpu.memory_space<vmem>>
    %dma_start3A_81 = tpu.memref_squeeze %dma_start3A_80 : memref<1x125x64xf32, #tpu.memory_space<vmem>> -> memref<125x64xf32, #tpu.memory_space<vmem>>
    tpu.enqueue_dma source(%dma_start3A_81 : memref<125x64xf32, #tpu.memory_space<vmem>>) target(%dma_start3A_77 : memref<125x64xf32, #tpu.memory_space<vmem_shared>>) target_semaphore(%dma_start3A_75 : memref<!tpu.dma_semaphore, #tpu.memory_space<semaphore_mem>>)
    %mul3A_82 = arith.constant 625 : i32
    %mul3A_83 = arith.muli %arg1, %mul3A_82 : i32
    %add3A_84 = arith.constant 500 : i32
    %add3A_85 = arith.addi %mul3A_83, %add3A_84 : i32
    %dma_start3A_86 = arith.constant 0 : i32
    %dma_start3A_87 = arith.constant 0 : i32
    %dma_start3A_88 = arith.constant 0 : i32
    %dma_start3A_89 = arith.constant 0 : i32
    %dma_start3A_90 = tpu.memref_slice %arg12[%dma_start3A_86, %dma_start3A_88, %dma_start3A_89] : memref<4x128x64xf32, #tpu.memory_space<vmem>> -> memref<1x125x64xf32, #tpu.memory_space<vmem>>
    %dma_start3A_91 = tpu.memref_squeeze %dma_start3A_90 : memref<1x125x64xf32, #tpu.memory_space<vmem>> -> memref<125x64xf32, #tpu.memory_space<vmem>>
    %dma_start3A_92 = arith.constant 0 : i32
    %dma_start3A_93 = tpu.memref_slice %arg13[%add3A_85, %dma_start3A_92] : memref<10000x64xf32, #tpu.memory_space<vmem_shared>> -> memref<125x64xf32, #tpu.memory_space<vmem_shared>>
    %dma_start3A_94 = tpu.memref_slice %arg16[%dma_start3A_87] : memref<2x!tpu.dma_semaphore, #tpu.memory_space<semaphore_mem>> -> memref<1x!tpu.dma_semaphore, #tpu.memory_space<semaphore_mem>>
    %dma_start3A_95 = tpu.memref_squeeze %dma_start3A_94 : memref<1x!tpu.dma_semaphore, #tpu.memory_space<semaphore_mem>> -> memref<!tpu.dma_semaphore, #tpu.memory_space<semaphore_mem>>
    %dma_start3A_96 = arith.constant 0 : i32
    %dma_start3A_97 = tpu.memref_slice %arg13[%add3A_85, %dma_start3A_96] : memref<10000x64xf32, #tpu.memory_space<vmem_shared>> -> memref<125x64xf32, #tpu.memory_space<vmem_shared>>
    %dma_start3A_98 = arith.constant 0 : i32
    %dma_start3A_99 = arith.constant 0 : i32
    %dma_start3A_100 = tpu.memref_slice %arg12[%dma_start3A_86, %dma_start3A_98, %dma_start3A_99] : memref<4x128x64xf32, #tpu.memory_space<vmem>> -> memref<1x125x64xf32, #tpu.memory_space<vmem>>
    %dma_start3A_101 = tpu.memref_squeeze %dma_start3A_100 : memref<1x125x64xf32, #tpu.memory_space<vmem>> -> memref<125x64xf32, #tpu.memory_space<vmem>>
    tpu.enqueue_dma source(%dma_start3A_101 : memref<125x64xf32, #tpu.memory_space<vmem>>) target(%dma_start3A_97 : memref<125x64xf32, #tpu.memory_space<vmem_shared>>) target_semaphore(%dma_start3A_95 : memref<!tpu.dma_semaphore, #tpu.memory_space<semaphore_mem>>)
    %dma_wait3A = arith.constant 0 : i32
    %dma_wait3A_102 = arith.constant 0 : i32
    %dma_wait3A_103 = arith.constant 0 : i32
    %dma_wait3A_104 = arith.constant 0 : i32
    %dma_wait3A_105 = tpu.memref_slice %arg12[%dma_wait3A, %dma_wait3A_103, %dma_wait3A_104] : memref<4x128x64xf32, #tpu.memory_space<vmem>> -> memref<1x125x64xf32, #tpu.memory_space<vmem>>
    %dma_wait3A_106 = tpu.memref_squeeze %dma_wait3A_105 : memref<1x125x64xf32, #tpu.memory_space<vmem>> -> memref<125x64xf32, #tpu.memory_space<vmem>>
    %dma_wait3A_107 = arith.constant 0 : i32
    %dma_wait3A_108 = tpu.memref_slice %arg13[%add3A_6, %dma_wait3A_107] : memref<10000x64xf32, #tpu.memory_space<vmem_shared>> -> memref<125x64xf32, #tpu.memory_space<vmem_shared>>
    %dma_wait3A_109 = tpu.memref_slice %arg16[%dma_wait3A_102] : memref<2x!tpu.dma_semaphore, #tpu.memory_space<semaphore_mem>> -> memref<1x!tpu.dma_semaphore, #tpu.memory_space<semaphore_mem>>
    %dma_wait3A_110 = tpu.memref_squeeze %dma_wait3A_109 : memref<1x!tpu.dma_semaphore, #tpu.memory_space<semaphore_mem>> -> memref<!tpu.dma_semaphore, #tpu.memory_space<semaphore_mem>>
    %dma_wait3A_111 = arith.constant 0 : i32
    %dma_wait3A_112 = tpu.memref_slice %arg13[%add3A_6, %dma_wait3A_111] : memref<10000x64xf32, #tpu.memory_space<vmem_shared>> -> memref<125x64xf32, #tpu.memory_space<vmem_shared>>
    %dma_wait3A_113 = arith.constant 0 : i32
    %dma_wait3A_114 = arith.constant 0 : i32
    %dma_wait3A_115 = tpu.memref_slice %arg12[%dma_wait3A, %dma_wait3A_113, %dma_wait3A_114] : memref<4x128x64xf32, #tpu.memory_space<vmem>> -> memref<1x125x64xf32, #tpu.memory_space<vmem>>
    %dma_wait3A_116 = tpu.memref_squeeze %dma_wait3A_115 : memref<1x125x64xf32, #tpu.memory_space<vmem>> -> memref<125x64xf32, #tpu.memory_space<vmem>>
    tpu.wait_dma2 semaphore(%dma_wait3A_110 : memref<!tpu.dma_semaphore, #tpu.memory_space<semaphore_mem>>) src(%dma_wait3A_116 : memref<125x64xf32, #tpu.memory_space<vmem>>) dst(%dma_wait3A_112 : memref<125x64xf32, #tpu.memory_space<vmem_shared>>)
    %dma_wait3A_117 = arith.constant 0 : i32
    %dma_wait3A_118 = arith.constant 0 : i32
    %dma_wait3A_119 = arith.constant 0 : i32
    %dma_wait3A_120 = arith.constant 0 : i32
    %dma_wait3A_121 = tpu.memref_slice %arg12[%dma_wait3A_117, %dma_wait3A_119, %dma_wait3A_120] : memref<4x128x64xf32, #tpu.memory_space<vmem>> -> memref<1x125x64xf32, #tpu.memory_space<vmem>>
    %dma_wait3A_122 = tpu.memref_squeeze %dma_wait3A_121 : memref<1x125x64xf32, #tpu.memory_space<vmem>> -> memref<125x64xf32, #tpu.memory_space<vmem>>
    %dma_wait3A_123 = arith.constant 0 : i32
    %dma_wait3A_124 = tpu.memref_slice %arg13[%add3A_25, %dma_wait3A_123] : memref<10000x64xf32, #tpu.memory_space<vmem_shared>> -> memref<125x64xf32, #tpu.memory_space<vmem_shared>>
    %dma_wait3A_125 = tpu.memref_slice %arg16[%dma_wait3A_118] : memref<2x!tpu.dma_semaphore, #tpu.memory_space<semaphore_mem>> -> memref<1x!tpu.dma_semaphore, #tpu.memory_space<semaphore_mem>>
    %dma_wait3A_126 = tpu.memref_squeeze %dma_wait3A_125 : memref<1x!tpu.dma_semaphore, #tpu.memory_space<semaphore_mem>> -> memref<!tpu.dma_semaphore, #tpu.memory_space<semaphore_mem>>
    %dma_wait3A_127 = arith.constant 0 : i32
    %dma_wait3A_128 = tpu.memref_slice %arg13[%add3A_25, %dma_wait3A_127] : memref<10000x64xf32, #tpu.memory_space<vmem_shared>> -> memref<125x64xf32, #tpu.memory_space<vmem_shared>>
    %dma_wait3A_129 = arith.constant 0 : i32
    %dma_wait3A_130 = arith.constant 0 : i32
    %dma_wait3A_131 = tpu.memref_slice %arg12[%dma_wait3A_117, %dma_wait3A_129, %dma_wait3A_130] : memref<4x128x64xf32, #tpu.memory_space<vmem>> -> memref<1x125x64xf32, #tpu.memory_space<vmem>>
    %dma_wait3A_132 = tpu.memref_squeeze %dma_wait3A_131 : memref<1x125x64xf32, #tpu.memory_space<vmem>> -> memref<125x64xf32, #tpu.memory_space<vmem>>
    tpu.wait_dma2 semaphore(%dma_wait3A_126 : memref<!tpu.dma_semaphore, #tpu.memory_space<semaphore_mem>>) src(%dma_wait3A_132 : memref<125x64xf32, #tpu.memory_space<vmem>>) dst(%dma_wait3A_128 : memref<125x64xf32, #tpu.memory_space<vmem_shared>>)
    %dma_wait3A_133 = arith.constant 0 : i32
    %dma_wait3A_134 = arith.constant 0 : i32
    %dma_wait3A_135 = arith.constant 0 : i32
    %dma_wait3A_136 = arith.constant 0 : i32
    %dma_wait3A_137 = tpu.memref_slice %arg12[%dma_wait3A_133, %dma_wait3A_135, %dma_wait3A_136] : memref<4x128x64xf32, #tpu.memory_space<vmem>> -> memref<1x125x64xf32, #tpu.memory_space<vmem>>
    %dma_wait3A_138 = tpu.memref_squeeze %dma_wait3A_137 : memref<1x125x64xf32, #tpu.memory_space<vmem>> -> memref<125x64xf32, #tpu.memory_space<vmem>>
    %dma_wait3A_139 = arith.constant 0 : i32
    %dma_wait3A_140 = tpu.memref_slice %arg13[%add3A_45, %dma_wait3A_139] : memref<10000x64xf32, #tpu.memory_space<vmem_shared>> -> memref<125x64xf32, #tpu.memory_space<vmem_shared>>
    %dma_wait3A_141 = tpu.memref_slice %arg16[%dma_wait3A_134] : memref<2x!tpu.dma_semaphore, #tpu.memory_space<semaphore_mem>> -> memref<1x!tpu.dma_semaphore, #tpu.memory_space<semaphore_mem>>
    %dma_wait3A_142 = tpu.memref_squeeze %dma_wait3A_141 : memref<1x!tpu.dma_semaphore, #tpu.memory_space<semaphore_mem>> -> memref<!tpu.dma_semaphore, #tpu.memory_space<semaphore_mem>>
    %dma_wait3A_143 = arith.constant 0 : i32
    %dma_wait3A_144 = tpu.memref_slice %arg13[%add3A_45, %dma_wait3A_143] : memref<10000x64xf32, #tpu.memory_space<vmem_shared>> -> memref<125x64xf32, #tpu.memory_space<vmem_shared>>
    %dma_wait3A_145 = arith.constant 0 : i32
    %dma_wait3A_146 = arith.constant 0 : i32
    %dma_wait3A_147 = tpu.memref_slice %arg12[%dma_wait3A_133, %dma_wait3A_145, %dma_wait3A_146] : memref<4x128x64xf32, #tpu.memory_space<vmem>> -> memref<1x125x64xf32, #tpu.memory_space<vmem>>
    %dma_wait3A_148 = tpu.memref_squeeze %dma_wait3A_147 : memref<1x125x64xf32, #tpu.memory_space<vmem>> -> memref<125x64xf32, #tpu.memory_space<vmem>>
    tpu.wait_dma2 semaphore(%dma_wait3A_142 : memref<!tpu.dma_semaphore, #tpu.memory_space<semaphore_mem>>) src(%dma_wait3A_148 : memref<125x64xf32, #tpu.memory_space<vmem>>) dst(%dma_wait3A_144 : memref<125x64xf32, #tpu.memory_space<vmem_shared>>)
    %dma_wait3A_149 = arith.constant 0 : i32
    %dma_wait3A_150 = arith.constant 0 : i32
    %dma_wait3A_151 = arith.constant 0 : i32
    %dma_wait3A_152 = arith.constant 0 : i32
    %dma_wait3A_153 = tpu.memref_slice %arg12[%dma_wait3A_149, %dma_wait3A_151, %dma_wait3A_152] : memref<4x128x64xf32, #tpu.memory_space<vmem>> -> memref<1x125x64xf32, #tpu.memory_space<vmem>>
    %dma_wait3A_154 = tpu.memref_squeeze %dma_wait3A_153 : memref<1x125x64xf32, #tpu.memory_space<vmem>> -> memref<125x64xf32, #tpu.memory_space<vmem>>
    %dma_wait3A_155 = arith.constant 0 : i32
    %dma_wait3A_156 = tpu.memref_slice %arg13[%add3A_65, %dma_wait3A_155] : memref<10000x64xf32, #tpu.memory_space<vmem_shared>> -> memref<125x64xf32, #tpu.memory_space<vmem_shared>>
    %dma_wait3A_157 = tpu.memref_slice %arg16[%dma_wait3A_150] : memref<2x!tpu.dma_semaphore, #tpu.memory_space<semaphore_mem>> -> memref<1x!tpu.dma_semaphore, #tpu.memory_space<semaphore_mem>>
    %dma_wait3A_158 = tpu.memref_squeeze %dma_wait3A_157 : memref<1x!tpu.dma_semaphore, #tpu.memory_space<semaphore_mem>> -> memref<!tpu.dma_semaphore, #tpu.memory_space<semaphore_mem>>
    %dma_wait3A_159 = arith.constant 0 : i32
    %dma_wait3A_160 = tpu.memref_slice %arg13[%add3A_65, %dma_wait3A_159] : memref<10000x64xf32, #tpu.memory_space<vmem_shared>> -> memref<125x64xf32, #tpu.memory_space<vmem_shared>>
    %dma_wait3A_161 = arith.constant 0 : i32
    %dma_wait3A_162 = arith.constant 0 : i32
    %dma_wait3A_163 = tpu.memref_slice %arg12[%dma_wait3A_149, %dma_wait3A_161, %dma_wait3A_162] : memref<4x128x64xf32, #tpu.memory_space<vmem>> -> memref<1x125x64xf32, #tpu.memory_space<vmem>>
    %dma_wait3A_164 = tpu.memref_squeeze %dma_wait3A_163 : memref<1x125x64xf32, #tpu.memory_space<vmem>> -> memref<125x64xf32, #tpu.memory_space<vmem>>
    tpu.wait_dma2 semaphore(%dma_wait3A_158 : memref<!tpu.dma_semaphore, #tpu.memory_space<semaphore_mem>>) src(%dma_wait3A_164 : memref<125x64xf32, #tpu.memory_space<vmem>>) dst(%dma_wait3A_160 : memref<125x64xf32, #tpu.memory_space<vmem_shared>>)
    %dma_wait3A_165 = arith.constant 0 : i32
    %dma_wait3A_166 = arith.constant 0 : i32
    %dma_wait3A_167 = arith.constant 0 : i32
    %dma_wait3A_168 = arith.constant 0 : i32
    %dma_wait3A_169 = tpu.memref_slice %arg12[%dma_wait3A_165, %dma_wait3A_167, %dma_wait3A_168] : memref<4x128x64xf32, #tpu.memory_space<vmem>> -> memref<1x125x64xf32, #tpu.memory_space<vmem>>
    %dma_wait3A_170 = tpu.memref_squeeze %dma_wait3A_169 : memref<1x125x64xf32, #tpu.memory_space<vmem>> -> memref<125x64xf32, #tpu.memory_space<vmem>>
    %dma_wait3A_171 = arith.constant 0 : i32
    %dma_wait3A_172 = tpu.memref_slice %arg13[%add3A_85, %dma_wait3A_171] : memref<10000x64xf32, #tpu.memory_space<vmem_shared>> -> memref<125x64xf32, #tpu.memory_space<vmem_shared>>
    %dma_wait3A_173 = tpu.memref_slice %arg16[%dma_wait3A_166] : memref<2x!tpu.dma_semaphore, #tpu.memory_space<semaphore_mem>> -> memref<1x!tpu.dma_semaphore, #tpu.memory_space<semaphore_mem>>
    %dma_wait3A_174 = tpu.memref_squeeze %dma_wait3A_173 : memref<1x!tpu.dma_semaphore, #tpu.memory_space<semaphore_mem>> -> memref<!tpu.dma_semaphore, #tpu.memory_space<semaphore_mem>>
    %dma_wait3A_175 = arith.constant 0 : i32
    %dma_wait3A_176 = tpu.memref_slice %arg13[%add3A_85, %dma_wait3A_175] : memref<10000x64xf32, #tpu.memory_space<vmem_shared>> -> memref<125x64xf32, #tpu.memory_space<vmem_shared>>
    %dma_wait3A_177 = arith.constant 0 : i32
    %dma_wait3A_178 = arith.constant 0 : i32
    %dma_wait3A_179 = tpu.memref_slice %arg12[%dma_wait3A_165, %dma_wait3A_177, %dma_wait3A_178] : memref<4x128x64xf32, #tpu.memory_space<vmem>> -> memref<1x125x64xf32, #tpu.memory_space<vmem>>
    %dma_wait3A_180 = tpu.memref_squeeze %dma_wait3A_179 : memref<1x125x64xf32, #tpu.memory_space<vmem>> -> memref<125x64xf32, #tpu.memory_space<vmem>>
    tpu.wait_dma2 semaphore(%dma_wait3A_174 : memref<!tpu.dma_semaphore, #tpu.memory_space<semaphore_mem>>) src(%dma_wait3A_180 : memref<125x64xf32, #tpu.memory_space<vmem>>) dst(%dma_wait3A_176 : memref<125x64xf32, #tpu.memory_space<vmem_shared>>)
    %barrier3A = arith.constant 0 : index
    tpu.barrier barrier_id(%barrier3A)
    %run_scoped3A = arith.constant 0 : i32
    "tpu.region"() ({
      %run_scoped3A_311 = tpu.sem_alloc : memref<!tpu.dma_semaphore, #tpu.memory_space<semaphore_mem>>
      %dma_start3A_312 = arith.constant 0 : i32
      %dma_start3A_313 = arith.constant 0 : i32
      %dma_start3A_314 = tpu.memref_slice %arg8[%run_scoped3A, %dma_start3A_312, %dma_start3A_313] : memref<2x16x128xi32, #tpu.memory_space<vmem>> -> memref<1x16x128xi32, #tpu.memory_space<vmem>>
      %dma_start3A_315 = tpu.memref_squeeze %dma_start3A_314 : memref<1x16x128xi32, #tpu.memory_space<vmem>> -> memref<16x128xi32, #tpu.memory_space<vmem>>
      %dma_start3A_316 = arith.constant 0 : i32
      %dma_start3A_317 = arith.constant 0 : i32
      %dma_start3A_318 = tpu.memref_slice %arg4[%arg1, %dma_start3A_316, %dma_start3A_317] : memref<16x160x128xi32, #tpu.memory_space<hbm>> -> memref<1x16x128xi32, #tpu.memory_space<hbm>>
      %dma_start3A_319 = tpu.memref_squeeze %dma_start3A_318 : memref<1x16x128xi32, #tpu.memory_space<hbm>> -> memref<16x128xi32, #tpu.memory_space<hbm>>
      %dma_start3A_320 = arith.constant 0 : i32
      %dma_start3A_321 = arith.constant 0 : i32
      %dma_start3A_322 = tpu.memref_slice %arg8[%run_scoped3A, %dma_start3A_320, %dma_start3A_321] : memref<2x16x128xi32, #tpu.memory_space<vmem>> -> memref<1x16x128xi32, #tpu.memory_space<vmem>>
      %dma_start3A_323 = tpu.memref_squeeze %dma_start3A_322 : memref<1x16x128xi32, #tpu.memory_space<vmem>> -> memref<16x128xi32, #tpu.memory_space<vmem>>
      %dma_start3A_324 = arith.constant 0 : i32
      %dma_start3A_325 = arith.constant 0 : i32
      %dma_start3A_326 = tpu.memref_slice %arg4[%arg1, %dma_start3A_324, %dma_start3A_325] : memref<16x160x128xi32, #tpu.memory_space<hbm>> -> memref<1x16x128xi32, #tpu.memory_space<hbm>>
      %dma_start3A_327 = tpu.memref_squeeze %dma_start3A_326 : memref<1x16x128xi32, #tpu.memory_space<hbm>> -> memref<16x128xi32, #tpu.memory_space<hbm>>
      tpu.enqueue_dma source(%dma_start3A_327 : memref<16x128xi32, #tpu.memory_space<hbm>>) target(%dma_start3A_323 : memref<16x128xi32, #tpu.memory_space<vmem>>) target_semaphore(%run_scoped3A_311 : memref<!tpu.dma_semaphore, #tpu.memory_space<semaphore_mem>>)
      %dma_wait3A_328 = arith.constant 0 : i32
      %dma_wait3A_329 = arith.constant 0 : i32
      %dma_wait3A_330 = tpu.memref_slice %arg8[%run_scoped3A, %dma_wait3A_328, %dma_wait3A_329] : memref<2x16x128xi32, #tpu.memory_space<vmem>> -> memref<1x16x128xi32, #tpu.memory_space<vmem>>
      %dma_wait3A_331 = tpu.memref_squeeze %dma_wait3A_330 : memref<1x16x128xi32, #tpu.memory_space<vmem>> -> memref<16x128xi32, #tpu.memory_space<vmem>>
      %dma_wait3A_332 = arith.constant 0 : i32
      %dma_wait3A_333 = arith.constant 0 : i32
      %dma_wait3A_334 = tpu.memref_slice %arg4[%arg1, %dma_wait3A_332, %dma_wait3A_333] : memref<16x160x128xi32, #tpu.memory_space<hbm>> -> memref<1x16x128xi32, #tpu.memory_space<hbm>>
      %dma_wait3A_335 = tpu.memref_squeeze %dma_wait3A_334 : memref<1x16x128xi32, #tpu.memory_space<hbm>> -> memref<16x128xi32, #tpu.memory_space<hbm>>
      %dma_wait3A_336 = arith.constant 0 : i32
      %dma_wait3A_337 = arith.constant 0 : i32
      %dma_wait3A_338 = tpu.memref_slice %arg8[%run_scoped3A, %dma_wait3A_336, %dma_wait3A_337] : memref<2x16x128xi32, #tpu.memory_space<vmem>> -> memref<1x16x128xi32, #tpu.memory_space<vmem>>
      %dma_wait3A_339 = tpu.memref_squeeze %dma_wait3A_338 : memref<1x16x128xi32, #tpu.memory_space<vmem>> -> memref<16x128xi32, #tpu.memory_space<vmem>>
      %dma_wait3A_340 = arith.constant 0 : i32
      %dma_wait3A_341 = arith.constant 0 : i32
      %dma_wait3A_342 = tpu.memref_slice %arg4[%arg1, %dma_wait3A_340, %dma_wait3A_341] : memref<16x160x128xi32, #tpu.memory_space<hbm>> -> memref<1x16x128xi32, #tpu.memory_space<hbm>>
      %dma_wait3A_343 = tpu.memref_squeeze %dma_wait3A_342 : memref<1x16x128xi32, #tpu.memory_space<hbm>> -> memref<16x128xi32, #tpu.memory_space<hbm>>
      tpu.wait_dma2 semaphore(%run_scoped3A_311 : memref<!tpu.dma_semaphore, #tpu.memory_space<semaphore_mem>>) src(%dma_wait3A_343 : memref<16x128xi32, #tpu.memory_space<hbm>>) dst(%dma_wait3A_339 : memref<16x128xi32, #tpu.memory_space<vmem>>)
      tpu.yield
    }) : () -> ()
    %run_scoped3A_181 = arith.constant 0 : i32
    "tpu.region"() ({
      %run_scoped3A_311 = tpu.sem_alloc : memref<!tpu.dma_semaphore, #tpu.memory_space<semaphore_mem>>
      %dma_start3A_312 = arith.constant 0 : i32
      %dma_start3A_313 = arith.constant 0 : i32
      %dma_start3A_314 = tpu.memref_slice %arg9[%run_scoped3A_181, %dma_start3A_312, %dma_start3A_313] : memref<2x16x128xi32, #tpu.memory_space<vmem>> -> memref<1x16x128xi32, #tpu.memory_space<vmem>>
      %dma_start3A_315 = tpu.memref_squeeze %dma_start3A_314 : memref<1x16x128xi32, #tpu.memory_space<vmem>> -> memref<16x128xi32, #tpu.memory_space<vmem>>
      %dma_start3A_316 = arith.constant 0 : i32
      %dma_start3A_317 = arith.constant 0 : i32
      %dma_start3A_318 = tpu.memref_slice %arg5[%arg1, %dma_start3A_316, %dma_start3A_317] : memref<16x160x128xi32, #tpu.memory_space<hbm>> -> memref<1x16x128xi32, #tpu.memory_space<hbm>>
      %dma_start3A_319 = tpu.memref_squeeze %dma_start3A_318 : memref<1x16x128xi32, #tpu.memory_space<hbm>> -> memref<16x128xi32, #tpu.memory_space<hbm>>
      %dma_start3A_320 = arith.constant 0 : i32
      %dma_start3A_321 = arith.constant 0 : i32
      %dma_start3A_322 = tpu.memref_slice %arg9[%run_scoped3A_181, %dma_start3A_320, %dma_start3A_321] : memref<2x16x128xi32, #tpu.memory_space<vmem>> -> memref<1x16x128xi32, #tpu.memory_space<vmem>>
      %dma_start3A_323 = tpu.memref_squeeze %dma_start3A_322 : memref<1x16x128xi32, #tpu.memory_space<vmem>> -> memref<16x128xi32, #tpu.memory_space<vmem>>
      %dma_start3A_324 = arith.constant 0 : i32
      %dma_start3A_325 = arith.constant 0 : i32
      %dma_start3A_326 = tpu.memref_slice %arg5[%arg1, %dma_start3A_324, %dma_start3A_325] : memref<16x160x128xi32, #tpu.memory_space<hbm>> -> memref<1x16x128xi32, #tpu.memory_space<hbm>>
      %dma_start3A_327 = tpu.memref_squeeze %dma_start3A_326 : memref<1x16x128xi32, #tpu.memory_space<hbm>> -> memref<16x128xi32, #tpu.memory_space<hbm>>
      tpu.enqueue_dma source(%dma_start3A_327 : memref<16x128xi32, #tpu.memory_space<hbm>>) target(%dma_start3A_323 : memref<16x128xi32, #tpu.memory_space<vmem>>) target_semaphore(%run_scoped3A_311 : memref<!tpu.dma_semaphore, #tpu.memory_space<semaphore_mem>>)
      %dma_wait3A_328 = arith.constant 0 : i32
      %dma_wait3A_329 = arith.constant 0 : i32
      %dma_wait3A_330 = tpu.memref_slice %arg9[%run_scoped3A_181, %dma_wait3A_328, %dma_wait3A_329] : memref<2x16x128xi32, #tpu.memory_space<vmem>> -> memref<1x16x128xi32, #tpu.memory_space<vmem>>
      %dma_wait3A_331 = tpu.memref_squeeze %dma_wait3A_330 : memref<1x16x128xi32, #tpu.memory_space<vmem>> -> memref<16x128xi32, #tpu.memory_space<vmem>>
      %dma_wait3A_332 = arith.constant 0 : i32
      %dma_wait3A_333 = arith.constant 0 : i32
      %dma_wait3A_334 = tpu.memref_slice %arg5[%arg1, %dma_wait3A_332, %dma_wait3A_333] : memref<16x160x128xi32, #tpu.memory_space<hbm>> -> memref<1x16x128xi32, #tpu.memory_space<hbm>>
      %dma_wait3A_335 = tpu.memref_squeeze %dma_wait3A_334 : memref<1x16x128xi32, #tpu.memory_space<hbm>> -> memref<16x128xi32, #tpu.memory_space<hbm>>
      %dma_wait3A_336 = arith.constant 0 : i32
      %dma_wait3A_337 = arith.constant 0 : i32
      %dma_wait3A_338 = tpu.memref_slice %arg9[%run_scoped3A_181, %dma_wait3A_336, %dma_wait3A_337] : memref<2x16x128xi32, #tpu.memory_space<vmem>> -> memref<1x16x128xi32, #tpu.memory_space<vmem>>
      %dma_wait3A_339 = tpu.memref_squeeze %dma_wait3A_338 : memref<1x16x128xi32, #tpu.memory_space<vmem>> -> memref<16x128xi32, #tpu.memory_space<vmem>>
      %dma_wait3A_340 = arith.constant 0 : i32
      %dma_wait3A_341 = arith.constant 0 : i32
      %dma_wait3A_342 = tpu.memref_slice %arg5[%arg1, %dma_wait3A_340, %dma_wait3A_341] : memref<16x160x128xi32, #tpu.memory_space<hbm>> -> memref<1x16x128xi32, #tpu.memory_space<hbm>>
      %dma_wait3A_343 = tpu.memref_squeeze %dma_wait3A_342 : memref<1x16x128xi32, #tpu.memory_space<hbm>> -> memref<16x128xi32, #tpu.memory_space<hbm>>
      tpu.wait_dma2 semaphore(%run_scoped3A_311 : memref<!tpu.dma_semaphore, #tpu.memory_space<semaphore_mem>>) src(%dma_wait3A_343 : memref<16x128xi32, #tpu.memory_space<hbm>>) dst(%dma_wait3A_339 : memref<16x128xi32, #tpu.memory_space<vmem>>)
      tpu.yield
    }) : () -> ()
    %run_scoped3A_182 = arith.constant 0 : i32
    "tpu.region"() ({
      %run_scoped3A_311 = tpu.sem_alloc : memref<!tpu.dma_semaphore, #tpu.memory_space<semaphore_mem>>
      %dma_start3A_312 = arith.constant 0 : i32
      %dma_start3A_313 = arith.constant 0 : i32
      %dma_start3A_314 = tpu.memref_slice %arg10[%run_scoped3A_182, %dma_start3A_312, %dma_start3A_313] : memref<2x16x128xf32, #tpu.memory_space<vmem>> -> memref<1x16x128xf32, #tpu.memory_space<vmem>>
      %dma_start3A_315 = tpu.memref_squeeze %dma_start3A_314 : memref<1x16x128xf32, #tpu.memory_space<vmem>> -> memref<16x128xf32, #tpu.memory_space<vmem>>
      %dma_start3A_316 = arith.constant 0 : i32
      %dma_start3A_317 = arith.constant 0 : i32
      %dma_start3A_318 = tpu.memref_slice %arg6[%arg1, %dma_start3A_316, %dma_start3A_317] : memref<16x160x128xf32, #tpu.memory_space<hbm>> -> memref<1x16x128xf32, #tpu.memory_space<hbm>>
      %dma_start3A_319 = tpu.memref_squeeze %dma_start3A_318 : memref<1x16x128xf32, #tpu.memory_space<hbm>> -> memref<16x128xf32, #tpu.memory_space<hbm>>
      %dma_start3A_320 = arith.constant 0 : i32
      %dma_start3A_321 = arith.constant 0 : i32
      %dma_start3A_322 = tpu.memref_slice %arg10[%run_scoped3A_182, %dma_start3A_320, %dma_start3A_321] : memref<2x16x128xf32, #tpu.memory_space<vmem>> -> memref<1x16x128xf32, #tpu.memory_space<vmem>>
      %dma_start3A_323 = tpu.memref_squeeze %dma_start3A_322 : memref<1x16x128xf32, #tpu.memory_space<vmem>> -> memref<16x128xf32, #tpu.memory_space<vmem>>
      %dma_start3A_324 = arith.constant 0 : i32
      %dma_start3A_325 = arith.constant 0 : i32
      %dma_start3A_326 = tpu.memref_slice %arg6[%arg1, %dma_start3A_324, %dma_start3A_325] : memref<16x160x128xf32, #tpu.memory_space<hbm>> -> memref<1x16x128xf32, #tpu.memory_space<hbm>>
      %dma_start3A_327 = tpu.memref_squeeze %dma_start3A_326 : memref<1x16x128xf32, #tpu.memory_space<hbm>> -> memref<16x128xf32, #tpu.memory_space<hbm>>
      tpu.enqueue_dma source(%dma_start3A_327 : memref<16x128xf32, #tpu.memory_space<hbm>>) target(%dma_start3A_323 : memref<16x128xf32, #tpu.memory_space<vmem>>) target_semaphore(%run_scoped3A_311 : memref<!tpu.dma_semaphore, #tpu.memory_space<semaphore_mem>>)
      %dma_wait3A_328 = arith.constant 0 : i32
      %dma_wait3A_329 = arith.constant 0 : i32
      %dma_wait3A_330 = tpu.memref_slice %arg10[%run_scoped3A_182, %dma_wait3A_328, %dma_wait3A_329] : memref<2x16x128xf32, #tpu.memory_space<vmem>> -> memref<1x16x128xf32, #tpu.memory_space<vmem>>
      %dma_wait3A_331 = tpu.memref_squeeze %dma_wait3A_330 : memref<1x16x128xf32, #tpu.memory_space<vmem>> -> memref<16x128xf32, #tpu.memory_space<vmem>>
      %dma_wait3A_332 = arith.constant 0 : i32
      %dma_wait3A_333 = arith.constant 0 : i32
      %dma_wait3A_334 = tpu.memref_slice %arg6[%arg1, %dma_wait3A_332, %dma_wait3A_333] : memref<16x160x128xf32, #tpu.memory_space<hbm>> -> memref<1x16x128xf32, #tpu.memory_space<hbm>>
      %dma_wait3A_335 = tpu.memref_squeeze %dma_wait3A_334 : memref<1x16x128xf32, #tpu.memory_space<hbm>> -> memref<16x128xf32, #tpu.memory_space<hbm>>
      %dma_wait3A_336 = arith.constant 0 : i32
      %dma_wait3A_337 = arith.constant 0 : i32
      %dma_wait3A_338 = tpu.memref_slice %arg10[%run_scoped3A_182, %dma_wait3A_336, %dma_wait3A_337] : memref<2x16x128xf32, #tpu.memory_space<vmem>> -> memref<1x16x128xf32, #tpu.memory_space<vmem>>
      %dma_wait3A_339 = tpu.memref_squeeze %dma_wait3A_338 : memref<1x16x128xf32, #tpu.memory_space<vmem>> -> memref<16x128xf32, #tpu.memory_space<vmem>>
      %dma_wait3A_340 = arith.constant 0 : i32
      %dma_wait3A_341 = arith.constant 0 : i32
      %dma_wait3A_342 = tpu.memref_slice %arg6[%arg1, %dma_wait3A_340, %dma_wait3A_341] : memref<16x160x128xf32, #tpu.memory_space<hbm>> -> memref<1x16x128xf32, #tpu.memory_space<hbm>>
      %dma_wait3A_343 = tpu.memref_squeeze %dma_wait3A_342 : memref<1x16x128xf32, #tpu.memory_space<hbm>> -> memref<16x128xf32, #tpu.memory_space<hbm>>
      tpu.wait_dma2 semaphore(%run_scoped3A_311 : memref<!tpu.dma_semaphore, #tpu.memory_space<semaphore_mem>>) src(%dma_wait3A_343 : memref<16x128xf32, #tpu.memory_space<hbm>>) dst(%dma_wait3A_339 : memref<16x128xf32, #tpu.memory_space<vmem>>)
      tpu.yield
    }) : () -> ()
    %eq3A = arith.constant 0 : i32
    %eq3A_183 = arith.cmpi eq, %arg0, %eq3A : i32
    %convert_element_type3A = arith.extui %eq3A_183 : i1 to i32
    %cond3A = arith.constant 0 : i32
    %cond3A_184 = arith.constant 0 : i32
    %cond3A_185 = arith.constant 0 : i32
    %cond3A_186 = arith.cmpi ne, %convert_element_type3A, %cond3A_185 : i32
    scf.if %cond3A_186 {
      %dma_start3A_311 = arith.constant 0 : i32
      %dma_start3A_312 = arith.constant 0 : i32
      %dma_start3A_313 = arith.constant 0 : i32
      %dma_start3A_314 = arith.constant 0 : i32
      %dma_start3A_315 = tpu.memref_slice %arg11[%dma_start3A_311, %dma_start3A_313, %dma_start3A_314] : memref<6x128x32xi32, #tpu.memory_space<vmem>> -> memref<1x128x32xi32, #tpu.memory_space<vmem>>
      %dma_start3A_316 = tpu.memref_squeeze %dma_start3A_315 : memref<1x128x32xi32, #tpu.memory_space<vmem>> -> memref<128x32xi32, #tpu.memory_space<vmem>>
      %dma_start3A_317 = arith.constant 0 : i32
      %dma_start3A_318 = tpu.memref_slice %arg8[%cond3A, %cond3A_184, %dma_start3A_317] : memref<2x16x128xi32, #tpu.memory_space<vmem>> -> memref<1x1x128xi32, #tpu.memory_space<vmem>>
      %dma_start3A_319 = tpu.memref_squeeze %dma_start3A_318 : memref<1x1x128xi32, #tpu.memory_space<vmem>> -> memref<128xi32, #tpu.memory_space<vmem>>
      %dma_start3A_320 = arith.constant 0 : i32
      %dma_start3A_321 = arith.constant 0 : i32
      %dma_start3A_322 = tpu.memref_slice %arg2[%dma_start3A_320, %dma_start3A_321] : memref<10000x32xi32, #tpu.memory_space<hbm>> -> memref<10000x32xi32, #tpu.memory_space<hbm>>
      %dma_start3A_323 = tpu.memref_slice %arg14[%dma_start3A_312] : memref<6x!tpu.dma_semaphore, #tpu.memory_space<semaphore_mem>> -> memref<1x!tpu.dma_semaphore, #tpu.memory_space<semaphore_mem>>
      %dma_start3A_324 = tpu.memref_squeeze %dma_start3A_323 : memref<1x!tpu.dma_semaphore, #tpu.memory_space<semaphore_mem>> -> memref<!tpu.dma_semaphore, #tpu.memory_space<semaphore_mem>>
      tpu.enqueue_indirect_dma source(%dma_start3A_322 : memref<10000x32xi32, #tpu.memory_space<hbm>>) target(%dma_start3A_316 : memref<128x32xi32, #tpu.memory_space<vmem>>) offsets(%dma_start3A_319 : memref<128xi32, #tpu.memory_space<vmem>>) semaphore(%dma_start3A_324 : memref<!tpu.dma_semaphore, #tpu.memory_space<semaphore_mem>>)
    } else {
    }
    %eq3A_187 = arith.constant 1 : i32
    %eq3A_188 = arith.cmpi eq, %arg0, %eq3A_187 : i32
    %convert_element_type3A_189 = arith.extui %eq3A_188 : i1 to i32
    %cond3A_190 = arith.constant 0 : i32
    %cond3A_191 = arith.constant 0 : i32
    %cond3A_192 = arith.constant 0 : i32
    %cond3A_193 = arith.cmpi ne, %convert_element_type3A_189, %cond3A_192 : i32
    scf.if %cond3A_193 {
      %dma_start3A_311 = arith.constant 0 : i32
      %dma_start3A_312 = arith.constant 0 : i32
      %dma_start3A_313 = arith.constant 0 : i32
      %dma_start3A_314 = arith.constant 0 : i32
      %dma_start3A_315 = tpu.memref_slice %arg11[%dma_start3A_311, %dma_start3A_313, %dma_start3A_314] : memref<6x128x32xi32, #tpu.memory_space<vmem>> -> memref<1x128x32xi32, #tpu.memory_space<vmem>>
      %dma_start3A_316 = tpu.memref_squeeze %dma_start3A_315 : memref<1x128x32xi32, #tpu.memory_space<vmem>> -> memref<128x32xi32, #tpu.memory_space<vmem>>
      %dma_start3A_317 = arith.constant 0 : i32
      %dma_start3A_318 = tpu.memref_slice %arg8[%cond3A_190, %cond3A_191, %dma_start3A_317] : memref<2x16x128xi32, #tpu.memory_space<vmem>> -> memref<1x1x128xi32, #tpu.memory_space<vmem>>
      %dma_start3A_319 = tpu.memref_squeeze %dma_start3A_318 : memref<1x1x128xi32, #tpu.memory_space<vmem>> -> memref<128xi32, #tpu.memory_space<vmem>>
      %dma_start3A_320 = arith.constant 0 : i32
      %dma_start3A_321 = arith.constant 0 : i32
      %dma_start3A_322 = tpu.memref_slice %arg3[%dma_start3A_320, %dma_start3A_321] : memref<10000x32xi32, #tpu.memory_space<hbm>> -> memref<10000x32xi32, #tpu.memory_space<hbm>>
      %dma_start3A_323 = tpu.memref_slice %arg14[%dma_start3A_312] : memref<6x!tpu.dma_semaphore, #tpu.memory_space<semaphore_mem>> -> memref<1x!tpu.dma_semaphore, #tpu.memory_space<semaphore_mem>>
      %dma_start3A_324 = tpu.memref_squeeze %dma_start3A_323 : memref<1x!tpu.dma_semaphore, #tpu.memory_space<semaphore_mem>> -> memref<!tpu.dma_semaphore, #tpu.memory_space<semaphore_mem>>
      tpu.enqueue_indirect_dma source(%dma_start3A_322 : memref<10000x32xi32, #tpu.memory_space<hbm>>) target(%dma_start3A_316 : memref<128x32xi32, #tpu.memory_space<vmem>>) offsets(%dma_start3A_319 : memref<128xi32, #tpu.memory_space<vmem>>) semaphore(%dma_start3A_324 : memref<!tpu.dma_semaphore, #tpu.memory_space<semaphore_mem>>)
    } else {
    }
    %eq3A_194 = arith.constant 0 : i32
    %eq3A_195 = arith.cmpi eq, %arg0, %eq3A_194 : i32
    %convert_element_type3A_196 = arith.extui %eq3A_195 : i1 to i32
    %cond3A_197 = arith.constant 0 : i32
    %cond3A_198 = arith.constant 1 : i32
    %cond3A_199 = arith.constant 0 : i32
    %cond3A_200 = arith.cmpi ne, %convert_element_type3A_196, %cond3A_199 : i32
    scf.if %cond3A_200 {
      %dma_start3A_311 = arith.constant 1 : i32
      %dma_start3A_312 = arith.constant 1 : i32
      %dma_start3A_313 = arith.constant 0 : i32
      %dma_start3A_314 = arith.constant 0 : i32
      %dma_start3A_315 = tpu.memref_slice %arg11[%dma_start3A_311, %dma_start3A_313, %dma_start3A_314] : memref<6x128x32xi32, #tpu.memory_space<vmem>> -> memref<1x128x32xi32, #tpu.memory_space<vmem>>
      %dma_start3A_316 = tpu.memref_squeeze %dma_start3A_315 : memref<1x128x32xi32, #tpu.memory_space<vmem>> -> memref<128x32xi32, #tpu.memory_space<vmem>>
      %dma_start3A_317 = arith.constant 0 : i32
      %dma_start3A_318 = tpu.memref_slice %arg8[%cond3A_197, %cond3A_198, %dma_start3A_317] : memref<2x16x128xi32, #tpu.memory_space<vmem>> -> memref<1x1x128xi32, #tpu.memory_space<vmem>>
      %dma_start3A_319 = tpu.memref_squeeze %dma_start3A_318 : memref<1x1x128xi32, #tpu.memory_space<vmem>> -> memref<128xi32, #tpu.memory_space<vmem>>
      %dma_start3A_320 = arith.constant 0 : i32
      %dma_start3A_321 = arith.constant 0 : i32
      %dma_start3A_322 = tpu.memref_slice %arg2[%dma_start3A_320, %dma_start3A_321] : memref<10000x32xi32, #tpu.memory_space<hbm>> -> memref<10000x32xi32, #tpu.memory_space<hbm>>
      %dma_start3A_323 = tpu.memref_slice %arg14[%dma_start3A_312] : memref<6x!tpu.dma_semaphore, #tpu.memory_space<semaphore_mem>> -> memref<1x!tpu.dma_semaphore, #tpu.memory_space<semaphore_mem>>
      %dma_start3A_324 = tpu.memref_squeeze %dma_start3A_323 : memref<1x!tpu.dma_semaphore, #tpu.memory_space<semaphore_mem>> -> memref<!tpu.dma_semaphore, #tpu.memory_space<semaphore_mem>>
      tpu.enqueue_indirect_dma source(%dma_start3A_322 : memref<10000x32xi32, #tpu.memory_space<hbm>>) target(%dma_start3A_316 : memref<128x32xi32, #tpu.memory_space<vmem>>) offsets(%dma_start3A_319 : memref<128xi32, #tpu.memory_space<vmem>>) semaphore(%dma_start3A_324 : memref<!tpu.dma_semaphore, #tpu.memory_space<semaphore_mem>>)
    } else {
    }
    %eq3A_201 = arith.constant 1 : i32
    %eq3A_202 = arith.cmpi eq, %arg0, %eq3A_201 : i32
    %convert_element_type3A_203 = arith.extui %eq3A_202 : i1 to i32
    %cond3A_204 = arith.constant 0 : i32
    %cond3A_205 = arith.constant 1 : i32
    %cond3A_206 = arith.constant 0 : i32
    %cond3A_207 = arith.cmpi ne, %convert_element_type3A_203, %cond3A_206 : i32
    scf.if %cond3A_207 {
      %dma_start3A_311 = arith.constant 1 : i32
      %dma_start3A_312 = arith.constant 1 : i32
      %dma_start3A_313 = arith.constant 0 : i32
      %dma_start3A_314 = arith.constant 0 : i32
      %dma_start3A_315 = tpu.memref_slice %arg11[%dma_start3A_311, %dma_start3A_313, %dma_start3A_314] : memref<6x128x32xi32, #tpu.memory_space<vmem>> -> memref<1x128x32xi32, #tpu.memory_space<vmem>>
      %dma_start3A_316 = tpu.memref_squeeze %dma_start3A_315 : memref<1x128x32xi32, #tpu.memory_space<vmem>> -> memref<128x32xi32, #tpu.memory_space<vmem>>
      %dma_start3A_317 = arith.constant 0 : i32
      %dma_start3A_318 = tpu.memref_slice %arg8[%cond3A_204, %cond3A_205, %dma_start3A_317] : memref<2x16x128xi32, #tpu.memory_space<vmem>> -> memref<1x1x128xi32, #tpu.memory_space<vmem>>
      %dma_start3A_319 = tpu.memref_squeeze %dma_start3A_318 : memref<1x1x128xi32, #tpu.memory_space<vmem>> -> memref<128xi32, #tpu.memory_space<vmem>>
      %dma_start3A_320 = arith.constant 0 : i32
      %dma_start3A_321 = arith.constant 0 : i32
      %dma_start3A_322 = tpu.memref_slice %arg3[%dma_start3A_320, %dma_start3A_321] : memref<10000x32xi32, #tpu.memory_space<hbm>> -> memref<10000x32xi32, #tpu.memory_space<hbm>>
      %dma_start3A_323 = tpu.memref_slice %arg14[%dma_start3A_312] : memref<6x!tpu.dma_semaphore, #tpu.memory_space<semaphore_mem>> -> memref<1x!tpu.dma_semaphore, #tpu.memory_space<semaphore_mem>>
      %dma_start3A_324 = tpu.memref_squeeze %dma_start3A_323 : memref<1x!tpu.dma_semaphore, #tpu.memory_space<semaphore_mem>> -> memref<!tpu.dma_semaphore, #tpu.memory_space<semaphore_mem>>
      tpu.enqueue_indirect_dma source(%dma_start3A_322 : memref<10000x32xi32, #tpu.memory_space<hbm>>) target(%dma_start3A_316 : memref<128x32xi32, #tpu.memory_space<vmem>>) offsets(%dma_start3A_319 : memref<128xi32, #tpu.memory_space<vmem>>) semaphore(%dma_start3A_324 : memref<!tpu.dma_semaphore, #tpu.memory_space<semaphore_mem>>)
    } else {
    }
    %eq3A_208 = arith.constant 0 : i32
    %eq3A_209 = arith.cmpi eq, %arg0, %eq3A_208 : i32
    %convert_element_type3A_210 = arith.extui %eq3A_209 : i1 to i32
    %cond3A_211 = arith.constant 0 : i32
    %cond3A_212 = arith.constant 2 : i32
    %cond3A_213 = arith.constant 0 : i32
    %cond3A_214 = arith.cmpi ne, %convert_element_type3A_210, %cond3A_213 : i32
    scf.if %cond3A_214 {
      %dma_start3A_311 = arith.constant 2 : i32
      %dma_start3A_312 = arith.constant 2 : i32
      %dma_start3A_313 = arith.constant 0 : i32
      %dma_start3A_314 = arith.constant 0 : i32
      %dma_start3A_315 = tpu.memref_slice %arg11[%dma_start3A_311, %dma_start3A_313, %dma_start3A_314] : memref<6x128x32xi32, #tpu.memory_space<vmem>> -> memref<1x128x32xi32, #tpu.memory_space<vmem>>
      %dma_start3A_316 = tpu.memref_squeeze %dma_start3A_315 : memref<1x128x32xi32, #tpu.memory_space<vmem>> -> memref<128x32xi32, #tpu.memory_space<vmem>>
      %dma_start3A_317 = arith.constant 0 : i32
      %dma_start3A_318 = tpu.memref_slice %arg8[%cond3A_211, %cond3A_212, %dma_start3A_317] : memref<2x16x128xi32, #tpu.memory_space<vmem>> -> memref<1x1x128xi32, #tpu.memory_space<vmem>>
      %dma_start3A_319 = tpu.memref_squeeze %dma_start3A_318 : memref<1x1x128xi32, #tpu.memory_space<vmem>> -> memref<128xi32, #tpu.memory_space<vmem>>
      %dma_start3A_320 = arith.constant 0 : i32
      %dma_start3A_321 = arith.constant 0 : i32
      %dma_start3A_322 = tpu.memref_slice %arg2[%dma_start3A_320, %dma_start3A_321] : memref<10000x32xi32, #tpu.memory_space<hbm>> -> memref<10000x32xi32, #tpu.memory_space<hbm>>
      %dma_start3A_323 = tpu.memref_slice %arg14[%dma_start3A_312] : memref<6x!tpu.dma_semaphore, #tpu.memory_space<semaphore_mem>> -> memref<1x!tpu.dma_semaphore, #tpu.memory_space<semaphore_mem>>
      %dma_start3A_324 = tpu.memref_squeeze %dma_start3A_323 : memref<1x!tpu.dma_semaphore, #tpu.memory_space<semaphore_mem>> -> memref<!tpu.dma_semaphore, #tpu.memory_space<semaphore_mem>>
      tpu.enqueue_indirect_dma source(%dma_start3A_322 : memref<10000x32xi32, #tpu.memory_space<hbm>>) target(%dma_start3A_316 : memref<128x32xi32, #tpu.memory_space<vmem>>) offsets(%dma_start3A_319 : memref<128xi32, #tpu.memory_space<vmem>>) semaphore(%dma_start3A_324 : memref<!tpu.dma_semaphore, #tpu.memory_space<semaphore_mem>>)
    } else {
    }
    %eq3A_215 = arith.constant 1 : i32
    %eq3A_216 = arith.cmpi eq, %arg0, %eq3A_215 : i32
    %convert_element_type3A_217 = arith.extui %eq3A_216 : i1 to i32
    %cond3A_218 = arith.constant 0 : i32
    %cond3A_219 = arith.constant 2 : i32
    %cond3A_220 = arith.constant 0 : i32
    %cond3A_221 = arith.cmpi ne, %convert_element_type3A_217, %cond3A_220 : i32
    scf.if %cond3A_221 {
      %dma_start3A_311 = arith.constant 2 : i32
      %dma_start3A_312 = arith.constant 2 : i32
      %dma_start3A_313 = arith.constant 0 : i32
      %dma_start3A_314 = arith.constant 0 : i32
      %dma_start3A_315 = tpu.memref_slice %arg11[%dma_start3A_311, %dma_start3A_313, %dma_start3A_314] : memref<6x128x32xi32, #tpu.memory_space<vmem>> -> memref<1x128x32xi32, #tpu.memory_space<vmem>>
      %dma_start3A_316 = tpu.memref_squeeze %dma_start3A_315 : memref<1x128x32xi32, #tpu.memory_space<vmem>> -> memref<128x32xi32, #tpu.memory_space<vmem>>
      %dma_start3A_317 = arith.constant 0 : i32
      %dma_start3A_318 = tpu.memref_slice %arg8[%cond3A_218, %cond3A_219, %dma_start3A_317] : memref<2x16x128xi32, #tpu.memory_space<vmem>> -> memref<1x1x128xi32, #tpu.memory_space<vmem>>
      %dma_start3A_319 = tpu.memref_squeeze %dma_start3A_318 : memref<1x1x128xi32, #tpu.memory_space<vmem>> -> memref<128xi32, #tpu.memory_space<vmem>>
      %dma_start3A_320 = arith.constant 0 : i32
      %dma_start3A_321 = arith.constant 0 : i32
      %dma_start3A_322 = tpu.memref_slice %arg3[%dma_start3A_320, %dma_start3A_321] : memref<10000x32xi32, #tpu.memory_space<hbm>> -> memref<10000x32xi32, #tpu.memory_space<hbm>>
      %dma_start3A_323 = tpu.memref_slice %arg14[%dma_start3A_312] : memref<6x!tpu.dma_semaphore, #tpu.memory_space<semaphore_mem>> -> memref<1x!tpu.dma_semaphore, #tpu.memory_space<semaphore_mem>>
      %dma_start3A_324 = tpu.memref_squeeze %dma_start3A_323 : memref<1x!tpu.dma_semaphore, #tpu.memory_space<semaphore_mem>> -> memref<!tpu.dma_semaphore, #tpu.memory_space<semaphore_mem>>
      tpu.enqueue_indirect_dma source(%dma_start3A_322 : memref<10000x32xi32, #tpu.memory_space<hbm>>) target(%dma_start3A_316 : memref<128x32xi32, #tpu.memory_space<vmem>>) offsets(%dma_start3A_319 : memref<128xi32, #tpu.memory_space<vmem>>) semaphore(%dma_start3A_324 : memref<!tpu.dma_semaphore, #tpu.memory_space<semaphore_mem>>)
    } else {
    }
    %eq3A_222 = arith.constant 0 : i32
    %eq3A_223 = arith.cmpi eq, %arg0, %eq3A_222 : i32
    %convert_element_type3A_224 = arith.extui %eq3A_223 : i1 to i32
    %cond3A_225 = arith.constant 0 : i32
    %cond3A_226 = arith.constant 3 : i32
    %cond3A_227 = arith.constant 0 : i32
    %cond3A_228 = arith.cmpi ne, %convert_element_type3A_224, %cond3A_227 : i32
    scf.if %cond3A_228 {
      %dma_start3A_311 = arith.constant 3 : i32
      %dma_start3A_312 = arith.constant 3 : i32
      %dma_start3A_313 = arith.constant 0 : i32
      %dma_start3A_314 = arith.constant 0 : i32
      %dma_start3A_315 = tpu.memref_slice %arg11[%dma_start3A_311, %dma_start3A_313, %dma_start3A_314] : memref<6x128x32xi32, #tpu.memory_space<vmem>> -> memref<1x128x32xi32, #tpu.memory_space<vmem>>
      %dma_start3A_316 = tpu.memref_squeeze %dma_start3A_315 : memref<1x128x32xi32, #tpu.memory_space<vmem>> -> memref<128x32xi32, #tpu.memory_space<vmem>>
      %dma_start3A_317 = arith.constant 0 : i32
      %dma_start3A_318 = tpu.memref_slice %arg8[%cond3A_225, %cond3A_226, %dma_start3A_317] : memref<2x16x128xi32, #tpu.memory_space<vmem>> -> memref<1x1x128xi32, #tpu.memory_space<vmem>>
      %dma_start3A_319 = tpu.memref_squeeze %dma_start3A_318 : memref<1x1x128xi32, #tpu.memory_space<vmem>> -> memref<128xi32, #tpu.memory_space<vmem>>
      %dma_start3A_320 = arith.constant 0 : i32
      %dma_start3A_321 = arith.constant 0 : i32
      %dma_start3A_322 = tpu.memref_slice %arg2[%dma_start3A_320, %dma_start3A_321] : memref<10000x32xi32, #tpu.memory_space<hbm>> -> memref<10000x32xi32, #tpu.memory_space<hbm>>
      %dma_start3A_323 = tpu.memref_slice %arg14[%dma_start3A_312] : memref<6x!tpu.dma_semaphore, #tpu.memory_space<semaphore_mem>> -> memref<1x!tpu.dma_semaphore, #tpu.memory_space<semaphore_mem>>
      %dma_start3A_324 = tpu.memref_squeeze %dma_start3A_323 : memref<1x!tpu.dma_semaphore, #tpu.memory_space<semaphore_mem>> -> memref<!tpu.dma_semaphore, #tpu.memory_space<semaphore_mem>>
      tpu.enqueue_indirect_dma source(%dma_start3A_322 : memref<10000x32xi32, #tpu.memory_space<hbm>>) target(%dma_start3A_316 : memref<128x32xi32, #tpu.memory_space<vmem>>) offsets(%dma_start3A_319 : memref<128xi32, #tpu.memory_space<vmem>>) semaphore(%dma_start3A_324 : memref<!tpu.dma_semaphore, #tpu.memory_space<semaphore_mem>>)
    } else {
    }
    %eq3A_229 = arith.constant 1 : i32
    %eq3A_230 = arith.cmpi eq, %arg0, %eq3A_229 : i32
    %convert_element_type3A_231 = arith.extui %eq3A_230 : i1 to i32
    %cond3A_232 = arith.constant 0 : i32
    %cond3A_233 = arith.constant 3 : i32
    %cond3A_234 = arith.constant 0 : i32
    %cond3A_235 = arith.cmpi ne, %convert_element_type3A_231, %cond3A_234 : i32
    scf.if %cond3A_235 {
      %dma_start3A_311 = arith.constant 3 : i32
      %dma_start3A_312 = arith.constant 3 : i32
      %dma_start3A_313 = arith.constant 0 : i32
      %dma_start3A_314 = arith.constant 0 : i32
      %dma_start3A_315 = tpu.memref_slice %arg11[%dma_start3A_311, %dma_start3A_313, %dma_start3A_314] : memref<6x128x32xi32, #tpu.memory_space<vmem>> -> memref<1x128x32xi32, #tpu.memory_space<vmem>>
      %dma_start3A_316 = tpu.memref_squeeze %dma_start3A_315 : memref<1x128x32xi32, #tpu.memory_space<vmem>> -> memref<128x32xi32, #tpu.memory_space<vmem>>
      %dma_start3A_317 = arith.constant 0 : i32
      %dma_start3A_318 = tpu.memref_slice %arg8[%cond3A_232, %cond3A_233, %dma_start3A_317] : memref<2x16x128xi32, #tpu.memory_space<vmem>> -> memref<1x1x128xi32, #tpu.memory_space<vmem>>
      %dma_start3A_319 = tpu.memref_squeeze %dma_start3A_318 : memref<1x1x128xi32, #tpu.memory_space<vmem>> -> memref<128xi32, #tpu.memory_space<vmem>>
      %dma_start3A_320 = arith.constant 0 : i32
      %dma_start3A_321 = arith.constant 0 : i32
      %dma_start3A_322 = tpu.memref_slice %arg3[%dma_start3A_320, %dma_start3A_321] : memref<10000x32xi32, #tpu.memory_space<hbm>> -> memref<10000x32xi32, #tpu.memory_space<hbm>>
      %dma_start3A_323 = tpu.memref_slice %arg14[%dma_start3A_312] : memref<6x!tpu.dma_semaphore, #tpu.memory_space<semaphore_mem>> -> memref<1x!tpu.dma_semaphore, #tpu.memory_space<semaphore_mem>>
      %dma_start3A_324 = tpu.memref_squeeze %dma_start3A_323 : memref<1x!tpu.dma_semaphore, #tpu.memory_space<semaphore_mem>> -> memref<!tpu.dma_semaphore, #tpu.memory_space<semaphore_mem>>
      tpu.enqueue_indirect_dma source(%dma_start3A_322 : memref<10000x32xi32, #tpu.memory_space<hbm>>) target(%dma_start3A_316 : memref<128x32xi32, #tpu.memory_space<vmem>>) offsets(%dma_start3A_319 : memref<128xi32, #tpu.memory_space<vmem>>) semaphore(%dma_start3A_324 : memref<!tpu.dma_semaphore, #tpu.memory_space<semaphore_mem>>)
    } else {
    }
    %scan3A_236 = arith.constant 0 : i32
    %scan3A_237 = arith.constant 0 : i32
    %scan3A_238 = arith.constant 160 : i32
    %scan3A_239 = arith.addi %scan3A_237, %scan3A_238 : i32
    %scan3A_240 = arith.constant 1 : i32
    scf.for %scan3A_311 = %scan3A_237 to %scan3A_239 step %scan3A_240  : i32 {
      %jit3A = arith.constant 6 : i32
      %eq3A_312 = arith.constant 0 : i32
      %eq3A_313 = arith.cmpi eq, %jit3A, %eq3A_312 : i32
      %jit3A_314 = arith.constant 1 : i32
      %select_n3A = arith.select %eq3A_313, %jit3A_314, %jit3A : i32
      %rem3A = arith.remsi %scan3A_311, %select_n3A : i32
      %ne3A = arith.constant 0 : i32
      %ne3A_315 = arith.cmpi ne, %rem3A, %ne3A : i32
      %lt3A = arith.constant 0 : i32
      %lt3A_316 = arith.cmpi slt, %rem3A, %lt3A : i32
      %lt3A_317 = arith.constant 0 : i32
      %lt3A_318 = arith.cmpi slt, %select_n3A, %lt3A_317 : i32
      %ne3A_319 = arith.xori %lt3A_316, %lt3A_318 : i1
      %and3A = arith.andi %ne3A_319, %ne3A_315 : i1
      %add3A_320 = arith.addi %rem3A, %select_n3A : i32
      %select_n3A_321 = arith.select %and3A, %add3A_320, %rem3A : i32
      %jit3A_322 = arith.constant 4 : i32
      %eq3A_323 = arith.constant 0 : i32
      %eq3A_324 = arith.cmpi eq, %jit3A_322, %eq3A_323 : i32
      %jit3A_325 = arith.constant 1 : i32
      %select_n3A_326 = arith.select %eq3A_324, %jit3A_325, %jit3A_322 : i32
      %rem3A_327 = arith.remsi %scan3A_311, %select_n3A_326 : i32
      %ne3A_328 = arith.constant 0 : i32
      %ne3A_329 = arith.cmpi ne, %rem3A_327, %ne3A_328 : i32
      %lt3A_330 = arith.constant 0 : i32
      %lt3A_331 = arith.cmpi slt, %rem3A_327, %lt3A_330 : i32
      %lt3A_332 = arith.constant 0 : i32
      %lt3A_333 = arith.cmpi slt, %select_n3A_326, %lt3A_332 : i32
      %ne3A_334 = arith.xori %lt3A_331, %lt3A_333 : i1
      %and3A_335 = arith.andi %ne3A_334, %ne3A_329 : i1
      %add3A_336 = arith.addi %rem3A_327, %select_n3A_326 : i32
      %select_n3A_337 = arith.select %and3A_335, %add3A_336, %rem3A_327 : i32
      %jit3A_338 = arith.constant 16 : i32
      %div3A = arith.divsi %scan3A_311, %jit3A_338 : i32
      %sign3A = arith.constant 0 : i32
      %sign3A_339 = arith.cmpi sgt, %scan3A_311, %sign3A : i32
      %sign3A_340 = arith.extui %sign3A_339 : i1 to i32
      %sign3A_341 = arith.constant 0 : i32
      %sign3A_342 = arith.cmpi slt, %scan3A_311, %sign3A_341 : i32
      %sign3A_343 = arith.extui %sign3A_342 : i1 to i32
      %sign3A_344 = arith.subi %sign3A_340, %sign3A_343 : i32
      %sign3A_345 = arith.constant 0 : i32
      %sign3A_346 = arith.cmpi sgt, %jit3A_338, %sign3A_345 : i32
      %sign3A_347 = arith.extui %sign3A_346 : i1 to i32
      %sign3A_348 = arith.constant 0 : i32
      %sign3A_349 = arith.cmpi slt, %jit3A_338, %sign3A_348 : i32
      %sign3A_350 = arith.extui %sign3A_349 : i1 to i32
      %sign3A_351 = arith.subi %sign3A_347, %sign3A_350 : i32
      %ne3A_352 = arith.cmpi ne, %sign3A_344, %sign3A_351 : i32
      %rem3A_353 = arith.remsi %scan3A_311, %jit3A_338 : i32
      %ne3A_354 = arith.constant 0 : i32
      %ne3A_355 = arith.cmpi ne, %rem3A_353, %ne3A_354 : i32
      %and3A_356 = arith.andi %ne3A_352, %ne3A_355 : i1
      %sub3A = arith.constant 1 : i32
      %sub3A_357 = arith.subi %div3A, %sub3A : i32
      %select_n3A_358 = arith.select %and3A_356, %sub3A_357, %div3A : i32
      %jit3A_359 = arith.constant 2 : i32
      %eq3A_360 = arith.constant 0 : i32
      %eq3A_361 = arith.cmpi eq, %jit3A_359, %eq3A_360 : i32
      %jit3A_362 = arith.constant 1 : i32
      %select_n3A_363 = arith.select %eq3A_361, %jit3A_362, %jit3A_359 : i32
      %rem3A_364 = arith.remsi %select_n3A_358, %select_n3A_363 : i32
      %ne3A_365 = arith.constant 0 : i32
      %ne3A_366 = arith.cmpi ne, %rem3A_364, %ne3A_365 : i32
      %lt3A_367 = arith.constant 0 : i32
      %lt3A_368 = arith.cmpi slt, %rem3A_364, %lt3A_367 : i32
      %lt3A_369 = arith.constant 0 : i32
      %lt3A_370 = arith.cmpi slt, %select_n3A_363, %lt3A_369 : i32
      %ne3A_371 = arith.xori %lt3A_368, %lt3A_370 : i1
      %and3A_372 = arith.andi %ne3A_371, %ne3A_366 : i1
      %add3A_373 = arith.addi %rem3A_364, %select_n3A_363 : i32
      %select_n3A_374 = arith.select %and3A_372, %add3A_373, %rem3A_364 : i32
      %jit3A_375 = arith.constant 16 : i32
      %eq3A_376 = arith.constant 0 : i32
      %eq3A_377 = arith.cmpi eq, %jit3A_375, %eq3A_376 : i32
      %jit3A_378 = arith.constant 1 : i32
      %select_n3A_379 = arith.select %eq3A_377, %jit3A_378, %jit3A_375 : i32
      %rem3A_380 = arith.remsi %scan3A_311, %select_n3A_379 : i32
      %ne3A_381 = arith.constant 0 : i32
      %ne3A_382 = arith.cmpi ne, %rem3A_380, %ne3A_381 : i32
      %lt3A_383 = arith.constant 0 : i32
      %lt3A_384 = arith.cmpi slt, %rem3A_380, %lt3A_383 : i32
      %lt3A_385 = arith.constant 0 : i32
      %lt3A_386 = arith.cmpi slt, %select_n3A_379, %lt3A_385 : i32
      %ne3A_387 = arith.xori %lt3A_384, %lt3A_386 : i1
      %and3A_388 = arith.andi %ne3A_387, %ne3A_382 : i1
      %add3A_389 = arith.addi %rem3A_380, %select_n3A_379 : i32
      %select_n3A_390 = arith.select %and3A_388, %add3A_389, %rem3A_380 : i32
      %add3A_391 = arith.constant 4 : i32
      %add3A_392 = arith.addi %scan3A_311, %add3A_391 : i32
      %lt3A_393 = arith.constant 160 : i32
      %lt3A_394 = arith.cmpi slt, %add3A_392, %lt3A_393 : i32
      %convert_element_type3A_395 = arith.extui %lt3A_394 : i1 to i32
      %cond3A_396 = arith.constant 0 : i32
      %cond3A_397 = arith.cmpi ne, %convert_element_type3A_395, %cond3A_396 : i32
      scf.if %cond3A_397 {
        %jit3A_481 = arith.constant 16 : i32
        %eq3A_482 = arith.constant 0 : i32
        %eq3A_483 = arith.cmpi eq, %jit3A_481, %eq3A_482 : i32
        %jit3A_484 = arith.constant 1 : i32
        %select_n3A_485 = arith.select %eq3A_483, %jit3A_484, %jit3A_481 : i32
        %rem3A_486 = arith.remsi %add3A_392, %select_n3A_485 : i32
        %ne3A_487 = arith.constant 0 : i32
        %ne3A_488 = arith.cmpi ne, %rem3A_486, %ne3A_487 : i32
        %lt3A_489 = arith.constant 0 : i32
        %lt3A_490 = arith.cmpi slt, %rem3A_486, %lt3A_489 : i32
        %lt3A_491 = arith.constant 0 : i32
        %lt3A_492 = arith.cmpi slt, %select_n3A_485, %lt3A_491 : i32
        %ne3A_493 = arith.xori %lt3A_490, %lt3A_492 : i1
        %and3A_494 = arith.andi %ne3A_493, %ne3A_488 : i1
        %add3A_495 = arith.addi %rem3A_486, %select_n3A_485 : i32
        %select_n3A_496 = arith.select %and3A_494, %add3A_495, %rem3A_486 : i32
        %eq3A_497 = arith.constant 0 : i32
        %eq3A_498 = arith.cmpi eq, %select_n3A_496, %eq3A_497 : i32
        %convert_element_type3A_499 = arith.extui %eq3A_498 : i1 to i32
        %cond3A_500 = arith.constant 0 : i32
        %cond3A_501 = arith.cmpi ne, %convert_element_type3A_499, %cond3A_500 : i32
        scf.if %cond3A_501 {
          %jit3A_584 = arith.constant 16 : i32
          %div3A_585 = arith.divsi %add3A_392, %jit3A_584 : i32
          %sign3A_586 = arith.constant 0 : i32
          %sign3A_587 = arith.cmpi sgt, %add3A_392, %sign3A_586 : i32
          %sign3A_588 = arith.extui %sign3A_587 : i1 to i32
          %sign3A_589 = arith.constant 0 : i32
          %sign3A_590 = arith.cmpi slt, %add3A_392, %sign3A_589 : i32
          %sign3A_591 = arith.extui %sign3A_590 : i1 to i32
          %sign3A_592 = arith.subi %sign3A_588, %sign3A_591 : i32
          %sign3A_593 = arith.constant 0 : i32
          %sign3A_594 = arith.cmpi sgt, %jit3A_584, %sign3A_593 : i32
          %sign3A_595 = arith.extui %sign3A_594 : i1 to i32
          %sign3A_596 = arith.constant 0 : i32
          %sign3A_597 = arith.cmpi slt, %jit3A_584, %sign3A_596 : i32
          %sign3A_598 = arith.extui %sign3A_597 : i1 to i32
          %sign3A_599 = arith.subi %sign3A_595, %sign3A_598 : i32
          %ne3A_600 = arith.cmpi ne, %sign3A_592, %sign3A_599 : i32
          %rem3A_601 = arith.remsi %add3A_392, %jit3A_584 : i32
          %ne3A_602 = arith.constant 0 : i32
          %ne3A_603 = arith.cmpi ne, %rem3A_601, %ne3A_602 : i32
          %and3A_604 = arith.andi %ne3A_600, %ne3A_603 : i1
          %sub3A_605 = arith.constant 1 : i32
          %sub3A_606 = arith.subi %div3A_585, %sub3A_605 : i32
          %select_n3A_607 = arith.select %and3A_604, %sub3A_606, %div3A_585 : i32
          %jit3A_608 = arith.constant 2 : i32
          %eq3A_609 = arith.constant 0 : i32
          %eq3A_610 = arith.cmpi eq, %jit3A_608, %eq3A_609 : i32
          %jit3A_611 = arith.constant 1 : i32
          %select_n3A_612 = arith.select %eq3A_610, %jit3A_611, %jit3A_608 : i32
          %rem3A_613 = arith.remsi %select_n3A_607, %select_n3A_612 : i32
          %ne3A_614 = arith.constant 0 : i32
          %ne3A_615 = arith.cmpi ne, %rem3A_613, %ne3A_614 : i32
          %lt3A_616 = arith.constant 0 : i32
          %lt3A_617 = arith.cmpi slt, %rem3A_613, %lt3A_616 : i32
          %lt3A_618 = arith.constant 0 : i32
          %lt3A_619 = arith.cmpi slt, %select_n3A_612, %lt3A_618 : i32
          %ne3A_620 = arith.xori %lt3A_617, %lt3A_619 : i1
          %and3A_621 = arith.andi %ne3A_620, %ne3A_615 : i1
          %add3A_622 = arith.addi %rem3A_613, %select_n3A_612 : i32
          %select_n3A_623 = arith.select %and3A_621, %add3A_622, %rem3A_613 : i32
          %dma_wait3A_624 = arith.constant 0 : i32
          %dma_wait3A_625 = arith.constant 0 : i32
          %dma_wait3A_626 = tpu.memref_slice %arg8[%select_n3A_623, %dma_wait3A_624, %dma_wait3A_625] : memref<2x16x128xi32, #tpu.memory_space<vmem>> -> memref<1x16x128xi32, #tpu.memory_space<vmem>>
          %dma_wait3A_627 = tpu.memref_squeeze %dma_wait3A_626 : memref<1x16x128xi32, #tpu.memory_space<vmem>> -> memref<16x128xi32, #tpu.memory_space<vmem>>
          %dma_wait3A_628 = arith.constant 0 : i32
          %dma_wait3A_629 = arith.constant 0 : i32
          %dma_wait3A_630 = tpu.memref_slice %arg4[%arg1, %dma_wait3A_628, %dma_wait3A_629] : memref<16x160x128xi32, #tpu.memory_space<hbm>> -> memref<1x16x128xi32, #tpu.memory_space<hbm>>
          %dma_wait3A_631 = tpu.memref_squeeze %dma_wait3A_630 : memref<1x16x128xi32, #tpu.memory_space<hbm>> -> memref<16x128xi32, #tpu.memory_space<hbm>>
          %dma_wait3A_632 = tpu.memref_slice %arg16[%select_n3A_623] : memref<2x!tpu.dma_semaphore, #tpu.memory_space<semaphore_mem>> -> memref<1x!tpu.dma_semaphore, #tpu.memory_space<semaphore_mem>>
          %dma_wait3A_633 = tpu.memref_squeeze %dma_wait3A_632 : memref<1x!tpu.dma_semaphore, #tpu.memory_space<semaphore_mem>> -> memref<!tpu.dma_semaphore, #tpu.memory_space<semaphore_mem>>
          %dma_wait3A_634 = arith.constant 0 : i32
          %dma_wait3A_635 = arith.constant 0 : i32
          %dma_wait3A_636 = tpu.memref_slice %arg8[%select_n3A_623, %dma_wait3A_634, %dma_wait3A_635] : memref<2x16x128xi32, #tpu.memory_space<vmem>> -> memref<1x16x128xi32, #tpu.memory_space<vmem>>
          %dma_wait3A_637 = tpu.memref_squeeze %dma_wait3A_636 : memref<1x16x128xi32, #tpu.memory_space<vmem>> -> memref<16x128xi32, #tpu.memory_space<vmem>>
          %dma_wait3A_638 = arith.constant 0 : i32
          %dma_wait3A_639 = arith.constant 0 : i32
          %dma_wait3A_640 = tpu.memref_slice %arg4[%arg1, %dma_wait3A_638, %dma_wait3A_639] : memref<16x160x128xi32, #tpu.memory_space<hbm>> -> memref<1x16x128xi32, #tpu.memory_space<hbm>>
          %dma_wait3A_641 = tpu.memref_squeeze %dma_wait3A_640 : memref<1x16x128xi32, #tpu.memory_space<hbm>> -> memref<16x128xi32, #tpu.memory_space<hbm>>
          tpu.wait_dma2 semaphore(%dma_wait3A_633 : memref<!tpu.dma_semaphore, #tpu.memory_space<semaphore_mem>>) src(%dma_wait3A_641 : memref<16x128xi32, #tpu.memory_space<hbm>>) dst(%dma_wait3A_637 : memref<16x128xi32, #tpu.memory_space<vmem>>)
          %dma_wait3A_642 = arith.constant 0 : i32
          %dma_wait3A_643 = arith.constant 0 : i32
          %dma_wait3A_644 = tpu.memref_slice %arg9[%select_n3A_623, %dma_wait3A_642, %dma_wait3A_643] : memref<2x16x128xi32, #tpu.memory_space<vmem>> -> memref<1x16x128xi32, #tpu.memory_space<vmem>>
          %dma_wait3A_645 = tpu.memref_squeeze %dma_wait3A_644 : memref<1x16x128xi32, #tpu.memory_space<vmem>> -> memref<16x128xi32, #tpu.memory_space<vmem>>
          %dma_wait3A_646 = arith.constant 0 : i32
          %dma_wait3A_647 = arith.constant 0 : i32
          %dma_wait3A_648 = tpu.memref_slice %arg5[%arg1, %dma_wait3A_646, %dma_wait3A_647] : memref<16x160x128xi32, #tpu.memory_space<hbm>> -> memref<1x16x128xi32, #tpu.memory_space<hbm>>
          %dma_wait3A_649 = tpu.memref_squeeze %dma_wait3A_648 : memref<1x16x128xi32, #tpu.memory_space<hbm>> -> memref<16x128xi32, #tpu.memory_space<hbm>>
          %dma_wait3A_650 = tpu.memref_slice %arg16[%select_n3A_623] : memref<2x!tpu.dma_semaphore, #tpu.memory_space<semaphore_mem>> -> memref<1x!tpu.dma_semaphore, #tpu.memory_space<semaphore_mem>>
          %dma_wait3A_651 = tpu.memref_squeeze %dma_wait3A_650 : memref<1x!tpu.dma_semaphore, #tpu.memory_space<semaphore_mem>> -> memref<!tpu.dma_semaphore, #tpu.memory_space<semaphore_mem>>
          %dma_wait3A_652 = arith.constant 0 : i32
          %dma_wait3A_653 = arith.constant 0 : i32
          %dma_wait3A_654 = tpu.memref_slice %arg9[%select_n3A_623, %dma_wait3A_652, %dma_wait3A_653] : memref<2x16x128xi32, #tpu.memory_space<vmem>> -> memref<1x16x128xi32, #tpu.memory_space<vmem>>
          %dma_wait3A_655 = tpu.memref_squeeze %dma_wait3A_654 : memref<1x16x128xi32, #tpu.memory_space<vmem>> -> memref<16x128xi32, #tpu.memory_space<vmem>>
          %dma_wait3A_656 = arith.constant 0 : i32
          %dma_wait3A_657 = arith.constant 0 : i32
          %dma_wait3A_658 = tpu.memref_slice %arg5[%arg1, %dma_wait3A_656, %dma_wait3A_657] : memref<16x160x128xi32, #tpu.memory_space<hbm>> -> memref<1x16x128xi32, #tpu.memory_space<hbm>>
          %dma_wait3A_659 = tpu.memref_squeeze %dma_wait3A_658 : memref<1x16x128xi32, #tpu.memory_space<hbm>> -> memref<16x128xi32, #tpu.memory_space<hbm>>
          tpu.wait_dma2 semaphore(%dma_wait3A_651 : memref<!tpu.dma_semaphore, #tpu.memory_space<semaphore_mem>>) src(%dma_wait3A_659 : memref<16x128xi32, #tpu.memory_space<hbm>>) dst(%dma_wait3A_655 : memref<16x128xi32, #tpu.memory_space<vmem>>)
          %dma_wait3A_660 = arith.constant 0 : i32
          %dma_wait3A_661 = arith.constant 0 : i32
          %dma_wait3A_662 = tpu.memref_slice %arg10[%select_n3A_623, %dma_wait3A_660, %dma_wait3A_661] : memref<2x16x128xf32, #tpu.memory_space<vmem>> -> memref<1x16x128xf32, #tpu.memory_space<vmem>>
          %dma_wait3A_663 = tpu.memref_squeeze %dma_wait3A_662 : memref<1x16x128xf32, #tpu.memory_space<vmem>> -> memref<16x128xf32, #tpu.memory_space<vmem>>
          %dma_wait3A_664 = arith.constant 0 : i32
          %dma_wait3A_665 = arith.constant 0 : i32
          %dma_wait3A_666 = tpu.memref_slice %arg6[%arg1, %dma_wait3A_664, %dma_wait3A_665] : memref<16x160x128xf32, #tpu.memory_space<hbm>> -> memref<1x16x128xf32, #tpu.memory_space<hbm>>
          %dma_wait3A_667 = tpu.memref_squeeze %dma_wait3A_666 : memref<1x16x128xf32, #tpu.memory_space<hbm>> -> memref<16x128xf32, #tpu.memory_space<hbm>>
          %dma_wait3A_668 = tpu.memref_slice %arg16[%select_n3A_623] : memref<2x!tpu.dma_semaphore, #tpu.memory_space<semaphore_mem>> -> memref<1x!tpu.dma_semaphore, #tpu.memory_space<semaphore_mem>>
          %dma_wait3A_669 = tpu.memref_squeeze %dma_wait3A_668 : memref<1x!tpu.dma_semaphore, #tpu.memory_space<semaphore_mem>> -> memref<!tpu.dma_semaphore, #tpu.memory_space<semaphore_mem>>
          %dma_wait3A_670 = arith.constant 0 : i32
          %dma_wait3A_671 = arith.constant 0 : i32
          %dma_wait3A_672 = tpu.memref_slice %arg10[%select_n3A_623, %dma_wait3A_670, %dma_wait3A_671] : memref<2x16x128xf32, #tpu.memory_space<vmem>> -> memref<1x16x128xf32, #tpu.memory_space<vmem>>
          %dma_wait3A_673 = tpu.memref_squeeze %dma_wait3A_672 : memref<1x16x128xf32, #tpu.memory_space<vmem>> -> memref<16x128xf32, #tpu.memory_space<vmem>>
          %dma_wait3A_674 = arith.constant 0 : i32
          %dma_wait3A_675 = arith.constant 0 : i32
          %dma_wait3A_676 = tpu.memref_slice %arg6[%arg1, %dma_wait3A_674, %dma_wait3A_675] : memref<16x160x128xf32, #tpu.memory_space<hbm>> -> memref<1x16x128xf32, #tpu.memory_space<hbm>>
          %dma_wait3A_677 = tpu.memref_squeeze %dma_wait3A_676 : memref<1x16x128xf32, #tpu.memory_space<hbm>> -> memref<16x128xf32, #tpu.memory_space<hbm>>
          tpu.wait_dma2 semaphore(%dma_wait3A_669 : memref<!tpu.dma_semaphore, #tpu.memory_space<semaphore_mem>>) src(%dma_wait3A_677 : memref<16x128xf32, #tpu.memory_space<hbm>>) dst(%dma_wait3A_673 : memref<16x128xf32, #tpu.memory_space<vmem>>)
        } else {
        }
        %jit3A_502 = arith.constant 16 : i32
        %div3A_503 = arith.divsi %add3A_392, %jit3A_502 : i32
        %sign3A_504 = arith.constant 0 : i32
        %sign3A_505 = arith.cmpi sgt, %add3A_392, %sign3A_504 : i32
        %sign3A_506 = arith.extui %sign3A_505 : i1 to i32
        %sign3A_507 = arith.constant 0 : i32
        %sign3A_508 = arith.cmpi slt, %add3A_392, %sign3A_507 : i32
        %sign3A_509 = arith.extui %sign3A_508 : i1 to i32
        %sign3A_510 = arith.subi %sign3A_506, %sign3A_509 : i32
        %sign3A_511 = arith.constant 0 : i32
        %sign3A_512 = arith.cmpi sgt, %jit3A_502, %sign3A_511 : i32
        %sign3A_513 = arith.extui %sign3A_512 : i1 to i32
        %sign3A_514 = arith.constant 0 : i32
        %sign3A_515 = arith.cmpi slt, %jit3A_502, %sign3A_514 : i32
        %sign3A_516 = arith.extui %sign3A_515 : i1 to i32
        %sign3A_517 = arith.subi %sign3A_513, %sign3A_516 : i32
        %ne3A_518 = arith.cmpi ne, %sign3A_510, %sign3A_517 : i32
        %rem3A_519 = arith.remsi %add3A_392, %jit3A_502 : i32
        %ne3A_520 = arith.constant 0 : i32
        %ne3A_521 = arith.cmpi ne, %rem3A_519, %ne3A_520 : i32
        %and3A_522 = arith.andi %ne3A_518, %ne3A_521 : i1
        %sub3A_523 = arith.constant 1 : i32
        %sub3A_524 = arith.subi %div3A_503, %sub3A_523 : i32
        %select_n3A_525 = arith.select %and3A_522, %sub3A_524, %div3A_503 : i32
        %jit3A_526 = arith.constant 2 : i32
        %eq3A_527 = arith.constant 0 : i32
        %eq3A_528 = arith.cmpi eq, %jit3A_526, %eq3A_527 : i32
        %jit3A_529 = arith.constant 1 : i32
        %select_n3A_530 = arith.select %eq3A_528, %jit3A_529, %jit3A_526 : i32
        %rem3A_531 = arith.remsi %select_n3A_525, %select_n3A_530 : i32
        %ne3A_532 = arith.constant 0 : i32
        %ne3A_533 = arith.cmpi ne, %rem3A_531, %ne3A_532 : i32
        %lt3A_534 = arith.constant 0 : i32
        %lt3A_535 = arith.cmpi slt, %rem3A_531, %lt3A_534 : i32
        %lt3A_536 = arith.constant 0 : i32
        %lt3A_537 = arith.cmpi slt, %select_n3A_530, %lt3A_536 : i32
        %ne3A_538 = arith.xori %lt3A_535, %lt3A_537 : i1
        %and3A_539 = arith.andi %ne3A_538, %ne3A_533 : i1
        %add3A_540 = arith.addi %rem3A_531, %select_n3A_530 : i32
        %select_n3A_541 = arith.select %and3A_539, %add3A_540, %rem3A_531 : i32
        %jit3A_542 = arith.constant 6 : i32
        %eq3A_543 = arith.constant 0 : i32
        %eq3A_544 = arith.cmpi eq, %jit3A_542, %eq3A_543 : i32
        %jit3A_545 = arith.constant 1 : i32
        %select_n3A_546 = arith.select %eq3A_544, %jit3A_545, %jit3A_542 : i32
        %rem3A_547 = arith.remsi %add3A_392, %select_n3A_546 : i32
        %ne3A_548 = arith.constant 0 : i32
        %ne3A_549 = arith.cmpi ne, %rem3A_547, %ne3A_548 : i32
        %lt3A_550 = arith.constant 0 : i32
        %lt3A_551 = arith.cmpi slt, %rem3A_547, %lt3A_550 : i32
        %lt3A_552 = arith.constant 0 : i32
        %lt3A_553 = arith.cmpi slt, %select_n3A_546, %lt3A_552 : i32
        %ne3A_554 = arith.xori %lt3A_551, %lt3A_553 : i1
        %and3A_555 = arith.andi %ne3A_554, %ne3A_549 : i1
        %add3A_556 = arith.addi %rem3A_547, %select_n3A_546 : i32
        %select_n3A_557 = arith.select %and3A_555, %add3A_556, %rem3A_547 : i32
        %jit3A_558 = arith.constant 16 : i32
        %eq3A_559 = arith.constant 0 : i32
        %eq3A_560 = arith.cmpi eq, %jit3A_558, %eq3A_559 : i32
        %jit3A_561 = arith.constant 1 : i32
        %select_n3A_562 = arith.select %eq3A_560, %jit3A_561, %jit3A_558 : i32
        %rem3A_563 = arith.remsi %add3A_392, %select_n3A_562 : i32
        %ne3A_564 = arith.constant 0 : i32
        %ne3A_565 = arith.cmpi ne, %rem3A_563, %ne3A_564 : i32
        %lt3A_566 = arith.constant 0 : i32
        %lt3A_567 = arith.cmpi slt, %rem3A_563, %lt3A_566 : i32
        %lt3A_568 = arith.constant 0 : i32
        %lt3A_569 = arith.cmpi slt, %select_n3A_562, %lt3A_568 : i32
        %ne3A_570 = arith.xori %lt3A_567, %lt3A_569 : i1
        %and3A_571 = arith.andi %ne3A_570, %ne3A_565 : i1
        %add3A_572 = arith.addi %rem3A_563, %select_n3A_562 : i32
        %select_n3A_573 = arith.select %and3A_571, %add3A_572, %rem3A_563 : i32
        %eq3A_574 = arith.constant 0 : i32
        %eq3A_575 = arith.cmpi eq, %arg0, %eq3A_574 : i32
        %convert_element_type3A_576 = arith.extui %eq3A_575 : i1 to i32
        %cond3A_577 = arith.constant 0 : i32
        %cond3A_578 = arith.cmpi ne, %convert_element_type3A_576, %cond3A_577 : i32
        scf.if %cond3A_578 {
          %dma_start3A_584 = arith.constant 0 : i32
          %dma_start3A_585 = arith.constant 0 : i32
          %dma_start3A_586 = tpu.memref_slice %arg11[%select_n3A_557, %dma_start3A_584, %dma_start3A_585] : memref<6x128x32xi32, #tpu.memory_space<vmem>> -> memref<1x128x32xi32, #tpu.memory_space<vmem>>
          %dma_start3A_587 = tpu.memref_squeeze %dma_start3A_586 : memref<1x128x32xi32, #tpu.memory_space<vmem>> -> memref<128x32xi32, #tpu.memory_space<vmem>>
          %dma_start3A_588 = arith.constant 0 : i32
          %dma_start3A_589 = tpu.memref_slice %arg8[%select_n3A_541, %select_n3A_573, %dma_start3A_588] : memref<2x16x128xi32, #tpu.memory_space<vmem>> -> memref<1x1x128xi32, #tpu.memory_space<vmem>>
          %dma_start3A_590 = tpu.memref_squeeze %dma_start3A_589 : memref<1x1x128xi32, #tpu.memory_space<vmem>> -> memref<128xi32, #tpu.memory_space<vmem>>
          %dma_start3A_591 = arith.constant 0 : i32
          %dma_start3A_592 = arith.constant 0 : i32
          %dma_start3A_593 = tpu.memref_slice %arg2[%dma_start3A_591, %dma_start3A_592] : memref<10000x32xi32, #tpu.memory_space<hbm>> -> memref<10000x32xi32, #tpu.memory_space<hbm>>
          %dma_start3A_594 = tpu.memref_slice %arg14[%select_n3A_557] : memref<6x!tpu.dma_semaphore, #tpu.memory_space<semaphore_mem>> -> memref<1x!tpu.dma_semaphore, #tpu.memory_space<semaphore_mem>>
          %dma_start3A_595 = tpu.memref_squeeze %dma_start3A_594 : memref<1x!tpu.dma_semaphore, #tpu.memory_space<semaphore_mem>> -> memref<!tpu.dma_semaphore, #tpu.memory_space<semaphore_mem>>
          tpu.enqueue_indirect_dma source(%dma_start3A_593 : memref<10000x32xi32, #tpu.memory_space<hbm>>) target(%dma_start3A_587 : memref<128x32xi32, #tpu.memory_space<vmem>>) offsets(%dma_start3A_590 : memref<128xi32, #tpu.memory_space<vmem>>) semaphore(%dma_start3A_595 : memref<!tpu.dma_semaphore, #tpu.memory_space<semaphore_mem>>)
        } else {
        }
        %eq3A_579 = arith.constant 1 : i32
        %eq3A_580 = arith.cmpi eq, %arg0, %eq3A_579 : i32
        %convert_element_type3A_581 = arith.extui %eq3A_580 : i1 to i32
        %cond3A_582 = arith.constant 0 : i32
        %cond3A_583 = arith.cmpi ne, %convert_element_type3A_581, %cond3A_582 : i32
        scf.if %cond3A_583 {
          %dma_start3A_584 = arith.constant 0 : i32
          %dma_start3A_585 = arith.constant 0 : i32
          %dma_start3A_586 = tpu.memref_slice %arg11[%select_n3A_557, %dma_start3A_584, %dma_start3A_585] : memref<6x128x32xi32, #tpu.memory_space<vmem>> -> memref<1x128x32xi32, #tpu.memory_space<vmem>>
          %dma_start3A_587 = tpu.memref_squeeze %dma_start3A_586 : memref<1x128x32xi32, #tpu.memory_space<vmem>> -> memref<128x32xi32, #tpu.memory_space<vmem>>
          %dma_start3A_588 = arith.constant 0 : i32
          %dma_start3A_589 = tpu.memref_slice %arg8[%select_n3A_541, %select_n3A_573, %dma_start3A_588] : memref<2x16x128xi32, #tpu.memory_space<vmem>> -> memref<1x1x128xi32, #tpu.memory_space<vmem>>
          %dma_start3A_590 = tpu.memref_squeeze %dma_start3A_589 : memref<1x1x128xi32, #tpu.memory_space<vmem>> -> memref<128xi32, #tpu.memory_space<vmem>>
          %dma_start3A_591 = arith.constant 0 : i32
          %dma_start3A_592 = arith.constant 0 : i32
          %dma_start3A_593 = tpu.memref_slice %arg3[%dma_start3A_591, %dma_start3A_592] : memref<10000x32xi32, #tpu.memory_space<hbm>> -> memref<10000x32xi32, #tpu.memory_space<hbm>>
          %dma_start3A_594 = tpu.memref_slice %arg14[%select_n3A_557] : memref<6x!tpu.dma_semaphore, #tpu.memory_space<semaphore_mem>> -> memref<1x!tpu.dma_semaphore, #tpu.memory_space<semaphore_mem>>
          %dma_start3A_595 = tpu.memref_squeeze %dma_start3A_594 : memref<1x!tpu.dma_semaphore, #tpu.memory_space<semaphore_mem>> -> memref<!tpu.dma_semaphore, #tpu.memory_space<semaphore_mem>>
          tpu.enqueue_indirect_dma source(%dma_start3A_593 : memref<10000x32xi32, #tpu.memory_space<hbm>>) target(%dma_start3A_587 : memref<128x32xi32, #tpu.memory_space<vmem>>) offsets(%dma_start3A_590 : memref<128xi32, #tpu.memory_space<vmem>>) semaphore(%dma_start3A_595 : memref<!tpu.dma_semaphore, #tpu.memory_space<semaphore_mem>>)
        } else {
        }
      } else {
      }
      %jit3A_398 = arith.constant 16 : i32
      %eq3A_399 = arith.constant 0 : i32
      %eq3A_400 = arith.cmpi eq, %jit3A_398, %eq3A_399 : i32
      %jit3A_401 = arith.constant 1 : i32
      %select_n3A_402 = arith.select %eq3A_400, %jit3A_401, %jit3A_398 : i32
      %rem3A_403 = arith.remsi %scan3A_311, %select_n3A_402 : i32
      %ne3A_404 = arith.constant 0 : i32
      %ne3A_405 = arith.cmpi ne, %rem3A_403, %ne3A_404 : i32
      %lt3A_406 = arith.constant 0 : i32
      %lt3A_407 = arith.cmpi slt, %rem3A_403, %lt3A_406 : i32
      %lt3A_408 = arith.constant 0 : i32
      %lt3A_409 = arith.cmpi slt, %select_n3A_402, %lt3A_408 : i32
      %ne3A_410 = arith.xori %lt3A_407, %lt3A_409 : i1
      %and3A_411 = arith.andi %ne3A_410, %ne3A_405 : i1
      %add3A_412 = arith.addi %rem3A_403, %select_n3A_402 : i32
      %select_n3A_413 = arith.select %and3A_411, %add3A_412, %rem3A_403 : i32
      %eq3A_414 = arith.constant 3 : i32
      %eq3A_415 = arith.cmpi eq, %select_n3A_413, %eq3A_414 : i32
      %jit3A_416 = arith.constant 16 : i32
      %div3A_417 = arith.divsi %scan3A_311, %jit3A_416 : i32
      %sign3A_418 = arith.constant 0 : i32
      %sign3A_419 = arith.cmpi sgt, %scan3A_311, %sign3A_418 : i32
      %sign3A_420 = arith.extui %sign3A_419 : i1 to i32
      %sign3A_421 = arith.constant 0 : i32
      %sign3A_422 = arith.cmpi slt, %scan3A_311, %sign3A_421 : i32
      %sign3A_423 = arith.extui %sign3A_422 : i1 to i32
      %sign3A_424 = arith.subi %sign3A_420, %sign3A_423 : i32
      %sign3A_425 = arith.constant 0 : i32
      %sign3A_426 = arith.cmpi sgt, %jit3A_416, %sign3A_425 : i32
      %sign3A_427 = arith.extui %sign3A_426 : i1 to i32
      %sign3A_428 = arith.constant 0 : i32
      %sign3A_429 = arith.cmpi slt, %jit3A_416, %sign3A_428 : i32
      %sign3A_430 = arith.extui %sign3A_429 : i1 to i32
      %sign3A_431 = arith.subi %sign3A_427, %sign3A_430 : i32
      %ne3A_432 = arith.cmpi ne, %sign3A_424, %sign3A_431 : i32
      %rem3A_433 = arith.remsi %scan3A_311, %jit3A_416 : i32
      %ne3A_434 = arith.constant 0 : i32
      %ne3A_435 = arith.cmpi ne, %rem3A_433, %ne3A_434 : i32
      %and3A_436 = arith.andi %ne3A_432, %ne3A_435 : i1
      %sub3A_437 = arith.constant 1 : i32
      %sub3A_438 = arith.subi %div3A_417, %sub3A_437 : i32
      %select_n3A_439 = arith.select %and3A_436, %sub3A_438, %div3A_417 : i32
      %add3A_440 = arith.constant 1 : i32
      %add3A_441 = arith.addi %select_n3A_439, %add3A_440 : i32
      %lt3A_442 = arith.constant 10 : i32
      %lt3A_443 = arith.cmpi slt, %add3A_441, %lt3A_442 : i32
      %and3A_444 = arith.andi %eq3A_415, %lt3A_443 : i1
      %convert_element_type3A_445 = arith.extui %and3A_444 : i1 to i32
      %cond3A_446 = arith.constant 0 : i32
      %cond3A_447 = arith.cmpi ne, %convert_element_type3A_445, %cond3A_446 : i32
      scf.if %cond3A_447 {
        %jit3A_481 = arith.constant 16 : i32
        %div3A_482 = arith.divsi %scan3A_311, %jit3A_481 : i32
        %sign3A_483 = arith.constant 0 : i32
        %sign3A_484 = arith.cmpi sgt, %scan3A_311, %sign3A_483 : i32
        %sign3A_485 = arith.extui %sign3A_484 : i1 to i32
        %sign3A_486 = arith.constant 0 : i32
        %sign3A_487 = arith.cmpi slt, %scan3A_311, %sign3A_486 : i32
        %sign3A_488 = arith.extui %sign3A_487 : i1 to i32
        %sign3A_489 = arith.subi %sign3A_485, %sign3A_488 : i32
        %sign3A_490 = arith.constant 0 : i32
        %sign3A_491 = arith.cmpi sgt, %jit3A_481, %sign3A_490 : i32
        %sign3A_492 = arith.extui %sign3A_491 : i1 to i32
        %sign3A_493 = arith.constant 0 : i32
        %sign3A_494 = arith.cmpi slt, %jit3A_481, %sign3A_493 : i32
        %sign3A_495 = arith.extui %sign3A_494 : i1 to i32
        %sign3A_496 = arith.subi %sign3A_492, %sign3A_495 : i32
        %ne3A_497 = arith.cmpi ne, %sign3A_489, %sign3A_496 : i32
        %rem3A_498 = arith.remsi %scan3A_311, %jit3A_481 : i32
        %ne3A_499 = arith.constant 0 : i32
        %ne3A_500 = arith.cmpi ne, %rem3A_498, %ne3A_499 : i32
        %and3A_501 = arith.andi %ne3A_497, %ne3A_500 : i1
        %sub3A_502 = arith.constant 1 : i32
        %sub3A_503 = arith.subi %div3A_482, %sub3A_502 : i32
        %select_n3A_504 = arith.select %and3A_501, %sub3A_503, %div3A_482 : i32
        %add3A_505 = arith.constant 1 : i32
        %add3A_506 = arith.addi %select_n3A_504, %add3A_505 : i32
        %jit3A_507 = arith.constant 16 : i32
        %div3A_508 = arith.divsi %scan3A_311, %jit3A_507 : i32
        %sign3A_509 = arith.constant 0 : i32
        %sign3A_510 = arith.cmpi sgt, %scan3A_311, %sign3A_509 : i32
        %sign3A_511 = arith.extui %sign3A_510 : i1 to i32
        %sign3A_512 = arith.constant 0 : i32
        %sign3A_513 = arith.cmpi slt, %scan3A_311, %sign3A_512 : i32
        %sign3A_514 = arith.extui %sign3A_513 : i1 to i32
        %sign3A_515 = arith.subi %sign3A_511, %sign3A_514 : i32
        %sign3A_516 = arith.constant 0 : i32
        %sign3A_517 = arith.cmpi sgt, %jit3A_507, %sign3A_516 : i32
        %sign3A_518 = arith.extui %sign3A_517 : i1 to i32
        %sign3A_519 = arith.constant 0 : i32
        %sign3A_520 = arith.cmpi slt, %jit3A_507, %sign3A_519 : i32
        %sign3A_521 = arith.extui %sign3A_520 : i1 to i32
        %sign3A_522 = arith.subi %sign3A_518, %sign3A_521 : i32
        %ne3A_523 = arith.cmpi ne, %sign3A_515, %sign3A_522 : i32
        %rem3A_524 = arith.remsi %scan3A_311, %jit3A_507 : i32
        %ne3A_525 = arith.constant 0 : i32
        %ne3A_526 = arith.cmpi ne, %rem3A_524, %ne3A_525 : i32
        %and3A_527 = arith.andi %ne3A_523, %ne3A_526 : i1
        %sub3A_528 = arith.constant 1 : i32
        %sub3A_529 = arith.subi %div3A_508, %sub3A_528 : i32
        %select_n3A_530 = arith.select %and3A_527, %sub3A_529, %div3A_508 : i32
        %add3A_531 = arith.constant 1 : i32
        %add3A_532 = arith.addi %select_n3A_530, %add3A_531 : i32
        %jit3A_533 = arith.constant 2 : i32
        %eq3A_534 = arith.constant 0 : i32
        %eq3A_535 = arith.cmpi eq, %jit3A_533, %eq3A_534 : i32
        %jit3A_536 = arith.constant 1 : i32
        %select_n3A_537 = arith.select %eq3A_535, %jit3A_536, %jit3A_533 : i32
        %rem3A_538 = arith.remsi %add3A_532, %select_n3A_537 : i32
        %ne3A_539 = arith.constant 0 : i32
        %ne3A_540 = arith.cmpi ne, %rem3A_538, %ne3A_539 : i32
        %lt3A_541 = arith.constant 0 : i32
        %lt3A_542 = arith.cmpi slt, %rem3A_538, %lt3A_541 : i32
        %lt3A_543 = arith.constant 0 : i32
        %lt3A_544 = arith.cmpi slt, %select_n3A_537, %lt3A_543 : i32
        %ne3A_545 = arith.xori %lt3A_542, %lt3A_544 : i1
        %and3A_546 = arith.andi %ne3A_545, %ne3A_540 : i1
        %add3A_547 = arith.addi %rem3A_538, %select_n3A_537 : i32
        %select_n3A_548 = arith.select %and3A_546, %add3A_547, %rem3A_538 : i32
        %mul3A_549 = arith.constant 16 : i32
        %mul3A_550 = arith.muli %add3A_506, %mul3A_549 : i32
        %dma_start3A_551 = arith.constant 0 : i32
        %dma_start3A_552 = arith.constant 0 : i32
        %dma_start3A_553 = tpu.memref_slice %arg8[%select_n3A_548, %dma_start3A_551, %dma_start3A_552] : memref<2x16x128xi32, #tpu.memory_space<vmem>> -> memref<1x16x128xi32, #tpu.memory_space<vmem>>
        %dma_start3A_554 = tpu.memref_squeeze %dma_start3A_553 : memref<1x16x128xi32, #tpu.memory_space<vmem>> -> memref<16x128xi32, #tpu.memory_space<vmem>>
        %dma_start3A_555 = arith.constant 0 : i32
        %dma_start3A_556 = tpu.memref_slice %arg4[%arg1, %mul3A_550, %dma_start3A_555] : memref<16x160x128xi32, #tpu.memory_space<hbm>> -> memref<1x16x128xi32, #tpu.memory_space<hbm>>
        %dma_start3A_557 = tpu.memref_squeeze %dma_start3A_556 : memref<1x16x128xi32, #tpu.memory_space<hbm>> -> memref<16x128xi32, #tpu.memory_space<hbm>>
        %dma_start3A_558 = tpu.memref_slice %arg16[%select_n3A_548] : memref<2x!tpu.dma_semaphore, #tpu.memory_space<semaphore_mem>> -> memref<1x!tpu.dma_semaphore, #tpu.memory_space<semaphore_mem>>
        %dma_start3A_559 = tpu.memref_squeeze %dma_start3A_558 : memref<1x!tpu.dma_semaphore, #tpu.memory_space<semaphore_mem>> -> memref<!tpu.dma_semaphore, #tpu.memory_space<semaphore_mem>>
        %dma_start3A_560 = arith.constant 0 : i32
        %dma_start3A_561 = arith.constant 0 : i32
        %dma_start3A_562 = tpu.memref_slice %arg8[%select_n3A_548, %dma_start3A_560, %dma_start3A_561] : memref<2x16x128xi32, #tpu.memory_space<vmem>> -> memref<1x16x128xi32, #tpu.memory_space<vmem>>
        %dma_start3A_563 = tpu.memref_squeeze %dma_start3A_562 : memref<1x16x128xi32, #tpu.memory_space<vmem>> -> memref<16x128xi32, #tpu.memory_space<vmem>>
        %dma_start3A_564 = arith.constant 0 : i32
        %dma_start3A_565 = tpu.memref_slice %arg4[%arg1, %mul3A_550, %dma_start3A_564] : memref<16x160x128xi32, #tpu.memory_space<hbm>> -> memref<1x16x128xi32, #tpu.memory_space<hbm>>
        %dma_start3A_566 = tpu.memref_squeeze %dma_start3A_565 : memref<1x16x128xi32, #tpu.memory_space<hbm>> -> memref<16x128xi32, #tpu.memory_space<hbm>>
        tpu.enqueue_dma source(%dma_start3A_566 : memref<16x128xi32, #tpu.memory_space<hbm>>) target(%dma_start3A_563 : memref<16x128xi32, #tpu.memory_space<vmem>>) target_semaphore(%dma_start3A_559 : memref<!tpu.dma_semaphore, #tpu.memory_space<semaphore_mem>>)
        %mul3A_567 = arith.constant 16 : i32
        %mul3A_568 = arith.muli %add3A_506, %mul3A_567 : i32
        %dma_start3A_569 = arith.constant 0 : i32
        %dma_start3A_570 = arith.constant 0 : i32
        %dma_start3A_571 = tpu.memref_slice %arg9[%select_n3A_548, %dma_start3A_569, %dma_start3A_570] : memref<2x16x128xi32, #tpu.memory_space<vmem>> -> memref<1x16x128xi32, #tpu.memory_space<vmem>>
        %dma_start3A_572 = tpu.memref_squeeze %dma_start3A_571 : memref<1x16x128xi32, #tpu.memory_space<vmem>> -> memref<16x128xi32, #tpu.memory_space<vmem>>
        %dma_start3A_573 = arith.constant 0 : i32
        %dma_start3A_574 = tpu.memref_slice %arg5[%arg1, %mul3A_568, %dma_start3A_573] : memref<16x160x128xi32, #tpu.memory_space<hbm>> -> memref<1x16x128xi32, #tpu.memory_space<hbm>>
        %dma_start3A_575 = tpu.memref_squeeze %dma_start3A_574 : memref<1x16x128xi32, #tpu.memory_space<hbm>> -> memref<16x128xi32, #tpu.memory_space<hbm>>
        %dma_start3A_576 = tpu.memref_slice %arg16[%select_n3A_548] : memref<2x!tpu.dma_semaphore, #tpu.memory_space<semaphore_mem>> -> memref<1x!tpu.dma_semaphore, #tpu.memory_space<semaphore_mem>>
        %dma_start3A_577 = tpu.memref_squeeze %dma_start3A_576 : memref<1x!tpu.dma_semaphore, #tpu.memory_space<semaphore_mem>> -> memref<!tpu.dma_semaphore, #tpu.memory_space<semaphore_mem>>
        %dma_start3A_578 = arith.constant 0 : i32
        %dma_start3A_579 = arith.constant 0 : i32
        %dma_start3A_580 = tpu.memref_slice %arg9[%select_n3A_548, %dma_start3A_578, %dma_start3A_579] : memref<2x16x128xi32, #tpu.memory_space<vmem>> -> memref<1x16x128xi32, #tpu.memory_space<vmem>>
        %dma_start3A_581 = tpu.memref_squeeze %dma_start3A_580 : memref<1x16x128xi32, #tpu.memory_space<vmem>> -> memref<16x128xi32, #tpu.memory_space<vmem>>
        %dma_start3A_582 = arith.constant 0 : i32
        %dma_start3A_583 = tpu.memref_slice %arg5[%arg1, %mul3A_568, %dma_start3A_582] : memref<16x160x128xi32, #tpu.memory_space<hbm>> -> memref<1x16x128xi32, #tpu.memory_space<hbm>>
        %dma_start3A_584 = tpu.memref_squeeze %dma_start3A_583 : memref<1x16x128xi32, #tpu.memory_space<hbm>> -> memref<16x128xi32, #tpu.memory_space<hbm>>
        tpu.enqueue_dma source(%dma_start3A_584 : memref<16x128xi32, #tpu.memory_space<hbm>>) target(%dma_start3A_581 : memref<16x128xi32, #tpu.memory_space<vmem>>) target_semaphore(%dma_start3A_577 : memref<!tpu.dma_semaphore, #tpu.memory_space<semaphore_mem>>)
        %mul3A_585 = arith.constant 16 : i32
        %mul3A_586 = arith.muli %add3A_506, %mul3A_585 : i32
        %dma_start3A_587 = arith.constant 0 : i32
        %dma_start3A_588 = arith.constant 0 : i32
        %dma_start3A_589 = tpu.memref_slice %arg10[%select_n3A_548, %dma_start3A_587, %dma_start3A_588] : memref<2x16x128xf32, #tpu.memory_space<vmem>> -> memref<1x16x128xf32, #tpu.memory_space<vmem>>
        %dma_start3A_590 = tpu.memref_squeeze %dma_start3A_589 : memref<1x16x128xf32, #tpu.memory_space<vmem>> -> memref<16x128xf32, #tpu.memory_space<vmem>>
        %dma_start3A_591 = arith.constant 0 : i32
        %dma_start3A_592 = tpu.memref_slice %arg6[%arg1, %mul3A_586, %dma_start3A_591] : memref<16x160x128xf32, #tpu.memory_space<hbm>> -> memref<1x16x128xf32, #tpu.memory_space<hbm>>
        %dma_start3A_593 = tpu.memref_squeeze %dma_start3A_592 : memref<1x16x128xf32, #tpu.memory_space<hbm>> -> memref<16x128xf32, #tpu.memory_space<hbm>>
        %dma_start3A_594 = tpu.memref_slice %arg16[%select_n3A_548] : memref<2x!tpu.dma_semaphore, #tpu.memory_space<semaphore_mem>> -> memref<1x!tpu.dma_semaphore, #tpu.memory_space<semaphore_mem>>
        %dma_start3A_595 = tpu.memref_squeeze %dma_start3A_594 : memref<1x!tpu.dma_semaphore, #tpu.memory_space<semaphore_mem>> -> memref<!tpu.dma_semaphore, #tpu.memory_space<semaphore_mem>>
        %dma_start3A_596 = arith.constant 0 : i32
        %dma_start3A_597 = arith.constant 0 : i32
        %dma_start3A_598 = tpu.memref_slice %arg10[%select_n3A_548, %dma_start3A_596, %dma_start3A_597] : memref<2x16x128xf32, #tpu.memory_space<vmem>> -> memref<1x16x128xf32, #tpu.memory_space<vmem>>
        %dma_start3A_599 = tpu.memref_squeeze %dma_start3A_598 : memref<1x16x128xf32, #tpu.memory_space<vmem>> -> memref<16x128xf32, #tpu.memory_space<vmem>>
        %dma_start3A_600 = arith.constant 0 : i32
        %dma_start3A_601 = tpu.memref_slice %arg6[%arg1, %mul3A_586, %dma_start3A_600] : memref<16x160x128xf32, #tpu.memory_space<hbm>> -> memref<1x16x128xf32, #tpu.memory_space<hbm>>
        %dma_start3A_602 = tpu.memref_squeeze %dma_start3A_601 : memref<1x16x128xf32, #tpu.memory_space<hbm>> -> memref<16x128xf32, #tpu.memory_space<hbm>>
        tpu.enqueue_dma source(%dma_start3A_602 : memref<16x128xf32, #tpu.memory_space<hbm>>) target(%dma_start3A_599 : memref<16x128xf32, #tpu.memory_space<vmem>>) target_semaphore(%dma_start3A_595 : memref<!tpu.dma_semaphore, #tpu.memory_space<semaphore_mem>>)
      } else {
      }
      %dma_wait3A_448 = arith.constant 0 : i32
      %dma_wait3A_449 = arith.constant 0 : i32
      %dma_wait3A_450 = tpu.memref_slice %arg11[%select_n3A_321, %dma_wait3A_448, %dma_wait3A_449] : memref<6x128x32xi32, #tpu.memory_space<vmem>> -> memref<1x128x32xi32, #tpu.memory_space<vmem>>
      %dma_wait3A_451 = tpu.memref_squeeze %dma_wait3A_450 : memref<1x128x32xi32, #tpu.memory_space<vmem>> -> memref<128x32xi32, #tpu.memory_space<vmem>>
      %dma_wait3A_452 = arith.constant 0 : i32
      %dma_wait3A_453 = tpu.memref_slice %arg8[%select_n3A_374, %select_n3A_390, %dma_wait3A_452] : memref<2x16x128xi32, #tpu.memory_space<vmem>> -> memref<1x1x128xi32, #tpu.memory_space<vmem>>
      %dma_wait3A_454 = tpu.memref_squeeze %dma_wait3A_453 : memref<1x1x128xi32, #tpu.memory_space<vmem>> -> memref<128xi32, #tpu.memory_space<vmem>>
      %dma_wait3A_455 = arith.constant 0 : i32
      %dma_wait3A_456 = arith.constant 0 : i32
      %dma_wait3A_457 = tpu.memref_slice %arg2[%dma_wait3A_455, %dma_wait3A_456] : memref<10000x32xi32, #tpu.memory_space<hbm>> -> memref<10000x32xi32, #tpu.memory_space<hbm>>
      %dma_wait3A_458 = tpu.memref_slice %arg14[%select_n3A_321] : memref<6x!tpu.dma_semaphore, #tpu.memory_space<semaphore_mem>> -> memref<1x!tpu.dma_semaphore, #tpu.memory_space<semaphore_mem>>
      %dma_wait3A_459 = tpu.memref_squeeze %dma_wait3A_458 : memref<1x!tpu.dma_semaphore, #tpu.memory_space<semaphore_mem>> -> memref<!tpu.dma_semaphore, #tpu.memory_space<semaphore_mem>>
      tpu.wait_indirect_dma semaphore(%dma_wait3A_459 : memref<!tpu.dma_semaphore, #tpu.memory_space<semaphore_mem>>) src(%dma_wait3A_457 : memref<10000x32xi32, #tpu.memory_space<hbm>>) dst(%dma_wait3A_451 : memref<128x32xi32, #tpu.memory_space<vmem>>)
      %ge3A = arith.constant 4 : i32
      %ge3A_460 = arith.cmpi sge, %scan3A_311, %ge3A : i32
      %convert_element_type3A_461 = arith.extui %ge3A_460 : i1 to i32
      %cond3A_462 = arith.constant 0 : i32
      %cond3A_463 = arith.cmpi ne, %convert_element_type3A_461, %cond3A_462 : i32
      scf.if %cond3A_463 {
        %dma_wait3A_481 = arith.constant 0 : i32
        %dma_wait3A_482 = arith.constant 0 : i32
        %dma_wait3A_483 = arith.constant 0 : i32
        %dma_wait3A_484 = arith.constant 0 : i32
        %dma_wait3A_485 = tpu.memref_slice %arg12[%select_n3A_337, %dma_wait3A_483, %dma_wait3A_484] : memref<4x128x64xf32, #tpu.memory_space<vmem>> -> memref<1x128x64xf32, #tpu.memory_space<vmem>>
        %dma_wait3A_486 = tpu.memref_squeeze %dma_wait3A_485 : memref<1x128x64xf32, #tpu.memory_space<vmem>> -> memref<128x64xf32, #tpu.memory_space<vmem>>
        %dma_wait3A_487 = arith.constant 0 : i32
        %dma_wait3A_488 = tpu.memref_slice %arg9[%dma_wait3A_481, %dma_wait3A_482, %dma_wait3A_487] : memref<2x16x128xi32, #tpu.memory_space<vmem>> -> memref<1x1x128xi32, #tpu.memory_space<vmem>>
        %dma_wait3A_489 = tpu.memref_squeeze %dma_wait3A_488 : memref<1x1x128xi32, #tpu.memory_space<vmem>> -> memref<128xi32, #tpu.memory_space<vmem>>
        %dma_wait3A_490 = arith.constant 0 : i32
        %dma_wait3A_491 = arith.constant 0 : i32
        %dma_wait3A_492 = tpu.memref_slice %arg13[%dma_wait3A_490, %dma_wait3A_491] : memref<10000x64xf32, #tpu.memory_space<vmem_shared>> -> memref<10000x64xf32, #tpu.memory_space<vmem_shared>>
        %dma_wait3A_493 = tpu.memref_slice %arg15[%select_n3A_337] : memref<4x!tpu.dma_semaphore, #tpu.memory_space<semaphore_mem>> -> memref<1x!tpu.dma_semaphore, #tpu.memory_space<semaphore_mem>>
        %dma_wait3A_494 = tpu.memref_squeeze %dma_wait3A_493 : memref<1x!tpu.dma_semaphore, #tpu.memory_space<semaphore_mem>> -> memref<!tpu.dma_semaphore, #tpu.memory_space<semaphore_mem>>
        tpu.wait_indirect_dma semaphore(%dma_wait3A_494 : memref<!tpu.dma_semaphore, #tpu.memory_space<semaphore_mem>>) src(%dma_wait3A_486 : memref<128x64xf32, #tpu.memory_space<vmem>>) dst(%dma_wait3A_492 : memref<10000x64xf32, #tpu.memory_space<vmem_shared>>)
      } else {
      }
      %broadcast_in_dim3A = arith.constant 16 : i32
      %broadcast_in_dim3A_464 = vector.broadcast %broadcast_in_dim3A : i32 to vector<16xi32>
      %broadcast_in_dim3A_465 = arith.constant -65536 : i32
      %broadcast_in_dim3A_466 = vector.broadcast %broadcast_in_dim3A_465 : i32 to vector<16xi32>
      %parallel_loop3A = arith.constant 0 : i32
      %parallel_loop3A_467 = arith.constant 8 : i32
      %parallel_loop3A_468 = arith.constant 1 : i32
      scf.for %parallel_loop3A_481 = %parallel_loop3A to %parallel_loop3A_467 step %parallel_loop3A_468  : i32 {
        %parallel_loop3A_482 = arith.constant 16 : i32
        %parallel_loop3A_483 = arith.muli %parallel_loop3A_481, %parallel_loop3A_482 : i32
        %parallel_loop3A_484 = arith.index_cast %select_n3A_374 : i32 to index
        %parallel_loop3A_485 = arith.index_cast %select_n3A_390 : i32 to index
        %parallel_loop3A_486 = arith.index_cast %parallel_loop3A_483 : i32 to index
        %parallel_loop3A_487 = tpu.vector_load %arg10[%parallel_loop3A_484, %parallel_loop3A_485, %parallel_loop3A_486] {strides = array<i32>} : memref<2x16x128xf32, #tpu.memory_space<vmem>>, vector<16xf32>,
        %parallel_loop3A_488 = arith.constant 16 : i32
        %parallel_loop3A_489 = arith.muli %parallel_loop3A_481, %parallel_loop3A_488 : i32
        %parallel_loop3A_490 = vector.extract_strided_slice %parallel_loop3A_487 {offsets = [0], sizes = [1], strides = [1]} : vector<16xf32> to vector<1xf32>
        %parallel_loop3A_491 = vector.extract %parallel_loop3A_490[0] : f32 from vector<1xf32>
        %parallel_loop3A_492 = arith.constant 0 : i32
        %parallel_loop3A_493 = arith.addi %parallel_loop3A_489, %parallel_loop3A_492 : i32
        %parallel_loop3A_494 = arith.index_cast %select_n3A_321 : i32 to index
        %parallel_loop3A_495 = arith.index_cast %parallel_loop3A_493 : i32 to index
        %parallel_loop3A_496 = arith.constant 0 : index
        %parallel_loop3A_497 = tpu.vector_load %arg11[%parallel_loop3A_494, %parallel_loop3A_495, %parallel_loop3A_496] {strides = array<i32>} : memref<6x128x32xi32, #tpu.memory_space<vmem>>, vector<16xi32>,
        %parallel_loop3A_498 = arith.shli %parallel_loop3A_497, %broadcast_in_dim3A_464 : vector<16xi32>
        %parallel_loop3A_499 = vector.bitcast %parallel_loop3A_498 : vector<16xi32> to vector<16xf32>
        %parallel_loop3A_500 = arith.andi %parallel_loop3A_497, %broadcast_in_dim3A_466 : vector<16xi32>
        %parallel_loop3A_501 = vector.bitcast %parallel_loop3A_500 : vector<16xi32> to vector<16xf32>
        %parallel_loop3A_502 = vector.broadcast %parallel_loop3A_491 : f32 to vector<16xf32>
        %parallel_loop3A_503 = arith.mulf %parallel_loop3A_499, %parallel_loop3A_502 : vector<16xf32>
        %parallel_loop3A_504 = arith.constant 0 : i32
        %parallel_loop3A_505 = arith.addi %parallel_loop3A_489, %parallel_loop3A_504 : i32
        %parallel_loop3A_506 = arith.index_cast %select_n3A_337 : i32 to index
        %parallel_loop3A_507 = arith.index_cast %parallel_loop3A_505 : i32 to index
        %parallel_loop3A_508 = arith.constant 0 : index
        %parallel_loop3A_509 = tpu.vector_load %arg12[%parallel_loop3A_506, %parallel_loop3A_507, %parallel_loop3A_508] {strides = array<i32>} : memref<4x128x64xf32, #tpu.memory_space<vmem>>, vector<16xf32>,
        tpu.vector_store %arg12[%parallel_loop3A_506, %parallel_loop3A_507, %parallel_loop3A_508], %parallel_loop3A_503 {strides = array<i32>} : memref<4x128x64xf32, #tpu.memory_space<vmem>>, vector<16xf32>,
        %parallel_loop3A_510 = vector.broadcast %parallel_loop3A_491 : f32 to vector<16xf32>
        %parallel_loop3A_511 = arith.mulf %parallel_loop3A_501, %parallel_loop3A_510 : vector<16xf32>
        %parallel_loop3A_512 = arith.constant 0 : i32
        %parallel_loop3A_513 = arith.addi %parallel_loop3A_489, %parallel_loop3A_512 : i32
        %parallel_loop3A_514 = arith.index_cast %select_n3A_337 : i32 to index
        %parallel_loop3A_515 = arith.index_cast %parallel_loop3A_513 : i32 to index
        %parallel_loop3A_516 = arith.constant 16 : index
        %parallel_loop3A_517 = tpu.vector_load %arg12[%parallel_loop3A_514, %parallel_loop3A_515, %parallel_loop3A_516] {strides = array<i32>} : memref<4x128x64xf32, #tpu.memory_space<vmem>>, vector<16xf32>,
        tpu.vector_store %arg12[%parallel_loop3A_514, %parallel_loop3A_515, %parallel_loop3A_516], %parallel_loop3A_511 {strides = array<i32>} : memref<4x128x64xf32, #tpu.memory_space<vmem>>, vector<16xf32>,
        %parallel_loop3A_518 = arith.constant 0 : i32
        %parallel_loop3A_519 = arith.addi %parallel_loop3A_489, %parallel_loop3A_518 : i32
        %parallel_loop3A_520 = arith.index_cast %select_n3A_321 : i32 to index
        %parallel_loop3A_521 = arith.index_cast %parallel_loop3A_519 : i32 to index
        %parallel_loop3A_522 = arith.constant 16 : index
        %parallel_loop3A_523 = tpu.vector_load %arg11[%parallel_loop3A_520, %parallel_loop3A_521, %parallel_loop3A_522] {strides = array<i32>} : memref<6x128x32xi32, #tpu.memory_space<vmem>>, vector<16xi32>,
        %parallel_loop3A_524 = arith.shli %parallel_loop3A_523, %broadcast_in_dim3A_464 : vector<16xi32>
        %parallel_loop3A_525 = vector.bitcast %parallel_loop3A_524 : vector<16xi32> to vector<16xf32>
        %parallel_loop3A_526 = arith.andi %parallel_loop3A_523, %broadcast_in_dim3A_466 : vector<16xi32>
        %parallel_loop3A_527 = vector.bitcast %parallel_loop3A_526 : vector<16xi32> to vector<16xf32>
        %parallel_loop3A_528 = vector.broadcast %parallel_loop3A_491 : f32 to vector<16xf32>
        %parallel_loop3A_529 = arith.mulf %parallel_loop3A_525, %parallel_loop3A_528 : vector<16xf32>
        %parallel_loop3A_530 = arith.constant 0 : i32
        %parallel_loop3A_531 = arith.addi %parallel_loop3A_489, %parallel_loop3A_530 : i32
        %parallel_loop3A_532 = arith.index_cast %select_n3A_337 : i32 to index
        %parallel_loop3A_533 = arith.index_cast %parallel_loop3A_531 : i32 to index
        %parallel_loop3A_534 = arith.constant 32 : index
        %parallel_loop3A_535 = tpu.vector_load %arg12[%parallel_loop3A_532, %parallel_loop3A_533, %parallel_loop3A_534] {strides = array<i32>} : memref<4x128x64xf32, #tpu.memory_space<vmem>>, vector<16xf32>,
        tpu.vector_store %arg12[%parallel_loop3A_532, %parallel_loop3A_533, %parallel_loop3A_534], %parallel_loop3A_529 {strides = array<i32>} : memref<4x128x64xf32, #tpu.memory_space<vmem>>, vector<16xf32>,
        %parallel_loop3A_536 = vector.broadcast %parallel_loop3A_491 : f32 to vector<16xf32>
        %parallel_loop3A_537 = arith.mulf %parallel_loop3A_527, %parallel_loop3A_536 : vector<16xf32>
        %parallel_loop3A_538 = arith.constant 0 : i32
        %parallel_loop3A_539 = arith.addi %parallel_loop3A_489, %parallel_loop3A_538 : i32
        %parallel_loop3A_540 = arith.index_cast %select_n3A_337 : i32 to index
        %parallel_loop3A_541 = arith.index_cast %parallel_loop3A_539 : i32 to index
        %parallel_loop3A_542 = arith.constant 48 : index
        %parallel_loop3A_543 = tpu.vector_load %arg12[%parallel_loop3A_540, %parallel_loop3A_541, %parallel_loop3A_542] {strides = array<i32>} : memref<4x128x64xf32, #tpu.memory_space<vmem>>, vector<16xf32>,
        tpu.vector_store %arg12[%parallel_loop3A_540, %parallel_loop3A_541, %parallel_loop3A_542], %parallel_loop3A_537 {strides = array<i32>} : memref<4x128x64xf32, #tpu.memory_space<vmem>>, vector<16xf32>,
        %parallel_loop3A_544 = vector.extract_strided_slice %parallel_loop3A_487 {offsets = [1], sizes = [1], strides = [1]} : vector<16xf32> to vector<1xf32>
        %parallel_loop3A_545 = vector.extract %parallel_loop3A_544[0] : f32 from vector<1xf32>
        %parallel_loop3A_546 = arith.constant 1 : i32
        %parallel_loop3A_547 = arith.addi %parallel_loop3A_489, %parallel_loop3A_546 : i32
        %parallel_loop3A_548 = arith.index_cast %select_n3A_321 : i32 to index
        %parallel_loop3A_549 = arith.index_cast %parallel_loop3A_547 : i32 to index
        %parallel_loop3A_550 = arith.constant 0 : index
        %parallel_loop3A_551 = tpu.vector_load %arg11[%parallel_loop3A_548, %parallel_loop3A_549, %parallel_loop3A_550] {strides = array<i32>} : memref<6x128x32xi32, #tpu.memory_space<vmem>>, vector<16xi32>,
        %parallel_loop3A_552 = arith.shli %parallel_loop3A_551, %broadcast_in_dim3A_464 : vector<16xi32>
        %parallel_loop3A_553 = vector.bitcast %parallel_loop3A_552 : vector<16xi32> to vector<16xf32>
        %parallel_loop3A_554 = arith.andi %parallel_loop3A_551, %broadcast_in_dim3A_466 : vector<16xi32>
        %parallel_loop3A_555 = vector.bitcast %parallel_loop3A_554 : vector<16xi32> to vector<16xf32>
        %parallel_loop3A_556 = vector.broadcast %parallel_loop3A_545 : f32 to vector<16xf32>
        %parallel_loop3A_557 = arith.mulf %parallel_loop3A_553, %parallel_loop3A_556 : vector<16xf32>
        %parallel_loop3A_558 = arith.constant 1 : i32
        %parallel_loop3A_559 = arith.addi %parallel_loop3A_489, %parallel_loop3A_558 : i32
        %parallel_loop3A_560 = arith.index_cast %select_n3A_337 : i32 to index
        %parallel_loop3A_561 = arith.index_cast %parallel_loop3A_559 : i32 to index
        %parallel_loop3A_562 = arith.constant 0 : index
        %parallel_loop3A_563 = tpu.vector_load %arg12[%parallel_loop3A_560, %parallel_loop3A_561, %parallel_loop3A_562] {strides = array<i32>} : memref<4x128x64xf32, #tpu.memory_space<vmem>>, vector<16xf32>,
        tpu.vector_store %arg12[%parallel_loop3A_560, %parallel_loop3A_561, %parallel_loop3A_562], %parallel_loop3A_557 {strides = array<i32>} : memref<4x128x64xf32, #tpu.memory_space<vmem>>, vector<16xf32>,
        %parallel_loop3A_564 = vector.broadcast %parallel_loop3A_545 : f32 to vector<16xf32>
        %parallel_loop3A_565 = arith.mulf %parallel_loop3A_555, %parallel_loop3A_564 : vector<16xf32>
        %parallel_loop3A_566 = arith.constant 1 : i32
        %parallel_loop3A_567 = arith.addi %parallel_loop3A_489, %parallel_loop3A_566 : i32
        %parallel_loop3A_568 = arith.index_cast %select_n3A_337 : i32 to index
        %parallel_loop3A_569 = arith.index_cast %parallel_loop3A_567 : i32 to index
        %parallel_loop3A_570 = arith.constant 16 : index
        %parallel_loop3A_571 = tpu.vector_load %arg12[%parallel_loop3A_568, %parallel_loop3A_569, %parallel_loop3A_570] {strides = array<i32>} : memref<4x128x64xf32, #tpu.memory_space<vmem>>, vector<16xf32>,
        tpu.vector_store %arg12[%parallel_loop3A_568, %parallel_loop3A_569, %parallel_loop3A_570], %parallel_loop3A_565 {strides = array<i32>} : memref<4x128x64xf32, #tpu.memory_space<vmem>>, vector<16xf32>,
        %parallel_loop3A_572 = arith.constant 1 : i32
        %parallel_loop3A_573 = arith.addi %parallel_loop3A_489, %parallel_loop3A_572 : i32
        %parallel_loop3A_574 = arith.index_cast %select_n3A_321 : i32 to index
        %parallel_loop3A_575 = arith.index_cast %parallel_loop3A_573 : i32 to index
        %parallel_loop3A_576 = arith.constant 16 : index
        %parallel_loop3A_577 = tpu.vector_load %arg11[%parallel_loop3A_574, %parallel_loop3A_575, %parallel_loop3A_576] {strides = array<i32>} : memref<6x128x32xi32, #tpu.memory_space<vmem>>, vector<16xi32>,
        %parallel_loop3A_578 = arith.shli %parallel_loop3A_577, %broadcast_in_dim3A_464 : vector<16xi32>
        %parallel_loop3A_579 = vector.bitcast %parallel_loop3A_578 : vector<16xi32> to vector<16xf32>
        %parallel_loop3A_580 = arith.andi %parallel_loop3A_577, %broadcast_in_dim3A_466 : vector<16xi32>
        %parallel_loop3A_581 = vector.bitcast %parallel_loop3A_580 : vector<16xi32> to vector<16xf32>
        %parallel_loop3A_582 = vector.broadcast %parallel_loop3A_545 : f32 to vector<16xf32>
        %parallel_loop3A_583 = arith.mulf %parallel_loop3A_579, %parallel_loop3A_582 : vector<16xf32>
        %parallel_loop3A_584 = arith.constant 1 : i32
        %parallel_loop3A_585 = arith.addi %parallel_loop3A_489, %parallel_loop3A_584 : i32
        %parallel_loop3A_586 = arith.index_cast %select_n3A_337 : i32 to index
        %parallel_loop3A_587 = arith.index_cast %parallel_loop3A_585 : i32 to index
        %parallel_loop3A_588 = arith.constant 32 : index
        %parallel_loop3A_589 = tpu.vector_load %arg12[%parallel_loop3A_586, %parallel_loop3A_587, %parallel_loop3A_588] {strides = array<i32>} : memref<4x128x64xf32, #tpu.memory_space<vmem>>, vector<16xf32>,
        tpu.vector_store %arg12[%parallel_loop3A_586, %parallel_loop3A_587, %parallel_loop3A_588], %parallel_loop3A_583 {strides = array<i32>} : memref<4x128x64xf32, #tpu.memory_space<vmem>>, vector<16xf32>,
        %parallel_loop3A_590 = vector.broadcast %parallel_loop3A_545 : f32 to vector<16xf32>
        %parallel_loop3A_591 = arith.mulf %parallel_loop3A_581, %parallel_loop3A_590 : vector<16xf32>
        %parallel_loop3A_592 = arith.constant 1 : i32
        %parallel_loop3A_593 = arith.addi %parallel_loop3A_489, %parallel_loop3A_592 : i32
        %parallel_loop3A_594 = arith.index_cast %select_n3A_337 : i32 to index
        %parallel_loop3A_595 = arith.index_cast %parallel_loop3A_593 : i32 to index
        %parallel_loop3A_596 = arith.constant 48 : index
        %parallel_loop3A_597 = tpu.vector_load %arg12[%parallel_loop3A_594, %parallel_loop3A_595, %parallel_loop3A_596] {strides = array<i32>} : memref<4x128x64xf32, #tpu.memory_space<vmem>>, vector<16xf32>,
        tpu.vector_store %arg12[%parallel_loop3A_594, %parallel_loop3A_595, %parallel_loop3A_596], %parallel_loop3A_591 {strides = array<i32>} : memref<4x128x64xf32, #tpu.memory_space<vmem>>, vector<16xf32>,
        %parallel_loop3A_598 = vector.extract_strided_slice %parallel_loop3A_487 {offsets = [2], sizes = [1], strides = [1]} : vector<16xf32> to vector<1xf32>
        %parallel_loop3A_599 = vector.extract %parallel_loop3A_598[0] : f32 from vector<1xf32>
        %parallel_loop3A_600 = arith.constant 2 : i32
        %parallel_loop3A_601 = arith.addi %parallel_loop3A_489, %parallel_loop3A_600 : i32
        %parallel_loop3A_602 = arith.index_cast %select_n3A_321 : i32 to index
        %parallel_loop3A_603 = arith.index_cast %parallel_loop3A_601 : i32 to index
        %parallel_loop3A_604 = arith.constant 0 : index
        %parallel_loop3A_605 = tpu.vector_load %arg11[%parallel_loop3A_602, %parallel_loop3A_603, %parallel_loop3A_604] {strides = array<i32>} : memref<6x128x32xi32, #tpu.memory_space<vmem>>, vector<16xi32>,
        %parallel_loop3A_606 = arith.shli %parallel_loop3A_605, %broadcast_in_dim3A_464 : vector<16xi32>
        %parallel_loop3A_607 = vector.bitcast %parallel_loop3A_606 : vector<16xi32> to vector<16xf32>
        %parallel_loop3A_608 = arith.andi %parallel_loop3A_605, %broadcast_in_dim3A_466 : vector<16xi32>
        %parallel_loop3A_609 = vector.bitcast %parallel_loop3A_608 : vector<16xi32> to vector<16xf32>
        %parallel_loop3A_610 = vector.broadcast %parallel_loop3A_599 : f32 to vector<16xf32>
        %parallel_loop3A_611 = arith.mulf %parallel_loop3A_607, %parallel_loop3A_610 : vector<16xf32>
        %parallel_loop3A_612 = arith.constant 2 : i32
        %parallel_loop3A_613 = arith.addi %parallel_loop3A_489, %parallel_loop3A_612 : i32
        %parallel_loop3A_614 = arith.index_cast %select_n3A_337 : i32 to index
        %parallel_loop3A_615 = arith.index_cast %parallel_loop3A_613 : i32 to index
        %parallel_loop3A_616 = arith.constant 0 : index
        %parallel_loop3A_617 = tpu.vector_load %arg12[%parallel_loop3A_614, %parallel_loop3A_615, %parallel_loop3A_616] {strides = array<i32>} : memref<4x128x64xf32, #tpu.memory_space<vmem>>, vector<16xf32>,
        tpu.vector_store %arg12[%parallel_loop3A_614, %parallel_loop3A_615, %parallel_loop3A_616], %parallel_loop3A_611 {strides = array<i32>} : memref<4x128x64xf32, #tpu.memory_space<vmem>>, vector<16xf32>,
        %parallel_loop3A_618 = vector.broadcast %parallel_loop3A_599 : f32 to vector<16xf32>
        %parallel_loop3A_619 = arith.mulf %parallel_loop3A_609, %parallel_loop3A_618 : vector<16xf32>
        %parallel_loop3A_620 = arith.constant 2 : i32
        %parallel_loop3A_621 = arith.addi %parallel_loop3A_489, %parallel_loop3A_620 : i32
        %parallel_loop3A_622 = arith.index_cast %select_n3A_337 : i32 to index
        %parallel_loop3A_623 = arith.index_cast %parallel_loop3A_621 : i32 to index
        %parallel_loop3A_624 = arith.constant 16 : index
        %parallel_loop3A_625 = tpu.vector_load %arg12[%parallel_loop3A_622, %parallel_loop3A_623, %parallel_loop3A_624] {strides = array<i32>} : memref<4x128x64xf32, #tpu.memory_space<vmem>>, vector<16xf32>,
        tpu.vector_store %arg12[%parallel_loop3A_622, %parallel_loop3A_623, %parallel_loop3A_624], %parallel_loop3A_619 {strides = array<i32>} : memref<4x128x64xf32, #tpu.memory_space<vmem>>, vector<16xf32>,
        %parallel_loop3A_626 = arith.constant 2 : i32
        %parallel_loop3A_627 = arith.addi %parallel_loop3A_489, %parallel_loop3A_626 : i32
        %parallel_loop3A_628 = arith.index_cast %select_n3A_321 : i32 to index
        %parallel_loop3A_629 = arith.index_cast %parallel_loop3A_627 : i32 to index
        %parallel_loop3A_630 = arith.constant 16 : index
        %parallel_loop3A_631 = tpu.vector_load %arg11[%parallel_loop3A_628, %parallel_loop3A_629, %parallel_loop3A_630] {strides = array<i32>} : memref<6x128x32xi32, #tpu.memory_space<vmem>>, vector<16xi32>,
        %parallel_loop3A_632 = arith.shli %parallel_loop3A_631, %broadcast_in_dim3A_464 : vector<16xi32>
        %parallel_loop3A_633 = vector.bitcast %parallel_loop3A_632 : vector<16xi32> to vector<16xf32>
        %parallel_loop3A_634 = arith.andi %parallel_loop3A_631, %broadcast_in_dim3A_466 : vector<16xi32>
        %parallel_loop3A_635 = vector.bitcast %parallel_loop3A_634 : vector<16xi32> to vector<16xf32>
        %parallel_loop3A_636 = vector.broadcast %parallel_loop3A_599 : f32 to vector<16xf32>
        %parallel_loop3A_637 = arith.mulf %parallel_loop3A_633, %parallel_loop3A_636 : vector<16xf32>
        %parallel_loop3A_638 = arith.constant 2 : i32
        %parallel_loop3A_639 = arith.addi %parallel_loop3A_489, %parallel_loop3A_638 : i32
        %parallel_loop3A_640 = arith.index_cast %select_n3A_337 : i32 to index
        %parallel_loop3A_641 = arith.index_cast %parallel_loop3A_639 : i32 to index
        %parallel_loop3A_642 = arith.constant 32 : index
        %parallel_loop3A_643 = tpu.vector_load %arg12[%parallel_loop3A_640, %parallel_loop3A_641, %parallel_loop3A_642] {strides = array<i32>} : memref<4x128x64xf32, #tpu.memory_space<vmem>>, vector<16xf32>,
        tpu.vector_store %arg12[%parallel_loop3A_640, %parallel_loop3A_641, %parallel_loop3A_642], %parallel_loop3A_637 {strides = array<i32>} : memref<4x128x64xf32, #tpu.memory_space<vmem>>, vector<16xf32>,
        %parallel_loop3A_644 = vector.broadcast %parallel_loop3A_599 : f32 to vector<16xf32>
        %parallel_loop3A_645 = arith.mulf %parallel_loop3A_635, %parallel_loop3A_644 : vector<16xf32>
        %parallel_loop3A_646 = arith.constant 2 : i32
        %parallel_loop3A_647 = arith.addi %parallel_loop3A_489, %parallel_loop3A_646 : i32
        %parallel_loop3A_648 = arith.index_cast %select_n3A_337 : i32 to index
        %parallel_loop3A_649 = arith.index_cast %parallel_loop3A_647 : i32 to index
        %parallel_loop3A_650 = arith.constant 48 : index
        %parallel_loop3A_651 = tpu.vector_load %arg12[%parallel_loop3A_648, %parallel_loop3A_649, %parallel_loop3A_650] {strides = array<i32>} : memref<4x128x64xf32, #tpu.memory_space<vmem>>, vector<16xf32>,
        tpu.vector_store %arg12[%parallel_loop3A_648, %parallel_loop3A_649, %parallel_loop3A_650], %parallel_loop3A_645 {strides = array<i32>} : memref<4x128x64xf32, #tpu.memory_space<vmem>>, vector<16xf32>,
        %parallel_loop3A_652 = vector.extract_strided_slice %parallel_loop3A_487 {offsets = [3], sizes = [1], strides = [1]} : vector<16xf32> to vector<1xf32>
        %parallel_loop3A_653 = vector.extract %parallel_loop3A_652[0] : f32 from vector<1xf32>
        %parallel_loop3A_654 = arith.constant 3 : i32
        %parallel_loop3A_655 = arith.addi %parallel_loop3A_489, %parallel_loop3A_654 : i32
        %parallel_loop3A_656 = arith.index_cast %select_n3A_321 : i32 to index
        %parallel_loop3A_657 = arith.index_cast %parallel_loop3A_655 : i32 to index
        %parallel_loop3A_658 = arith.constant 0 : index
        %parallel_loop3A_659 = tpu.vector_load %arg11[%parallel_loop3A_656, %parallel_loop3A_657, %parallel_loop3A_658] {strides = array<i32>} : memref<6x128x32xi32, #tpu.memory_space<vmem>>, vector<16xi32>,
        %parallel_loop3A_660 = arith.shli %parallel_loop3A_659, %broadcast_in_dim3A_464 : vector<16xi32>
        %parallel_loop3A_661 = vector.bitcast %parallel_loop3A_660 : vector<16xi32> to vector<16xf32>
        %parallel_loop3A_662 = arith.andi %parallel_loop3A_659, %broadcast_in_dim3A_466 : vector<16xi32>
        %parallel_loop3A_663 = vector.bitcast %parallel_loop3A_662 : vector<16xi32> to vector<16xf32>
        %parallel_loop3A_664 = vector.broadcast %parallel_loop3A_653 : f32 to vector<16xf32>
        %parallel_loop3A_665 = arith.mulf %parallel_loop3A_661, %parallel_loop3A_664 : vector<16xf32>
        %parallel_loop3A_666 = arith.constant 3 : i32
        %parallel_loop3A_667 = arith.addi %parallel_loop3A_489, %parallel_loop3A_666 : i32
        %parallel_loop3A_668 = arith.index_cast %select_n3A_337 : i32 to index
        %parallel_loop3A_669 = arith.index_cast %parallel_loop3A_667 : i32 to index
        %parallel_loop3A_670 = arith.constant 0 : index
        %parallel_loop3A_671 = tpu.vector_load %arg12[%parallel_loop3A_668, %parallel_loop3A_669, %parallel_loop3A_670] {strides = array<i32>} : memref<4x128x64xf32, #tpu.memory_space<vmem>>, vector<16xf32>,
        tpu.vector_store %arg12[%parallel_loop3A_668, %parallel_loop3A_669, %parallel_loop3A_670], %parallel_loop3A_665 {strides = array<i32>} : memref<4x128x64xf32, #tpu.memory_space<vmem>>, vector<16xf32>,
        %parallel_loop3A_672 = vector.broadcast %parallel_loop3A_653 : f32 to vector<16xf32>
        %parallel_loop3A_673 = arith.mulf %parallel_loop3A_663, %parallel_loop3A_672 : vector<16xf32>
        %parallel_loop3A_674 = arith.constant 3 : i32
        %parallel_loop3A_675 = arith.addi %parallel_loop3A_489, %parallel_loop3A_674 : i32
        %parallel_loop3A_676 = arith.index_cast %select_n3A_337 : i32 to index
        %parallel_loop3A_677 = arith.index_cast %parallel_loop3A_675 : i32 to index
        %parallel_loop3A_678 = arith.constant 16 : index
        %parallel_loop3A_679 = tpu.vector_load %arg12[%parallel_loop3A_676, %parallel_loop3A_677, %parallel_loop3A_678] {strides = array<i32>} : memref<4x128x64xf32, #tpu.memory_space<vmem>>, vector<16xf32>,
        tpu.vector_store %arg12[%parallel_loop3A_676, %parallel_loop3A_677, %parallel_loop3A_678], %parallel_loop3A_673 {strides = array<i32>} : memref<4x128x64xf32, #tpu.memory_space<vmem>>, vector<16xf32>,
        %parallel_loop3A_680 = arith.constant 3 : i32
        %parallel_loop3A_681 = arith.addi %parallel_loop3A_489, %parallel_loop3A_680 : i32
        %parallel_loop3A_682 = arith.index_cast %select_n3A_321 : i32 to index
        %parallel_loop3A_683 = arith.index_cast %parallel_loop3A_681 : i32 to index
        %parallel_loop3A_684 = arith.constant 16 : index
        %parallel_loop3A_685 = tpu.vector_load %arg11[%parallel_loop3A_682, %parallel_loop3A_683, %parallel_loop3A_684] {strides = array<i32>} : memref<6x128x32xi32, #tpu.memory_space<vmem>>, vector<16xi32>,
        %parallel_loop3A_686 = arith.shli %parallel_loop3A_685, %broadcast_in_dim3A_464 : vector<16xi32>
        %parallel_loop3A_687 = vector.bitcast %parallel_loop3A_686 : vector<16xi32> to vector<16xf32>
        %parallel_loop3A_688 = arith.andi %parallel_loop3A_685, %broadcast_in_dim3A_466 : vector<16xi32>
        %parallel_loop3A_689 = vector.bitcast %parallel_loop3A_688 : vector<16xi32> to vector<16xf32>
        %parallel_loop3A_690 = vector.broadcast %parallel_loop3A_653 : f32 to vector<16xf32>
        %parallel_loop3A_691 = arith.mulf %parallel_loop3A_687, %parallel_loop3A_690 : vector<16xf32>
        %parallel_loop3A_692 = arith.constant 3 : i32
        %parallel_loop3A_693 = arith.addi %parallel_loop3A_489, %parallel_loop3A_692 : i32
        %parallel_loop3A_694 = arith.index_cast %select_n3A_337 : i32 to index
        %parallel_loop3A_695 = arith.index_cast %parallel_loop3A_693 : i32 to index
        %parallel_loop3A_696 = arith.constant 32 : index
        %parallel_loop3A_697 = tpu.vector_load %arg12[%parallel_loop3A_694, %parallel_loop3A_695, %parallel_loop3A_696] {strides = array<i32>} : memref<4x128x64xf32, #tpu.memory_space<vmem>>, vector<16xf32>,
        tpu.vector_store %arg12[%parallel_loop3A_694, %parallel_loop3A_695, %parallel_loop3A_696], %parallel_loop3A_691 {strides = array<i32>} : memref<4x128x64xf32, #tpu.memory_space<vmem>>, vector<16xf32>,
        %parallel_loop3A_698 = vector.broadcast %parallel_loop3A_653 : f32 to vector<16xf32>
        %parallel_loop3A_699 = arith.mulf %parallel_loop3A_689, %parallel_loop3A_698 : vector<16xf32>
        %parallel_loop3A_700 = arith.constant 3 : i32
        %parallel_loop3A_701 = arith.addi %parallel_loop3A_489, %parallel_loop3A_700 : i32
        %parallel_loop3A_702 = arith.index_cast %select_n3A_337 : i32 to index
        %parallel_loop3A_703 = arith.index_cast %parallel_loop3A_701 : i32 to index
        %parallel_loop3A_704 = arith.constant 48 : index
        %parallel_loop3A_705 = tpu.vector_load %arg12[%parallel_loop3A_702, %parallel_loop3A_703, %parallel_loop3A_704] {strides = array<i32>} : memref<4x128x64xf32, #tpu.memory_space<vmem>>, vector<16xf32>,
        tpu.vector_store %arg12[%parallel_loop3A_702, %parallel_loop3A_703, %parallel_loop3A_704], %parallel_loop3A_699 {strides = array<i32>} : memref<4x128x64xf32, #tpu.memory_space<vmem>>, vector<16xf32>,
        %parallel_loop3A_706 = vector.extract_strided_slice %parallel_loop3A_487 {offsets = [4], sizes = [1], strides = [1]} : vector<16xf32> to vector<1xf32>
        %parallel_loop3A_707 = vector.extract %parallel_loop3A_706[0] : f32 from vector<1xf32>
        %parallel_loop3A_708 = arith.constant 4 : i32
        %parallel_loop3A_709 = arith.addi %parallel_loop3A_489, %parallel_loop3A_708 : i32
        %parallel_loop3A_710 = arith.index_cast %select_n3A_321 : i32 to index
        %parallel_loop3A_711 = arith.index_cast %parallel_loop3A_709 : i32 to index
        %parallel_loop3A_712 = arith.constant 0 : index
        %parallel_loop3A_713 = tpu.vector_load %arg11[%parallel_loop3A_710, %parallel_loop3A_711, %parallel_loop3A_712] {strides = array<i32>} : memref<6x128x32xi32, #tpu.memory_space<vmem>>, vector<16xi32>,
        %parallel_loop3A_714 = arith.shli %parallel_loop3A_713, %broadcast_in_dim3A_464 : vector<16xi32>
        %parallel_loop3A_715 = vector.bitcast %parallel_loop3A_714 : vector<16xi32> to vector<16xf32>
        %parallel_loop3A_716 = arith.andi %parallel_loop3A_713, %broadcast_in_dim3A_466 : vector<16xi32>
        %parallel_loop3A_717 = vector.bitcast %parallel_loop3A_716 : vector<16xi32> to vector<16xf32>
        %parallel_loop3A_718 = vector.broadcast %parallel_loop3A_707 : f32 to vector<16xf32>
        %parallel_loop3A_719 = arith.mulf %parallel_loop3A_715, %parallel_loop3A_718 : vector<16xf32>
        %parallel_loop3A_720 = arith.constant 4 : i32
        %parallel_loop3A_721 = arith.addi %parallel_loop3A_489, %parallel_loop3A_720 : i32
        %parallel_loop3A_722 = arith.index_cast %select_n3A_337 : i32 to index
        %parallel_loop3A_723 = arith.index_cast %parallel_loop3A_721 : i32 to index
        %parallel_loop3A_724 = arith.constant 0 : index
        %parallel_loop3A_725 = tpu.vector_load %arg12[%parallel_loop3A_722, %parallel_loop3A_723, %parallel_loop3A_724] {strides = array<i32>} : memref<4x128x64xf32, #tpu.memory_space<vmem>>, vector<16xf32>,
        tpu.vector_store %arg12[%parallel_loop3A_722, %parallel_loop3A_723, %parallel_loop3A_724], %parallel_loop3A_719 {strides = array<i32>} : memref<4x128x64xf32, #tpu.memory_space<vmem>>, vector<16xf32>,
        %parallel_loop3A_726 = vector.broadcast %parallel_loop3A_707 : f32 to vector<16xf32>
        %parallel_loop3A_727 = arith.mulf %parallel_loop3A_717, %parallel_loop3A_726 : vector<16xf32>
        %parallel_loop3A_728 = arith.constant 4 : i32
        %parallel_loop3A_729 = arith.addi %parallel_loop3A_489, %parallel_loop3A_728 : i32
        %parallel_loop3A_730 = arith.index_cast %select_n3A_337 : i32 to index
        %parallel_loop3A_731 = arith.index_cast %parallel_loop3A_729 : i32 to index
        %parallel_loop3A_732 = arith.constant 16 : index
        %parallel_loop3A_733 = tpu.vector_load %arg12[%parallel_loop3A_730, %parallel_loop3A_731, %parallel_loop3A_732] {strides = array<i32>} : memref<4x128x64xf32, #tpu.memory_space<vmem>>, vector<16xf32>,
        tpu.vector_store %arg12[%parallel_loop3A_730, %parallel_loop3A_731, %parallel_loop3A_732], %parallel_loop3A_727 {strides = array<i32>} : memref<4x128x64xf32, #tpu.memory_space<vmem>>, vector<16xf32>,
        %parallel_loop3A_734 = arith.constant 4 : i32
        %parallel_loop3A_735 = arith.addi %parallel_loop3A_489, %parallel_loop3A_734 : i32
        %parallel_loop3A_736 = arith.index_cast %select_n3A_321 : i32 to index
        %parallel_loop3A_737 = arith.index_cast %parallel_loop3A_735 : i32 to index
        %parallel_loop3A_738 = arith.constant 16 : index
        %parallel_loop3A_739 = tpu.vector_load %arg11[%parallel_loop3A_736, %parallel_loop3A_737, %parallel_loop3A_738] {strides = array<i32>} : memref<6x128x32xi32, #tpu.memory_space<vmem>>, vector<16xi32>,
        %parallel_loop3A_740 = arith.shli %parallel_loop3A_739, %broadcast_in_dim3A_464 : vector<16xi32>
        %parallel_loop3A_741 = vector.bitcast %parallel_loop3A_740 : vector<16xi32> to vector<16xf32>
        %parallel_loop3A_742 = arith.andi %parallel_loop3A_739, %broadcast_in_dim3A_466 : vector<16xi32>
        %parallel_loop3A_743 = vector.bitcast %parallel_loop3A_742 : vector<16xi32> to vector<16xf32>
        %parallel_loop3A_744 = vector.broadcast %parallel_loop3A_707 : f32 to vector<16xf32>
        %parallel_loop3A_745 = arith.mulf %parallel_loop3A_741, %parallel_loop3A_744 : vector<16xf32>
        %parallel_loop3A_746 = arith.constant 4 : i32
        %parallel_loop3A_747 = arith.addi %parallel_loop3A_489, %parallel_loop3A_746 : i32
        %parallel_loop3A_748 = arith.index_cast %select_n3A_337 : i32 to index
        %parallel_loop3A_749 = arith.index_cast %parallel_loop3A_747 : i32 to index
        %parallel_loop3A_750 = arith.constant 32 : index
        %parallel_loop3A_751 = tpu.vector_load %arg12[%parallel_loop3A_748, %parallel_loop3A_749, %parallel_loop3A_750] {strides = array<i32>} : memref<4x128x64xf32, #tpu.memory_space<vmem>>, vector<16xf32>,
        tpu.vector_store %arg12[%parallel_loop3A_748, %parallel_loop3A_749, %parallel_loop3A_750], %parallel_loop3A_745 {strides = array<i32>} : memref<4x128x64xf32, #tpu.memory_space<vmem>>, vector<16xf32>,
        %parallel_loop3A_752 = vector.broadcast %parallel_loop3A_707 : f32 to vector<16xf32>
        %parallel_loop3A_753 = arith.mulf %parallel_loop3A_743, %parallel_loop3A_752 : vector<16xf32>
        %parallel_loop3A_754 = arith.constant 4 : i32
        %parallel_loop3A_755 = arith.addi %parallel_loop3A_489, %parallel_loop3A_754 : i32
        %parallel_loop3A_756 = arith.index_cast %select_n3A_337 : i32 to index
        %parallel_loop3A_757 = arith.index_cast %parallel_loop3A_755 : i32 to index
        %parallel_loop3A_758 = arith.constant 48 : index
        %parallel_loop3A_759 = tpu.vector_load %arg12[%parallel_loop3A_756, %parallel_loop3A_757, %parallel_loop3A_758] {strides = array<i32>} : memref<4x128x64xf32, #tpu.memory_space<vmem>>, vector<16xf32>,
        tpu.vector_store %arg12[%parallel_loop3A_756, %parallel_loop3A_757, %parallel_loop3A_758], %parallel_loop3A_753 {strides = array<i32>} : memref<4x128x64xf32, #tpu.memory_space<vmem>>, vector<16xf32>,
        %parallel_loop3A_760 = vector.extract_strided_slice %parallel_loop3A_487 {offsets = [5], sizes = [1], strides = [1]} : vector<16xf32> to vector<1xf32>
        %parallel_loop3A_761 = vector.extract %parallel_loop3A_760[0] : f32 from vector<1xf32>
        %parallel_loop3A_762 = arith.constant 5 : i32
        %parallel_loop3A_763 = arith.addi %parallel_loop3A_489, %parallel_loop3A_762 : i32
        %parallel_loop3A_764 = arith.index_cast %select_n3A_321 : i32 to index
        %parallel_loop3A_765 = arith.index_cast %parallel_loop3A_763 : i32 to index
        %parallel_loop3A_766 = arith.constant 0 : index
        %parallel_loop3A_767 = tpu.vector_load %arg11[%parallel_loop3A_764, %parallel_loop3A_765, %parallel_loop3A_766] {strides = array<i32>} : memref<6x128x32xi32, #tpu.memory_space<vmem>>, vector<16xi32>,
        %parallel_loop3A_768 = arith.shli %parallel_loop3A_767, %broadcast_in_dim3A_464 : vector<16xi32>
        %parallel_loop3A_769 = vector.bitcast %parallel_loop3A_768 : vector<16xi32> to vector<16xf32>
        %parallel_loop3A_770 = arith.andi %parallel_loop3A_767, %broadcast_in_dim3A_466 : vector<16xi32>
        %parallel_loop3A_771 = vector.bitcast %parallel_loop3A_770 : vector<16xi32> to vector<16xf32>
        %parallel_loop3A_772 = vector.broadcast %parallel_loop3A_761 : f32 to vector<16xf32>
        %parallel_loop3A_773 = arith.mulf %parallel_loop3A_769, %parallel_loop3A_772 : vector<16xf32>
        %parallel_loop3A_774 = arith.constant 5 : i32
        %parallel_loop3A_775 = arith.addi %parallel_loop3A_489, %parallel_loop3A_774 : i32
        %parallel_loop3A_776 = arith.index_cast %select_n3A_337 : i32 to index
        %parallel_loop3A_777 = arith.index_cast %parallel_loop3A_775 : i32 to index
        %parallel_loop3A_778 = arith.constant 0 : index
        %parallel_loop3A_779 = tpu.vector_load %arg12[%parallel_loop3A_776, %parallel_loop3A_777, %parallel_loop3A_778] {strides = array<i32>} : memref<4x128x64xf32, #tpu.memory_space<vmem>>, vector<16xf32>,
        tpu.vector_store %arg12[%parallel_loop3A_776, %parallel_loop3A_777, %parallel_loop3A_778], %parallel_loop3A_773 {strides = array<i32>} : memref<4x128x64xf32, #tpu.memory_space<vmem>>, vector<16xf32>,
        %parallel_loop3A_780 = vector.broadcast %parallel_loop3A_761 : f32 to vector<16xf32>
        %parallel_loop3A_781 = arith.mulf %parallel_loop3A_771, %parallel_loop3A_780 : vector<16xf32>
        %parallel_loop3A_782 = arith.constant 5 : i32
        %parallel_loop3A_783 = arith.addi %parallel_loop3A_489, %parallel_loop3A_782 : i32
        %parallel_loop3A_784 = arith.index_cast %select_n3A_337 : i32 to index
        %parallel_loop3A_785 = arith.index_cast %parallel_loop3A_783 : i32 to index
        %parallel_loop3A_786 = arith.constant 16 : index
        %parallel_loop3A_787 = tpu.vector_load %arg12[%parallel_loop3A_784, %parallel_loop3A_785, %parallel_loop3A_786] {strides = array<i32>} : memref<4x128x64xf32, #tpu.memory_space<vmem>>, vector<16xf32>,
        tpu.vector_store %arg12[%parallel_loop3A_784, %parallel_loop3A_785, %parallel_loop3A_786], %parallel_loop3A_781 {strides = array<i32>} : memref<4x128x64xf32, #tpu.memory_space<vmem>>, vector<16xf32>,
        %parallel_loop3A_788 = arith.constant 5 : i32
        %parallel_loop3A_789 = arith.addi %parallel_loop3A_489, %parallel_loop3A_788 : i32
        %parallel_loop3A_790 = arith.index_cast %select_n3A_321 : i32 to index
        %parallel_loop3A_791 = arith.index_cast %parallel_loop3A_789 : i32 to index
        %parallel_loop3A_792 = arith.constant 16 : index
        %parallel_loop3A_793 = tpu.vector_load %arg11[%parallel_loop3A_790, %parallel_loop3A_791, %parallel_loop3A_792] {strides = array<i32>} : memref<6x128x32xi32, #tpu.memory_space<vmem>>, vector<16xi32>,
        %parallel_loop3A_794 = arith.shli %parallel_loop3A_793, %broadcast_in_dim3A_464 : vector<16xi32>
        %parallel_loop3A_795 = vector.bitcast %parallel_loop3A_794 : vector<16xi32> to vector<16xf32>
        %parallel_loop3A_796 = arith.andi %parallel_loop3A_793, %broadcast_in_dim3A_466 : vector<16xi32>
        %parallel_loop3A_797 = vector.bitcast %parallel_loop3A_796 : vector<16xi32> to vector<16xf32>
        %parallel_loop3A_798 = vector.broadcast %parallel_loop3A_761 : f32 to vector<16xf32>
        %parallel_loop3A_799 = arith.mulf %parallel_loop3A_795, %parallel_loop3A_798 : vector<16xf32>
        %parallel_loop3A_800 = arith.constant 5 : i32
        %parallel_loop3A_801 = arith.addi %parallel_loop3A_489, %parallel_loop3A_800 : i32
        %parallel_loop3A_802 = arith.index_cast %select_n3A_337 : i32 to index
        %parallel_loop3A_803 = arith.index_cast %parallel_loop3A_801 : i32 to index
        %parallel_loop3A_804 = arith.constant 32 : index
        %parallel_loop3A_805 = tpu.vector_load %arg12[%parallel_loop3A_802, %parallel_loop3A_803, %parallel_loop3A_804] {strides = array<i32>} : memref<4x128x64xf32, #tpu.memory_space<vmem>>, vector<16xf32>,
        tpu.vector_store %arg12[%parallel_loop3A_802, %parallel_loop3A_803, %parallel_loop3A_804], %parallel_loop3A_799 {strides = array<i32>} : memref<4x128x64xf32, #tpu.memory_space<vmem>>, vector<16xf32>,
        %parallel_loop3A_806 = vector.broadcast %parallel_loop3A_761 : f32 to vector<16xf32>
        %parallel_loop3A_807 = arith.mulf %parallel_loop3A_797, %parallel_loop3A_806 : vector<16xf32>
        %parallel_loop3A_808 = arith.constant 5 : i32
        %parallel_loop3A_809 = arith.addi %parallel_loop3A_489, %parallel_loop3A_808 : i32
        %parallel_loop3A_810 = arith.index_cast %select_n3A_337 : i32 to index
        %parallel_loop3A_811 = arith.index_cast %parallel_loop3A_809 : i32 to index
        %parallel_loop3A_812 = arith.constant 48 : index
        %parallel_loop3A_813 = tpu.vector_load %arg12[%parallel_loop3A_810, %parallel_loop3A_811, %parallel_loop3A_812] {strides = array<i32>} : memref<4x128x64xf32, #tpu.memory_space<vmem>>, vector<16xf32>,
        tpu.vector_store %arg12[%parallel_loop3A_810, %parallel_loop3A_811, %parallel_loop3A_812], %parallel_loop3A_807 {strides = array<i32>} : memref<4x128x64xf32, #tpu.memory_space<vmem>>, vector<16xf32>,
        %parallel_loop3A_814 = vector.extract_strided_slice %parallel_loop3A_487 {offsets = [6], sizes = [1], strides = [1]} : vector<16xf32> to vector<1xf32>
        %parallel_loop3A_815 = vector.extract %parallel_loop3A_814[0] : f32 from vector<1xf32>
        %parallel_loop3A_816 = arith.constant 6 : i32
        %parallel_loop3A_817 = arith.addi %parallel_loop3A_489, %parallel_loop3A_816 : i32
        %parallel_loop3A_818 = arith.index_cast %select_n3A_321 : i32 to index
        %parallel_loop3A_819 = arith.index_cast %parallel_loop3A_817 : i32 to index
        %parallel_loop3A_820 = arith.constant 0 : index
        %parallel_loop3A_821 = tpu.vector_load %arg11[%parallel_loop3A_818, %parallel_loop3A_819, %parallel_loop3A_820] {strides = array<i32>} : memref<6x128x32xi32, #tpu.memory_space<vmem>>, vector<16xi32>,
        %parallel_loop3A_822 = arith.shli %parallel_loop3A_821, %broadcast_in_dim3A_464 : vector<16xi32>
        %parallel_loop3A_823 = vector.bitcast %parallel_loop3A_822 : vector<16xi32> to vector<16xf32>
        %parallel_loop3A_824 = arith.andi %parallel_loop3A_821, %broadcast_in_dim3A_466 : vector<16xi32>
        %parallel_loop3A_825 = vector.bitcast %parallel_loop3A_824 : vector<16xi32> to vector<16xf32>
        %parallel_loop3A_826 = vector.broadcast %parallel_loop3A_815 : f32 to vector<16xf32>
        %parallel_loop3A_827 = arith.mulf %parallel_loop3A_823, %parallel_loop3A_826 : vector<16xf32>
        %parallel_loop3A_828 = arith.constant 6 : i32
        %parallel_loop3A_829 = arith.addi %parallel_loop3A_489, %parallel_loop3A_828 : i32
        %parallel_loop3A_830 = arith.index_cast %select_n3A_337 : i32 to index
        %parallel_loop3A_831 = arith.index_cast %parallel_loop3A_829 : i32 to index
        %parallel_loop3A_832 = arith.constant 0 : index
        %parallel_loop3A_833 = tpu.vector_load %arg12[%parallel_loop3A_830, %parallel_loop3A_831, %parallel_loop3A_832] {strides = array<i32>} : memref<4x128x64xf32, #tpu.memory_space<vmem>>, vector<16xf32>,
        tpu.vector_store %arg12[%parallel_loop3A_830, %parallel_loop3A_831, %parallel_loop3A_832], %parallel_loop3A_827 {strides = array<i32>} : memref<4x128x64xf32, #tpu.memory_space<vmem>>, vector<16xf32>,
        %parallel_loop3A_834 = vector.broadcast %parallel_loop3A_815 : f32 to vector<16xf32>
        %parallel_loop3A_835 = arith.mulf %parallel_loop3A_825, %parallel_loop3A_834 : vector<16xf32>
        %parallel_loop3A_836 = arith.constant 6 : i32
        %parallel_loop3A_837 = arith.addi %parallel_loop3A_489, %parallel_loop3A_836 : i32
        %parallel_loop3A_838 = arith.index_cast %select_n3A_337 : i32 to index
        %parallel_loop3A_839 = arith.index_cast %parallel_loop3A_837 : i32 to index
        %parallel_loop3A_840 = arith.constant 16 : index
        %parallel_loop3A_841 = tpu.vector_load %arg12[%parallel_loop3A_838, %parallel_loop3A_839, %parallel_loop3A_840] {strides = array<i32>} : memref<4x128x64xf32, #tpu.memory_space<vmem>>, vector<16xf32>,
        tpu.vector_store %arg12[%parallel_loop3A_838, %parallel_loop3A_839, %parallel_loop3A_840], %parallel_loop3A_835 {strides = array<i32>} : memref<4x128x64xf32, #tpu.memory_space<vmem>>, vector<16xf32>,
        %parallel_loop3A_842 = arith.constant 6 : i32
        %parallel_loop3A_843 = arith.addi %parallel_loop3A_489, %parallel_loop3A_842 : i32
        %parallel_loop3A_844 = arith.index_cast %select_n3A_321 : i32 to index
        %parallel_loop3A_845 = arith.index_cast %parallel_loop3A_843 : i32 to index
        %parallel_loop3A_846 = arith.constant 16 : index
        %parallel_loop3A_847 = tpu.vector_load %arg11[%parallel_loop3A_844, %parallel_loop3A_845, %parallel_loop3A_846] {strides = array<i32>} : memref<6x128x32xi32, #tpu.memory_space<vmem>>, vector<16xi32>,
        %parallel_loop3A_848 = arith.shli %parallel_loop3A_847, %broadcast_in_dim3A_464 : vector<16xi32>
        %parallel_loop3A_849 = vector.bitcast %parallel_loop3A_848 : vector<16xi32> to vector<16xf32>
        %parallel_loop3A_850 = arith.andi %parallel_loop3A_847, %broadcast_in_dim3A_466 : vector<16xi32>
        %parallel_loop3A_851 = vector.bitcast %parallel_loop3A_850 : vector<16xi32> to vector<16xf32>
        %parallel_loop3A_852 = vector.broadcast %parallel_loop3A_815 : f32 to vector<16xf32>
        %parallel_loop3A_853 = arith.mulf %parallel_loop3A_849, %parallel_loop3A_852 : vector<16xf32>
        %parallel_loop3A_854 = arith.constant 6 : i32
        %parallel_loop3A_855 = arith.addi %parallel_loop3A_489, %parallel_loop3A_854 : i32
        %parallel_loop3A_856 = arith.index_cast %select_n3A_337 : i32 to index
        %parallel_loop3A_857 = arith.index_cast %parallel_loop3A_855 : i32 to index
        %parallel_loop3A_858 = arith.constant 32 : index
        %parallel_loop3A_859 = tpu.vector_load %arg12[%parallel_loop3A_856, %parallel_loop3A_857, %parallel_loop3A_858] {strides = array<i32>} : memref<4x128x64xf32, #tpu.memory_space<vmem>>, vector<16xf32>,
        tpu.vector_store %arg12[%parallel_loop3A_856, %parallel_loop3A_857, %parallel_loop3A_858], %parallel_loop3A_853 {strides = array<i32>} : memref<4x128x64xf32, #tpu.memory_space<vmem>>, vector<16xf32>,
        %parallel_loop3A_860 = vector.broadcast %parallel_loop3A_815 : f32 to vector<16xf32>
        %parallel_loop3A_861 = arith.mulf %parallel_loop3A_851, %parallel_loop3A_860 : vector<16xf32>
        %parallel_loop3A_862 = arith.constant 6 : i32
        %parallel_loop3A_863 = arith.addi %parallel_loop3A_489, %parallel_loop3A_862 : i32
        %parallel_loop3A_864 = arith.index_cast %select_n3A_337 : i32 to index
        %parallel_loop3A_865 = arith.index_cast %parallel_loop3A_863 : i32 to index
        %parallel_loop3A_866 = arith.constant 48 : index
        %parallel_loop3A_867 = tpu.vector_load %arg12[%parallel_loop3A_864, %parallel_loop3A_865, %parallel_loop3A_866] {strides = array<i32>} : memref<4x128x64xf32, #tpu.memory_space<vmem>>, vector<16xf32>,
        tpu.vector_store %arg12[%parallel_loop3A_864, %parallel_loop3A_865, %parallel_loop3A_866], %parallel_loop3A_861 {strides = array<i32>} : memref<4x128x64xf32, #tpu.memory_space<vmem>>, vector<16xf32>,
        %parallel_loop3A_868 = vector.extract_strided_slice %parallel_loop3A_487 {offsets = [7], sizes = [1], strides = [1]} : vector<16xf32> to vector<1xf32>
        %parallel_loop3A_869 = vector.extract %parallel_loop3A_868[0] : f32 from vector<1xf32>
        %parallel_loop3A_870 = arith.constant 7 : i32
        %parallel_loop3A_871 = arith.addi %parallel_loop3A_489, %parallel_loop3A_870 : i32
        %parallel_loop3A_872 = arith.index_cast %select_n3A_321 : i32 to index
        %parallel_loop3A_873 = arith.index_cast %parallel_loop3A_871 : i32 to index
        %parallel_loop3A_874 = arith.constant 0 : index
        %parallel_loop3A_875 = tpu.vector_load %arg11[%parallel_loop3A_872, %parallel_loop3A_873, %parallel_loop3A_874] {strides = array<i32>} : memref<6x128x32xi32, #tpu.memory_space<vmem>>, vector<16xi32>,
        %parallel_loop3A_876 = arith.shli %parallel_loop3A_875, %broadcast_in_dim3A_464 : vector<16xi32>
        %parallel_loop3A_877 = vector.bitcast %parallel_loop3A_876 : vector<16xi32> to vector<16xf32>
        %parallel_loop3A_878 = arith.andi %parallel_loop3A_875, %broadcast_in_dim3A_466 : vector<16xi32>
        %parallel_loop3A_879 = vector.bitcast %parallel_loop3A_878 : vector<16xi32> to vector<16xf32>
        %parallel_loop3A_880 = vector.broadcast %parallel_loop3A_869 : f32 to vector<16xf32>
        %parallel_loop3A_881 = arith.mulf %parallel_loop3A_877, %parallel_loop3A_880 : vector<16xf32>
        %parallel_loop3A_882 = arith.constant 7 : i32
        %parallel_loop3A_883 = arith.addi %parallel_loop3A_489, %parallel_loop3A_882 : i32
        %parallel_loop3A_884 = arith.index_cast %select_n3A_337 : i32 to index
        %parallel_loop3A_885 = arith.index_cast %parallel_loop3A_883 : i32 to index
        %parallel_loop3A_886 = arith.constant 0 : index
        %parallel_loop3A_887 = tpu.vector_load %arg12[%parallel_loop3A_884, %parallel_loop3A_885, %parallel_loop3A_886] {strides = array<i32>} : memref<4x128x64xf32, #tpu.memory_space<vmem>>, vector<16xf32>,
        tpu.vector_store %arg12[%parallel_loop3A_884, %parallel_loop3A_885, %parallel_loop3A_886], %parallel_loop3A_881 {strides = array<i32>} : memref<4x128x64xf32, #tpu.memory_space<vmem>>, vector<16xf32>,
        %parallel_loop3A_888 = vector.broadcast %parallel_loop3A_869 : f32 to vector<16xf32>
        %parallel_loop3A_889 = arith.mulf %parallel_loop3A_879, %parallel_loop3A_888 : vector<16xf32>
        %parallel_loop3A_890 = arith.constant 7 : i32
        %parallel_loop3A_891 = arith.addi %parallel_loop3A_489, %parallel_loop3A_890 : i32
        %parallel_loop3A_892 = arith.index_cast %select_n3A_337 : i32 to index
        %parallel_loop3A_893 = arith.index_cast %parallel_loop3A_891 : i32 to index
        %parallel_loop3A_894 = arith.constant 16 : index
        %parallel_loop3A_895 = tpu.vector_load %arg12[%parallel_loop3A_892, %parallel_loop3A_893, %parallel_loop3A_894] {strides = array<i32>} : memref<4x128x64xf32, #tpu.memory_space<vmem>>, vector<16xf32>,
        tpu.vector_store %arg12[%parallel_loop3A_892, %parallel_loop3A_893, %parallel_loop3A_894], %parallel_loop3A_889 {strides = array<i32>} : memref<4x128x64xf32, #tpu.memory_space<vmem>>, vector<16xf32>,
        %parallel_loop3A_896 = arith.constant 7 : i32
        %parallel_loop3A_897 = arith.addi %parallel_loop3A_489, %parallel_loop3A_896 : i32
        %parallel_loop3A_898 = arith.index_cast %select_n3A_321 : i32 to index
        %parallel_loop3A_899 = arith.index_cast %parallel_loop3A_897 : i32 to index
        %parallel_loop3A_900 = arith.constant 16 : index
        %parallel_loop3A_901 = tpu.vector_load %arg11[%parallel_loop3A_898, %parallel_loop3A_899, %parallel_loop3A_900] {strides = array<i32>} : memref<6x128x32xi32, #tpu.memory_space<vmem>>, vector<16xi32>,
        %parallel_loop3A_902 = arith.shli %parallel_loop3A_901, %broadcast_in_dim3A_464 : vector<16xi32>
        %parallel_loop3A_903 = vector.bitcast %parallel_loop3A_902 : vector<16xi32> to vector<16xf32>
        %parallel_loop3A_904 = arith.andi %parallel_loop3A_901, %broadcast_in_dim3A_466 : vector<16xi32>
        %parallel_loop3A_905 = vector.bitcast %parallel_loop3A_904 : vector<16xi32> to vector<16xf32>
        %parallel_loop3A_906 = vector.broadcast %parallel_loop3A_869 : f32 to vector<16xf32>
        %parallel_loop3A_907 = arith.mulf %parallel_loop3A_903, %parallel_loop3A_906 : vector<16xf32>
        %parallel_loop3A_908 = arith.constant 7 : i32
        %parallel_loop3A_909 = arith.addi %parallel_loop3A_489, %parallel_loop3A_908 : i32
        %parallel_loop3A_910 = arith.index_cast %select_n3A_337 : i32 to index
        %parallel_loop3A_911 = arith.index_cast %parallel_loop3A_909 : i32 to index
        %parallel_loop3A_912 = arith.constant 32 : index
        %parallel_loop3A_913 = tpu.vector_load %arg12[%parallel_loop3A_910, %parallel_loop3A_911, %parallel_loop3A_912] {strides = array<i32>} : memref<4x128x64xf32, #tpu.memory_space<vmem>>, vector<16xf32>,
        tpu.vector_store %arg12[%parallel_loop3A_910, %parallel_loop3A_911, %parallel_loop3A_912], %parallel_loop3A_907 {strides = array<i32>} : memref<4x128x64xf32, #tpu.memory_space<vmem>>, vector<16xf32>,
        %parallel_loop3A_914 = vector.broadcast %parallel_loop3A_869 : f32 to vector<16xf32>
        %parallel_loop3A_915 = arith.mulf %parallel_loop3A_905, %parallel_loop3A_914 : vector<16xf32>
        %parallel_loop3A_916 = arith.constant 7 : i32
        %parallel_loop3A_917 = arith.addi %parallel_loop3A_489, %parallel_loop3A_916 : i32
        %parallel_loop3A_918 = arith.index_cast %select_n3A_337 : i32 to index
        %parallel_loop3A_919 = arith.index_cast %parallel_loop3A_917 : i32 to index
        %parallel_loop3A_920 = arith.constant 48 : index
        %parallel_loop3A_921 = tpu.vector_load %arg12[%parallel_loop3A_918, %parallel_loop3A_919, %parallel_loop3A_920] {strides = array<i32>} : memref<4x128x64xf32, #tpu.memory_space<vmem>>, vector<16xf32>,
        tpu.vector_store %arg12[%parallel_loop3A_918, %parallel_loop3A_919, %parallel_loop3A_920], %parallel_loop3A_915 {strides = array<i32>} : memref<4x128x64xf32, #tpu.memory_space<vmem>>, vector<16xf32>,
        %parallel_loop3A_922 = vector.extract_strided_slice %parallel_loop3A_487 {offsets = [8], sizes = [1], strides = [1]} : vector<16xf32> to vector<1xf32>
        %parallel_loop3A_923 = vector.extract %parallel_loop3A_922[0] : f32 from vector<1xf32>
        %parallel_loop3A_924 = arith.constant 8 : i32
        %parallel_loop3A_925 = arith.addi %parallel_loop3A_489, %parallel_loop3A_924 : i32
        %parallel_loop3A_926 = arith.index_cast %select_n3A_321 : i32 to index
        %parallel_loop3A_927 = arith.index_cast %parallel_loop3A_925 : i32 to index
        %parallel_loop3A_928 = arith.constant 0 : index
        %parallel_loop3A_929 = tpu.vector_load %arg11[%parallel_loop3A_926, %parallel_loop3A_927, %parallel_loop3A_928] {strides = array<i32>} : memref<6x128x32xi32, #tpu.memory_space<vmem>>, vector<16xi32>,
        %parallel_loop3A_930 = arith.shli %parallel_loop3A_929, %broadcast_in_dim3A_464 : vector<16xi32>
        %parallel_loop3A_931 = vector.bitcast %parallel_loop3A_930 : vector<16xi32> to vector<16xf32>
        %parallel_loop3A_932 = arith.andi %parallel_loop3A_929, %broadcast_in_dim3A_466 : vector<16xi32>
        %parallel_loop3A_933 = vector.bitcast %parallel_loop3A_932 : vector<16xi32> to vector<16xf32>
        %parallel_loop3A_934 = vector.broadcast %parallel_loop3A_923 : f32 to vector<16xf32>
        %parallel_loop3A_935 = arith.mulf %parallel_loop3A_931, %parallel_loop3A_934 : vector<16xf32>
        %parallel_loop3A_936 = arith.constant 8 : i32
        %parallel_loop3A_937 = arith.addi %parallel_loop3A_489, %parallel_loop3A_936 : i32
        %parallel_loop3A_938 = arith.index_cast %select_n3A_337 : i32 to index
        %parallel_loop3A_939 = arith.index_cast %parallel_loop3A_937 : i32 to index
        %parallel_loop3A_940 = arith.constant 0 : index
        %parallel_loop3A_941 = tpu.vector_load %arg12[%parallel_loop3A_938, %parallel_loop3A_939, %parallel_loop3A_940] {strides = array<i32>} : memref<4x128x64xf32, #tpu.memory_space<vmem>>, vector<16xf32>,
        tpu.vector_store %arg12[%parallel_loop3A_938, %parallel_loop3A_939, %parallel_loop3A_940], %parallel_loop3A_935 {strides = array<i32>} : memref<4x128x64xf32, #tpu.memory_space<vmem>>, vector<16xf32>,
        %parallel_loop3A_942 = vector.broadcast %parallel_loop3A_923 : f32 to vector<16xf32>
        %parallel_loop3A_943 = arith.mulf %parallel_loop3A_933, %parallel_loop3A_942 : vector<16xf32>
        %parallel_loop3A_944 = arith.constant 8 : i32
        %parallel_loop3A_945 = arith.addi %parallel_loop3A_489, %parallel_loop3A_944 : i32
        %parallel_loop3A_946 = arith.index_cast %select_n3A_337 : i32 to index
        %parallel_loop3A_947 = arith.index_cast %parallel_loop3A_945 : i32 to index
        %parallel_loop3A_948 = arith.constant 16 : index
        %parallel_loop3A_949 = tpu.vector_load %arg12[%parallel_loop3A_946, %parallel_loop3A_947, %parallel_loop3A_948] {strides = array<i32>} : memref<4x128x64xf32, #tpu.memory_space<vmem>>, vector<16xf32>,
        tpu.vector_store %arg12[%parallel_loop3A_946, %parallel_loop3A_947, %parallel_loop3A_948], %parallel_loop3A_943 {strides = array<i32>} : memref<4x128x64xf32, #tpu.memory_space<vmem>>, vector<16xf32>,
        %parallel_loop3A_950 = arith.constant 8 : i32
        %parallel_loop3A_951 = arith.addi %parallel_loop3A_489, %parallel_loop3A_950 : i32
        %parallel_loop3A_952 = arith.index_cast %select_n3A_321 : i32 to index
        %parallel_loop3A_953 = arith.index_cast %parallel_loop3A_951 : i32 to index
        %parallel_loop3A_954 = arith.constant 16 : index
        %parallel_loop3A_955 = tpu.vector_load %arg11[%parallel_loop3A_952, %parallel_loop3A_953, %parallel_loop3A_954] {strides = array<i32>} : memref<6x128x32xi32, #tpu.memory_space<vmem>>, vector<16xi32>,
        %parallel_loop3A_956 = arith.shli %parallel_loop3A_955, %broadcast_in_dim3A_464 : vector<16xi32>
        %parallel_loop3A_957 = vector.bitcast %parallel_loop3A_956 : vector<16xi32> to vector<16xf32>
        %parallel_loop3A_958 = arith.andi %parallel_loop3A_955, %broadcast_in_dim3A_466 : vector<16xi32>
        %parallel_loop3A_959 = vector.bitcast %parallel_loop3A_958 : vector<16xi32> to vector<16xf32>
        %parallel_loop3A_960 = vector.broadcast %parallel_loop3A_923 : f32 to vector<16xf32>
        %parallel_loop3A_961 = arith.mulf %parallel_loop3A_957, %parallel_loop3A_960 : vector<16xf32>
        %parallel_loop3A_962 = arith.constant 8 : i32
        %parallel_loop3A_963 = arith.addi %parallel_loop3A_489, %parallel_loop3A_962 : i32
        %parallel_loop3A_964 = arith.index_cast %select_n3A_337 : i32 to index
        %parallel_loop3A_965 = arith.index_cast %parallel_loop3A_963 : i32 to index
        %parallel_loop3A_966 = arith.constant 32 : index
        %parallel_loop3A_967 = tpu.vector_load %arg12[%parallel_loop3A_964, %parallel_loop3A_965, %parallel_loop3A_966] {strides = array<i32>} : memref<4x128x64xf32, #tpu.memory_space<vmem>>, vector<16xf32>,
        tpu.vector_store %arg12[%parallel_loop3A_964, %parallel_loop3A_965, %parallel_loop3A_966], %parallel_loop3A_961 {strides = array<i32>} : memref<4x128x64xf32, #tpu.memory_space<vmem>>, vector<16xf32>,
        %parallel_loop3A_968 = vector.broadcast %parallel_loop3A_923 : f32 to vector<16xf32>
        %parallel_loop3A_969 = arith.mulf %parallel_loop3A_959, %parallel_loop3A_968 : vector<16xf32>
        %parallel_loop3A_970 = arith.constant 8 : i32
        %parallel_loop3A_971 = arith.addi %parallel_loop3A_489, %parallel_loop3A_970 : i32
        %parallel_loop3A_972 = arith.index_cast %select_n3A_337 : i32 to index
        %parallel_loop3A_973 = arith.index_cast %parallel_loop3A_971 : i32 to index
        %parallel_loop3A_974 = arith.constant 48 : index
        %parallel_loop3A_975 = tpu.vector_load %arg12[%parallel_loop3A_972, %parallel_loop3A_973, %parallel_loop3A_974] {strides = array<i32>} : memref<4x128x64xf32, #tpu.memory_space<vmem>>, vector<16xf32>,
        tpu.vector_store %arg12[%parallel_loop3A_972, %parallel_loop3A_973, %parallel_loop3A_974], %parallel_loop3A_969 {strides = array<i32>} : memref<4x128x64xf32, #tpu.memory_space<vmem>>, vector<16xf32>,
        %parallel_loop3A_976 = vector.extract_strided_slice %parallel_loop3A_487 {offsets = [9], sizes = [1], strides = [1]} : vector<16xf32> to vector<1xf32>
        %parallel_loop3A_977 = vector.extract %parallel_loop3A_976[0] : f32 from vector<1xf32>
        %parallel_loop3A_978 = arith.constant 9 : i32
        %parallel_loop3A_979 = arith.addi %parallel_loop3A_489, %parallel_loop3A_978 : i32
        %parallel_loop3A_980 = arith.index_cast %select_n3A_321 : i32 to index
        %parallel_loop3A_981 = arith.index_cast %parallel_loop3A_979 : i32 to index
        %parallel_loop3A_982 = arith.constant 0 : index
        %parallel_loop3A_983 = tpu.vector_load %arg11[%parallel_loop3A_980, %parallel_loop3A_981, %parallel_loop3A_982] {strides = array<i32>} : memref<6x128x32xi32, #tpu.memory_space<vmem>>, vector<16xi32>,
        %parallel_loop3A_984 = arith.shli %parallel_loop3A_983, %broadcast_in_dim3A_464 : vector<16xi32>
        %parallel_loop3A_985 = vector.bitcast %parallel_loop3A_984 : vector<16xi32> to vector<16xf32>
        %parallel_loop3A_986 = arith.andi %parallel_loop3A_983, %broadcast_in_dim3A_466 : vector<16xi32>
        %parallel_loop3A_987 = vector.bitcast %parallel_loop3A_986 : vector<16xi32> to vector<16xf32>
        %parallel_loop3A_988 = vector.broadcast %parallel_loop3A_977 : f32 to vector<16xf32>
        %parallel_loop3A_989 = arith.mulf %parallel_loop3A_985, %parallel_loop3A_988 : vector<16xf32>
        %parallel_loop3A_990 = arith.constant 9 : i32
        %parallel_loop3A_991 = arith.addi %parallel_loop3A_489, %parallel_loop3A_990 : i32
        %parallel_loop3A_992 = arith.index_cast %select_n3A_337 : i32 to index
        %parallel_loop3A_993 = arith.index_cast %parallel_loop3A_991 : i32 to index
        %parallel_loop3A_994 = arith.constant 0 : index
        %parallel_loop3A_995 = tpu.vector_load %arg12[%parallel_loop3A_992, %parallel_loop3A_993, %parallel_loop3A_994] {strides = array<i32>} : memref<4x128x64xf32, #tpu.memory_space<vmem>>, vector<16xf32>,
        tpu.vector_store %arg12[%parallel_loop3A_992, %parallel_loop3A_993, %parallel_loop3A_994], %parallel_loop3A_989 {strides = array<i32>} : memref<4x128x64xf32, #tpu.memory_space<vmem>>, vector<16xf32>,
        %parallel_loop3A_996 = vector.broadcast %parallel_loop3A_977 : f32 to vector<16xf32>
        %parallel_loop3A_997 = arith.mulf %parallel_loop3A_987, %parallel_loop3A_996 : vector<16xf32>
        %parallel_loop3A_998 = arith.constant 9 : i32
        %parallel_loop3A_999 = arith.addi %parallel_loop3A_489, %parallel_loop3A_998 : i32
        %parallel_loop3A_1000 = arith.index_cast %select_n3A_337 : i32 to index
        %parallel_loop3A_1001 = arith.index_cast %parallel_loop3A_999 : i32 to index
        %parallel_loop3A_1002 = arith.constant 16 : index
        %parallel_loop3A_1003 = tpu.vector_load %arg12[%parallel_loop3A_1000, %parallel_loop3A_1001, %parallel_loop3A_1002] {strides = array<i32>} : memref<4x128x64xf32, #tpu.memory_space<vmem>>, vector<16xf32>,
        tpu.vector_store %arg12[%parallel_loop3A_1000, %parallel_loop3A_1001, %parallel_loop3A_1002], %parallel_loop3A_997 {strides = array<i32>} : memref<4x128x64xf32, #tpu.memory_space<vmem>>, vector<16xf32>,
        %parallel_loop3A_1004 = arith.constant 9 : i32
        %parallel_loop3A_1005 = arith.addi %parallel_loop3A_489, %parallel_loop3A_1004 : i32
        %parallel_loop3A_1006 = arith.index_cast %select_n3A_321 : i32 to index
        %parallel_loop3A_1007 = arith.index_cast %parallel_loop3A_1005 : i32 to index
        %parallel_loop3A_1008 = arith.constant 16 : index
        %parallel_loop3A_1009 = tpu.vector_load %arg11[%parallel_loop3A_1006, %parallel_loop3A_1007, %parallel_loop3A_1008] {strides = array<i32>} : memref<6x128x32xi32, #tpu.memory_space<vmem>>, vector<16xi32>,
        %parallel_loop3A_1010 = arith.shli %parallel_loop3A_1009, %broadcast_in_dim3A_464 : vector<16xi32>
        %parallel_loop3A_1011 = vector.bitcast %parallel_loop3A_1010 : vector<16xi32> to vector<16xf32>
        %parallel_loop3A_1012 = arith.andi %parallel_loop3A_1009, %broadcast_in_dim3A_466 : vector<16xi32>
        %parallel_loop3A_1013 = vector.bitcast %parallel_loop3A_1012 : vector<16xi32> to vector<16xf32>
        %parallel_loop3A_1014 = vector.broadcast %parallel_loop3A_977 : f32 to vector<16xf32>
        %parallel_loop3A_1015 = arith.mulf %parallel_loop3A_1011, %parallel_loop3A_1014 : vector<16xf32>
        %parallel_loop3A_1016 = arith.constant 9 : i32
        %parallel_loop3A_1017 = arith.addi %parallel_loop3A_489, %parallel_loop3A_1016 : i32
        %parallel_loop3A_1018 = arith.index_cast %select_n3A_337 : i32 to index
        %parallel_loop3A_1019 = arith.index_cast %parallel_loop3A_1017 : i32 to index
        %parallel_loop3A_1020 = arith.constant 32 : index
        %parallel_loop3A_1021 = tpu.vector_load %arg12[%parallel_loop3A_1018, %parallel_loop3A_1019, %parallel_loop3A_1020] {strides = array<i32>} : memref<4x128x64xf32, #tpu.memory_space<vmem>>, vector<16xf32>,
        tpu.vector_store %arg12[%parallel_loop3A_1018, %parallel_loop3A_1019, %parallel_loop3A_1020], %parallel_loop3A_1015 {strides = array<i32>} : memref<4x128x64xf32, #tpu.memory_space<vmem>>, vector<16xf32>,
        %parallel_loop3A_1022 = vector.broadcast %parallel_loop3A_977 : f32 to vector<16xf32>
        %parallel_loop3A_1023 = arith.mulf %parallel_loop3A_1013, %parallel_loop3A_1022 : vector<16xf32>
        %parallel_loop3A_1024 = arith.constant 9 : i32
        %parallel_loop3A_1025 = arith.addi %parallel_loop3A_489, %parallel_loop3A_1024 : i32
        %parallel_loop3A_1026 = arith.index_cast %select_n3A_337 : i32 to index
        %parallel_loop3A_1027 = arith.index_cast %parallel_loop3A_1025 : i32 to index
        %parallel_loop3A_1028 = arith.constant 48 : index
        %parallel_loop3A_1029 = tpu.vector_load %arg12[%parallel_loop3A_1026, %parallel_loop3A_1027, %parallel_loop3A_1028] {strides = array<i32>} : memref<4x128x64xf32, #tpu.memory_space<vmem>>, vector<16xf32>,
        tpu.vector_store %arg12[%parallel_loop3A_1026, %parallel_loop3A_1027, %parallel_loop3A_1028], %parallel_loop3A_1023 {strides = array<i32>} : memref<4x128x64xf32, #tpu.memory_space<vmem>>, vector<16xf32>,
        %parallel_loop3A_1030 = vector.extract_strided_slice %parallel_loop3A_487 {offsets = [10], sizes = [1], strides = [1]} : vector<16xf32> to vector<1xf32>
        %parallel_loop3A_1031 = vector.extract %parallel_loop3A_1030[0] : f32 from vector<1xf32>
        %parallel_loop3A_1032 = arith.constant 10 : i32
        %parallel_loop3A_1033 = arith.addi %parallel_loop3A_489, %parallel_loop3A_1032 : i32
        %parallel_loop3A_1034 = arith.index_cast %select_n3A_321 : i32 to index
        %parallel_loop3A_1035 = arith.index_cast %parallel_loop3A_1033 : i32 to index
        %parallel_loop3A_1036 = arith.constant 0 : index
        %parallel_loop3A_1037 = tpu.vector_load %arg11[%parallel_loop3A_1034, %parallel_loop3A_1035, %parallel_loop3A_1036] {strides = array<i32>} : memref<6x128x32xi32, #tpu.memory_space<vmem>>, vector<16xi32>,
        %parallel_loop3A_1038 = arith.shli %parallel_loop3A_1037, %broadcast_in_dim3A_464 : vector<16xi32>
        %parallel_loop3A_1039 = vector.bitcast %parallel_loop3A_1038 : vector<16xi32> to vector<16xf32>
        %parallel_loop3A_1040 = arith.andi %parallel_loop3A_1037, %broadcast_in_dim3A_466 : vector<16xi32>
        %parallel_loop3A_1041 = vector.bitcast %parallel_loop3A_1040 : vector<16xi32> to vector<16xf32>
        %parallel_loop3A_1042 = vector.broadcast %parallel_loop3A_1031 : f32 to vector<16xf32>
        %parallel_loop3A_1043 = arith.mulf %parallel_loop3A_1039, %parallel_loop3A_1042 : vector<16xf32>
        %parallel_loop3A_1044 = arith.constant 10 : i32
        %parallel_loop3A_1045 = arith.addi %parallel_loop3A_489, %parallel_loop3A_1044 : i32
        %parallel_loop3A_1046 = arith.index_cast %select_n3A_337 : i32 to index
        %parallel_loop3A_1047 = arith.index_cast %parallel_loop3A_1045 : i32 to index
        %parallel_loop3A_1048 = arith.constant 0 : index
        %parallel_loop3A_1049 = tpu.vector_load %arg12[%parallel_loop3A_1046, %parallel_loop3A_1047, %parallel_loop3A_1048] {strides = array<i32>} : memref<4x128x64xf32, #tpu.memory_space<vmem>>, vector<16xf32>,
        tpu.vector_store %arg12[%parallel_loop3A_1046, %parallel_loop3A_1047, %parallel_loop3A_1048], %parallel_loop3A_1043 {strides = array<i32>} : memref<4x128x64xf32, #tpu.memory_space<vmem>>, vector<16xf32>,
        %parallel_loop3A_1050 = vector.broadcast %parallel_loop3A_1031 : f32 to vector<16xf32>
        %parallel_loop3A_1051 = arith.mulf %parallel_loop3A_1041, %parallel_loop3A_1050 : vector<16xf32>
        %parallel_loop3A_1052 = arith.constant 10 : i32
        %parallel_loop3A_1053 = arith.addi %parallel_loop3A_489, %parallel_loop3A_1052 : i32
        %parallel_loop3A_1054 = arith.index_cast %select_n3A_337 : i32 to index
        %parallel_loop3A_1055 = arith.index_cast %parallel_loop3A_1053 : i32 to index
        %parallel_loop3A_1056 = arith.constant 16 : index
        %parallel_loop3A_1057 = tpu.vector_load %arg12[%parallel_loop3A_1054, %parallel_loop3A_1055, %parallel_loop3A_1056] {strides = array<i32>} : memref<4x128x64xf32, #tpu.memory_space<vmem>>, vector<16xf32>,
        tpu.vector_store %arg12[%parallel_loop3A_1054, %parallel_loop3A_1055, %parallel_loop3A_1056], %parallel_loop3A_1051 {strides = array<i32>} : memref<4x128x64xf32, #tpu.memory_space<vmem>>, vector<16xf32>,
        %parallel_loop3A_1058 = arith.constant 10 : i32
        %parallel_loop3A_1059 = arith.addi %parallel_loop3A_489, %parallel_loop3A_1058 : i32
        %parallel_loop3A_1060 = arith.index_cast %select_n3A_321 : i32 to index
        %parallel_loop3A_1061 = arith.index_cast %parallel_loop3A_1059 : i32 to index
        %parallel_loop3A_1062 = arith.constant 16 : index
        %parallel_loop3A_1063 = tpu.vector_load %arg11[%parallel_loop3A_1060, %parallel_loop3A_1061, %parallel_loop3A_1062] {strides = array<i32>} : memref<6x128x32xi32, #tpu.memory_space<vmem>>, vector<16xi32>,
        %parallel_loop3A_1064 = arith.shli %parallel_loop3A_1063, %broadcast_in_dim3A_464 : vector<16xi32>
        %parallel_loop3A_1065 = vector.bitcast %parallel_loop3A_1064 : vector<16xi32> to vector<16xf32>
        %parallel_loop3A_1066 = arith.andi %parallel_loop3A_1063, %broadcast_in_dim3A_466 : vector<16xi32>
        %parallel_loop3A_1067 = vector.bitcast %parallel_loop3A_1066 : vector<16xi32> to vector<16xf32>
        %parallel_loop3A_1068 = vector.broadcast %parallel_loop3A_1031 : f32 to vector<16xf32>
        %parallel_loop3A_1069 = arith.mulf %parallel_loop3A_1065, %parallel_loop3A_1068 : vector<16xf32>
        %parallel_loop3A_1070 = arith.constant 10 : i32
        %parallel_loop3A_1071 = arith.addi %parallel_loop3A_489, %parallel_loop3A_1070 : i32
        %parallel_loop3A_1072 = arith.index_cast %select_n3A_337 : i32 to index
        %parallel_loop3A_1073 = arith.index_cast %parallel_loop3A_1071 : i32 to index
        %parallel_loop3A_1074 = arith.constant 32 : index
        %parallel_loop3A_1075 = tpu.vector_load %arg12[%parallel_loop3A_1072, %parallel_loop3A_1073, %parallel_loop3A_1074] {strides = array<i32>} : memref<4x128x64xf32, #tpu.memory_space<vmem>>, vector<16xf32>,
        tpu.vector_store %arg12[%parallel_loop3A_1072, %parallel_loop3A_1073, %parallel_loop3A_1074], %parallel_loop3A_1069 {strides = array<i32>} : memref<4x128x64xf32, #tpu.memory_space<vmem>>, vector<16xf32>,
        %parallel_loop3A_1076 = vector.broadcast %parallel_loop3A_1031 : f32 to vector<16xf32>
        %parallel_loop3A_1077 = arith.mulf %parallel_loop3A_1067, %parallel_loop3A_1076 : vector<16xf32>
        %parallel_loop3A_1078 = arith.constant 10 : i32
        %parallel_loop3A_1079 = arith.addi %parallel_loop3A_489, %parallel_loop3A_1078 : i32
        %parallel_loop3A_1080 = arith.index_cast %select_n3A_337 : i32 to index
        %parallel_loop3A_1081 = arith.index_cast %parallel_loop3A_1079 : i32 to index
        %parallel_loop3A_1082 = arith.constant 48 : index
        %parallel_loop3A_1083 = tpu.vector_load %arg12[%parallel_loop3A_1080, %parallel_loop3A_1081, %parallel_loop3A_1082] {strides = array<i32>} : memref<4x128x64xf32, #tpu.memory_space<vmem>>, vector<16xf32>,
        tpu.vector_store %arg12[%parallel_loop3A_1080, %parallel_loop3A_1081, %parallel_loop3A_1082], %parallel_loop3A_1077 {strides = array<i32>} : memref<4x128x64xf32, #tpu.memory_space<vmem>>, vector<16xf32>,
        %parallel_loop3A_1084 = vector.extract_strided_slice %parallel_loop3A_487 {offsets = [11], sizes = [1], strides = [1]} : vector<16xf32> to vector<1xf32>
        %parallel_loop3A_1085 = vector.extract %parallel_loop3A_1084[0] : f32 from vector<1xf32>
        %parallel_loop3A_1086 = arith.constant 11 : i32
        %parallel_loop3A_1087 = arith.addi %parallel_loop3A_489, %parallel_loop3A_1086 : i32
        %parallel_loop3A_1088 = arith.index_cast %select_n3A_321 : i32 to index
        %parallel_loop3A_1089 = arith.index_cast %parallel_loop3A_1087 : i32 to index
        %parallel_loop3A_1090 = arith.constant 0 : index
        %parallel_loop3A_1091 = tpu.vector_load %arg11[%parallel_loop3A_1088, %parallel_loop3A_1089, %parallel_loop3A_1090] {strides = array<i32>} : memref<6x128x32xi32, #tpu.memory_space<vmem>>, vector<16xi32>,
        %parallel_loop3A_1092 = arith.shli %parallel_loop3A_1091, %broadcast_in_dim3A_464 : vector<16xi32>
        %parallel_loop3A_1093 = vector.bitcast %parallel_loop3A_1092 : vector<16xi32> to vector<16xf32>
        %parallel_loop3A_1094 = arith.andi %parallel_loop3A_1091, %broadcast_in_dim3A_466 : vector<16xi32>
        %parallel_loop3A_1095 = vector.bitcast %parallel_loop3A_1094 : vector<16xi32> to vector<16xf32>
        %parallel_loop3A_1096 = vector.broadcast %parallel_loop3A_1085 : f32 to vector<16xf32>
        %parallel_loop3A_1097 = arith.mulf %parallel_loop3A_1093, %parallel_loop3A_1096 : vector<16xf32>
        %parallel_loop3A_1098 = arith.constant 11 : i32
        %parallel_loop3A_1099 = arith.addi %parallel_loop3A_489, %parallel_loop3A_1098 : i32
        %parallel_loop3A_1100 = arith.index_cast %select_n3A_337 : i32 to index
        %parallel_loop3A_1101 = arith.index_cast %parallel_loop3A_1099 : i32 to index
        %parallel_loop3A_1102 = arith.constant 0 : index
        %parallel_loop3A_1103 = tpu.vector_load %arg12[%parallel_loop3A_1100, %parallel_loop3A_1101, %parallel_loop3A_1102] {strides = array<i32>} : memref<4x128x64xf32, #tpu.memory_space<vmem>>, vector<16xf32>,
        tpu.vector_store %arg12[%parallel_loop3A_1100, %parallel_loop3A_1101, %parallel_loop3A_1102], %parallel_loop3A_1097 {strides = array<i32>} : memref<4x128x64xf32, #tpu.memory_space<vmem>>, vector<16xf32>,
        %parallel_loop3A_1104 = vector.broadcast %parallel_loop3A_1085 : f32 to vector<16xf32>
        %parallel_loop3A_1105 = arith.mulf %parallel_loop3A_1095, %parallel_loop3A_1104 : vector<16xf32>
        %parallel_loop3A_1106 = arith.constant 11 : i32
        %parallel_loop3A_1107 = arith.addi %parallel_loop3A_489, %parallel_loop3A_1106 : i32
        %parallel_loop3A_1108 = arith.index_cast %select_n3A_337 : i32 to index
        %parallel_loop3A_1109 = arith.index_cast %parallel_loop3A_1107 : i32 to index
        %parallel_loop3A_1110 = arith.constant 16 : index
        %parallel_loop3A_1111 = tpu.vector_load %arg12[%parallel_loop3A_1108, %parallel_loop3A_1109, %parallel_loop3A_1110] {strides = array<i32>} : memref<4x128x64xf32, #tpu.memory_space<vmem>>, vector<16xf32>,
        tpu.vector_store %arg12[%parallel_loop3A_1108, %parallel_loop3A_1109, %parallel_loop3A_1110], %parallel_loop3A_1105 {strides = array<i32>} : memref<4x128x64xf32, #tpu.memory_space<vmem>>, vector<16xf32>,
        %parallel_loop3A_1112 = arith.constant 11 : i32
        %parallel_loop3A_1113 = arith.addi %parallel_loop3A_489, %parallel_loop3A_1112 : i32
        %parallel_loop3A_1114 = arith.index_cast %select_n3A_321 : i32 to index
        %parallel_loop3A_1115 = arith.index_cast %parallel_loop3A_1113 : i32 to index
        %parallel_loop3A_1116 = arith.constant 16 : index
        %parallel_loop3A_1117 = tpu.vector_load %arg11[%parallel_loop3A_1114, %parallel_loop3A_1115, %parallel_loop3A_1116] {strides = array<i32>} : memref<6x128x32xi32, #tpu.memory_space<vmem>>, vector<16xi32>,
        %parallel_loop3A_1118 = arith.shli %parallel_loop3A_1117, %broadcast_in_dim3A_464 : vector<16xi32>
        %parallel_loop3A_1119 = vector.bitcast %parallel_loop3A_1118 : vector<16xi32> to vector<16xf32>
        %parallel_loop3A_1120 = arith.andi %parallel_loop3A_1117, %broadcast_in_dim3A_466 : vector<16xi32>
        %parallel_loop3A_1121 = vector.bitcast %parallel_loop3A_1120 : vector<16xi32> to vector<16xf32>
        %parallel_loop3A_1122 = vector.broadcast %parallel_loop3A_1085 : f32 to vector<16xf32>
        %parallel_loop3A_1123 = arith.mulf %parallel_loop3A_1119, %parallel_loop3A_1122 : vector<16xf32>
        %parallel_loop3A_1124 = arith.constant 11 : i32
        %parallel_loop3A_1125 = arith.addi %parallel_loop3A_489, %parallel_loop3A_1124 : i32
        %parallel_loop3A_1126 = arith.index_cast %select_n3A_337 : i32 to index
        %parallel_loop3A_1127 = arith.index_cast %parallel_loop3A_1125 : i32 to index
        %parallel_loop3A_1128 = arith.constant 32 : index
        %parallel_loop3A_1129 = tpu.vector_load %arg12[%parallel_loop3A_1126, %parallel_loop3A_1127, %parallel_loop3A_1128] {strides = array<i32>} : memref<4x128x64xf32, #tpu.memory_space<vmem>>, vector<16xf32>,
        tpu.vector_store %arg12[%parallel_loop3A_1126, %parallel_loop3A_1127, %parallel_loop3A_1128], %parallel_loop3A_1123 {strides = array<i32>} : memref<4x128x64xf32, #tpu.memory_space<vmem>>, vector<16xf32>,
        %parallel_loop3A_1130 = vector.broadcast %parallel_loop3A_1085 : f32 to vector<16xf32>
        %parallel_loop3A_1131 = arith.mulf %parallel_loop3A_1121, %parallel_loop3A_1130 : vector<16xf32>
        %parallel_loop3A_1132 = arith.constant 11 : i32
        %parallel_loop3A_1133 = arith.addi %parallel_loop3A_489, %parallel_loop3A_1132 : i32
        %parallel_loop3A_1134 = arith.index_cast %select_n3A_337 : i32 to index
        %parallel_loop3A_1135 = arith.index_cast %parallel_loop3A_1133 : i32 to index
        %parallel_loop3A_1136 = arith.constant 48 : index
        %parallel_loop3A_1137 = tpu.vector_load %arg12[%parallel_loop3A_1134, %parallel_loop3A_1135, %parallel_loop3A_1136] {strides = array<i32>} : memref<4x128x64xf32, #tpu.memory_space<vmem>>, vector<16xf32>,
        tpu.vector_store %arg12[%parallel_loop3A_1134, %parallel_loop3A_1135, %parallel_loop3A_1136], %parallel_loop3A_1131 {strides = array<i32>} : memref<4x128x64xf32, #tpu.memory_space<vmem>>, vector<16xf32>,
        %parallel_loop3A_1138 = vector.extract_strided_slice %parallel_loop3A_487 {offsets = [12], sizes = [1], strides = [1]} : vector<16xf32> to vector<1xf32>
        %parallel_loop3A_1139 = vector.extract %parallel_loop3A_1138[0] : f32 from vector<1xf32>
        %parallel_loop3A_1140 = arith.constant 12 : i32
        %parallel_loop3A_1141 = arith.addi %parallel_loop3A_489, %parallel_loop3A_1140 : i32
        %parallel_loop3A_1142 = arith.index_cast %select_n3A_321 : i32 to index
        %parallel_loop3A_1143 = arith.index_cast %parallel_loop3A_1141 : i32 to index
        %parallel_loop3A_1144 = arith.constant 0 : index
        %parallel_loop3A_1145 = tpu.vector_load %arg11[%parallel_loop3A_1142, %parallel_loop3A_1143, %parallel_loop3A_1144] {strides = array<i32>} : memref<6x128x32xi32, #tpu.memory_space<vmem>>, vector<16xi32>,
        %parallel_loop3A_1146 = arith.shli %parallel_loop3A_1145, %broadcast_in_dim3A_464 : vector<16xi32>
        %parallel_loop3A_1147 = vector.bitcast %parallel_loop3A_1146 : vector<16xi32> to vector<16xf32>
        %parallel_loop3A_1148 = arith.andi %parallel_loop3A_1145, %broadcast_in_dim3A_466 : vector<16xi32>
        %parallel_loop3A_1149 = vector.bitcast %parallel_loop3A_1148 : vector<16xi32> to vector<16xf32>
        %parallel_loop3A_1150 = vector.broadcast %parallel_loop3A_1139 : f32 to vector<16xf32>
        %parallel_loop3A_1151 = arith.mulf %parallel_loop3A_1147, %parallel_loop3A_1150 : vector<16xf32>
        %parallel_loop3A_1152 = arith.constant 12 : i32
        %parallel_loop3A_1153 = arith.addi %parallel_loop3A_489, %parallel_loop3A_1152 : i32
        %parallel_loop3A_1154 = arith.index_cast %select_n3A_337 : i32 to index
        %parallel_loop3A_1155 = arith.index_cast %parallel_loop3A_1153 : i32 to index
        %parallel_loop3A_1156 = arith.constant 0 : index
        %parallel_loop3A_1157 = tpu.vector_load %arg12[%parallel_loop3A_1154, %parallel_loop3A_1155, %parallel_loop3A_1156] {strides = array<i32>} : memref<4x128x64xf32, #tpu.memory_space<vmem>>, vector<16xf32>,
        tpu.vector_store %arg12[%parallel_loop3A_1154, %parallel_loop3A_1155, %parallel_loop3A_1156], %parallel_loop3A_1151 {strides = array<i32>} : memref<4x128x64xf32, #tpu.memory_space<vmem>>, vector<16xf32>,
        %parallel_loop3A_1158 = vector.broadcast %parallel_loop3A_1139 : f32 to vector<16xf32>
        %parallel_loop3A_1159 = arith.mulf %parallel_loop3A_1149, %parallel_loop3A_1158 : vector<16xf32>
        %parallel_loop3A_1160 = arith.constant 12 : i32
        %parallel_loop3A_1161 = arith.addi %parallel_loop3A_489, %parallel_loop3A_1160 : i32
        %parallel_loop3A_1162 = arith.index_cast %select_n3A_337 : i32 to index
        %parallel_loop3A_1163 = arith.index_cast %parallel_loop3A_1161 : i32 to index
        %parallel_loop3A_1164 = arith.constant 16 : index
        %parallel_loop3A_1165 = tpu.vector_load %arg12[%parallel_loop3A_1162, %parallel_loop3A_1163, %parallel_loop3A_1164] {strides = array<i32>} : memref<4x128x64xf32, #tpu.memory_space<vmem>>, vector<16xf32>,
        tpu.vector_store %arg12[%parallel_loop3A_1162, %parallel_loop3A_1163, %parallel_loop3A_1164], %parallel_loop3A_1159 {strides = array<i32>} : memref<4x128x64xf32, #tpu.memory_space<vmem>>, vector<16xf32>,
        %parallel_loop3A_1166 = arith.constant 12 : i32
        %parallel_loop3A_1167 = arith.addi %parallel_loop3A_489, %parallel_loop3A_1166 : i32
        %parallel_loop3A_1168 = arith.index_cast %select_n3A_321 : i32 to index
        %parallel_loop3A_1169 = arith.index_cast %parallel_loop3A_1167 : i32 to index
        %parallel_loop3A_1170 = arith.constant 16 : index
        %parallel_loop3A_1171 = tpu.vector_load %arg11[%parallel_loop3A_1168, %parallel_loop3A_1169, %parallel_loop3A_1170] {strides = array<i32>} : memref<6x128x32xi32, #tpu.memory_space<vmem>>, vector<16xi32>,
        %parallel_loop3A_1172 = arith.shli %parallel_loop3A_1171, %broadcast_in_dim3A_464 : vector<16xi32>
        %parallel_loop3A_1173 = vector.bitcast %parallel_loop3A_1172 : vector<16xi32> to vector<16xf32>
        %parallel_loop3A_1174 = arith.andi %parallel_loop3A_1171, %broadcast_in_dim3A_466 : vector<16xi32>
        %parallel_loop3A_1175 = vector.bitcast %parallel_loop3A_1174 : vector<16xi32> to vector<16xf32>
        %parallel_loop3A_1176 = vector.broadcast %parallel_loop3A_1139 : f32 to vector<16xf32>
        %parallel_loop3A_1177 = arith.mulf %parallel_loop3A_1173, %parallel_loop3A_1176 : vector<16xf32>
        %parallel_loop3A_1178 = arith.constant 12 : i32
        %parallel_loop3A_1179 = arith.addi %parallel_loop3A_489, %parallel_loop3A_1178 : i32
        %parallel_loop3A_1180 = arith.index_cast %select_n3A_337 : i32 to index
        %parallel_loop3A_1181 = arith.index_cast %parallel_loop3A_1179 : i32 to index
        %parallel_loop3A_1182 = arith.constant 32 : index
        %parallel_loop3A_1183 = tpu.vector_load %arg12[%parallel_loop3A_1180, %parallel_loop3A_1181, %parallel_loop3A_1182] {strides = array<i32>} : memref<4x128x64xf32, #tpu.memory_space<vmem>>, vector<16xf32>,
        tpu.vector_store %arg12[%parallel_loop3A_1180, %parallel_loop3A_1181, %parallel_loop3A_1182], %parallel_loop3A_1177 {strides = array<i32>} : memref<4x128x64xf32, #tpu.memory_space<vmem>>, vector<16xf32>,
        %parallel_loop3A_1184 = vector.broadcast %parallel_loop3A_1139 : f32 to vector<16xf32>
        %parallel_loop3A_1185 = arith.mulf %parallel_loop3A_1175, %parallel_loop3A_1184 : vector<16xf32>
        %parallel_loop3A_1186 = arith.constant 12 : i32
        %parallel_loop3A_1187 = arith.addi %parallel_loop3A_489, %parallel_loop3A_1186 : i32
        %parallel_loop3A_1188 = arith.index_cast %select_n3A_337 : i32 to index
        %parallel_loop3A_1189 = arith.index_cast %parallel_loop3A_1187 : i32 to index
        %parallel_loop3A_1190 = arith.constant 48 : index
        %parallel_loop3A_1191 = tpu.vector_load %arg12[%parallel_loop3A_1188, %parallel_loop3A_1189, %parallel_loop3A_1190] {strides = array<i32>} : memref<4x128x64xf32, #tpu.memory_space<vmem>>, vector<16xf32>,
        tpu.vector_store %arg12[%parallel_loop3A_1188, %parallel_loop3A_1189, %parallel_loop3A_1190], %parallel_loop3A_1185 {strides = array<i32>} : memref<4x128x64xf32, #tpu.memory_space<vmem>>, vector<16xf32>,
        %parallel_loop3A_1192 = vector.extract_strided_slice %parallel_loop3A_487 {offsets = [13], sizes = [1], strides = [1]} : vector<16xf32> to vector<1xf32>
        %parallel_loop3A_1193 = vector.extract %parallel_loop3A_1192[0] : f32 from vector<1xf32>
        %parallel_loop3A_1194 = arith.constant 13 : i32
        %parallel_loop3A_1195 = arith.addi %parallel_loop3A_489, %parallel_loop3A_1194 : i32
        %parallel_loop3A_1196 = arith.index_cast %select_n3A_321 : i32 to index
        %parallel_loop3A_1197 = arith.index_cast %parallel_loop3A_1195 : i32 to index
        %parallel_loop3A_1198 = arith.constant 0 : index
        %parallel_loop3A_1199 = tpu.vector_load %arg11[%parallel_loop3A_1196, %parallel_loop3A_1197, %parallel_loop3A_1198] {strides = array<i32>} : memref<6x128x32xi32, #tpu.memory_space<vmem>>, vector<16xi32>,
        %parallel_loop3A_1200 = arith.shli %parallel_loop3A_1199, %broadcast_in_dim3A_464 : vector<16xi32>
        %parallel_loop3A_1201 = vector.bitcast %parallel_loop3A_1200 : vector<16xi32> to vector<16xf32>
        %parallel_loop3A_1202 = arith.andi %parallel_loop3A_1199, %broadcast_in_dim3A_466 : vector<16xi32>
        %parallel_loop3A_1203 = vector.bitcast %parallel_loop3A_1202 : vector<16xi32> to vector<16xf32>
        %parallel_loop3A_1204 = vector.broadcast %parallel_loop3A_1193 : f32 to vector<16xf32>
        %parallel_loop3A_1205 = arith.mulf %parallel_loop3A_1201, %parallel_loop3A_1204 : vector<16xf32>
        %parallel_loop3A_1206 = arith.constant 13 : i32
        %parallel_loop3A_1207 = arith.addi %parallel_loop3A_489, %parallel_loop3A_1206 : i32
        %parallel_loop3A_1208 = arith.index_cast %select_n3A_337 : i32 to index
        %parallel_loop3A_1209 = arith.index_cast %parallel_loop3A_1207 : i32 to index
        %parallel_loop3A_1210 = arith.constant 0 : index
        %parallel_loop3A_1211 = tpu.vector_load %arg12[%parallel_loop3A_1208, %parallel_loop3A_1209, %parallel_loop3A_1210] {strides = array<i32>} : memref<4x128x64xf32, #tpu.memory_space<vmem>>, vector<16xf32>,
        tpu.vector_store %arg12[%parallel_loop3A_1208, %parallel_loop3A_1209, %parallel_loop3A_1210], %parallel_loop3A_1205 {strides = array<i32>} : memref<4x128x64xf32, #tpu.memory_space<vmem>>, vector<16xf32>,
        %parallel_loop3A_1212 = vector.broadcast %parallel_loop3A_1193 : f32 to vector<16xf32>
        %parallel_loop3A_1213 = arith.mulf %parallel_loop3A_1203, %parallel_loop3A_1212 : vector<16xf32>
        %parallel_loop3A_1214 = arith.constant 13 : i32
        %parallel_loop3A_1215 = arith.addi %parallel_loop3A_489, %parallel_loop3A_1214 : i32
        %parallel_loop3A_1216 = arith.index_cast %select_n3A_337 : i32 to index
        %parallel_loop3A_1217 = arith.index_cast %parallel_loop3A_1215 : i32 to index
        %parallel_loop3A_1218 = arith.constant 16 : index
        %parallel_loop3A_1219 = tpu.vector_load %arg12[%parallel_loop3A_1216, %parallel_loop3A_1217, %parallel_loop3A_1218] {strides = array<i32>} : memref<4x128x64xf32, #tpu.memory_space<vmem>>, vector<16xf32>,
        tpu.vector_store %arg12[%parallel_loop3A_1216, %parallel_loop3A_1217, %parallel_loop3A_1218], %parallel_loop3A_1213 {strides = array<i32>} : memref<4x128x64xf32, #tpu.memory_space<vmem>>, vector<16xf32>,
        %parallel_loop3A_1220 = arith.constant 13 : i32
        %parallel_loop3A_1221 = arith.addi %parallel_loop3A_489, %parallel_loop3A_1220 : i32
        %parallel_loop3A_1222 = arith.index_cast %select_n3A_321 : i32 to index
        %parallel_loop3A_1223 = arith.index_cast %parallel_loop3A_1221 : i32 to index
        %parallel_loop3A_1224 = arith.constant 16 : index
        %parallel_loop3A_1225 = tpu.vector_load %arg11[%parallel_loop3A_1222, %parallel_loop3A_1223, %parallel_loop3A_1224] {strides = array<i32>} : memref<6x128x32xi32, #tpu.memory_space<vmem>>, vector<16xi32>,
        %parallel_loop3A_1226 = arith.shli %parallel_loop3A_1225, %broadcast_in_dim3A_464 : vector<16xi32>
        %parallel_loop3A_1227 = vector.bitcast %parallel_loop3A_1226 : vector<16xi32> to vector<16xf32>
        %parallel_loop3A_1228 = arith.andi %parallel_loop3A_1225, %broadcast_in_dim3A_466 : vector<16xi32>
        %parallel_loop3A_1229 = vector.bitcast %parallel_loop3A_1228 : vector<16xi32> to vector<16xf32>
        %parallel_loop3A_1230 = vector.broadcast %parallel_loop3A_1193 : f32 to vector<16xf32>
        %parallel_loop3A_1231 = arith.mulf %parallel_loop3A_1227, %parallel_loop3A_1230 : vector<16xf32>
        %parallel_loop3A_1232 = arith.constant 13 : i32
        %parallel_loop3A_1233 = arith.addi %parallel_loop3A_489, %parallel_loop3A_1232 : i32
        %parallel_loop3A_1234 = arith.index_cast %select_n3A_337 : i32 to index
        %parallel_loop3A_1235 = arith.index_cast %parallel_loop3A_1233 : i32 to index
        %parallel_loop3A_1236 = arith.constant 32 : index
        %parallel_loop3A_1237 = tpu.vector_load %arg12[%parallel_loop3A_1234, %parallel_loop3A_1235, %parallel_loop3A_1236] {strides = array<i32>} : memref<4x128x64xf32, #tpu.memory_space<vmem>>, vector<16xf32>,
        tpu.vector_store %arg12[%parallel_loop3A_1234, %parallel_loop3A_1235, %parallel_loop3A_1236], %parallel_loop3A_1231 {strides = array<i32>} : memref<4x128x64xf32, #tpu.memory_space<vmem>>, vector<16xf32>,
        %parallel_loop3A_1238 = vector.broadcast %parallel_loop3A_1193 : f32 to vector<16xf32>
        %parallel_loop3A_1239 = arith.mulf %parallel_loop3A_1229, %parallel_loop3A_1238 : vector<16xf32>
        %parallel_loop3A_1240 = arith.constant 13 : i32
        %parallel_loop3A_1241 = arith.addi %parallel_loop3A_489, %parallel_loop3A_1240 : i32
        %parallel_loop3A_1242 = arith.index_cast %select_n3A_337 : i32 to index
        %parallel_loop3A_1243 = arith.index_cast %parallel_loop3A_1241 : i32 to index
        %parallel_loop3A_1244 = arith.constant 48 : index
        %parallel_loop3A_1245 = tpu.vector_load %arg12[%parallel_loop3A_1242, %parallel_loop3A_1243, %parallel_loop3A_1244] {strides = array<i32>} : memref<4x128x64xf32, #tpu.memory_space<vmem>>, vector<16xf32>,
        tpu.vector_store %arg12[%parallel_loop3A_1242, %parallel_loop3A_1243, %parallel_loop3A_1244], %parallel_loop3A_1239 {strides = array<i32>} : memref<4x128x64xf32, #tpu.memory_space<vmem>>, vector<16xf32>,
        %parallel_loop3A_1246 = vector.extract_strided_slice %parallel_loop3A_487 {offsets = [14], sizes = [1], strides = [1]} : vector<16xf32> to vector<1xf32>
        %parallel_loop3A_1247 = vector.extract %parallel_loop3A_1246[0] : f32 from vector<1xf32>
        %parallel_loop3A_1248 = arith.constant 14 : i32
        %parallel_loop3A_1249 = arith.addi %parallel_loop3A_489, %parallel_loop3A_1248 : i32
        %parallel_loop3A_1250 = arith.index_cast %select_n3A_321 : i32 to index
        %parallel_loop3A_1251 = arith.index_cast %parallel_loop3A_1249 : i32 to index
        %parallel_loop3A_1252 = arith.constant 0 : index
        %parallel_loop3A_1253 = tpu.vector_load %arg11[%parallel_loop3A_1250, %parallel_loop3A_1251, %parallel_loop3A_1252] {strides = array<i32>} : memref<6x128x32xi32, #tpu.memory_space<vmem>>, vector<16xi32>,
        %parallel_loop3A_1254 = arith.shli %parallel_loop3A_1253, %broadcast_in_dim3A_464 : vector<16xi32>
        %parallel_loop3A_1255 = vector.bitcast %parallel_loop3A_1254 : vector<16xi32> to vector<16xf32>
        %parallel_loop3A_1256 = arith.andi %parallel_loop3A_1253, %broadcast_in_dim3A_466 : vector<16xi32>
        %parallel_loop3A_1257 = vector.bitcast %parallel_loop3A_1256 : vector<16xi32> to vector<16xf32>
        %parallel_loop3A_1258 = vector.broadcast %parallel_loop3A_1247 : f32 to vector<16xf32>
        %parallel_loop3A_1259 = arith.mulf %parallel_loop3A_1255, %parallel_loop3A_1258 : vector<16xf32>
        %parallel_loop3A_1260 = arith.constant 14 : i32
        %parallel_loop3A_1261 = arith.addi %parallel_loop3A_489, %parallel_loop3A_1260 : i32
        %parallel_loop3A_1262 = arith.index_cast %select_n3A_337 : i32 to index
        %parallel_loop3A_1263 = arith.index_cast %parallel_loop3A_1261 : i32 to index
        %parallel_loop3A_1264 = arith.constant 0 : index
        %parallel_loop3A_1265 = tpu.vector_load %arg12[%parallel_loop3A_1262, %parallel_loop3A_1263, %parallel_loop3A_1264] {strides = array<i32>} : memref<4x128x64xf32, #tpu.memory_space<vmem>>, vector<16xf32>,
        tpu.vector_store %arg12[%parallel_loop3A_1262, %parallel_loop3A_1263, %parallel_loop3A_1264], %parallel_loop3A_1259 {strides = array<i32>} : memref<4x128x64xf32, #tpu.memory_space<vmem>>, vector<16xf32>,
        %parallel_loop3A_1266 = vector.broadcast %parallel_loop3A_1247 : f32 to vector<16xf32>
        %parallel_loop3A_1267 = arith.mulf %parallel_loop3A_1257, %parallel_loop3A_1266 : vector<16xf32>
        %parallel_loop3A_1268 = arith.constant 14 : i32
        %parallel_loop3A_1269 = arith.addi %parallel_loop3A_489, %parallel_loop3A_1268 : i32
        %parallel_loop3A_1270 = arith.index_cast %select_n3A_337 : i32 to index
        %parallel_loop3A_1271 = arith.index_cast %parallel_loop3A_1269 : i32 to index
        %parallel_loop3A_1272 = arith.constant 16 : index
        %parallel_loop3A_1273 = tpu.vector_load %arg12[%parallel_loop3A_1270, %parallel_loop3A_1271, %parallel_loop3A_1272] {strides = array<i32>} : memref<4x128x64xf32, #tpu.memory_space<vmem>>, vector<16xf32>,
        tpu.vector_store %arg12[%parallel_loop3A_1270, %parallel_loop3A_1271, %parallel_loop3A_1272], %parallel_loop3A_1267 {strides = array<i32>} : memref<4x128x64xf32, #tpu.memory_space<vmem>>, vector<16xf32>,
        %parallel_loop3A_1274 = arith.constant 14 : i32
        %parallel_loop3A_1275 = arith.addi %parallel_loop3A_489, %parallel_loop3A_1274 : i32
        %parallel_loop3A_1276 = arith.index_cast %select_n3A_321 : i32 to index
        %parallel_loop3A_1277 = arith.index_cast %parallel_loop3A_1275 : i32 to index
        %parallel_loop3A_1278 = arith.constant 16 : index
        %parallel_loop3A_1279 = tpu.vector_load %arg11[%parallel_loop3A_1276, %parallel_loop3A_1277, %parallel_loop3A_1278] {strides = array<i32>} : memref<6x128x32xi32, #tpu.memory_space<vmem>>, vector<16xi32>,
        %parallel_loop3A_1280 = arith.shli %parallel_loop3A_1279, %broadcast_in_dim3A_464 : vector<16xi32>
        %parallel_loop3A_1281 = vector.bitcast %parallel_loop3A_1280 : vector<16xi32> to vector<16xf32>
        %parallel_loop3A_1282 = arith.andi %parallel_loop3A_1279, %broadcast_in_dim3A_466 : vector<16xi32>
        %parallel_loop3A_1283 = vector.bitcast %parallel_loop3A_1282 : vector<16xi32> to vector<16xf32>
        %parallel_loop3A_1284 = vector.broadcast %parallel_loop3A_1247 : f32 to vector<16xf32>
        %parallel_loop3A_1285 = arith.mulf %parallel_loop3A_1281, %parallel_loop3A_1284 : vector<16xf32>
        %parallel_loop3A_1286 = arith.constant 14 : i32
        %parallel_loop3A_1287 = arith.addi %parallel_loop3A_489, %parallel_loop3A_1286 : i32
        %parallel_loop3A_1288 = arith.index_cast %select_n3A_337 : i32 to index
        %parallel_loop3A_1289 = arith.index_cast %parallel_loop3A_1287 : i32 to index
        %parallel_loop3A_1290 = arith.constant 32 : index
        %parallel_loop3A_1291 = tpu.vector_load %arg12[%parallel_loop3A_1288, %parallel_loop3A_1289, %parallel_loop3A_1290] {strides = array<i32>} : memref<4x128x64xf32, #tpu.memory_space<vmem>>, vector<16xf32>,
        tpu.vector_store %arg12[%parallel_loop3A_1288, %parallel_loop3A_1289, %parallel_loop3A_1290], %parallel_loop3A_1285 {strides = array<i32>} : memref<4x128x64xf32, #tpu.memory_space<vmem>>, vector<16xf32>,
        %parallel_loop3A_1292 = vector.broadcast %parallel_loop3A_1247 : f32 to vector<16xf32>
        %parallel_loop3A_1293 = arith.mulf %parallel_loop3A_1283, %parallel_loop3A_1292 : vector<16xf32>
        %parallel_loop3A_1294 = arith.constant 14 : i32
        %parallel_loop3A_1295 = arith.addi %parallel_loop3A_489, %parallel_loop3A_1294 : i32
        %parallel_loop3A_1296 = arith.index_cast %select_n3A_337 : i32 to index
        %parallel_loop3A_1297 = arith.index_cast %parallel_loop3A_1295 : i32 to index
        %parallel_loop3A_1298 = arith.constant 48 : index
        %parallel_loop3A_1299 = tpu.vector_load %arg12[%parallel_loop3A_1296, %parallel_loop3A_1297, %parallel_loop3A_1298] {strides = array<i32>} : memref<4x128x64xf32, #tpu.memory_space<vmem>>, vector<16xf32>,
        tpu.vector_store %arg12[%parallel_loop3A_1296, %parallel_loop3A_1297, %parallel_loop3A_1298], %parallel_loop3A_1293 {strides = array<i32>} : memref<4x128x64xf32, #tpu.memory_space<vmem>>, vector<16xf32>,
        %parallel_loop3A_1300 = vector.extract_strided_slice %parallel_loop3A_487 {offsets = [15], sizes = [1], strides = [1]} : vector<16xf32> to vector<1xf32>
        %parallel_loop3A_1301 = vector.extract %parallel_loop3A_1300[0] : f32 from vector<1xf32>
        %parallel_loop3A_1302 = arith.constant 15 : i32
        %parallel_loop3A_1303 = arith.addi %parallel_loop3A_489, %parallel_loop3A_1302 : i32
        %parallel_loop3A_1304 = arith.index_cast %select_n3A_321 : i32 to index
        %parallel_loop3A_1305 = arith.index_cast %parallel_loop3A_1303 : i32 to index
        %parallel_loop3A_1306 = arith.constant 0 : index
        %parallel_loop3A_1307 = tpu.vector_load %arg11[%parallel_loop3A_1304, %parallel_loop3A_1305, %parallel_loop3A_1306] {strides = array<i32>} : memref<6x128x32xi32, #tpu.memory_space<vmem>>, vector<16xi32>,
        %parallel_loop3A_1308 = arith.shli %parallel_loop3A_1307, %broadcast_in_dim3A_464 : vector<16xi32>
        %parallel_loop3A_1309 = vector.bitcast %parallel_loop3A_1308 : vector<16xi32> to vector<16xf32>
        %parallel_loop3A_1310 = arith.andi %parallel_loop3A_1307, %broadcast_in_dim3A_466 : vector<16xi32>
        %parallel_loop3A_1311 = vector.bitcast %parallel_loop3A_1310 : vector<16xi32> to vector<16xf32>
        %parallel_loop3A_1312 = vector.broadcast %parallel_loop3A_1301 : f32 to vector<16xf32>
        %parallel_loop3A_1313 = arith.mulf %parallel_loop3A_1309, %parallel_loop3A_1312 : vector<16xf32>
        %parallel_loop3A_1314 = arith.constant 15 : i32
        %parallel_loop3A_1315 = arith.addi %parallel_loop3A_489, %parallel_loop3A_1314 : i32
        %parallel_loop3A_1316 = arith.index_cast %select_n3A_337 : i32 to index
        %parallel_loop3A_1317 = arith.index_cast %parallel_loop3A_1315 : i32 to index
        %parallel_loop3A_1318 = arith.constant 0 : index
        %parallel_loop3A_1319 = tpu.vector_load %arg12[%parallel_loop3A_1316, %parallel_loop3A_1317, %parallel_loop3A_1318] {strides = array<i32>} : memref<4x128x64xf32, #tpu.memory_space<vmem>>, vector<16xf32>,
        tpu.vector_store %arg12[%parallel_loop3A_1316, %parallel_loop3A_1317, %parallel_loop3A_1318], %parallel_loop3A_1313 {strides = array<i32>} : memref<4x128x64xf32, #tpu.memory_space<vmem>>, vector<16xf32>,
        %parallel_loop3A_1320 = vector.broadcast %parallel_loop3A_1301 : f32 to vector<16xf32>
        %parallel_loop3A_1321 = arith.mulf %parallel_loop3A_1311, %parallel_loop3A_1320 : vector<16xf32>
        %parallel_loop3A_1322 = arith.constant 15 : i32
        %parallel_loop3A_1323 = arith.addi %parallel_loop3A_489, %parallel_loop3A_1322 : i32
        %parallel_loop3A_1324 = arith.index_cast %select_n3A_337 : i32 to index
        %parallel_loop3A_1325 = arith.index_cast %parallel_loop3A_1323 : i32 to index
        %parallel_loop3A_1326 = arith.constant 16 : index
        %parallel_loop3A_1327 = tpu.vector_load %arg12[%parallel_loop3A_1324, %parallel_loop3A_1325, %parallel_loop3A_1326] {strides = array<i32>} : memref<4x128x64xf32, #tpu.memory_space<vmem>>, vector<16xf32>,
        tpu.vector_store %arg12[%parallel_loop3A_1324, %parallel_loop3A_1325, %parallel_loop3A_1326], %parallel_loop3A_1321 {strides = array<i32>} : memref<4x128x64xf32, #tpu.memory_space<vmem>>, vector<16xf32>,
        %parallel_loop3A_1328 = arith.constant 15 : i32
        %parallel_loop3A_1329 = arith.addi %parallel_loop3A_489, %parallel_loop3A_1328 : i32
        %parallel_loop3A_1330 = arith.index_cast %select_n3A_321 : i32 to index
        %parallel_loop3A_1331 = arith.index_cast %parallel_loop3A_1329 : i32 to index
        %parallel_loop3A_1332 = arith.constant 16 : index
        %parallel_loop3A_1333 = tpu.vector_load %arg11[%parallel_loop3A_1330, %parallel_loop3A_1331, %parallel_loop3A_1332] {strides = array<i32>} : memref<6x128x32xi32, #tpu.memory_space<vmem>>, vector<16xi32>,
        %parallel_loop3A_1334 = arith.shli %parallel_loop3A_1333, %broadcast_in_dim3A_464 : vector<16xi32>
        %parallel_loop3A_1335 = vector.bitcast %parallel_loop3A_1334 : vector<16xi32> to vector<16xf32>
        %parallel_loop3A_1336 = arith.andi %parallel_loop3A_1333, %broadcast_in_dim3A_466 : vector<16xi32>
        %parallel_loop3A_1337 = vector.bitcast %parallel_loop3A_1336 : vector<16xi32> to vector<16xf32>
        %parallel_loop3A_1338 = vector.broadcast %parallel_loop3A_1301 : f32 to vector<16xf32>
        %parallel_loop3A_1339 = arith.mulf %parallel_loop3A_1335, %parallel_loop3A_1338 : vector<16xf32>
        %parallel_loop3A_1340 = arith.constant 15 : i32
        %parallel_loop3A_1341 = arith.addi %parallel_loop3A_489, %parallel_loop3A_1340 : i32
        %parallel_loop3A_1342 = arith.index_cast %select_n3A_337 : i32 to index
        %parallel_loop3A_1343 = arith.index_cast %parallel_loop3A_1341 : i32 to index
        %parallel_loop3A_1344 = arith.constant 32 : index
        %parallel_loop3A_1345 = tpu.vector_load %arg12[%parallel_loop3A_1342, %parallel_loop3A_1343, %parallel_loop3A_1344] {strides = array<i32>} : memref<4x128x64xf32, #tpu.memory_space<vmem>>, vector<16xf32>,
        tpu.vector_store %arg12[%parallel_loop3A_1342, %parallel_loop3A_1343, %parallel_loop3A_1344], %parallel_loop3A_1339 {strides = array<i32>} : memref<4x128x64xf32, #tpu.memory_space<vmem>>, vector<16xf32>,
        %parallel_loop3A_1346 = vector.broadcast %parallel_loop3A_1301 : f32 to vector<16xf32>
        %parallel_loop3A_1347 = arith.mulf %parallel_loop3A_1337, %parallel_loop3A_1346 : vector<16xf32>
        %parallel_loop3A_1348 = arith.constant 15 : i32
        %parallel_loop3A_1349 = arith.addi %parallel_loop3A_489, %parallel_loop3A_1348 : i32
        %parallel_loop3A_1350 = arith.index_cast %select_n3A_337 : i32 to index
        %parallel_loop3A_1351 = arith.index_cast %parallel_loop3A_1349 : i32 to index
        %parallel_loop3A_1352 = arith.constant 48 : index
        %parallel_loop3A_1353 = tpu.vector_load %arg12[%parallel_loop3A_1350, %parallel_loop3A_1351, %parallel_loop3A_1352] {strides = array<i32>} : memref<4x128x64xf32, #tpu.memory_space<vmem>>, vector<16xf32>,
        tpu.vector_store %arg12[%parallel_loop3A_1350, %parallel_loop3A_1351, %parallel_loop3A_1352], %parallel_loop3A_1347 {strides = array<i32>} : memref<4x128x64xf32, #tpu.memory_space<vmem>>, vector<16xf32>,
      } {sc.loop_unroll_factor = 2 : i64, sc.parallel_access}
      %dma_start3A_469 = arith.constant 0 : i32
      %dma_start3A_470 = arith.constant 0 : i32
      %dma_start3A_471 = tpu.memref_slice %arg12[%select_n3A_337, %dma_start3A_469, %dma_start3A_470] : memref<4x128x64xf32, #tpu.memory_space<vmem>> -> memref<1x128x64xf32, #tpu.memory_space<vmem>>
      %dma_start3A_472 = tpu.memref_squeeze %dma_start3A_471 : memref<1x128x64xf32, #tpu.memory_space<vmem>> -> memref<128x64xf32, #tpu.memory_space<vmem>>
      %dma_start3A_473 = arith.constant 0 : i32
      %dma_start3A_474 = tpu.memref_slice %arg9[%select_n3A_374, %select_n3A_390, %dma_start3A_473] : memref<2x16x128xi32, #tpu.memory_space<vmem>> -> memref<1x1x128xi32, #tpu.memory_space<vmem>>
      %dma_start3A_475 = tpu.memref_squeeze %dma_start3A_474 : memref<1x1x128xi32, #tpu.memory_space<vmem>> -> memref<128xi32, #tpu.memory_space<vmem>>
      %dma_start3A_476 = arith.constant 0 : i32
      %dma_start3A_477 = arith.constant 0 : i32
      %dma_start3A_478 = tpu.memref_slice %arg13[%dma_start3A_476, %dma_start3A_477] : memref<10000x64xf32, #tpu.memory_space<vmem_shared>> -> memref<10000x64xf32, #tpu.memory_space<vmem_shared>>
      %dma_start3A_479 = tpu.memref_slice %arg15[%select_n3A_337] : memref<4x!tpu.dma_semaphore, #tpu.memory_space<semaphore_mem>> -> memref<1x!tpu.dma_semaphore, #tpu.memory_space<semaphore_mem>>
      %dma_start3A_480 = tpu.memref_squeeze %dma_start3A_479 : memref<1x!tpu.dma_semaphore, #tpu.memory_space<semaphore_mem>> -> memref<!tpu.dma_semaphore, #tpu.memory_space<semaphore_mem>>
      tpu.enqueue_indirect_dma source(%dma_start3A_472 : memref<128x64xf32, #tpu.memory_space<vmem>>) target(%dma_start3A_478 : memref<10000x64xf32, #tpu.memory_space<vmem_shared>>) offsets(%dma_start3A_475 : memref<128xi32, #tpu.memory_space<vmem>>) semaphore(%dma_start3A_480 : memref<!tpu.dma_semaphore, #tpu.memory_space<semaphore_mem>>) {add = true}
    }
    %scan3A_241 = arith.constant 160 : i32
    %dma_wait3A_242 = arith.constant 0 : i32
    %dma_wait3A_243 = arith.constant 0 : i32
    %dma_wait3A_244 = arith.constant 0 : i32
    %dma_wait3A_245 = arith.constant 0 : i32
    %dma_wait3A_246 = arith.constant 0 : i32
    %dma_wait3A_247 = arith.constant 0 : i32
    %dma_wait3A_248 = tpu.memref_slice %arg12[%dma_wait3A_242, %dma_wait3A_246, %dma_wait3A_247] : memref<4x128x64xf32, #tpu.memory_space<vmem>> -> memref<1x128x64xf32, #tpu.memory_space<vmem>>
    %dma_wait3A_249 = tpu.memref_squeeze %dma_wait3A_248 : memref<1x128x64xf32, #tpu.memory_space<vmem>> -> memref<128x64xf32, #tpu.memory_space<vmem>>
    %dma_wait3A_250 = arith.constant 0 : i32
    %dma_wait3A_251 = tpu.memref_slice %arg9[%dma_wait3A_243, %dma_wait3A_244, %dma_wait3A_250] : memref<2x16x128xi32, #tpu.memory_space<vmem>> -> memref<1x1x128xi32, #tpu.memory_space<vmem>>
    %dma_wait3A_252 = tpu.memref_squeeze %dma_wait3A_251 : memref<1x1x128xi32, #tpu.memory_space<vmem>> -> memref<128xi32, #tpu.memory_space<vmem>>
    %dma_wait3A_253 = arith.constant 0 : i32
    %dma_wait3A_254 = arith.constant 0 : i32
    %dma_wait3A_255 = tpu.memref_slice %arg13[%dma_wait3A_253, %dma_wait3A_254] : memref<10000x64xf32, #tpu.memory_space<vmem_shared>> -> memref<10000x64xf32, #tpu.memory_space<vmem_shared>>
    %dma_wait3A_256 = tpu.memref_slice %arg15[%dma_wait3A_245] : memref<4x!tpu.dma_semaphore, #tpu.memory_space<semaphore_mem>> -> memref<1x!tpu.dma_semaphore, #tpu.memory_space<semaphore_mem>>
    %dma_wait3A_257 = tpu.memref_squeeze %dma_wait3A_256 : memref<1x!tpu.dma_semaphore, #tpu.memory_space<semaphore_mem>> -> memref<!tpu.dma_semaphore, #tpu.memory_space<semaphore_mem>>
    tpu.wait_indirect_dma semaphore(%dma_wait3A_257 : memref<!tpu.dma_semaphore, #tpu.memory_space<semaphore_mem>>) src(%dma_wait3A_249 : memref<128x64xf32, #tpu.memory_space<vmem>>) dst(%dma_wait3A_255 : memref<10000x64xf32, #tpu.memory_space<vmem_shared>>)
    %dma_wait3A_258 = arith.constant 1 : i32
    %dma_wait3A_259 = arith.constant 0 : i32
    %dma_wait3A_260 = arith.constant 0 : i32
    %dma_wait3A_261 = arith.constant 1 : i32
    %dma_wait3A_262 = arith.constant 0 : i32
    %dma_wait3A_263 = arith.constant 0 : i32
    %dma_wait3A_264 = tpu.memref_slice %arg12[%dma_wait3A_258, %dma_wait3A_262, %dma_wait3A_263] : memref<4x128x64xf32, #tpu.memory_space<vmem>> -> memref<1x128x64xf32, #tpu.memory_space<vmem>>
    %dma_wait3A_265 = tpu.memref_squeeze %dma_wait3A_264 : memref<1x128x64xf32, #tpu.memory_space<vmem>> -> memref<128x64xf32, #tpu.memory_space<vmem>>
    %dma_wait3A_266 = arith.constant 0 : i32
    %dma_wait3A_267 = tpu.memref_slice %arg9[%dma_wait3A_259, %dma_wait3A_260, %dma_wait3A_266] : memref<2x16x128xi32, #tpu.memory_space<vmem>> -> memref<1x1x128xi32, #tpu.memory_space<vmem>>
    %dma_wait3A_268 = tpu.memref_squeeze %dma_wait3A_267 : memref<1x1x128xi32, #tpu.memory_space<vmem>> -> memref<128xi32, #tpu.memory_space<vmem>>
    %dma_wait3A_269 = arith.constant 0 : i32
    %dma_wait3A_270 = arith.constant 0 : i32
    %dma_wait3A_271 = tpu.memref_slice %arg13[%dma_wait3A_269, %dma_wait3A_270] : memref<10000x64xf32, #tpu.memory_space<vmem_shared>> -> memref<10000x64xf32, #tpu.memory_space<vmem_shared>>
    %dma_wait3A_272 = tpu.memref_slice %arg15[%dma_wait3A_261] : memref<4x!tpu.dma_semaphore, #tpu.memory_space<semaphore_mem>> -> memref<1x!tpu.dma_semaphore, #tpu.memory_space<semaphore_mem>>
    %dma_wait3A_273 = tpu.memref_squeeze %dma_wait3A_272 : memref<1x!tpu.dma_semaphore, #tpu.memory_space<semaphore_mem>> -> memref<!tpu.dma_semaphore, #tpu.memory_space<semaphore_mem>>
    tpu.wait_indirect_dma semaphore(%dma_wait3A_273 : memref<!tpu.dma_semaphore, #tpu.memory_space<semaphore_mem>>) src(%dma_wait3A_265 : memref<128x64xf32, #tpu.memory_space<vmem>>) dst(%dma_wait3A_271 : memref<10000x64xf32, #tpu.memory_space<vmem_shared>>)
    %dma_wait3A_274 = arith.constant 2 : i32
    %dma_wait3A_275 = arith.constant 0 : i32
    %dma_wait3A_276 = arith.constant 0 : i32
    %dma_wait3A_277 = arith.constant 2 : i32
    %dma_wait3A_278 = arith.constant 0 : i32
    %dma_wait3A_279 = arith.constant 0 : i32
    %dma_wait3A_280 = tpu.memref_slice %arg12[%dma_wait3A_274, %dma_wait3A_278, %dma_wait3A_279] : memref<4x128x64xf32, #tpu.memory_space<vmem>> -> memref<1x128x64xf32, #tpu.memory_space<vmem>>
    %dma_wait3A_281 = tpu.memref_squeeze %dma_wait3A_280 : memref<1x128x64xf32, #tpu.memory_space<vmem>> -> memref<128x64xf32, #tpu.memory_space<vmem>>
    %dma_wait3A_282 = arith.constant 0 : i32
    %dma_wait3A_283 = tpu.memref_slice %arg9[%dma_wait3A_275, %dma_wait3A_276, %dma_wait3A_282] : memref<2x16x128xi32, #tpu.memory_space<vmem>> -> memref<1x1x128xi32, #tpu.memory_space<vmem>>
    %dma_wait3A_284 = tpu.memref_squeeze %dma_wait3A_283 : memref<1x1x128xi32, #tpu.memory_space<vmem>> -> memref<128xi32, #tpu.memory_space<vmem>>
    %dma_wait3A_285 = arith.constant 0 : i32
    %dma_wait3A_286 = arith.constant 0 : i32
    %dma_wait3A_287 = tpu.memref_slice %arg13[%dma_wait3A_285, %dma_wait3A_286] : memref<10000x64xf32, #tpu.memory_space<vmem_shared>> -> memref<10000x64xf32, #tpu.memory_space<vmem_shared>>
    %dma_wait3A_288 = tpu.memref_slice %arg15[%dma_wait3A_277] : memref<4x!tpu.dma_semaphore, #tpu.memory_space<semaphore_mem>> -> memref<1x!tpu.dma_semaphore, #tpu.memory_space<semaphore_mem>>
    %dma_wait3A_289 = tpu.memref_squeeze %dma_wait3A_288 : memref<1x!tpu.dma_semaphore, #tpu.memory_space<semaphore_mem>> -> memref<!tpu.dma_semaphore, #tpu.memory_space<semaphore_mem>>
    tpu.wait_indirect_dma semaphore(%dma_wait3A_289 : memref<!tpu.dma_semaphore, #tpu.memory_space<semaphore_mem>>) src(%dma_wait3A_281 : memref<128x64xf32, #tpu.memory_space<vmem>>) dst(%dma_wait3A_287 : memref<10000x64xf32, #tpu.memory_space<vmem_shared>>)
    %dma_wait3A_290 = arith.constant 3 : i32
    %dma_wait3A_291 = arith.constant 0 : i32
    %dma_wait3A_292 = arith.constant 0 : i32
    %dma_wait3A_293 = arith.constant 3 : i32
    %dma_wait3A_294 = arith.constant 0 : i32
    %dma_wait3A_295 = arith.constant 0 : i32
    %dma_wait3A_296 = tpu.memref_slice %arg12[%dma_wait3A_290, %dma_wait3A_294, %dma_wait3A_295] : memref<4x128x64xf32, #tpu.memory_space<vmem>> -> memref<1x128x64xf32, #tpu.memory_space<vmem>>
    %dma_wait3A_297 = tpu.memref_squeeze %dma_wait3A_296 : memref<1x128x64xf32, #tpu.memory_space<vmem>> -> memref<128x64xf32, #tpu.memory_space<vmem>>
    %dma_wait3A_298 = arith.constant 0 : i32
    %dma_wait3A_299 = tpu.memref_slice %arg9[%dma_wait3A_291, %dma_wait3A_292, %dma_wait3A_298] : memref<2x16x128xi32, #tpu.memory_space<vmem>> -> memref<1x1x128xi32, #tpu.memory_space<vmem>>
    %dma_wait3A_300 = tpu.memref_squeeze %dma_wait3A_299 : memref<1x1x128xi32, #tpu.memory_space<vmem>> -> memref<128xi32, #tpu.memory_space<vmem>>
    %dma_wait3A_301 = arith.constant 0 : i32
    %dma_wait3A_302 = arith.constant 0 : i32
    %dma_wait3A_303 = tpu.memref_slice %arg13[%dma_wait3A_301, %dma_wait3A_302] : memref<10000x64xf32, #tpu.memory_space<vmem_shared>> -> memref<10000x64xf32, #tpu.memory_space<vmem_shared>>
    %dma_wait3A_304 = tpu.memref_slice %arg15[%dma_wait3A_293] : memref<4x!tpu.dma_semaphore, #tpu.memory_space<semaphore_mem>> -> memref<1x!tpu.dma_semaphore, #tpu.memory_space<semaphore_mem>>
    %dma_wait3A_305 = tpu.memref_squeeze %dma_wait3A_304 : memref<1x!tpu.dma_semaphore, #tpu.memory_space<semaphore_mem>> -> memref<!tpu.dma_semaphore, #tpu.memory_space<semaphore_mem>>
    tpu.wait_indirect_dma semaphore(%dma_wait3A_305 : memref<!tpu.dma_semaphore, #tpu.memory_space<semaphore_mem>>) src(%dma_wait3A_297 : memref<128x64xf32, #tpu.memory_space<vmem>>) dst(%dma_wait3A_303 : memref<10000x64xf32, #tpu.memory_space<vmem_shared>>)
    %barrier3A_306 = arith.constant 0 : index
    tpu.barrier barrier_id(%barrier3A_306)
    %mul3A_307 = arith.constant 625 : i32
    %mul3A_308 = arith.muli %arg1, %mul3A_307 : i32
    %mul3A_309 = arith.constant 64 : i32
    %mul3A_310 = arith.muli %arg0, %mul3A_309 : i32
    "tpu.region"() ({
      %run_scoped3A_311 = tpu.sem_alloc : memref<!tpu.dma_semaphore, #tpu.memory_space<semaphore_mem>>
      %dma_start3A_312 = tpu.memref_slice %arg7[%mul3A_308, %mul3A_310] : memref<10000x128xf32, #tpu.memory_space<hbm>> -> memref<625x64xf32, #tpu.memory_space<hbm>>
      %dma_start3A_313 = arith.constant 0 : i32
      %dma_start3A_314 = tpu.memref_slice %arg13[%mul3A_308, %dma_start3A_313] : memref<10000x64xf32, #tpu.memory_space<vmem_shared>> -> memref<625x64xf32, #tpu.memory_space<vmem_shared>>
      tpu.enqueue_dma source(%dma_start3A_314 : memref<625x64xf32, #tpu.memory_space<vmem_shared>>) target(%dma_start3A_312 : memref<625x64xf32, #tpu.memory_space<hbm>>) target_semaphore(%run_scoped3A_311 : memref<!tpu.dma_semaphore, #tpu.memory_space<semaphore_mem>>)
      %dma_wait3A_315 = tpu.memref_slice %arg7[%mul3A_308, %mul3A_310] : memref<10000x128xf32, #tpu.memory_space<hbm>> -> memref<625x64xf32, #tpu.memory_space<hbm>>
      %dma_wait3A_316 = arith.constant 0 : i32
      %dma_wait3A_317 = tpu.memref_slice %arg13[%mul3A_308, %dma_wait3A_316] : memref<10000x64xf32, #tpu.memory_space<vmem_shared>> -> memref<625x64xf32, #tpu.memory_space<vmem_shared>>
      tpu.wait_dma2 semaphore(%run_scoped3A_311 : memref<!tpu.dma_semaphore, #tpu.memory_space<semaphore_mem>>) src(%dma_wait3A_317 : memref<625x64xf32, #tpu.memory_space<vmem_shared>>) dst(%dma_wait3A_315 : memref<625x64xf32, #tpu.memory_space<hbm>>)
      tpu.yield
    }) : () -> ()
    return
  }
}

</mosaic_0001>

<sc_bundles>
// kernel: kernel.3.cloned.1.call-start
scs
__scs_entry_jumppad:
0x0: {  	(pc) =	sbr.rel $0x88, $3  }
0x1: {  	(tag) =	ssettag $0x0;
	lr =	simm.s32 $0x1  }
0x2: {  	[smem:$0x3F9E] =	sst lr;
	_ =	strace $0xD0000000  }
0x3: {  	_ = 	snop  }
0x4: {  	_ = 	snop  }
0x5: {  	_ = 	snop  }
0x6: {  	_ = 	snop  }
0x7: {  	_ = 	snop  }
__scs_overlays_trampoline_lowered:
0x8: {  	[smem:$0x3FAD] =	sst s0  }
0x9: {  	[smem:$0x3FAE] =	sst s1  }
0xa: {  	[smem:$0x3FAF] =	sst s2  }
0xb: {  	[smem:$0x3FB0] =	sst s3  }
0xc: {  	[smem:$0x3FB1] =	sst s4  }
0xd: {  	[smem:$0x3FB2] =	sst s5  }
0xe: {  	[smem:$0x3FB3] =	sst s6  }
0xf: {  	[smem:$0x3FB4] =	sst s7  }
0x10: {  	[smem:$0x3FB5] =	sst s8  }
0x11: {  	[smem:$0x3FB6] =	sst s9;
	s0 =	simm.s32 @!p0 $0x0  }
0x12: {  	s1 =	sld [smem:$0x3F9C];
	s0 =	simm.s32 @p0 $0x1  }
0x13: {  	[smem:$0x3FB7] =	sst s0;
	s0 =	simm.s32 @!p1 $0x0  }
0x14: {  	s2 =	sld [smem:$0x3F9B];
	s0 =	simm.s32 @p1 $0x1  }
0x15: {  	[smem:$0x3FB8] =	sst s0;
	s0 =	simm.s32 @!p2 $0x0  }
0x16: {  	s3 =	sld [smem:$0x3FDB];
	s0 =	simm.s32 @p2 $0x1  }
0x17: {  	s4 =	simm.s32 $0x1BF5;
	[smem:$0x3FBA] =	sst s0  }
0x18: {  	s0 =	sld [smem:$0x3F9D];
	_ =	swait.ge [sflag:s4], $0x0  }
0x19: {  	s7 =	sld [smem:$0x3F9E]  }
0x1a: {  	s8 =	sadd.s32 $0xFFFFE003, lr  }
0x1b: {  	s9 =	sadd.s32 $0xFFFFFEF7, lr;
	s5 =	simm.s32 $0xFFFFFFFF;
	p2 =	slt.u32 s8, $0xFFFFF086  }
0x1c: {  	p1 =	slt.u32 s9, $0xF7A;
	s5 =	simm.s32 @!p2 $0x0  }
0x1d: {  	s5 =	simm.s32 @p1 $0x1;
	p0 =	seq.s32 s7, s2  }
0x1e: {  	s7 =	smul.u32 @!p0 $0xF7A, s2;
	p2 =	seq.s32 @!p0 s5, $0x0  }
0x1f: {  	s9 =	smul.u32 $0xF7A, s1;
	s8 =	simm.s32 @!p0 $0x1BF5;
	p2 =	por !p2, p0  }
0x20: {  	[sflag:s8] =	ssyncset.s32 @!p0 $0xFFFFF086;
	s6 =	sadd.s32 @!p0 s3, s7;
	s7 =	simm.s32 @!p0 $0x108  }
0x21: {  	s3 =	sadd.s32 s3, s9;
	s6 =	sadd.s32 @!p0 $0x88, s6;
	s7 =	simm.s32 @p2 $0x1082  }
0x22: {  	[simem:s7], [sflag:s8] =	dma.local @!p0 [hbm:s6], $0xF7A  }
0x23: {  	s9 =	sor.u32 $0xD0000000, s2;
	s6 =	simm.s32 $0x108;
	_ =	swait.ge @!p0 [sflag:s8], $0x0  }
0x24: {  	s3 =	sadd.s32 $0x88, s3;
	s6 =	simm.s32 @!p1 $0x1082;
	[sflag:s4] =	ssyncset.s32 $0xFFFFF086  }
0x25: {  	[simem:s6], [sflag:s4] =	dma.local [hbm:s3], $0xF7A  }
0x26: {  	[smem:$0x3F9E] =	sst s1;
	(tag) =	ssettag s2;
	_ =	strace s9  }
0x27: {  	s1 =	sld [smem:$0x3FAE]  }
0x28: {  	s2 =	sld [smem:$0x3FAF]  }
0x29: {  	s4 =	sld [smem:$0x3FB1]  }
0x2a: {  	p0 =	seq.s32 s5, $0x0;
	s5 =	sld [smem:$0x3FB2]  }
0x2b: {  	s6 =	sld [smem:$0x3FB3]  }
0x2c: {  	s7 =	sld [smem:$0x3FB4]  }
0x2d: {  	s3 =	simm.s32 $0x108;
	s8 =	sld [smem:$0x3FB5]  }
0x2e: {  	s3 =	simm.s32 @!p0 $0x1082;
	s9 =	sld [smem:$0x3FB6]  }
0x2f: {  	lr =	sadd.s32 s0, s3;
	s0 =	sld [smem:$0x3FAD]  }
0x30: {  	s3 =	sld [smem:$0x3FB0]  }
0x31: {  	[smem:$0x3FB9] =	sst s10  }
0x32: {  	s10 =	sld [smem:$0x3FB7];
	_ =	sdelay $0x3  }
0x33: {  	p0 =	seq.s32 s10, $0x1;
	s10 =	sld [smem:$0x3FB9];
	_ =	sdelay $0x3  }
0x34: {  	[smem:$0x3FB9] =	sst s10  }
0x35: {  	s10 =	sld [smem:$0x3FB8];
	_ =	sdelay $0x3  }
0x36: {  	p1 =	seq.s32 s10, $0x1;
	s10 =	sld [smem:$0x3FB9];
	_ =	sdelay $0x3  }
0x37: {  	[smem:$0x3FB9] =	sst s10  }
0x38: {  	s10 =	sld [smem:$0x3FBA]  }
0x39: {  	_ = 	snop;
	(pc) =	sbr.ind lr, $3  }
0x3a: {  	_ = 	snop  }
0x3b: {  	_ = 	snop  }
0x3c: {  	p2 =	seq.s32 s10, $0x1;
	s10 =	sld [smem:$0x3FB9]  }
0x3d: {  	_ =	shalt  }
0x3e: {  	_ =	shalt  }
0x3f: {  	_ =	shalt  }
0x40: {  	_ =	shalt  }
0x41: {  	_ =	shalt  }
0x42: {  	_ =	shalt  }
0x43: {  	_ =	shalt  }
0x44: {  	_ =	shalt  }
0x45: {  	_ =	shalt  }
0x46: {  	_ =	shalt  }
0x47: {  	_ =	shalt  }
0x48: {  	_ =	shalt  }
0x49: {  	_ =	shalt  }
0x4a: {  	_ =	shalt  }
0x4b: {  	_ =	shalt  }
0x4c: {  	_ =	shalt  }
0x4d: {  	_ =	shalt  }
0x4e: {  	_ =	shalt  }
0x4f: {  	_ =	shalt  }
0x50: {  	_ =	shalt  }
0x51: {  	_ =	shalt  }
0x52: {  	_ =	shalt  }
0x53: {  	_ =	shalt  }
0x54: {  	_ =	shalt  }
0x55: {  	_ =	shalt  }
0x56: {  	_ =	shalt  }
0x57: {  	_ =	shalt  }
0x58: {  	_ =	shalt  }
0x59: {  	_ =	shalt  }
0x5a: {  	_ =	shalt  }
0x5b: {  	_ =	shalt  }
0x5c: {  	_ =	shalt  }
0x5d: {  	_ =	shalt  }
0x5e: {  	_ =	shalt  }
0x5f: {  	_ =	shalt  }
0x60: {  	_ =	shalt  }
0x61: {  	_ =	shalt  }
0x62: {  	_ =	shalt  }
0x63: {  	_ =	shalt  }
0x64: {  	_ =	shalt  }
0x65: {  	_ =	shalt  }
0x66: {  	_ =	shalt  }
0x67: {  	_ =	shalt  }
0x68: {  	_ =	shalt  }
0x69: {  	_ =	shalt  }
0x6a: {  	_ =	shalt  }
0x6b: {  	_ =	shalt  }
0x6c: {  	_ =	shalt  }
0x6d: {  	_ =	shalt  }
0x6e: {  	_ =	shalt  }
0x6f: {  	_ =	shalt  }
0x70: {  	_ =	shalt  }
0x71: {  	_ =	shalt  }
0x72: {  	_ =	shalt  }
0x73: {  	_ =	shalt  }
0x74: {  	_ =	shalt  }
0x75: {  	_ =	shalt  }
0x76: {  	_ =	shalt  }
0x77: {  	_ =	shalt  }
0x78: {  	_ =	shalt  }
0x79: {  	_ =	shalt  }
0x7a: {  	_ =	shalt  }
0x7b: {  	_ =	shalt  }
0x7c: {  	_ =	shalt  }
0x7d: {  	_ =	shalt  }
0x7e: {  	_ =	shalt  }
0x7f: {  	_ =	shalt  }
0x80: {  	_ =	shalt  }
0x81: {  	_ =	shalt  }
0x82: {  	_ =	shalt  }
0x83: {  	_ =	shalt  }
0x84: {  	_ =	shalt  }
0x85: {  	_ =	shalt  }
0x86: {  	_ =	shalt  }
0x87: {  	_ =	shalt  }
.Lfunc_end0:
.L_simem_size_0:
called_computation_lowered:
.L_overlay_start_0:
0x88: {  	s2 =	sld [smem:$0x3FD9]  }
0x89: {  	s3 =	sld [smem:$0x3FFE];
	_ =	sdelay $0x1  }
0x8a: {  	s1 =	srdreg.scid  }
0x8b: {  	s0 =	sand.u32 $0x1, s1  }
0x8c: {  	s17 =	sshll.u32 s0, $0xA;
	s2 =	sadd.s32 s3, s2  }
0x8d: {  	s2 =	sadd.s32 s2, s17  }
0x8e: {  	[smem:$0x3FC5] =	sst s2  }
0x8f: {  	_ = 	snop  }
0x90: {  	s2 =	sld [smem:$0x3FD0];
	(tm) =	ssettm $0x1  }
0x91: {  	s18 =	sld [smem:$0x3FFB];
	_ =	sdelay $0x3  }
0x92: {  	_ =	strace s18  }
0x93: {  	s3 =	sld [smem:$0x3FFC];
	_ =	sdelay $0x3  }
0x94: {  	_ =	strace s3  }
0x95: {  	s3 =	sld [smem:$0x3FFD];
	_ =	sdelay $0x3  }
0x96: {  	_ =	strace s3  }
0x97: {  	_ =	strace $0x8FFFFFFF  }
0x98: {  	s19 =	sld [smem:$0x3FDB];
	_ =	sdelay $0x1  }
0x99: {  	s4 =	simm.s32 $_scs_section_size  }
0x9a: {  	s5 =	simm.s32 $_size__tile_overlayer_lowered;
	s6 =	simm.s32 $_tile_overlayer_lowered  }
0x9b: {  	s22 =	simm.s32 $0x1BFF;
	s21 =	sshll.u32 s6, $0x1;
	s3 =	sadd.s32 s4, s19  }
0x9c: {  	s7 =	simm.s32 $0x0;
	s20 =	sshll.u32 s5, $0x1;
	s5 =	sadd.s32 s21, s3  }
0x9d: {  	[timem:s7], [sflag:s22] =	dma.local [hbm:s5], s20  }
0x9e: {  	_ =	swait.ge [sflag:s22], s20  }
0x9f: {  	s4 =	ssub.s32 $0x0, s20;
	[sflag:s22] =	ssyncset.done $0x0  }
0xa0: {  	[sflag:s22] =	ssyncadd.s32 s4;
	_ =	sdelay $0x1  }
0xa1: {  	s23 =	simm.s32 $0x1B8B  }
0xa2: {  	_ =	swait.ge [sflag:s23], $0x1  }
0xa3: {  	[sflag:s23] =	ssyncset.done $0x0  }
0xa4: {  	s25 =	simm.s32 $0x1B8E;
	s24 =	sld [smem:$0x3FFE];
	[sflag:s23] =	ssyncadd.s32 $0xFFFFFFFF  }
0xa5: {  	s26 =	simm.s32 $execute0_lowered;
	[smem:$0x3FD2] =	sst s25  }
0xa6: {  	s5 =	sshll.u32 s26, $0x1;
	_ =	strace $0x80000046;
	[dreg:$0x1] =	wrdreg $0xFFFFFFFF  }
0xa7: {  	s28 =	simm.s32 $_size_execute0_lowered;
	s3 =	sadd.s32 s3, s5;
	[dreg:$0x0] =	wrdreg $0x0  }
0xa8: {  	s5 =	sshll.u32 s28, $0x1;
	[dreg:$0x2] =	wrdreg s3  }
0xa9: {  	[dreg:$0x3] =	wrdreg s5  }
0xaa: {  	[dreg:$0x4] =	wrdreg $0xC0  }
0xab: {  	_ =	task [dreg:s7], $0x5FFFF  }
0xac: {  	[dreg:$0x1] =	wrdreg $0xFFFFFFFF  }
0xad: {  	[dreg:$0x0] =	wrdreg $0x60  }
0xae: {  	[dreg:$0x2] =	wrdreg s24  }
0xaf: {  	[dreg:$0x3] =	wrdreg s2  }
0xb0: {  	[dreg:$0x4] =	wrdreg $0x110000  }
0xb1: {  	[dreg:$0x5] =	wrdreg $0x9  }
0xb2: {  	_ =	task.clear_ibuf [dreg:s7], $0x6FFFF;
	_ =	strace $0x90000046  }
0xb3: {  	s29 =	simm.s32 $0x9;
	_ =	strace $0x80000048  }
0xb4: {  	_ =	swait.ge [sflag:s29], $0x1  }
0xb5: {  	[sflag:s29] =	ssyncadd.s32 $0xFFFFFFFF  }
0xb6: {  	_ =	strace $0x90000048  }
0xb7: {  	_ =	sfence  }
0xb8: {  	s30 =	sld [smem:$0x0];
	_ =	sdelay $0x2  }
0xb9: {  	s31 =	sshll.u32 s1, $0xD;
	s1 =	sshrl.u32 s1, $0x2  }
0xba: {  	s3 =	sand.u32 $0x4000, s31;
	s1 =	sadd.s32 s1, s30  }
0xbb: {  	s0 =	sor.u32 s3, s0;
	s1 =	sshll.u32 s1, $0x11  }
0xbc: {  	s0 =	sor.u32 s1, s0  }
0xbd: {  	s0 =	sadd.s32 $0x8F2B, s0  }
0xbe: {  	[sflag:s0] =	ssyncadd.remote.s32 $0x1  }
0xbf: {  	_ =	sfence.sel $0xFFFF  }
0xc0: {  	[dreg:$0x0] =	wrdreg $0xFFFFFFFF;
	(pc) =	sbr.abs _section_cstart, $3  }
0xc1: {  	[dreg:$0x1] =	wrdreg $0xFFFFFFFF  }
0xc2: {  	_ =	task.clear_ibuf [dreg:s7], $0x2FFFF;
	_ =	strace $0x9FFFFFFF  }
0xc3: {  	(tm) =	ssettm $0x7FFFFFFF  }
tec
execute0_lowered:
.L_overlay_start_1:
0x0: {  	(tag) =	ssettag $0x1  }
0x1: {  	s0 =	rddreg [dreg:$0x0]  }
0x2: {  	s1 =	rddreg [dreg:$0x1]  }
0x3: {  	s2 =	rddreg [dreg:$0x2]  }
0x4: {  	s3 =	simm.s32 $0x0;
	s12 =	stileid.u32;
	s6 =	srdreg.scid  }
0x5: {  	s19 =	simm.s32 $0x9000;
	s20 =	simm.s32 $0xB;
	s7 =	smul.u32 $0x27100, s12  }
0x6: {  	[smem:$0x7FF] =	sst s3;
	s4 =	sadd.s32 $0x1DE00, s0;
	s8 =	smul.u32 $0x5000, s12  }
0x7: {  	s5 =	sadd.s32 $0x13E00, s0;
	s9 =	sand.u32 $0x1, s6;
	s6 =	sadd.s32 $0x27E00, s0  }
0x8: {  	_ =	strace $0x80000047;
	s10 =	ssub.s32 $0x2, s9;
	s25 =	sshrl.u32 s8, $0x3  }
0x9: {  	s7 =	sshrl.u32 s7, $0x2;
	s11 =	sshrl.u32 s10, $0x1;
	s26 =	sadd.s32 s4, s25  }
0xa: {  	s7 =	sadd.s32 s7, s2;
	s14 =	sadd.s32 s5, s25;
	[dreg:$0x8] =	wrdreg s26  }
0xb: {  	s10 =	ssub.s32 s10, s11;
	s11 =	sadd.s32 s6, s25;
	[dreg:$0x9] =	wrdreg s14  }
0xc: {  	s12 =	smul.u32 $0x13880, s12;
	s22 =	sadd.s32 $0x1F40, s7;
	[dreg:$0xa] =	wrdreg s11  }
0xd: {  	s28 =	sshll.u32 s9, $0x6;
	s23 =	sadd.s32 $0x3E80, s7;
	[dreg:$0x4] =	wrdreg s22  }
0xe: {  	s29 =	sor.u32 s28, s12;
	s24 =	sadd.s32 $0x5DC0, s7;
	[dreg:$0x5] =	wrdreg s23  }
0xf: {  	s30 =	sshrl.u32 s29, $0x3;
	s13 =	sadd.s32 $0x7D00, s7;
	[dreg:$0x6] =	wrdreg s24  }
0x10: {  	p0 =	seq.s32 s9, $0x0;
	s1 =	sadd.s32 s1, s30;
	[dreg:$0x7] =	wrdreg s13  }
0x11: {  	s11 =	simm.s32 $0xA000;
	s31 =	smax.u32 s10, $0x1;
	[dreg:$0xb] =	wrdreg s1  }
0x12: {  	s21 =	simm.s32 $0xD;
	[dreg:$0xc] =	wrdreg s31;
	s11 =	simm.s32 @!p0 $0x200  }
0x13: {  	v0 =	vimm.f32 $0.0e+00;
	s24 =	simm.s32 $0x80;
	s18 =	sadd.s32 s11, s0;
	s0 =	simm.s32 $0x8  }
.LBB2_1:
0x14: {  	s9 =	simm.s32 $0x100;
	s1 =	simm.s32 $0x0  }
.LBB2_2:
0x15: {  	p0 =	sne.s32 s9, $0x7C00;
	[tilespmem:s1+$0x9030] =	vst v0;
	s10 =	smov.u32 s9;
	s9 =	sadd.s32 $0x100, s9  }
.Ltmp0:
0x16: {  	[tilespmem:s1+$0x9020] =	vst v0;
	(pc) =	sbr.rel @p0 .LBB2_2-.Ltmp0, $3  }
0x17: {  	[tilespmem:s1+$0x9000] =	vst v0  }
0x18: {  	[tilespmem:s1+$0x9010] =	vst v0;
	_ =	sdelay $0x1  }
0x19: {  	s1 =	sshra.s32 s10, $0x2  }
0x1a: {  	[tilespmem:s1+$0x9030] =	vst v0  }
0x1b: {  	[tilespmem:s1+$0x9020] =	vst v0  }
0x1c: {  	[tilespmem:s1+$0x9000] =	vst v0  }
0x1d: {  	[tilespmem:s1+$0x9010] =	vst v0  }
0x1e: {  	[spmem:s7] =	stream.linear.scatter [tilespmem:s19], [sflag:$0xB], $0x1F40, $0x38;
	[tilespmem:$0x1AC40] =	vst v63  }
0x1f: {  	s10 =	rddreg [dreg:$0x4]  }
0x20: {  	[spmem:s10] =	stream.linear.scatter [tilespmem:s19], [sflag:$0xB], $0x1F40, $0x38;
	[tilespmem:$0x1AC40] =	vst v63  }
0x21: {  	s11 =	rddreg [dreg:$0x5]  }
0x22: {  	[spmem:s11] =	stream.linear.scatter [tilespmem:s19], [sflag:$0xB], $0x1F40, $0x38;
	[tilespmem:$0x1AC40] =	vst v63  }
0x23: {  	s12 =	rddreg [dreg:$0x6]  }
0x24: {  	[spmem:s12] =	stream.linear.scatter [tilespmem:s19], [sflag:$0xB], $0x1F40, $0x38;
	[tilespmem:$0x1AC40] =	vst v63  }
0x25: {  	s13 =	rddreg [dreg:$0x7]  }
0x26: {  	[spmem:s13] =	stream.linear.scatter [tilespmem:s19], [sflag:$0xB], $0x1F40, $0x38;
	[tilespmem:$0x1AC40] =	vst v63  }
0x27: {  	_ =	swait.ge [sflag:s20], $0x1F40  }
0x28: {  	[sflag:s20] =	ssyncset.done $0x0  }
0x29: {  	[sflag:s20] =	ssyncadd.s32 $0xFFFFE0C0  }
0x2a: {  	_ =	swait.ge [sflag:s20], $0x1F40  }
0x2b: {  	[sflag:s20] =	ssyncset.done $0x0  }
0x2c: {  	[sflag:s20] =	ssyncadd.s32 $0xFFFFE0C0  }
0x2d: {  	_ =	swait.ge [sflag:s20], $0x1F40  }
0x2e: {  	[sflag:s20] =	ssyncset.done $0x0  }
0x2f: {  	[sflag:s20] =	ssyncadd.s32 $0xFFFFE0C0  }
0x30: {  	_ =	swait.ge [sflag:s20], $0x1F40  }
0x31: {  	[sflag:s20] =	ssyncset.done $0x0  }
0x32: {  	[sflag:s20] =	ssyncadd.s32 $0xFFFFE0C0  }
0x33: {  	_ =	swait.ge [sflag:s20], $0x1F40  }
0x34: {  	[sflag:s20] =	ssyncset.done $0x0  }
0x35: {  	[sflag:s20] =	ssyncadd.s32 $0xFFFFE0C0  }
0x36: {  	[bflag:$0x0] =	sbarrier.arrive $0xFFFF  }
0x37: {  	s28 =	simm.s32 $0x0;
	s14 =	rddreg [dreg:$0x8]  }
0x38: {  	[tilespmem:s28], [sflag:$0xD] =	stream.linear.gather [hbm4b:s14+s28], $0x800, $0x38;
	[tilespmem:$0x1AC40] =	vst v63  }
0x39: {  	_ =	swait.ge [sflag:s21], $0x800  }
0x3a: {  	[sflag:s21] =	ssyncset.done $0x0  }
0x3b: {  	s9 =	simm.s32 $0x1000;
	s15 =	rddreg [dreg:$0x9];
	[sflag:s21] =	ssyncadd.s32 $0xFFFFF800  }
0x3c: {  	[tilespmem:s9], [sflag:$0xD] =	stream.linear.gather [hbm4b:s15+s28], $0x800, $0x38;
	[tilespmem:$0x1AC40] =	vst v63  }
0x3d: {  	_ =	swait.ge [sflag:s21], $0x800  }
0x3e: {  	[sflag:s21] =	ssyncset.done $0x0  }
0x3f: {  	s17 =	simm.s32 $0x2000;
	s16 =	rddreg [dreg:$0xa];
	[sflag:s21] =	ssyncadd.s32 $0xFFFFF800  }
0x40: {  	[tilespmem:s17], [sflag:$0xD] =	stream.linear.gather [hbm4b:s16+s28], $0x800, $0x38;
	[tilespmem:$0x1AC40] =	vst v63  }
0x41: {  	_ =	swait.ge [sflag:s21], $0x800  }
0x42: {  	[sflag:s21] =	ssyncset.done $0x0  }
0x43: {  	s31 =	simm.s32 $0x3000;
	[sflag:s21] =	ssyncadd.s32 $0xFFFFF800  }
0x44: {  	[tilespmem:s31], [sflag:$0x1] =	stream.indirect.gather [hbm4b:s18+s24], $0x20, s28, s24, $0xb8;
	[tilespmem:$0x1AC40] =	vst v63  }
0x45: {  	s22 =	simm.s32 $0x4000  }
0x46: {  	[tilespmem:s22], [sflag:$0x2] =	stream.indirect.gather [hbm4b:s18+s24], $0x20, s24, s24, $0xb8;
	[tilespmem:$0x1AC40] =	vst v63  }
0x47: {  	s23 =	simm.s32 $0x100;
	s25 =	simm.s32 $0x5000;
	s26 =	simm.s32 $0x180  }
0x48: {  	[tilespmem:s25], [sflag:$0x3] =	stream.indirect.gather [hbm4b:s18+s24], $0x20, s23, s24, $0xb8;
	[tilespmem:$0x1AC40] =	vst v63  }
0x49: {  	s29 =	simm.s32 $0x6000;
	s30 =	simm.s32 $0x0;
	s25 =	simm.s32 $0x0  }
0x4a: {  	[tilespmem:s29], [sflag:$0x4] =	stream.indirect.gather [hbm4b:s18+s24], $0x20, s26, s24, $0xb8;
	[tilespmem:$0x1AC40] =	vst v63  }
.LBB2_4:
0x4b: {  	s1 =	sadd.s32 $0x4, s25;
	p0 =	sgt.u32 s25, $0x9B  }
0x4c: {  	s9 =	sand.u32 @!p0 $0xF, s1  }
0x4d: {  	p1 =	sne.s32 @!p0 s9, $0x0  }
0x4e: {  	p1 =	por p1, p0  }
0x4f: {  	s10 =	sshrl.u32 @!p1 s1, $0x4  }
0x50: {  	s10 =	sand.u32 @!p1 $0x1, s10  }
0x51: {  	s11 =	smul.u32 @!p0 $0xAB, s1;
	s10 =	sadd.s32 @!p1 $0xB, s10  }
0x52: {  	_ =	swait.ge @!p1 [sflag:s10], $0x800  }
0x53: {  	s11 =	sshrl.u32 @!p0 s11, $0xA;
	[sflag:s10] =	ssyncset.done @!p1 $0x0  }
0x54: {  	s11 =	sand.u32 @!p0 $0x3F, s11;
	[sflag:s10] =	ssyncadd.s32 @!p1 $0xFFFFF800  }
0x55: {  	s11 =	smul.u32 @!p0 $0x6, s11;
	_ =	swait.ge @!p1 [sflag:s10], $0x800  }
0x56: {  	s12 =	sand.u32 $0xF, s25;
	s9 =	sshll.u32 @!p0 s9, $0x7;
	[sflag:s10] =	ssyncset.done @!p1 $0x0  }
0x57: {  	s11 =	ssub.s32 @!p0 s1, s11;
	s1 =	sshll.u32 @!p0 s1, $0x7;
	[sflag:s10] =	ssyncadd.s32 @!p1 $0xFFFFF800  }
0x58: {  	s11 =	sand.u32 @!p0 $0xFF, s11;
	s1 =	sand.u32 @!p0 $0x800, s1;
	_ =	swait.ge @!p1 [sflag:s10], $0x800  }
0x59: {  	s1 =	sor.u32 @!p0 s9, s1;
	s9 =	sadd.s32 @!p0 $0x1, s11;
	[sflag:s10] =	ssyncset.done @!p1 $0x0  }
0x5a: {  	[sflag:s10] =	ssyncadd.s32 @!p1 $0xFFFFF800;
	s10 =	sshll.u32 @!p0 s11, $0xC;
	p1 =	sgt.u32 @!p0 s25, $0x8F  }
0x5b: {  	s11 =	simm.s32 @!p0 $0x80;
	s10 =	sadd.s32 @!p0 $0x3000, s10;
	p2 =	por p1, p0  }
0x5c: {  	[tilespmem:s10], [sflag:s9] =	stream.indirect.gather @!p0 [hbm4b:s18+s11], $0x20, s1, s11, $0xb8;
	[tilespmem:$0x1AC40] =	vst v63  }
0x5d: {  	s17 =	smul.u32 $0xAB, s25;
	p2 =	sne.s32 @!p2 s12, $0x3  }
0x5e: {  	s16 =	smulhi.u32 $0xAAAAAAAB, s25;
	s13 =	sshll.u32 s25, $0x9;
	p1 =	por @!p0 p2, p1  }
0x5f: {  	s11 =	sshrl.u32 s25, $0x4;
	s9 =	sshrl.u32 s17, $0xA;
	p0 =	por p1, p0  }
0x60: {  	s23 =	sand.u32 $0xF, s30;
	s9 =	sand.u32 $0x3F, s9;
	s10 =	sadd.s32 @!p0 $0x1, s11  }
0x61: {  	s1 =	sshrl.u32 s16, $0x2;
	s9 =	smul.u32 $0x6, s9;
	s14 =	sshll.u32 @!p0 s10, $0xB  }
0x62: {  	s1 =	smul.u32 $0xFFFE8000, s1;
	s17 =	simm.s32 @!p0 $0x0;
	s14 =	sadd.s32 @!p0 s8, s14  }
0x63: {  	s10 =	sand.u32 @!p0 $0x1, s10;
	s9 =	ssub.s32 s25, s9;
	s14 =	sshrl.u32 @!p0 s14, $0x3  }
0x64: {  	s15 =	sadd.s32 @!p0 $0xB, s10;
	s10 =	sshll.u32 @!p0 s10, $0xB;
	s16 =	sadd.s32 @!p0 s4, s14  }
0x65: {  	[tilespmem:s10], [sflag:s15] =	stream.linear.gather @!p0 [hbm4b:s16+s17], $0x800, $0x38;
	[tilespmem:$0x1AC40] =	vst v63  }
0x66: {  	s9 =	sand.u32 $0xFF, s9;
	s22 =	sadd.s32 @!p0 s5, s14;
	s16 =	sor.u32 @!p0 $0x1000, s10  }
0x67: {  	[tilespmem:s16], [sflag:s15] =	stream.linear.gather @!p0 [hbm4b:s22+s17], $0x800, $0x38;
	[tilespmem:$0x1AC40] =	vst v63  }
0x68: {  	s9 =	sadd.s32 $0x1, s9;
	s14 =	sadd.s32 @!p0 s6, s14;
	s10 =	sor.u32 @!p0 $0x2000, s10  }
0x69: {  	[tilespmem:s10], [sflag:s15] =	stream.linear.gather @!p0 [hbm4b:s14+s17], $0x800, $0x38;
	[tilespmem:$0x1AC40] =	vst v63  }
0x6a: {  	s26 =	sand.u32 $0x3, s25;
	s1 =	sshra.s32 s1, $0x2;
	_ =	swait.ge [sflag:s9], $0x1000  }
0x6b: {  	s22 =	sand.u32 $0x2000, s13;
	p0 =	slt.u32 s25, $0x4;
	[sflag:s9] =	ssyncset.done $0x0  }
0x6c: {  	v1 =	vmov s1;
	s13 =	sshll.u32 s23, $0x9;
	s14 =	sadd.s32 @!p0 $0x7, s26;
	[sflag:s9] =	ssyncadd.s32 $0xFFFFF000  }
0x6d: {  	s10 =	sor.u32 s13, s22;
	_ =	swait.ge @!p0 [sflag:s14], $0x2000  }
0x6e: {  	s1 =	sshrl.u32 s10, $0x2;
	[sflag:s14] =	ssyncset.done @!p0 $0x0  }
0x6f: {  	s13 =	sor.u32 $0x2010, s1;
	[sflag:s14] =	ssyncadd.s32 @!p0 $0xFFFFE000  }
0x70: {  	v5 =	vld [tilespmem:s13+$0x0]  }
0x71: {  	v2 =	vld.idx.msk [tilespmem:v1+s31+$0x200 ss:$0x1], $0xffff;
	_ =	sdelay $0x3  }
0x72: {  	v3 =	vbroadcast v5, $0x0  }
0x73: {  	s15 =	sand.u32 $0x3, s28;
	v4 =	vshll.u32 v2, $0x10  }
0x74: {  	s1 =	sshll.u32 s15, $0xD;
	v2 =	vand.u32 $0xFFFF0000, v2;
	v4 =	vmul.f32 v4, v3  }
0x75: {  	s1 =	sor.u32 $0x9400, s1;
	v2 =	vmul.f32 v2, v3  }
0x76: {  	[tilespmem:s1+$0x0] =	vst v4  }
0x77: {  	[tilespmem:s1+$0x10] =	vst v2  }
0x78: {  	v2 =	vld.idx.msk [tilespmem:v1+s31+$0x210 ss:$0x1], $0xffff;
	_ =	sdelay $0x4  }
0x79: {  	v4 =	vshll.u32 v2, $0x10  }
0x7a: {  	v2 =	vand.u32 $0xFFFF0000, v2;
	v4 =	vmul.f32 v4, v3  }
0x7b: {  	v2 =	vmul.f32 v2, v3  }
0x7c: {  	[tilespmem:s1+$0x20] =	vst v4  }
0x7d: {  	[tilespmem:s1+$0x30] =	vst v2  }
0x7e: {  	v2 =	vld.idx.msk [tilespmem:v1+s31+$0x220 ss:$0x1], $0xffff;
	_ =	sdelay $0x3  }
0x7f: {  	v3 =	vbroadcast v5, $0x1  }
0x80: {  	v4 =	vshll.u32 v2, $0x10  }
0x81: {  	v2 =	vand.u32 $0xFFFF0000, v2;
	v4 =	vmul.f32 v4, v3  }
0x82: {  	v2 =	vmul.f32 v2, v3  }
0x83: {  	[tilespmem:s1+$0x40] =	vst v4  }
0x84: {  	[tilespmem:s1+$0x50] =	vst v2  }
0x85: {  	v2 =	vld.idx.msk [tilespmem:v1+s31+$0x230 ss:$0x1], $0xffff  }
0x86: {  	v4 =	vld [tilespmem:s13+$0xFFFFFFF0]  }
0x87: {  	v6 =	vld.idx.msk [tilespmem:v1+s31+$0x0 ss:$0x1], $0xffff;
	_ =	sdelay $0x2  }
0x88: {  	v7 =	vshll.u32 v2, $0x10  }
0x89: {  	v8 =	vbroadcast v4, $0x0;
	v2 =	vand.u32 $0xFFFF0000, v2;
	v7 =	vmul.f32 v7, v3  }
0x8a: {  	v9 =	vshll.u32 v6, $0x10;
	v2 =	vmul.f32 v2, v3  }
0x8b: {  	v3 =	vand.u32 $0xFFFF0000, v6;
	v6 =	vmul.f32 v9, v8;
	[tilespmem:s1+$0x60] =	vst v7  }
0x8c: {  	v3 =	vmul.f32 v3, v8;
	[tilespmem:s1+$0x70] =	vst v2  }
0x8d: {  	[tilespmem:s1+$0xFFFFFC00] =	vst v6;
	v2 =	vld.idx.msk [tilespmem:v1+s31+$0x240 ss:$0x1], $0xffff  }
0x8e: {  	[tilespmem:s1+$0xFFFFFC10] =	vst v3  }
0x8f: {  	v3 =	vld.idx.msk [tilespmem:v1+s31+$0x10 ss:$0x1], $0xffff;
	_ =	sdelay $0x1  }
0x90: {  	v6 =	vbroadcast v5, $0x2  }
0x91: {  	v7 =	vshll.u32 v2, $0x10  }
0x92: {  	v2 =	vand.u32 $0xFFFF0000, v2;
	v7 =	vmul.f32 v7, v6  }
0x93: {  	v9 =	vshll.u32 v3, $0x10;
	v2 =	vmul.f32 v2, v6  }
0x94: {  	v3 =	vand.u32 $0xFFFF0000, v3;
	v9 =	vmul.f32 v9, v8;
	[tilespmem:s1+$0x80] =	vst v7  }
0x95: {  	v3 =	vmul.f32 v3, v8;
	[tilespmem:s1+$0x90] =	vst v2  }
0x96: {  	[tilespmem:s1+$0xFFFFFC20] =	vst v9;
	v2 =	vld.idx.msk [tilespmem:v1+s31+$0x250 ss:$0x1], $0xffff  }
0x97: {  	[tilespmem:s1+$0xFFFFFC30] =	vst v3  }
0x98: {  	v3 =	vld.idx.msk [tilespmem:v1+s31+$0x20 ss:$0x1], $0xffff;
	_ =	sdelay $0x2  }
0x99: {  	v7 =	vshll.u32 v2, $0x10  }
0x9a: {  	v8 =	vbroadcast v4, $0x1;
	v2 =	vand.u32 $0xFFFF0000, v2;
	v7 =	vmul.f32 v7, v6  }
0x9b: {  	v9 =	vshll.u32 v3, $0x10;
	v2 =	vmul.f32 v2, v6  }
0x9c: {  	v3 =	vand.u32 $0xFFFF0000, v3;
	v6 =	vmul.f32 v9, v8;
	[tilespmem:s1+$0xA0] =	vst v7  }
0x9d: {  	v3 =	vmul.f32 v3, v8;
	[tilespmem:s1+$0xB0] =	vst v2  }
0x9e: {  	[tilespmem:s1+$0xFFFFFC40] =	vst v6;
	v2 =	vld.idx.msk [tilespmem:v1+s31+$0x260 ss:$0x1], $0xffff  }
0x9f: {  	[tilespmem:s1+$0xFFFFFC50] =	vst v3  }
0xa0: {  	v3 =	vld.idx.msk [tilespmem:v1+s31+$0x30 ss:$0x1], $0xffff;
	_ =	sdelay $0x1  }
0xa1: {  	v6 =	vbroadcast v5, $0x3  }
0xa2: {  	v7 =	vshll.u32 v2, $0x10  }
0xa3: {  	v2 =	vand.u32 $0xFFFF0000, v2;
	v7 =	vmul.f32 v7, v6  }
0xa4: {  	v9 =	vshll.u32 v3, $0x10;
	v2 =	vmul.f32 v2, v6  }
0xa5: {  	v3 =	vand.u32 $0xFFFF0000, v3;
	v9 =	vmul.f32 v9, v8;
	[tilespmem:s1+$0xC0] =	vst v7  }
0xa6: {  	v3 =	vmul.f32 v3, v8;
	[tilespmem:s1+$0xD0] =	vst v2  }
0xa7: {  	[tilespmem:s1+$0xFFFFFC60] =	vst v9;
	v2 =	vld.idx.msk [tilespmem:v1+s31+$0x270 ss:$0x1], $0xffff  }
0xa8: {  	[tilespmem:s1+$0xFFFFFC70] =	vst v3  }
0xa9: {  	v3 =	vld.idx.msk [tilespmem:v1+s31+$0x40 ss:$0x1], $0xffff;
	_ =	sdelay $0x2  }
0xaa: {  	v7 =	vshll.u32 v2, $0x10  }
0xab: {  	v8 =	vbroadcast v4, $0x2;
	v2 =	vand.u32 $0xFFFF0000, v2;
	v7 =	vmul.f32 v7, v6  }
0xac: {  	v9 =	vshll.u32 v3, $0x10;
	v2 =	vmul.f32 v2, v6  }
0xad: {  	v3 =	vand.u32 $0xFFFF0000, v3;
	v6 =	vmul.f32 v9, v8;
	[tilespmem:s1+$0xE0] =	vst v7  }
0xae: {  	v3 =	vmul.f32 v3, v8;
	[tilespmem:s1+$0xF0] =	vst v2  }
0xaf: {  	[tilespmem:s1+$0xFFFFFC80] =	vst v6;
	v2 =	vld.idx.msk [tilespmem:v1+s31+$0x280 ss:$0x1], $0xffff  }
0xb0: {  	[tilespmem:s1+$0xFFFFFC90] =	vst v3  }
0xb1: {  	v3 =	vld.idx.msk [tilespmem:v1+s31+$0x50 ss:$0x1], $0xffff;
	_ =	sdelay $0x1  }
0xb2: {  	v6 =	vbroadcast v5, $0x4  }
0xb3: {  	v7 =	vshll.u32 v2, $0x10  }
0xb4: {  	v2 =	vand.u32 $0xFFFF0000, v2;
	v7 =	vmul.f32 v7, v6  }
0xb5: {  	v9 =	vshll.u32 v3, $0x10;
	v2 =	vmul.f32 v2, v6  }
0xb6: {  	v3 =	vand.u32 $0xFFFF0000, v3;
	v9 =	vmul.f32 v9, v8;
	[tilespmem:s1+$0x100] =	vst v7  }
0xb7: {  	v3 =	vmul.f32 v3, v8;
	[tilespmem:s1+$0x110] =	vst v2  }
0xb8: {  	[tilespmem:s1+$0xFFFFFCA0] =	vst v9;
	v2 =	vld.idx.msk [tilespmem:v1+s31+$0x290 ss:$0x1], $0xffff  }
0xb9: {  	[tilespmem:s1+$0xFFFFFCB0] =	vst v3  }
0xba: {  	v3 =	vld.idx.msk [tilespmem:v1+s31+$0x60 ss:$0x1], $0xffff;
	_ =	sdelay $0x2  }
0xbb: {  	v7 =	vshll.u32 v2, $0x10  }
0xbc: {  	v8 =	vbroadcast v4, $0x3;
	v2 =	vand.u32 $0xFFFF0000, v2;
	v7 =	vmul.f32 v7, v6  }
0xbd: {  	v9 =	vshll.u32 v3, $0x10;
	v2 =	vmul.f32 v2, v6  }
0xbe: {  	v3 =	vand.u32 $0xFFFF0000, v3;
	v6 =	vmul.f32 v9, v8;
	[tilespmem:s1+$0x120] =	vst v7  }
0xbf: {  	v3 =	vmul.f32 v3, v8;
	[tilespmem:s1+$0x130] =	vst v2  }
0xc0: {  	[tilespmem:s1+$0xFFFFFCC0] =	vst v6;
	v2 =	vld.idx.msk [tilespmem:v1+s31+$0x2A0 ss:$0x1], $0xffff  }
0xc1: {  	[tilespmem:s1+$0xFFFFFCD0] =	vst v3  }
0xc2: {  	v3 =	vld.idx.msk [tilespmem:v1+s31+$0x70 ss:$0x1], $0xffff;
	_ =	sdelay $0x1  }
0xc3: {  	v6 =	vbroadcast v5, $0x5  }
0xc4: {  	v7 =	vshll.u32 v2, $0x10  }
0xc5: {  	v2 =	vand.u32 $0xFFFF0000, v2;
	v7 =	vmul.f32 v7, v6  }
0xc6: {  	v9 =	vshll.u32 v3, $0x10;
	v2 =	vmul.f32 v2, v6  }
0xc7: {  	v3 =	vand.u32 $0xFFFF0000, v3;
	v9 =	vmul.f32 v9, v8;
	[tilespmem:s1+$0x140] =	vst v7  }
0xc8: {  	v3 =	vmul.f32 v3, v8;
	[tilespmem:s1+$0x150] =	vst v2  }
0xc9: {  	[tilespmem:s1+$0xFFFFFCE0] =	vst v9;
	v7 =	vld.idx.msk [tilespmem:v1+s31+$0x2B0 ss:$0x1], $0xffff  }
0xca: {  	[tilespmem:s1+$0xFFFFFCF0] =	vst v3  }
0xcb: {  	v3 =	vld.idx.msk [tilespmem:v1+s31+$0x80 ss:$0x1], $0xffff;
	_ =	sdelay $0x2  }
0xcc: {  	s16 =	sadd.s32 $0x20, s13;
	v8 =	vshll.u32 v7, $0x10  }
0xcd: {  	s10 =	sadd.s32 $0x400, s31;
	v2 =	vld [tilespmem:s16+$0x0];
	v9 =	vbroadcast v4, $0x4;
	v7 =	vand.u32 $0xFFFF0000, v7;
	v8 =	vmul.f32 v8, v6  }
0xce: {  	v11 =	vld.idx.msk [tilespmem:v1+s10+$0x200 ss:$0x1], $0xffff;
	v10 =	vshll.u32 v3, $0x10;
	v6 =	vmul.f32 v7, v6  }
0xcf: {  	v3 =	vand.u32 $0xFFFF0000, v3;
	v7 =	vmul.f32 v10, v9;
	[tilespmem:s1+$0x160] =	vst v8  }
0xd0: {  	v3 =	vmul.f32 v3, v9;
	[tilespmem:s1+$0x170] =	vst v6  }
0xd1: {  	[tilespmem:s1+$0xFFFFFD00] =	vst v7;
	v6 =	vld.idx.msk [tilespmem:v1+s31+$0x2C0 ss:$0x1], $0xffff  }
0xd2: {  	[tilespmem:s1+$0xFFFFFD10] =	vst v3;
	v3 =	vbroadcast v2, $0x0  }
0xd3: {  	v7 =	vshll.u32 v11, $0x10;
	v8 =	vld.idx.msk [tilespmem:v1+s31+$0x90 ss:$0x1], $0xffff  }
0xd4: {  	v10 =	vand.u32 $0xFFFF0000, v11;
	v11 =	vmul.f32 v7, v3  }
0xd5: {  	s9 =	sadd.s32 $0x800, s1;
	v12 =	vbroadcast v5, $0x6;
	v7 =	vld [tilespmem:s16+$0xFFFFFFF0];
	v10 =	vmul.f32 v10, v3  }
0xd6: {  	v13 =	vld.idx.msk [tilespmem:v1+s10+$0x0 ss:$0x1], $0xffff;
	[tilespmem:s9+$0x0] =	vst v11;
	v11 =	vshll.u32 v6, $0x10  }
0xd7: {  	[tilespmem:s9+$0x10] =	vst v10;
	v6 =	vand.u32 $0xFFFF0000, v6;
	v10 =	vmul.f32 v11, v12  }
0xd8: {  	v14 =	vld.idx.msk [tilespmem:v1+s10+$0x210 ss:$0x1], $0xffff;
	v11 =	vshll.u32 v8, $0x10;
	v6 =	vmul.f32 v6, v12  }
0xd9: {  	v8 =	vand.u32 $0xFFFF0000, v8;
	v11 =	vmul.f32 v11, v9;
	[tilespmem:s1+$0x180] =	vst v10  }
0xda: {  	v8 =	vmul.f32 v8, v9;
	v9 =	vbroadcast v7, $0x0;
	[tilespmem:s1+$0x190] =	vst v6  }
0xdb: {  	v6 =	vshll.u32 v13, $0x10;
	[tilespmem:s1+$0xFFFFFD20] =	vst v11;
	v10 =	vld.idx.msk [tilespmem:v1+s31+$0x2D0 ss:$0x1], $0xffff  }
0xdc: {  	[tilespmem:s1+$0xFFFFFD30] =	vst v8;
	v8 =	vand.u32 $0xFFFF0000, v13;
	v6 =	vmul.f32 v6, v9  }
0xdd: {  	v11 =	vld.idx.msk [tilespmem:v1+s31+$0xA0 ss:$0x1], $0xffff;
	v8 =	vmul.f32 v8, v9;
	v13 =	vshll.u32 v14, $0x10  }
0xde: {  	[tilespmem:s9+$0xFFFFFC00] =	vst v6;
	v6 =	vand.u32 $0xFFFF0000, v14;
	v13 =	vmul.f32 v13, v3  }
0xdf: {  	[tilespmem:s9+$0xFFFFFC10] =	vst v8;
	v3 =	vmul.f32 v6, v3  }
0xe0: {  	v6 =	vld.idx.msk [tilespmem:v1+s10+$0x10 ss:$0x1], $0xffff;
	[tilespmem:s9+$0x20] =	vst v13;
	v8 =	vshll.u32 v10, $0x10  }
0xe1: {  	v13 =	vbroadcast v4, $0x5;
	[tilespmem:s9+$0x30] =	vst v3;
	v3 =	vand.u32 $0xFFFF0000, v10;
	v8 =	vmul.f32 v8, v12  }
0xe2: {  	v10 =	vshll.u32 v11, $0x10;
	v14 =	vld.idx.msk [tilespmem:v1+s10+$0x220 ss:$0x1], $0xffff;
	v3 =	vmul.f32 v3, v12  }
0xe3: {  	v11 =	vand.u32 $0xFFFF0000, v11;
	v10 =	vmul.f32 v10, v13;
	[tilespmem:s1+$0x1A0] =	vst v8  }
0xe4: {  	v8 =	vmul.f32 v11, v13;
	[tilespmem:s1+$0x1B0] =	vst v3  }
0xe5: {  	[tilespmem:s1+$0xFFFFFD40] =	vst v10;
	v3 =	vshll.u32 v6, $0x10;
	v10 =	vld.idx.msk [tilespmem:v1+s31+$0x2E0 ss:$0x1], $0xffff  }
0xe6: {  	v6 =	vand.u32 $0xFFFF0000, v6;
	[tilespmem:s1+$0xFFFFFD50] =	vst v8;
	v3 =	vmul.f32 v3, v9;
	v8 =	vbroadcast v2, $0x1  }
0xe7: {  	v6 =	vmul.f32 v6, v9;
	v11 =	vld.idx.msk [tilespmem:v1+s31+$0xB0 ss:$0x1], $0xffff;
	v9 =	vshll.u32 v14, $0x10  }
0xe8: {  	[tilespmem:s9+$0xFFFFFC20] =	vst v3;
	v3 =	vand.u32 $0xFFFF0000, v14;
	v9 =	vmul.f32 v9, v8  }
0xe9: {  	[tilespmem:s9+$0xFFFFFC30] =	vst v6;
	v6 =	vbroadcast v5, $0x7;
	v3 =	vmul.f32 v3, v8  }
0xea: {  	v12 =	vld.idx.msk [tilespmem:v1+s10+$0x20 ss:$0x1], $0xffff;
	[tilespmem:s9+$0x40] =	vst v9;
	v9 =	vshll.u32 v10, $0x10  }
0xeb: {  	[tilespmem:s9+$0x50] =	vst v3;
	v3 =	vand.u32 $0xFFFF0000, v10;
	v9 =	vmul.f32 v9, v6  }
0xec: {  	v10 =	vshll.u32 v11, $0x10;
	v14 =	vld.idx.msk [tilespmem:v1+s10+$0x230 ss:$0x1], $0xffff;
	v3 =	vmul.f32 v3, v6  }
0xed: {  	v11 =	vand.u32 $0xFFFF0000, v11;
	v10 =	vmul.f32 v10, v13;
	[tilespmem:s1+$0x1C0] =	vst v9  }
0xee: {  	v9 =	vbroadcast v7, $0x1;
	v11 =	vmul.f32 v11, v13;
	[tilespmem:s1+$0x1D0] =	vst v3  }
0xef: {  	v3 =	vshll.u32 v12, $0x10;
	[tilespmem:s1+$0xFFFFFD60] =	vst v10;
	v10 =	vld.idx.msk [tilespmem:v1+s31+$0x2F0 ss:$0x1], $0xffff  }
0xf0: {  	[tilespmem:s1+$0xFFFFFD70] =	vst v11;
	v11 =	vand.u32 $0xFFFF0000, v12;
	v3 =	vmul.f32 v3, v9  }
0xf1: {  	v12 =	vld.idx.msk [tilespmem:v1+s31+$0xC0 ss:$0x1], $0xffff;
	v11 =	vmul.f32 v11, v9;
	v13 =	vshll.u32 v14, $0x10  }
0xf2: {  	[tilespmem:s9+$0xFFFFFC40] =	vst v3;
	v3 =	vand.u32 $0xFFFF0000, v14;
	v13 =	vmul.f32 v13, v8  }
0xf3: {  	[tilespmem:s9+$0xFFFFFC50] =	vst v11;
	v3 =	vmul.f32 v3, v8  }
0xf4: {  	v8 =	vld.idx.msk [tilespmem:v1+s10+$0x30 ss:$0x1], $0xffff;
	[tilespmem:s9+$0x60] =	vst v13;
	v11 =	vshll.u32 v10, $0x10  }
0xf5: {  	v13 =	vbroadcast v4, $0x6;
	[tilespmem:s9+$0x70] =	vst v3;
	v3 =	vand.u32 $0xFFFF0000, v10;
	v10 =	vmul.f32 v11, v6  }
0xf6: {  	v11 =	vshll.u32 v12, $0x10;
	v14 =	vld.idx.msk [tilespmem:v1+s10+$0x240 ss:$0x1], $0xffff;
	v3 =	vmul.f32 v3, v6  }
0xf7: {  	v6 =	vand.u32 $0xFFFF0000, v12;
	v11 =	vmul.f32 v11, v13;
	[tilespmem:s1+$0x1E0] =	vst v10  }
0xf8: {  	v6 =	vmul.f32 v6, v13;
	[tilespmem:s1+$0x1F0] =	vst v3  }
0xf9: {  	[tilespmem:s1+$0xFFFFFD80] =	vst v11;
	v3 =	vshll.u32 v8, $0x10;
	v10 =	vld.idx.msk [tilespmem:v1+s31+$0x300 ss:$0x1], $0xffff  }
0xfa: {  	[tilespmem:s1+$0xFFFFFD90] =	vst v6;
	v6 =	vand.u32 $0xFFFF0000, v8;
	v8 =	vbroadcast v2, $0x2;
	v3 =	vmul.f32 v3, v9  }
0xfb: {  	v11 =	vld.idx.msk [tilespmem:v1+s31+$0xD0 ss:$0x1], $0xffff;
	v6 =	vmul.f32 v6, v9;
	v9 =	vshll.u32 v14, $0x10  }
0xfc: {  	[tilespmem:s9+$0xFFFFFC60] =	vst v3;
	v3 =	vand.u32 $0xFFFF0000, v14;
	v9 =	vmul.f32 v9, v8  }
0xfd: {  	[tilespmem:s9+$0xFFFFFC70] =	vst v6;
	v6 =	vbroadcast v5, $0x8;
	v3 =	vmul.f32 v3, v8  }
0xfe: {  	v12 =	vld.idx.msk [tilespmem:v1+s10+$0x40 ss:$0x1], $0xffff;
	[tilespmem:s9+$0x80] =	vst v9;
	v9 =	vshll.u32 v10, $0x10  }
0xff: {  	[tilespmem:s9+$0x90] =	vst v3;
	v3 =	vand.u32 $0xFFFF0000, v10;
	v9 =	vmul.f32 v9, v6  }
0x100: {  	v10 =	vshll.u32 v11, $0x10;
	v14 =	vld.idx.msk [tilespmem:v1+s10+$0x250 ss:$0x1], $0xffff;
	v3 =	vmul.f32 v3, v6  }
0x101: {  	v11 =	vand.u32 $0xFFFF0000, v11;
	v10 =	vmul.f32 v10, v13;
	[tilespmem:s1+$0x200] =	vst v9  }
0x102: {  	v11 =	vmul.f32 v11, v13;
	v9 =	vbroadcast v7, $0x2;
	[tilespmem:s1+$0x210] =	vst v3  }
0x103: {  	[tilespmem:s1+$0xFFFFFDA0] =	vst v10;
	v3 =	vshll.u32 v12, $0x10;
	v10 =	vld.idx.msk [tilespmem:v1+s31+$0x310 ss:$0x1], $0xffff  }
0x104: {  	[tilespmem:s1+$0xFFFFFDB0] =	vst v11;
	v11 =	vand.u32 $0xFFFF0000, v12;
	v3 =	vmul.f32 v3, v9  }
0x105: {  	v12 =	vld.idx.msk [tilespmem:v1+s31+$0xE0 ss:$0x1], $0xffff;
	v11 =	vmul.f32 v11, v9;
	v13 =	vshll.u32 v14, $0x10  }
0x106: {  	[tilespmem:s9+$0xFFFFFC80] =	vst v3;
	v3 =	vand.u32 $0xFFFF0000, v14;
	v13 =	vmul.f32 v13, v8  }
0x107: {  	[tilespmem:s9+$0xFFFFFC90] =	vst v11;
	v3 =	vmul.f32 v3, v8  }
0x108: {  	v8 =	vld.idx.msk [tilespmem:v1+s10+$0x50 ss:$0x1], $0xffff;
	[tilespmem:s9+$0xA0] =	vst v13;
	v11 =	vshll.u32 v10, $0x10  }
0x109: {  	v13 =	vbroadcast v4, $0x7;
	[tilespmem:s9+$0xB0] =	vst v3;
	v3 =	vand.u32 $0xFFFF0000, v10;
	v10 =	vmul.f32 v11, v6  }
0x10a: {  	v11 =	vshll.u32 v12, $0x10;
	v14 =	vld.idx.msk [tilespmem:v1+s10+$0x260 ss:$0x1], $0xffff;
	v3 =	vmul.f32 v3, v6  }
0x10b: {  	v6 =	vand.u32 $0xFFFF0000, v12;
	v11 =	vmul.f32 v11, v13;
	[tilespmem:s1+$0x220] =	vst v10  }
0x10c: {  	v6 =	vmul.f32 v6, v13;
	[tilespmem:s1+$0x230] =	vst v3  }
0x10d: {  	v3 =	vshll.u32 v8, $0x10;
	[tilespmem:s1+$0xFFFFFDC0] =	vst v11;
	v10 =	vld.idx.msk [tilespmem:v1+s31+$0x320 ss:$0x1], $0xffff  }
0x10e: {  	[tilespmem:s1+$0xFFFFFDD0] =	vst v6;
	v6 =	vand.u32 $0xFFFF0000, v8;
	v3 =	vmul.f32 v3, v9;
	v8 =	vbroadcast v2, $0x3  }
0x10f: {  	v11 =	vld.idx.msk [tilespmem:v1+s31+$0xF0 ss:$0x1], $0xffff;
	v6 =	vmul.f32 v6, v9;
	v9 =	vshll.u32 v14, $0x10  }
0x110: {  	[tilespmem:s9+$0xFFFFFCA0] =	vst v3;
	v3 =	vand.u32 $0xFFFF0000, v14;
	v9 =	vmul.f32 v9, v8  }
0x111: {  	[tilespmem:s9+$0xFFFFFCB0] =	vst v6;
	v3 =	vmul.f32 v3, v8;
	v6 =	vbroadcast v5, $0x9  }
0x112: {  	v12 =	vld.idx.msk [tilespmem:v1+s10+$0x60 ss:$0x1], $0xffff;
	[tilespmem:s9+$0xC0] =	vst v9;
	v9 =	vshll.u32 v10, $0x10  }
0x113: {  	[tilespmem:s9+$0xD0] =	vst v3;
	v3 =	vand.u32 $0xFFFF0000, v10;
	v9 =	vmul.f32 v9, v6  }
0x114: {  	v10 =	vshll.u32 v11, $0x10;
	v14 =	vld.idx.msk [tilespmem:v1+s10+$0x270 ss:$0x1], $0xffff;
	v3 =	vmul.f32 v3, v6  }
0x115: {  	v11 =	vand.u32 $0xFFFF0000, v11;
	v10 =	vmul.f32 v10, v13;
	[tilespmem:s1+$0x240] =	vst v9  }
0x116: {  	v11 =	vmul.f32 v11, v13;
	v9 =	vbroadcast v7, $0x3;
	[tilespmem:s1+$0x250] =	vst v3  }
0x117: {  	[tilespmem:s1+$0xFFFFFDE0] =	vst v10;
	v3 =	vshll.u32 v12, $0x10;
	v10 =	vld.idx.msk [tilespmem:v1+s31+$0x330 ss:$0x1], $0xffff  }
0x118: {  	[tilespmem:s1+$0xFFFFFDF0] =	vst v11;
	v11 =	vand.u32 $0xFFFF0000, v12;
	v3 =	vmul.f32 v3, v9  }
0x119: {  	v12 =	vld.idx.msk [tilespmem:v1+s31+$0x100 ss:$0x1], $0xffff;
	v11 =	vmul.f32 v11, v9;
	v13 =	vshll.u32 v14, $0x10  }
0x11a: {  	[tilespmem:s9+$0xFFFFFCC0] =	vst v3;
	v3 =	vand.u32 $0xFFFF0000, v14;
	v13 =	vmul.f32 v13, v8  }
0x11b: {  	[tilespmem:s9+$0xFFFFFCD0] =	vst v11;
	v3 =	vmul.f32 v3, v8  }
0x11c: {  	v8 =	vld.idx.msk [tilespmem:v1+s10+$0x70 ss:$0x1], $0xffff;
	[tilespmem:s9+$0xE0] =	vst v13;
	v11 =	vshll.u32 v10, $0x10  }
0x11d: {  	v13 =	vbroadcast v4, $0x8;
	[tilespmem:s9+$0xF0] =	vst v3;
	v3 =	vand.u32 $0xFFFF0000, v10;
	v10 =	vmul.f32 v11, v6  }
0x11e: {  	v11 =	vshll.u32 v12, $0x10;
	v14 =	vld.idx.msk [tilespmem:v1+s10+$0x280 ss:$0x1], $0xffff;
	v3 =	vmul.f32 v3, v6  }
0x11f: {  	v6 =	vand.u32 $0xFFFF0000, v12;
	v11 =	vmul.f32 v11, v13;
	[tilespmem:s1+$0x260] =	vst v10  }
0x120: {  	v6 =	vmul.f32 v6, v13;
	[tilespmem:s1+$0x270] =	vst v3  }
0x121: {  	[tilespmem:s1+$0xFFFFFE00] =	vst v11;
	v3 =	vshll.u32 v8, $0x10;
	v10 =	vld.idx.msk [tilespmem:v1+s31+$0x340 ss:$0x1], $0xffff  }
0x122: {  	[tilespmem:s1+$0xFFFFFE10] =	vst v6;
	v6 =	vand.u32 $0xFFFF0000, v8;
	v3 =	vmul.f32 v3, v9;
	v8 =	vbroadcast v2, $0x4  }
0x123: {  	v11 =	vld.idx.msk [tilespmem:v1+s31+$0x110 ss:$0x1], $0xffff;
	v6 =	vmul.f32 v6, v9;
	v9 =	vshll.u32 v14, $0x10  }
0x124: {  	[tilespmem:s9+$0xFFFFFCE0] =	vst v3;
	v3 =	vand.u32 $0xFFFF0000, v14;
	v9 =	vmul.f32 v9, v8  }
0x125: {  	[tilespmem:s9+$0xFFFFFCF0] =	vst v6;
	v3 =	vmul.f32 v3, v8;
	v6 =	vbroadcast v5, $0xA  }
0x126: {  	v12 =	vld.idx.msk [tilespmem:v1+s10+$0x80 ss:$0x1], $0xffff;
	[tilespmem:s9+$0x100] =	vst v9;
	v9 =	vshll.u32 v10, $0x10  }
0x127: {  	[tilespmem:s9+$0x110] =	vst v3;
	v3 =	vand.u32 $0xFFFF0000, v10;
	v9 =	vmul.f32 v9, v6  }
0x128: {  	v10 =	vshll.u32 v11, $0x10;
	v14 =	vld.idx.msk [tilespmem:v1+s10+$0x290 ss:$0x1], $0xffff;
	v3 =	vmul.f32 v3, v6  }
0x129: {  	v11 =	vand.u32 $0xFFFF0000, v11;
	v10 =	vmul.f32 v10, v13;
	[tilespmem:s1+$0x280] =	vst v9  }
0x12a: {  	v11 =	vmul.f32 v11, v13;
	v9 =	vbroadcast v7, $0x4;
	[tilespmem:s1+$0x290] =	vst v3  }
0x12b: {  	[tilespmem:s1+$0xFFFFFE20] =	vst v10;
	v3 =	vshll.u32 v12, $0x10;
	v10 =	vld.idx.msk [tilespmem:v1+s31+$0x350 ss:$0x1], $0xffff  }
0x12c: {  	v12 =	vand.u32 $0xFFFF0000, v12;
	[tilespmem:s1+$0xFFFFFE30] =	vst v11;
	v3 =	vmul.f32 v3, v9  }
0x12d: {  	v11 =	vmul.f32 v12, v9;
	v12 =	vld.idx.msk [tilespmem:v1+s31+$0x120 ss:$0x1], $0xffff;
	v13 =	vshll.u32 v14, $0x10  }
0x12e: {  	[tilespmem:s9+$0xFFFFFD00] =	vst v3;
	v3 =	vand.u32 $0xFFFF0000, v14;
	v13 =	vmul.f32 v13, v8  }
0x12f: {  	[tilespmem:s9+$0xFFFFFD10] =	vst v11;
	v3 =	vmul.f32 v3, v8  }
0x130: {  	v8 =	vld.idx.msk [tilespmem:v1+s10+$0x90 ss:$0x1], $0xffff;
	[tilespmem:s9+$0x120] =	vst v13;
	v11 =	vshll.u32 v10, $0x10  }
0x131: {  	v13 =	vbroadcast v4, $0x9;
	[tilespmem:s9+$0x130] =	vst v3;
	v3 =	vand.u32 $0xFFFF0000, v10;
	v10 =	vmul.f32 v11, v6  }
0x132: {  	v11 =	vshll.u32 v12, $0x10;
	v14 =	vld.idx.msk [tilespmem:v1+s10+$0x2A0 ss:$0x1], $0xffff;
	v3 =	vmul.f32 v3, v6  }
0x133: {  	v6 =	vand.u32 $0xFFFF0000, v12;
	v11 =	vmul.f32 v11, v13;
	[tilespmem:s1+$0x2A0] =	vst v10  }
0x134: {  	v6 =	vmul.f32 v6, v13;
	[tilespmem:s1+$0x2B0] =	vst v3  }
0x135: {  	v3 =	vshll.u32 v8, $0x10;
	[tilespmem:s1+$0xFFFFFE40] =	vst v11;
	v10 =	vld.idx.msk [tilespmem:v1+s31+$0x360 ss:$0x1], $0xffff  }
0x136: {  	v8 =	vand.u32 $0xFFFF0000, v8;
	v3 =	vmul.f32 v3, v9;
	[tilespmem:s1+$0xFFFFFE50] =	vst v6;
	v6 =	vbroadcast v2, $0x5  }
0x137: {  	v8 =	vmul.f32 v8, v9;
	v9 =	vld.idx.msk [tilespmem:v1+s31+$0x130 ss:$0x1], $0xffff;
	v11 =	vshll.u32 v14, $0x10  }
0x138: {  	[tilespmem:s9+$0xFFFFFD20] =	vst v3;
	v3 =	vand.u32 $0xFFFF0000, v14;
	v11 =	vmul.f32 v11, v6  }
0x139: {  	[tilespmem:s9+$0xFFFFFD30] =	vst v8;
	v8 =	vbroadcast v5, $0xB;
	v3 =	vmul.f32 v3, v6  }
0x13a: {  	[tilespmem:s9+$0x140] =	vst v11;
	v11 =	vshll.u32 v10, $0x10  }
0x13b: {  	v12 =	vld.idx.msk [tilespmem:v1+s10+$0xA0 ss:$0x1], $0xffff;
	[tilespmem:s9+$0x150] =	vst v3;
	v3 =	vand.u32 $0xFFFF0000, v10;
	v10 =	vmul.f32 v11, v8  }
0x13c: {  	v11 =	vld.idx.msk [tilespmem:v1+s10+$0x2B0 ss:$0x1], $0xffff;
	v14 =	vshll.u32 v9, $0x10;
	v3 =	vmul.f32 v3, v8  }
0x13d: {  	v9 =	vand.u32 $0xFFFF0000, v9;
	v14 =	vmul.f32 v14, v13;
	[tilespmem:s1+$0x2C0] =	vst v10  }
0x13e: {  	v9 =	vmul.f32 v9, v13;
	[tilespmem:s1+$0x2D0] =	vst v3  }
0x13f: {  	v10 =	vbroadcast v7, $0x5;
	[tilespmem:s1+$0xFFFFFE60] =	vst v14;
	v13 =	vld.idx.msk [tilespmem:v1+s31+$0x370 ss:$0x1], $0xffff  }
0x140: {  	v3 =	vshll.u32 v12, $0x10;
	[tilespmem:s1+$0xFFFFFE70] =	vst v9  }
0x141: {  	s17 =	sadd.s32 $0x20, s16;
	v9 =	vmul.f32 v3, v10;
	v14 =	vld.idx.msk [tilespmem:v1+s31+$0x140 ss:$0x1], $0xffff;
	v15 =	vshll.u32 v11, $0x10  }
0x142: {  	s14 =	sadd.s32 $0x400, s10;
	v3 =	vld [tilespmem:s17+$0x0];
	v11 =	vand.u32 $0xFFFF0000, v11;
	v15 =	vmul.f32 v15, v6  }
0x143: {  	v12 =	vand.u32 $0xFFFF0000, v12;
	[tilespmem:s9+$0xFFFFFD40] =	vst v9;
	v9 =	vld.idx.msk [tilespmem:v1+s14+$0x200 ss:$0x1], $0xffff;
	v6 =	vmul.f32 v11, v6  }
0x144: {  	v23 =	vld [tilespmem:s17+$0xFFFFFFF0];
	v11 =	vmul.f32 v12, v10;
	[tilespmem:s9+$0x160] =	vst v15;
	v12 =	vshll.u32 v13, $0x10  }
0x145: {  	v16 =	vld.idx.msk [tilespmem:v1+s14+$0x0 ss:$0x1], $0xffff;
	v15 =	vbroadcast v4, $0xA;
	[tilespmem:s9+$0x170] =	vst v6;
	v6 =	vand.u32 $0xFFFF0000, v13;
	v12 =	vmul.f32 v12, v8  }
0x146: {  	[tilespmem:s9+$0xFFFFFD50] =	vst v11;
	v11 =	vld.idx.msk [tilespmem:v1+s10+$0x2C0 ss:$0x1], $0xffff;
	v13 =	vshll.u32 v14, $0x10;
	v6 =	vmul.f32 v6, v8  }
0x147: {  	v8 =	vand.u32 $0xFFFF0000, v14;
	v13 =	vmul.f32 v13, v15;
	[tilespmem:s1+$0x2E0] =	vst v12;
	v12 =	vbroadcast v3, $0x0  }
0x148: {  	v8 =	vmul.f32 v8, v15;
	[tilespmem:s1+$0x2F0] =	vst v6;
	v6 =	vshll.u32 v9, $0x10  }
0x149: {  	v14 =	vbroadcast v23, $0x0;
	v9 =	vand.u32 $0xFFFF0000, v9;
	[tilespmem:s1+$0xFFFFFE80] =	vst v13;
	v13 =	vld.idx.msk [tilespmem:v1+s31+$0x380 ss:$0x1], $0xffff;
	v6 =	vmul.f32 v6, v12  }
0x14a: {  	s15 =	sadd.s32 $0x800, s9;
	v17 =	vbroadcast v2, $0x6;
	[tilespmem:s1+$0xFFFFFE90] =	vst v8;
	v8 =	vshll.u32 v16, $0x10;
	v9 =	vmul.f32 v9, v12  }
0x14b: {  	v18 =	vld.idx.msk [tilespmem:v1+s10+$0xB0 ss:$0x1], $0xffff;
	v8 =	vmul.f32 v8, v14;
	[tilespmem:s15+$0x0] =	vst v6;
	v6 =	vshll.u32 v11, $0x10  }
0x14c: {  	[tilespmem:s15+$0x10] =	vst v9;
	v9 =	vand.u32 $0xFFFF0000, v11;
	v6 =	vmul.f32 v6, v17  }
0x14d: {  	v11 =	vand.u32 $0xFFFF0000, v16;
	[tilespmem:s15+$0xFFFFFC00] =	vst v8;
	v16 =	vbroadcast v5, $0xC;
	v8 =	vld.idx.msk [tilespmem:v1+s14+$0x210 ss:$0x1], $0xffff;
	v9 =	vmul.f32 v9, v17  }
0x14e: {  	v11 =	vmul.f32 v11, v14;
	[tilespmem:s9+$0x180] =	vst v6;
	v6 =	vshll.u32 v13, $0x10  }
0x14f: {  	v19 =	vld.idx.msk [tilespmem:v1+s31+$0x150 ss:$0x1], $0xffff;
	[tilespmem:s9+$0x190] =	vst v9;
	v9 =	vand.u32 $0xFFFF0000, v13;
	v6 =	vmul.f32 v6, v16  }
0x150: {  	v13 =	vshll.u32 v18, $0x10;
	[tilespmem:s15+$0xFFFFFC10] =	vst v11;
	v11 =	vld.idx.msk [tilespmem:v1+s10+$0x2D0 ss:$0x1], $0xffff;
	v9 =	vmul.f32 v9, v16  }
0x151: {  	v18 =	vand.u32 $0xFFFF0000, v18;
	v13 =	vmul.f32 v13, v10;
	[tilespmem:s1+$0x300] =	vst v6  }
0x152: {  	v10 =	vmul.f32 v18, v10;
	v6 =	vld.idx.msk [tilespmem:v1+s14+$0x10 ss:$0x1], $0xffff;
	[tilespmem:s1+$0x310] =	vst v9;
	v9 =	vshll.u32 v8, $0x10  }
0x153: {  	[tilespmem:s9+$0xFFFFFD60] =	vst v13;
	v8 =	vand.u32 $0xFFFF0000, v8;
	v13 =	vld.idx.msk [tilespmem:v1+s31+$0x390 ss:$0x1], $0xffff;
	v9 =	vmul.f32 v9, v12  }
0x154: {  	v18 =	vshll.u32 v19, $0x10;
	[tilespmem:s9+$0xFFFFFD70] =	vst v10;
	v8 =	vmul.f32 v8, v12  }
0x155: {  	v10 =	vmul.f32 v18, v15;
	[tilespmem:s15+$0x20] =	vst v9;
	v9 =	vshll.u32 v11, $0x10  }
0x156: {  	v12 =	vld.idx.msk [tilespmem:v1+s10+$0xC0 ss:$0x1], $0xffff;
	[tilespmem:s15+$0x30] =	vst v8;
	v8 =	vand.u32 $0xFFFF0000, v11;
	v9 =	vmul.f32 v9, v17  }
0x157: {  	[tilespmem:s1+$0xFFFFFEA0] =	vst v10;
	v8 =	vmul.f32 v8, v17;
	v11 =	vshll.u32 v6, $0x10  }
0x158: {  	v10 =	vmul.f32 v11, v14;
	v11 =	vld.idx.msk [tilespmem:v1+s14+$0x220 ss:$0x1], $0xffff;
	[tilespmem:s9+$0x1A0] =	vst v9;
	v9 =	vshll.u32 v13, $0x10  }
0x159: {  	[tilespmem:s9+$0x1B0] =	vst v8;
	v8 =	vand.u32 $0xFFFF0000, v13;
	v9 =	vmul.f32 v9, v16  }
0x15a: {  	v6 =	vand.u32 $0xFFFF0000, v6;
	v13 =	vbroadcast v7, $0x6;
	v8 =	vmul.f32 v8, v16;
	[tilespmem:s15+$0xFFFFFC20] =	vst v10  }
0x15b: {  	v6 =	vmul.f32 v6, v14;
	v14 =	vld.idx.msk [tilespmem:v1+s10+$0x2E0 ss:$0x1], $0xffff;
	v10 =	vshll.u32 v12, $0x10;
	[tilespmem:s1+$0x320] =	vst v9  }
0x15c: {  	v9 =	vand.u32 $0xFFFF0000, v12;
	v10 =	vmul.f32 v10, v13;
	v12 =	vbroadcast v3, $0x1;
	[tilespmem:s1+$0x330] =	vst v8  }
0x15d: {  	[tilespmem:s15+$0xFFFFFC30] =	vst v6;
	v8 =	vmul.f32 v9, v13;
	v9 =	vld.idx.msk [tilespmem:v1+s31+$0x3A0 ss:$0x1], $0xffff;
	v6 =	vshll.u32 v11, $0x10  }
0x15e: {  	v11 =	vand.u32 $0xFFFF0000, v11;
	[tilespmem:s9+$0xFFFFFD80] =	vst v10;
	v6 =	vmul.f32 v6, v12  }
0x15f: {  	v16 =	vld.idx.msk [tilespmem:v1+s14+$0x20 ss:$0x1], $0xffff;
	v10 =	vand.u32 $0xFFFF0000, v19;
	v11 =	vmul.f32 v11, v12;
	[tilespmem:s9+$0xFFFFFD90] =	vst v8;
	v8 =	vbroadcast v2, $0x7  }
0x160: {  	v10 =	vmul.f32 v10, v15;
	[tilespmem:s15+$0x40] =	vst v6;
	v6 =	vshll.u32 v14, $0x10  }
0x161: {  	v15 =	vld.idx.msk [tilespmem:v1+s10+$0xD0 ss:$0x1], $0xffff;
	[tilespmem:s15+$0x50] =	vst v11;
	v11 =	vand.u32 $0xFFFF0000, v14;
	v14 =	vbroadcast v5, $0xD;
	v6 =	vmul.f32 v6, v8  }
0x162: {  	[tilespmem:s1+$0xFFFFFEB0] =	vst v10;
	v17 =	vld.idx.msk [tilespmem:v1+s14+$0x230 ss:$0x1], $0xffff;
	v11 =	vmul.f32 v11, v8;
	v10 =	vshll.u32 v9, $0x10  }
0x163: {  	v18 =	vbroadcast v23, $0x1;
	[tilespmem:s9+$0x1C0] =	vst v6;
	v6 =	vand.u32 $0xFFFF0000, v9;
	v9 =	vmul.f32 v10, v14  }
0x164: {  	v10 =	vshll.u32 v16, $0x10;
	[tilespmem:s9+$0x1D0] =	vst v11;
	v6 =	vmul.f32 v6, v14  }
0x165: {  	v11 =	vand.u32 $0xFFFF0000, v16;
	v10 =	vmul.f32 v10, v18;
	v16 =	vld.idx.msk [tilespmem:v1+s10+$0x2F0 ss:$0x1], $0xffff;
	[tilespmem:s1+$0x340] =	vst v9  }
0x166: {  	v9 =	vmul.f32 v11, v18;
	v11 =	vshll.u32 v15, $0x10;
	[tilespmem:s1+$0x350] =	vst v6  }
0x167: {  	v6 =	vld.idx.msk [tilespmem:v1+s31+$0x160 ss:$0x1], $0xffff;
	v11 =	vmul.f32 v11, v13;
	[tilespmem:s15+$0xFFFFFC40] =	vst v10;
	v10 =	vshll.u32 v17, $0x10  }
0x168: {  	v19 =	vld.idx.msk [tilespmem:v1+s31+$0x3B0 ss:$0x1], $0xffff;
	[tilespmem:s15+$0xFFFFFC50] =	vst v9;
	v9 =	vand.u32 $0xFFFF0000, v17;
	v10 =	vmul.f32 v10, v12  }
0x169: {  	v15 =	vand.u32 $0xFFFF0000, v15;
	v9 =	vmul.f32 v9, v12;
	[tilespmem:s9+$0xFFFFFDA0] =	vst v11  }
0x16a: {  	v11 =	vmul.f32 v15, v13;
	v12 =	vld.idx.msk [tilespmem:v1+s14+$0x30 ss:$0x1], $0xffff;
	[tilespmem:s15+$0x60] =	vst v10;
	v10 =	vshll.u32 v16, $0x10  }
0x16b: {  	v13 =	vbroadcast v4, $0xB;
	[tilespmem:s15+$0x70] =	vst v9;
	v9 =	vand.u32 $0xFFFF0000, v16;
	v10 =	vmul.f32 v10, v8  }
0x16c: {  	[tilespmem:s9+$0xFFFFFDB0] =	vst v11;
	v15 =	vshll.u32 v6, $0x10;
	v8 =	vmul.f32 v9, v8  }
0x16d: {  	v11 =	vld.idx.msk [tilespmem:v1+s14+$0x240 ss:$0x1], $0xffff;
	v9 =	vmul.f32 v15, v13;
	[tilespmem:s9+$0x1E0] =	vst v10;
	v10 =	vshll.u32 v19, $0x10  }
0x16e: {  	[tilespmem:s9+$0x1F0] =	vst v8;
	v8 =	vand.u32 $0xFFFF0000, v19;
	v10 =	vmul.f32 v10, v14  }
0x16f: {  	v15 =	vld.idx.msk [tilespmem:v1+s10+$0xE0 ss:$0x1], $0xffff;
	v16 =	vshll.u32 v12, $0x10;
	[tilespmem:s1+$0xFFFFFEC0] =	vst v9;
	v8 =	vmul.f32 v8, v14  }
0x170: {  	v9 =	vand.u32 $0xFFFF0000, v12;
	v12 =	vld.idx.msk [tilespmem:v1+s10+$0x300 ss:$0x1], $0xffff;
	v14 =	vmul.f32 v16, v18;
	[tilespmem:s1+$0x360] =	vst v10  }
0x171: {  	v6 =	vand.u32 $0xFFFF0000, v6;
	v9 =	vmul.f32 v9, v18;
	v10 =	vbroadcast v3, $0x2;
	[tilespmem:s1+$0x370] =	vst v8  }
0x172: {  	v6 =	vmul.f32 v6, v13;
	[tilespmem:s15+$0xFFFFFC60] =	vst v14;
	v8 =	vshll.u32 v11, $0x10  }
0x173: {  	v14 =	vbroadcast v7, $0x7;
	v16 =	vld.idx.msk [tilespmem:v1+s31+$0x3C0 ss:$0x1], $0xffff;
	[tilespmem:s15+$0xFFFFFC70] =	vst v9;
	v9 =	vand.u32 $0xFFFF0000, v11;
	v8 =	vmul.f32 v8, v10  }
0x174: {  	v17 =	vbroadcast v2, $0x8;
	[tilespmem:s1+$0xFFFFFED0] =	vst v6;
	v11 =	vshll.u32 v15, $0x10;
	v9 =	vmul.f32 v9, v10  }
0x175: {  	v6 =	vld.idx.msk [tilespmem:v1+s14+$0x40 ss:$0x1], $0xffff;
	[tilespmem:s15+$0x80] =	vst v8;
	v8 =	vmul.f32 v11, v14;
	v11 =	vshll.u32 v12, $0x10  }
0x176: {  	[tilespmem:s15+$0x90] =	vst v9;
	v9 =	vand.u32 $0xFFFF0000, v12;
	v11 =	vmul.f32 v11, v17  }
0x177: {  	v12 =	vand.u32 $0xFFFF0000, v15;
	v15 =	vld.idx.msk [tilespmem:v1+s31+$0x170 ss:$0x1], $0xffff;
	[tilespmem:s9+$0xFFFFFDC0] =	vst v8;
	v8 =	vmul.f32 v9, v17;
	v9 =	vbroadcast v5, $0xE  }
0x178: {  	v12 =	vmul.f32 v12, v14;
	v18 =	vld.idx.msk [tilespmem:v1+s14+$0x250 ss:$0x1], $0xffff;
	[tilespmem:s9+$0x200] =	vst v11;
	v11 =	vshll.u32 v16, $0x10  }
0x179: {  	v19 =	vbroadcast v23, $0x2;
	[tilespmem:s9+$0x210] =	vst v8;
	v8 =	vand.u32 $0xFFFF0000, v16;
	v11 =	vmul.f32 v11, v9  }
0x17a: {  	v16 =	vshll.u32 v6, $0x10;
	[tilespmem:s9+$0xFFFFFDD0] =	vst v12;
	v8 =	vmul.f32 v8, v9  }
0x17b: {  	v6 =	vand.u32 $0xFFFF0000, v6;
	v12 =	vld.idx.msk [tilespmem:v1+s10+$0x310 ss:$0x1], $0xffff;
	v16 =	vmul.f32 v16, v19;
	[tilespmem:s1+$0x380] =	vst v11  }
0x17c: {  	v6 =	vmul.f32 v6, v19;
	v11 =	vshll.u32 v15, $0x10;
	[tilespmem:s1+$0x390] =	vst v8  }
0x17d: {  	v8 =	vld.idx.msk [tilespmem:v1+s10+$0xF0 ss:$0x1], $0xffff;
	v11 =	vmul.f32 v11, v13;
	[tilespmem:s15+$0xFFFFFC80] =	vst v16;
	v16 =	vshll.u32 v18, $0x10  }
0x17e: {  	[tilespmem:s15+$0xFFFFFC90] =	vst v6;
	v6 =	vand.u32 $0xFFFF0000, v18;
	v20 =	vld.idx.msk [tilespmem:v1+s31+$0x3D0 ss:$0x1], $0xffff;
	v16 =	vmul.f32 v16, v10  }
0x17f: {  	v15 =	vand.u32 $0xFFFF0000, v15;
	v18 =	vld.idx.msk [tilespmem:v1+s14+$0x50 ss:$0x1], $0xffff;
	v6 =	vmul.f32 v6, v10;
	[tilespmem:s1+$0xFFFFFEE0] =	vst v11  }
0x180: {  	v10 =	vmul.f32 v15, v13;
	[tilespmem:s15+$0xA0] =	vst v16;
	v11 =	vshll.u32 v12, $0x10  }
0x181: {  	[tilespmem:s15+$0xB0] =	vst v6;
	v6 =	vand.u32 $0xFFFF0000, v12;
	v11 =	vmul.f32 v11, v17  }
0x182: {  	[tilespmem:s1+$0xFFFFFEF0] =	vst v10;
	v13 =	vld.idx.msk [tilespmem:v1+s14+$0x260 ss:$0x1], $0xffff;
	v6 =	vmul.f32 v6, v17;
	v12 =	vshll.u32 v8, $0x10  }
0x183: {  	v10 =	vmul.f32 v12, v14;
	[tilespmem:s9+$0x220] =	vst v11;
	v11 =	vshll.u32 v20, $0x10  }
0x184: {  	[tilespmem:s9+$0x230] =	vst v6;
	v6 =	vmul.f32 v11, v9;
	v11 =	vshll.u32 v18, $0x10  }
0x185: {  	v12 =	vand.u32 $0xFFFF0000, v18;
	[tilespmem:s9+$0xFFFFFDE0] =	vst v10;
	v10 =	vld.idx.msk [tilespmem:v1+s10+$0x320 ss:$0x1], $0xffff;
	v11 =	vmul.f32 v11, v19  }
0x186: {  	v8 =	vand.u32 $0xFFFF0000, v8;
	v12 =	vmul.f32 v12, v19;
	[tilespmem:s1+$0x3A0] =	vst v6;
	v6 =	vbroadcast v3, $0x3  }
0x187: {  	v8 =	vmul.f32 v8, v14;
	v14 =	vld.idx.msk [tilespmem:v1+s31+$0x180 ss:$0x1], $0xffff;
	[tilespmem:s15+$0xFFFFFCA0] =	vst v11;
	v11 =	vshll.u32 v13, $0x10  }
0x188: {  	[tilespmem:s15+$0xFFFFFCB0] =	vst v12;
	v12 =	vand.u32 $0xFFFF0000, v13;
	v11 =	vmul.f32 v11, v6  }
0x189: {  	[tilespmem:s9+$0xFFFFFDF0] =	vst v8;
	v8 =	vbroadcast v2, $0x9;
	v13 =	vand.u32 $0xFFFF0000, v20;
	v15 =	vld.idx.msk [tilespmem:v1+s14+$0x60 ss:$0x1], $0xffff;
	v12 =	vmul.f32 v12, v6  }
0x18a: {  	v9 =	vmul.f32 v13, v9;
	[tilespmem:s15+$0xC0] =	vst v11;
	v11 =	vshll.u32 v10, $0x10  }
0x18b: {  	v16 =	vld.idx.msk [tilespmem:v1+s10+$0x100 ss:$0x1], $0xffff;
	v13 =	vbroadcast v4, $0xC;
	[tilespmem:s15+$0xD0] =	vst v12;
	v10 =	vand.u32 $0xFFFF0000, v10;
	v11 =	vmul.f32 v11, v8  }
0x18c: {  	[tilespmem:s1+$0x3B0] =	vst v9;
	v9 =	vshll.u32 v14, $0x10;
	v12 =	vld.idx.msk [tilespmem:v1+s14+$0x270 ss:$0x1], $0xffff;
	v10 =	vmul.f32 v10, v8  }
0x18d: {  	v17 =	vbroadcast v23, $0x3;
	v14 =	vand.u32 $0xFFFF0000, v14;
	v9 =	vmul.f32 v9, v13;
	[tilespmem:s9+$0x240] =	vst v11  }
0x18e: {  	v11 =	vmul.f32 v14, v13;
	[tilespmem:s9+$0x250] =	vst v10;
	v10 =	vshll.u32 v15, $0x10  }
0x18f: {  	v14 =	vbroadcast v7, $0x8;
	[tilespmem:s1+$0xFFFFFF00] =	vst v9;
	v9 =	vand.u32 $0xFFFF0000, v15;
	v15 =	vld.idx.msk [tilespmem:v1+s10+$0x330 ss:$0x1], $0xffff;
	v10 =	vmul.f32 v10, v17  }
0x190: {  	v9 =	vmul.f32 v9, v17;
	[tilespmem:s1+$0xFFFFFF10] =	vst v11;
	v11 =	vshll.u32 v16, $0x10  }
0x191: {  	v18 =	vld.idx.msk [tilespmem:v1+s31+$0x3E0 ss:$0x1], $0xffff;
	v11 =	vmul.f32 v11, v14;
	[tilespmem:s15+$0xFFFFFCC0] =	vst v10;
	v10 =	vshll.u32 v12, $0x10  }
0x192: {  	v19 =	vld.idx.msk [tilespmem:v1+s31+$0x190 ss:$0x1], $0xffff;
	[tilespmem:s15+$0xFFFFFCD0] =	vst v9;
	v9 =	vand.u32 $0xFFFF0000, v12;
	v10 =	vmul.f32 v10, v6  }
0x193: {  	v12 =	vand.u32 $0xFFFF0000, v16;
	v6 =	vmul.f32 v9, v6;
	[tilespmem:s9+$0xFFFFFE00] =	vst v11  }
0x194: {  	v9 =	vmul.f32 v12, v14;
	v11 =	vld.idx.msk [tilespmem:v1+s14+$0x70 ss:$0x1], $0xffff;
	[tilespmem:s15+$0xE0] =	vst v10;
	v10 =	vshll.u32 v15, $0x10  }
0x195: {  	v24 =	vbroadcast v5, $0xF;
	[tilespmem:s15+$0xF0] =	vst v6;
	v5 =	vand.u32 $0xFFFF0000, v15;
	v6 =	vmul.f32 v10, v8  }
0x196: {  	[tilespmem:s9+$0xFFFFFE10] =	vst v9;
	v10 =	vshll.u32 v18, $0x10;
	v12 =	vld.idx.msk [tilespmem:v1+s14+$0x280 ss:$0x1], $0xffff;
	v5 =	vmul.f32 v5, v8  }
0x197: {  	v8 =	vmul.f32 v10, v24;
	v9 =	vshll.u32 v19, $0x10;
	[tilespmem:s9+$0x260] =	vst v6  }
0x198: {  	v10 =	vld.idx.msk [tilespmem:v1+s10+$0x110 ss:$0x1], $0xffff;
	v6 =	vand.u32 $0xFFFF0000, v19;
	v9 =	vmul.f32 v9, v13;
	[tilespmem:s9+$0x270] =	vst v5  }
0x199: {  	[tilespmem:s1+$0x3C0] =	vst v8;
	v5 =	vmul.f32 v6, v13;
	v6 =	vshll.u32 v11, $0x10;
	v8 =	vld.idx.msk [tilespmem:v1+s10+$0x340 ss:$0x1], $0xffff  }
0x19a: {  	v11 =	vand.u32 $0xFFFF0000, v11;
	[tilespmem:s1+$0xFFFFFF20] =	vst v9;
	v6 =	vmul.f32 v6, v17;
	v9 =	vbroadcast v3, $0x4  }
0x19b: {  	v11 =	vmul.f32 v11, v17;
	[tilespmem:s1+$0xFFFFFF30] =	vst v5;
	v5 =	vshll.u32 v12, $0x10  }
0x19c: {  	[tilespmem:s15+$0xFFFFFCE0] =	vst v6;
	v13 =	vld.idx.msk [tilespmem:v1+s31+$0x1A0 ss:$0x1], $0xffff;
	v6 =	vand.u32 $0xFFFF0000, v12;
	v5 =	vmul.f32 v5, v9  }
0x19d: {  	v15 =	vbroadcast v2, $0xA;
	[tilespmem:s15+$0xFFFFFCF0] =	vst v11;
	v11 =	vshll.u32 v10, $0x10;
	v6 =	vmul.f32 v6, v9  }
0x19e: {  	v12 =	vld.idx.msk [tilespmem:v1+s14+$0x80 ss:$0x1], $0xffff;
	[tilespmem:s15+$0x100] =	vst v5;
	v5 =	vmul.f32 v11, v14;
	v11 =	vshll.u32 v8, $0x10  }
0x19f: {  	v22 =	vbroadcast v23, $0x5;
	v8 =	vand.u32 $0xFFFF0000, v8;
	[tilespmem:s15+$0x110] =	vst v6;
	v11 =	vmul.f32 v11, v15  }
0x1a0: {  	v25 =	vbroadcast v4, $0xD;
	v10 =	vand.u32 $0xFFFF0000, v10;
	[tilespmem:s9+$0xFFFFFE20] =	vst v5;
	v5 =	vmul.f32 v8, v15  }
0x1a1: {  	v21 =	vbroadcast v23, $0x6;
	v8 =	vmul.f32 v10, v14;
	v14 =	vld.idx.msk [tilespmem:v1+s14+$0x290 ss:$0x1], $0xffff;
	[tilespmem:s9+$0x280] =	vst v11;
	v10 =	vshll.u32 v13, $0x10  }
0x1a2: {  	v11 =	vbroadcast v23, $0x4;
	v13 =	vand.u32 $0xFFFF0000, v13;
	[tilespmem:s9+$0x290] =	vst v5;
	v5 =	vmul.f32 v10, v25  }
0x1a3: {  	v26 =	vbroadcast v7, $0x9;
	v10 =	vmul.f32 v13, v25;
	v13 =	vshll.u32 v12, $0x10;
	[tilespmem:s9+$0xFFFFFE30] =	vst v8;
	v17 =	vld.idx.msk [tilespmem:v1+s10+$0x350 ss:$0x1], $0xffff  }
0x1a4: {  	v16 =	vbroadcast v7, $0xA;
	v8 =	vand.u32 $0xFFFF0000, v12;
	v19 =	vmul.f32 v13, v11;
	[tilespmem:s1+$0xFFFFFF40] =	vst v5  }
0x1a5: {  	v12 =	vbroadcast v7, $0xC;
	v8 =	vmul.f32 v8, v11;
	v5 =	vand.u32 $0xFFFF0000, v18;
	v18 =	vld.idx.msk [tilespmem:v1+s10+$0x120 ss:$0x1], $0xffff;
	[tilespmem:s1+$0xFFFFFF50] =	vst v10  }
0x1a6: {  	v13 =	vbroadcast v7, $0xB;
	v5 =	vmul.f32 v5, v24;
	[tilespmem:s15+$0xFFFFFD00] =	vst v19;
	v19 =	vshll.u32 v14, $0x10  }
0x1a7: {  	v10 =	vbroadcast v7, $0xD;
	v27 =	vld.idx.msk [tilespmem:v1+s31+$0x1B0 ss:$0x1], $0xffff;
	[tilespmem:s15+$0xFFFFFD10] =	vst v8;
	v14 =	vand.u32 $0xFFFF0000, v14;
	v19 =	vmul.f32 v19, v9  }
0x1a8: {  	v8 =	vbroadcast v7, $0xE;
	v28 =	vld.idx.msk [tilespmem:v1+s14+$0x90 ss:$0x1], $0xffff;
	v9 =	vmul.f32 v14, v9;
	[tilespmem:s1+$0x3D0] =	vst v5;
	v14 =	vshll.u32 v17, $0x10  }
0x1a9: {  	v5 =	vbroadcast v7, $0xF;
	[tilespmem:s15+$0x120] =	vst v19;
	v7 =	vand.u32 $0xFFFF0000, v17;
	v14 =	vmul.f32 v14, v15  }
0x1aa: {  	v29 =	vbroadcast v3, $0x5;
	[tilespmem:s15+$0x130] =	vst v9;
	v9 =	vshll.u32 v18, $0x10;
	v7 =	vmul.f32 v7, v15  }
0x1ab: {  	v20 =	vbroadcast v23, $0x7;
	v30 =	vld.idx.msk [tilespmem:v1+s14+$0x2A0 ss:$0x1], $0xffff;
	v15 =	vand.u32 $0xFFFF0000, v18;
	v9 =	vmul.f32 v9, v26;
	[tilespmem:s9+$0x2A0] =	vst v14  }
0x1ac: {  	v6 =	vbroadcast v4, $0xE;
	v14 =	vmul.f32 v15, v26;
	v15 =	vshll.u32 v27, $0x10;
	[tilespmem:s9+$0x2B0] =	vst v7  }
0x1ad: {  	v4 =	vbroadcast v4, $0xF;
	v32 =	vld.idx.msk [tilespmem:v1+s31+$0x3F0 ss:$0x1], $0xffff;
	v7 =	vmul.f32 v15, v25;
	v15 =	vshll.u32 v28, $0x10;
	[tilespmem:s9+$0xFFFFFE40] =	vst v9  }
0x1ae: {  	v19 =	vbroadcast v23, $0x8;
	v9 =	vand.u32 $0xFFFF0000, v28;
	v28 =	vld.idx.msk [tilespmem:v1+s10+$0x360 ss:$0x1], $0xffff;
	v15 =	vmul.f32 v15, v11;
	[tilespmem:s9+$0xFFFFFE50] =	vst v14  }
0x1af: {  	v17 =	vbroadcast v23, $0xA;
	v14 =	vand.u32 $0xFFFF0000, v27;
	v9 =	vmul.f32 v9, v11;
	[tilespmem:s1+$0xFFFFFF60] =	vst v7  }
0x1b0: {  	v18 =	vbroadcast v23, $0x9;
	v7 =	vmul.f32 v14, v25;
	v25 =	vld.idx.msk [tilespmem:v1+s10+$0x130 ss:$0x1], $0xffff;
	v11 =	vshll.u32 v30, $0x10;
	[tilespmem:s15+$0xFFFFFD20] =	vst v15  }
0x1b1: {  	v27 =	vbroadcast v2, $0xB;
	[tilespmem:s15+$0xFFFFFD30] =	vst v9;
	v9 =	vand.u32 $0xFFFF0000, v30;
	v11 =	vmul.f32 v11, v29  }
0x1b2: {  	v14 =	vbroadcast v23, $0xC;
	v30 =	vand.u32 $0xFFFF0000, v32;
	v33 =	vld.idx.msk [tilespmem:v1+s14+$0xA0 ss:$0x1], $0xffff;
	v9 =	vmul.f32 v9, v29;
	[tilespmem:s1+$0xFFFFFF70] =	vst v7  }
0x1b3: {  	v15 =	vbroadcast v23, $0xB;
	v7 =	vmul.f32 v30, v24;
	[tilespmem:s15+$0x140] =	vst v11;
	v30 =	vshll.u32 v28, $0x10  }
0x1b4: {  	v11 =	vbroadcast v23, $0xD;
	v34 =	vld.idx.msk [tilespmem:v1+s31+$0x1C0 ss:$0x1], $0xffff;
	v28 =	vand.u32 $0xFFFF0000, v28;
	[tilespmem:s15+$0x150] =	vst v9;
	v30 =	vmul.f32 v30, v27  }
0x1b5: {  	v9 =	vbroadcast v23, $0xE;
	[tilespmem:s1+$0x3F0] =	vst v7;
	v28 =	vmul.f32 v28, v27;
	v31 =	vld.idx.msk [tilespmem:v1+s14+$0x2B0 ss:$0x1], $0xffff;
	v35 =	vshll.u32 v25, $0x10  }
0x1b6: {  	v7 =	vbroadcast v23, $0xF;
	v23 =	vand.u32 $0xFFFF0000, v25;
	v25 =	vmul.f32 v35, v26;
	[tilespmem:s9+$0x2C0] =	vst v30  }
0x1b7: {  	s29 =	smov.u32 s31;
	v30 =	vshll.u32 v32, $0x10;
	v63 =	vmul.f32 v23, v26;
	[tilespmem:s9+$0x2D0] =	vst v28;
	v26 =	vshll.u32 v33, $0x10  }
0x1b8: {  	s12 =	sshll.u32 s12, $0x9;
	s11 =	sshll.u32 s11, $0xD;
	s23 =	sshll.u32 s26, $0xD;
	v23 =	vmul.f32 v30, v24;
	v24 =	vand.u32 $0xFFFF0000, v33;
	[tilespmem:s9+$0xFFFFFE60] =	vst v25;
	v30 =	vmul.f32 v26, v22;
	v26 =	vld.idx.msk [tilespmem:v1+s10+$0x370 ss:$0x1], $0xffff  }
0x1b9: {  	s11 =	sand.u32 $0x2000, s11;
	s22 =	simm.s32 $0x4;
	s13 =	sor.u32 $0x9000, s23;
	v32 =	vmul.f32 v24, v22;
	[tilespmem:s9+$0xFFFFFE70] =	vst v63;
	v24 =	vshll.u32 v34, $0x10;
	v34 =	vand.u32 $0xFFFF0000, v34  }
0x1ba: {  	s23 =	sadd.s32 $0x20, s17;
	s16 =	smov.u32 s15;
	s17 =	smov.u32 s14;
	v28 =	vld.idx.msk [tilespmem:v1+s10+$0x140 ss:$0x1], $0xffff;
	v25 =	vmul.f32 v24, v6;
	v24 =	vmul.f32 v34, v6;
	[tilespmem:s15+$0xFFFFFD40] =	vst v30;
	v33 =	vshll.u32 v31, $0x10  }
.LBB2_5:
0x1bb: {  	v30 =	vld [tilespmem:s23+$0x0];
	[tilespmem:s15+$0xFFFFFD50] =	vst v32;
	v31 =	vand.u32 $0xFFFF0000, v31;
	v33 =	vmul.f32 v33, v29;
	s14 =	sadd.s32 $0x400, s14  }
0x1bc: {  	v35 =	vld.idx.msk [tilespmem:v1+s14+$0x200 ss:$0x1], $0xffff;
	v29 =	vmul.f32 v31, v29;
	[tilespmem:s1+$0xFFFFFF80] =	vst v25  }
0x1bd: {  	v25 =	vshll.u32 v26, $0x10;
	v32 =	vld [tilespmem:s23+$0xFFFFFFF0];
	[tilespmem:s15+$0x160] =	vst v33  }
0x1be: {  	v26 =	vand.u32 $0xFFFF0000, v26;
	v25 =	vmul.f32 v25, v27;
	v31 =	vld.idx.msk [tilespmem:v1+s14+$0x0 ss:$0x1], $0xffff;
	[tilespmem:s15+$0x170] =	vst v29  }
0x1bf: {  	v26 =	vmul.f32 v26, v27;
	v33 =	vshll.u32 v28, $0x10;
	v28 =	vand.u32 $0xFFFF0000, v28;
	v29 =	vld.idx.msk [tilespmem:v1+s17+$0x2C0 ss:$0x1], $0xffff;
	[tilespmem:s1+$0xFFFFFF90] =	vst v24  }
0x1c0: {  	v27 =	vmul.f32 v33, v16;
	v28 =	vmul.f32 v28, v16;
	v24 =	vld.idx.msk [tilespmem:v1+s17+$0xB0 ss:$0x1], $0xffff;
	[tilespmem:s9+$0x2E0] =	vst v25  }
0x1c1: {  	v36 =	vbroadcast v30, $0x0;
	[tilespmem:s9+$0x2F0] =	vst v26;
	v26 =	vld.idx.msk [tilespmem:v1+s29+$0x1D0 ss:$0x1], $0xffff  }
0x1c2: {  	v25 =	vshll.u32 v35, $0x10;
	v37 =	vbroadcast v32, $0x0;
	v34 =	vbroadcast v32, $0x1;
	[tilespmem:s9+$0xFFFFFE80] =	vst v27;
	v27 =	vld.idx.msk [tilespmem:v1+s10+$0x380 ss:$0x1], $0xffff  }
0x1c3: {  	v35 =	vand.u32 $0xFFFF0000, v35;
	v33 =	vbroadcast v32, $0x2;
	v25 =	vmul.f32 v25, v36;
	[tilespmem:s9+$0xFFFFFE90] =	vst v28  }
0x1c4: {  	v38 =	vbroadcast v3, $0x6;
	s15 =	sadd.s32 $0x800, s15;
	v35 =	vmul.f32 v35, v36;
	v28 =	vshll.u32 v31, $0x10;
	v39 =	vld.idx.msk [tilespmem:v1+s10+$0x150 ss:$0x1], $0xffff;
	[tilespmem:s1+$0x3E0] =	vst v23  }
0x1c5: {  	v23 =	vand.u32 $0xFFFF0000, v31;
	v28 =	vmul.f32 v28, v37;
	[tilespmem:s15+$0x0] =	vst v25;
	v25 =	vshll.u32 v29, $0x10  }
0x1c6: {  	v23 =	vmul.f32 v23, v37;
	v29 =	vand.u32 $0xFFFF0000, v29;
	[tilespmem:s15+$0x10] =	vst v35;
	v31 =	vmul.f32 v25, v38  }
0x1c7: {  	v41 =	vbroadcast v2, $0xC;
	v40 =	vmul.f32 v29, v38;
	[tilespmem:s15+$0xFFFFFC00] =	vst v28;
	v35 =	vld.idx.msk [tilespmem:v1+s14+$0x210 ss:$0x1], $0xffff;
	v28 =	vshll.u32 v24, $0x10  }
0x1c8: {  	v29 =	vbroadcast v32, $0x3;
	v25 =	vbroadcast v32, $0x4;
	[tilespmem:s16+$0x180] =	vst v31;
	v31 =	vshll.u32 v27, $0x10  }
0x1c9: {  	v42 =	vbroadcast v32, $0x5;
	v27 =	vand.u32 $0xFFFF0000, v27;
	[tilespmem:s16+$0x190] =	vst v40;
	v31 =	vmul.f32 v31, v41  }
0x1ca: {  	v40 =	vmul.f32 v28, v22;
	[tilespmem:s15+$0xFFFFFC10] =	vst v23;
	v23 =	vand.u32 $0xFFFF0000, v24;
	v43 =	vld.idx.msk [tilespmem:v1+s17+$0x2D0 ss:$0x1], $0xffff;
	v24 =	vmul.f32 v27, v41  }
0x1cb: {  	v44 =	vbroadcast v32, $0x6;
	v46 =	vshll.u32 v39, $0x10;
	v27 =	vld.idx.msk [tilespmem:v1+s14+$0x10 ss:$0x1], $0xffff;
	v45 =	vmul.f32 v23, v22;
	[tilespmem:s9+$0x300] =	vst v31;
	v22 =	vmovc v42  }
0x1cc: {  	v28 =	vbroadcast v32, $0x8;
	v23 =	vbroadcast v32, $0x7;
	v31 =	vand.u32 $0xFFFF0000, v39;
	[tilespmem:s9+$0x310] =	vst v24  }
0x1cd: {  	v39 =	vbroadcast v32, $0xA;
	v24 =	vbroadcast v32, $0x9;
	v42 =	vshll.u32 v35, $0x10;
	[tilespmem:s16+$0xFFFFFD60] =	vst v40;
	v40 =	vld.idx.msk [tilespmem:v1+s10+$0x390 ss:$0x1], $0xffff  }
0x1ce: {  	v35 =	vand.u32 $0xFFFF0000, v35;
	v42 =	vmul.f32 v42, v36;
	[tilespmem:s16+$0xFFFFFD70] =	vst v45;
	v45 =	vmul.f32 v46, v16  }
0x1cf: {  	v48 =	vshll.u32 v26, $0x10;
	v47 =	vmul.f32 v31, v16;
	v36 =	vmul.f32 v35, v36;
	v16 =	vmovc v17;
	v46 =	vld.idx.msk [tilespmem:v1+s17+$0xC0 ss:$0x1], $0xffff  }
0x1d0: {  	v31 =	vbroadcast v32, $0xC;
	v35 =	vbroadcast v32, $0xB;
	v17 =	vmovc v39;
	[tilespmem:s15+$0x20] =	vst v42;
	v42 =	vshll.u32 v43, $0x10  }
0x1d1: {  	v39 =	vshll.u32 v27, $0x10;
	[tilespmem:s15+$0x30] =	vst v36;
	v36 =	vand.u32 $0xFFFF0000, v43;
	v42 =	vmul.f32 v42, v38  }
0x1d2: {  	v27 =	vand.u32 $0xFFFF0000, v27;
	v39 =	vmul.f32 v39, v37;
	v43 =	vld.idx.msk [tilespmem:v1+s14+$0x220 ss:$0x1], $0xffff;
	v36 =	vmul.f32 v36, v38;
	[tilespmem:s9+$0xFFFFFEA0] =	vst v45  }
0x1d3: {  	v37 =	vmul.f32 v27, v37;
	v27 =	vbroadcast v32, $0xD;
	v38 =	vshll.u32 v40, $0x10;
	[tilespmem:s16+$0x1A0] =	vst v42  }
0x1d4: {  	v42 =	vbroadcast v32, $0xE;
	v38 =	vmul.f32 v38, v41;
	[tilespmem:s16+$0x1B0] =	vst v36;
	v36 =	vand.u32 $0xFFFF0000, v40  }
0x1d5: {  	v40 =	vand.u32 $0xFFFF0000, v46;
	[tilespmem:s15+$0xFFFFFC20] =	vst v39;
	v39 =	vshll.u32 v46, $0x10;
	v45 =	vld.idx.msk [tilespmem:v1+s17+$0x2E0 ss:$0x1], $0xffff;
	v36 =	vmul.f32 v36, v41  }
0x1d6: {  	v40 =	vmul.f32 v40, v21;
	v39 =	vmul.f32 v39, v21;
	[tilespmem:s9+$0x320] =	vst v38;
	v38 =	vand.u32 $0xFFFF0000, v26  }
0x1d7: {  	v41 =	vbroadcast v30, $0x1;
	[tilespmem:s9+$0x330] =	vst v36;
	v36 =	vmul.f32 v48, v6  }
0x1d8: {  	v26 =	vbroadcast v32, $0xF;
	v32 =	vmul.f32 v38, v6;
	v6 =	vmovc v8;
	[tilespmem:s15+$0xFFFFFC30] =	vst v37;
	v37 =	vshll.u32 v43, $0x10;
	v46 =	vld.idx.msk [tilespmem:v1+s10+$0x3A0 ss:$0x1], $0xffff  }
0x1d9: {  	v8 =	vmovc v9;
	v9 =	vmov v42;
	v43 =	vand.u32 $0xFFFF0000, v43;
	v38 =	vld.idx.msk [tilespmem:v1+s14+$0x20 ss:$0x1], $0xffff;
	v37 =	vmul.f32 v37, v41;
	[tilespmem:s16+$0xFFFFFD80] =	vst v39  }
0x1da: {  	v39 =	vmul.f32 v43, v41;
	[tilespmem:s16+$0xFFFFFD90] =	vst v40;
	v40 =	vbroadcast v3, $0x7  }
0x1db: {  	s22 =	sadd.s32 $0x2, s22;
	v42 =	vshll.u32 v45, $0x10;
	[tilespmem:s15+$0x40] =	vst v37;
	v37 =	vld.idx.msk [tilespmem:v1+s17+$0xD0 ss:$0x1], $0xffff  }
0x1dc: {  	p0 =	slt.u32 s22, $0x6;
	[tilespmem:s15+$0x50] =	vst v39;
	v39 =	vand.u32 $0xFFFF0000, v45;
	v42 =	vmul.f32 v42, v40  }
0x1dd: {  	v45 =	vbroadcast v2, $0xD;
	v43 =	vld.idx.msk [tilespmem:v1+s14+$0x230 ss:$0x1], $0xffff;
	v39 =	vmul.f32 v39, v40;
	[tilespmem:s9+$0xFFFFFEB0] =	vst v47  }
0x1de: {  	v47 =	vshll.u32 v46, $0x10;
	[tilespmem:s16+$0x1C0] =	vst v42;
	v42 =	vld.idx.msk [tilespmem:v1+s10+$0x160 ss:$0x1], $0xffff  }
0x1df: {  	v48 =	vshll.u32 v38, $0x10;
	[tilespmem:s16+$0x1D0] =	vst v39;
	v39 =	vand.u32 $0xFFFF0000, v46;
	v46 =	vmul.f32 v47, v45  }
0x1e0: {  	v38 =	vand.u32 $0xFFFF0000, v38;
	v47 =	vmul.f32 v48, v34;
	v48 =	vld.idx.msk [tilespmem:v1+s17+$0x2F0 ss:$0x1], $0xffff;
	v39 =	vmul.f32 v39, v45;
	[tilespmem:s1+$0xFFFFFFA0] =	vst v36  }
0x1e1: {  	v36 =	vmul.f32 v38, v34;
	v38 =	vshll.u32 v37, $0x10;
	v37 =	vand.u32 $0xFFFF0000, v37;
	[tilespmem:s9+$0x340] =	vst v46  }
0x1e2: {  	v38 =	vmul.f32 v38, v21;
	v37 =	vmul.f32 v37, v21;
	v21 =	vmov v44;
	[tilespmem:s9+$0x350] =	vst v39  }
0x1e3: {  	v39 =	vshll.u32 v43, $0x10;
	[tilespmem:s15+$0xFFFFFC40] =	vst v47;
	v44 =	vld.idx.msk [tilespmem:v1+s10+$0x3B0 ss:$0x1], $0xffff  }
0x1e4: {  	v39 =	vmul.f32 v39, v41;
	[tilespmem:s15+$0xFFFFFC50] =	vst v36;
	v36 =	vand.u32 $0xFFFF0000, v43;
	v43 =	vshll.u32 v42, $0x10  }
0x1e5: {  	v46 =	vld.idx.msk [tilespmem:v1+s14+$0x30 ss:$0x1], $0xffff;
	v36 =	vmul.f32 v36, v41;
	[tilespmem:s16+$0xFFFFFDA0] =	vst v38;
	v38 =	vand.u32 $0xFFFF0000, v42;
	v41 =	vmul.f32 v43, v13  }
0x1e6: {  	[tilespmem:s15+$0x60] =	vst v39;
	v39 =	vshll.u32 v48, $0x10;
	v38 =	vmul.f32 v38, v13  }
0x1e7: {  	[tilespmem:s15+$0x70] =	vst v36;
	v36 =	vand.u32 $0xFFFF0000, v48;
	v39 =	vmul.f32 v39, v40  }
0x1e8: {  	v42 =	vld.idx.msk [tilespmem:v1+s14+$0x240 ss:$0x1], $0xffff;
	[tilespmem:s16+$0xFFFFFDB0] =	vst v37;
	v36 =	vmul.f32 v36, v40  }
0x1e9: {  	v37 =	vld.idx.msk [tilespmem:v1+s17+$0xE0 ss:$0x1], $0xffff;
	[tilespmem:s16+$0x1E0] =	vst v39;
	v39 =	vshll.u32 v44, $0x10  }
0x1ea: {  	[tilespmem:s16+$0x1F0] =	vst v36;
	v36 =	vand.u32 $0xFFFF0000, v44;
	v39 =	vmul.f32 v39, v45  }
0x1eb: {  	v40 =	vshll.u32 v46, $0x10;
	v43 =	vand.u32 $0xFFFF0000, v46;
	v44 =	vld.idx.msk [tilespmem:v1+s17+$0x300 ss:$0x1], $0xffff;
	[tilespmem:s9+$0xFFFFFEC0] =	vst v41;
	v36 =	vmul.f32 v36, v45  }
0x1ec: {  	v40 =	vmul.f32 v40, v34;
	v34 =	vmul.f32 v43, v34;
	[tilespmem:s9+$0x360] =	vst v39  }
0x1ed: {  	v39 =	vbroadcast v30, $0x2;
	[tilespmem:s9+$0x370] =	vst v36  }
0x1ee: {  	v36 =	vshll.u32 v42, $0x10;
	[tilespmem:s15+$0xFFFFFC60] =	vst v40;
	v40 =	vld.idx.msk [tilespmem:v1+s10+$0x3C0 ss:$0x1], $0xffff  }
0x1ef: {  	v36 =	vmul.f32 v36, v39;
	v41 =	vshll.u32 v37, $0x10;
	[tilespmem:s15+$0xFFFFFC70] =	vst v34;
	v34 =	vand.u32 $0xFFFF0000, v42  }
0x1f0: {  	v43 =	vbroadcast v3, $0x8;
	v37 =	vand.u32 $0xFFFF0000, v37;
	v42 =	vld.idx.msk [tilespmem:v1+s14+$0x40 ss:$0x1], $0xffff;
	v34 =	vmul.f32 v34, v39;
	[tilespmem:s9+$0xFFFFFED0] =	vst v38  }
0x1f1: {  	v37 =	vmul.f32 v37, v20;
	v38 =	vshll.u32 v44, $0x10;
	[tilespmem:s15+$0x80] =	vst v36;
	v36 =	vmul.f32 v41, v20;
	v41 =	vld.idx.msk [tilespmem:v1+s10+$0x170 ss:$0x1], $0xffff  }
0x1f2: {  	v38 =	vmul.f32 v38, v43;
	[tilespmem:s15+$0x90] =	vst v34;
	v34 =	vand.u32 $0xFFFF0000, v44  }
0x1f3: {  	v44 =	vld.idx.msk [tilespmem:v1+s14+$0x250 ss:$0x1], $0xffff;
	[tilespmem:s16+$0xFFFFFDC0] =	vst v36;
	v34 =	vmul.f32 v34, v43;
	v36 =	vbroadcast v2, $0xE  }
0x1f4: {  	[tilespmem:s16+$0x200] =	vst v38;
	v38 =	vshll.u32 v40, $0x10  }
0x1f5: {  	[tilespmem:s16+$0x210] =	vst v34;
	v34 =	vand.u32 $0xFFFF0000, v40;
	v38 =	vmul.f32 v38, v36  }
0x1f6: {  	v40 =	vshll.u32 v42, $0x10;
	v42 =	vand.u32 $0xFFFF0000, v42;
	[tilespmem:s16+$0xFFFFFDD0] =	vst v37;
	v37 =	vld.idx.msk [tilespmem:v1+s17+$0x310 ss:$0x1], $0xffff;
	v34 =	vmul.f32 v34, v36  }
0x1f7: {  	v40 =	vmul.f32 v40, v33;
	v42 =	vmul.f32 v42, v33;
	v46 =	vshll.u32 v41, $0x10;
	v45 =	vld.idx.msk [tilespmem:v1+s17+$0xF0 ss:$0x1], $0xffff;
	[tilespmem:s9+$0x380] =	vst v38  }
0x1f8: {  	v38 =	vand.u32 $0xFFFF0000, v41;
	v41 =	vmul.f32 v46, v13;
	[tilespmem:s9+$0x390] =	vst v34  }
0x1f9: {  	v34 =	vshll.u32 v44, $0x10;
	v38 =	vmul.f32 v38, v13;
	v13 =	vmovc v15;
	v15 =	vmov v35;
	[tilespmem:s15+$0xFFFFFC80] =	vst v40;
	v40 =	vld.idx.msk [tilespmem:v1+s10+$0x3D0 ss:$0x1], $0xffff  }
0x1fa: {  	v35 =	vand.u32 $0xFFFF0000, v44;
	v34 =	vmul.f32 v34, v39;
	[tilespmem:s15+$0xFFFFFC90] =	vst v42  }
0x1fb: {  	v35 =	vmul.f32 v35, v39;
	v42 =	vld.idx.msk [tilespmem:v1+s14+$0x50 ss:$0x1], $0xffff;
	[tilespmem:s9+$0xFFFFFEE0] =	vst v41  }
0x1fc: {  	[tilespmem:s15+$0xA0] =	vst v34;
	v34 =	vshll.u32 v37, $0x10  }
0x1fd: {  	v37 =	vand.u32 $0xFFFF0000, v37;
	[tilespmem:s15+$0xB0] =	vst v35;
	v35 =	vshll.u32 v45, $0x10;
	v34 =	vmul.f32 v34, v43  }
0x1fe: {  	v41 =	vand.u32 $0xFFFF0000, v45;
	v37 =	vmul.f32 v37, v43;
	v39 =	vld.idx.msk [tilespmem:v1+s14+$0x260 ss:$0x1], $0xffff;
	v35 =	vmul.f32 v35, v20;
	[tilespmem:s9+$0xFFFFFEF0] =	vst v38  }
0x1ff: {  	v38 =	vmul.f32 v41, v20;
	v41 =	vshll.u32 v40, $0x10;
	v20 =	vmov v23;
	[tilespmem:s16+$0x220] =	vst v34;
	v34 =	vld.idx.msk [tilespmem:v1+s10+$0x180 ss:$0x1], $0xffff  }
0x200: {  	v23 =	vand.u32 $0xFFFF0000, v40;
	[tilespmem:s16+$0x230] =	vst v37;
	v37 =	vmul.f32 v41, v36  }
0x201: {  	v23 =	vmul.f32 v23, v36;
	v40 =	vshll.u32 v42, $0x10;
	v41 =	vand.u32 $0xFFFF0000, v42;
	[tilespmem:s16+$0xFFFFFDE0] =	vst v35;
	v35 =	vld.idx.msk [tilespmem:v1+s17+$0x320 ss:$0x1], $0xffff  }
0x202: {  	v36 =	vmul.f32 v40, v33;
	v33 =	vmul.f32 v41, v33;
	[tilespmem:s9+$0x3A0] =	vst v37  }
0x203: {  	v37 =	vbroadcast v30, $0x3;
	[tilespmem:s9+$0x3B0] =	vst v23  }
0x204: {  	v23 =	vshll.u32 v39, $0x10;
	[tilespmem:s15+$0xFFFFFCA0] =	vst v36;
	v36 =	vld.idx.msk [tilespmem:v1+s10+$0x3E0 ss:$0x1], $0xffff  }
0x205: {  	v23 =	vmul.f32 v23, v37;
	[tilespmem:s15+$0xFFFFFCB0] =	vst v33;
	v33 =	vand.u32 $0xFFFF0000, v39;
	v39 =	vshll.u32 v34, $0x10  }
0x206: {  	v34 =	vand.u32 $0xFFFF0000, v34;
	v40 =	vld.idx.msk [tilespmem:v1+s14+$0x60 ss:$0x1], $0xffff;
	v33 =	vmul.f32 v33, v37;
	[tilespmem:s16+$0xFFFFFDF0] =	vst v38;
	v38 =	vbroadcast v3, $0x9  }
0x207: {  	v41 =	vshll.u32 v35, $0x10;
	v39 =	vmul.f32 v39, v12;
	v34 =	vmul.f32 v34, v12;
	[tilespmem:s15+$0xC0] =	vst v23;
	v23 =	vld.idx.msk [tilespmem:v1+s17+$0x100 ss:$0x1], $0xffff  }
0x208: {  	[tilespmem:s15+$0xD0] =	vst v33;
	v33 =	vand.u32 $0xFFFF0000, v35;
	v35 =	vmul.f32 v41, v38  }
0x209: {  	v41 =	vld.idx.msk [tilespmem:v1+s14+$0x270 ss:$0x1], $0xffff;
	v33 =	vmul.f32 v33, v38;
	[tilespmem:s9+$0xFFFFFF00] =	vst v39;
	v39 =	vbroadcast v2, $0xF;
	v2 =	vmovc v3;
	v3 =	vmov v30  }
0x20a: {  	v30 =	vshll.u32 v36, $0x10;
	[tilespmem:s16+$0x240] =	vst v35  }
0x20b: {  	[tilespmem:s16+$0x250] =	vst v33;
	v33 =	vand.u32 $0xFFFF0000, v36;
	v30 =	vmul.f32 v30, v39  }
0x20c: {  	v35 =	vshll.u32 v40, $0x10;
	v36 =	vand.u32 $0xFFFF0000, v40;
	v40 =	vld.idx.msk [tilespmem:v1+s17+$0x330 ss:$0x1], $0xffff;
	[tilespmem:s9+$0xFFFFFF10] =	vst v34;
	v33 =	vmul.f32 v33, v39  }
0x20d: {  	v34 =	vmul.f32 v35, v29;
	v35 =	vmul.f32 v36, v29;
	v36 =	vshll.u32 v23, $0x10;
	v42 =	vld.idx.msk [tilespmem:v1+s10+$0x190 ss:$0x1], $0xffff;
	[tilespmem:s9+$0x3C0] =	vst v30  }
0x20e: {  	v23 =	vand.u32 $0xFFFF0000, v23;
	v30 =	vmul.f32 v36, v19;
	[tilespmem:s9+$0x3D0] =	vst v33  }
0x20f: {  	v23 =	vmul.f32 v23, v19;
	v33 =	vshll.u32 v41, $0x10;
	[tilespmem:s15+$0xFFFFFCC0] =	vst v34;
	v34 =	vld.idx.msk [tilespmem:v1+s10+$0x3F0 ss:$0x1], $0xffff  }
0x210: {  	v33 =	vmul.f32 v33, v37;
	[tilespmem:s15+$0xFFFFFCD0] =	vst v35;
	v35 =	vand.u32 $0xFFFF0000, v41  }
0x211: {  	v36 =	vld.idx.msk [tilespmem:v1+s14+$0x70 ss:$0x1], $0xffff;
	v35 =	vmul.f32 v35, v37;
	[tilespmem:s16+$0xFFFFFE00] =	vst v30  }
0x212: {  	v30 =	vshll.u32 v40, $0x10;
	[tilespmem:s15+$0xE0] =	vst v33  }
0x213: {  	v33 =	vand.u32 $0xFFFF0000, v40;
	v30 =	vmul.f32 v30, v38;
	[tilespmem:s15+$0xF0] =	vst v35;
	v35 =	vshll.u32 v42, $0x10  }
0x214: {  	v37 =	vld.idx.msk [tilespmem:v1+s14+$0x280 ss:$0x1], $0xffff;
	[tilespmem:s16+$0xFFFFFE10] =	vst v23;
	v23 =	vmul.f32 v33, v38;
	v33 =	vand.u32 $0xFFFF0000, v42;
	v35 =	vmul.f32 v35, v12  }
0x215: {  	v38 =	vld.idx.msk [tilespmem:v1+s17+$0x110 ss:$0x1], $0xffff;
	[tilespmem:s16+$0x260] =	vst v30;
	v30 =	vmul.f32 v33, v12;
	v33 =	vshll.u32 v34, $0x10;
	v34 =	vand.u32 $0xFFFF0000, v34;
	v12 =	vmovc v14  }
0x216: {  	v14 =	vmov v31;
	[tilespmem:s16+$0x270] =	vst v23;
	v23 =	vmul.f32 v33, v39;
	v33 =	vmul.f32 v34, v39  }
0x217: {  	v31 =	vshll.u32 v36, $0x10;
	v34 =	vand.u32 $0xFFFF0000, v36;
	v36 =	vld.idx.msk [tilespmem:v1+s17+$0x340 ss:$0x1], $0xffff;
	[tilespmem:s9+$0xFFFFFF20] =	vst v35  }
0x218: {  	v31 =	vmul.f32 v31, v29;
	v29 =	vmul.f32 v34, v29;
	[tilespmem:s9+$0x3F0] =	vst v33  }
0x219: {  	v33 =	vbroadcast v3, $0x4;
	[tilespmem:s9+$0xFFFFFF30] =	vst v30  }
0x21a: {  	v30 =	vshll.u32 v37, $0x10;
	[tilespmem:s15+$0xFFFFFCE0] =	vst v31;
	v31 =	vld.idx.msk [tilespmem:v1+s10+$0x1A0 ss:$0x1], $0xffff  }
0x21b: {  	v30 =	vmul.f32 v30, v33;
	v34 =	vshll.u32 v38, $0x10;
	[tilespmem:s15+$0xFFFFFCF0] =	vst v29;
	v29 =	vand.u32 $0xFFFF0000, v37  }
0x21c: {  	v37 =	vand.u32 $0xFFFF0000, v38;
	v38 =	vbroadcast v2, $0xA;
	v35 =	vld.idx.msk [tilespmem:v1+s14+$0x80 ss:$0x1], $0xffff;
	v29 =	vmul.f32 v29, v33;
	[tilespmem:s1+$0xFFFFFFB0] =	vst v32  }
0x21d: {  	v32 =	vmul.f32 v37, v19;
	v37 =	vshll.u32 v36, $0x10;
	[tilespmem:s15+$0x100] =	vst v30;
	v30 =	vmul.f32 v34, v19;
	v34 =	vld.idx.msk [tilespmem:v1+s29+$0x1E0 ss:$0x1], $0xffff  }
0x21e: {  	v19 =	vmov v28;
	[tilespmem:s15+$0x110] =	vst v29;
	v29 =	vand.u32 $0xFFFF0000, v36;
	v36 =	vmul.f32 v37, v38  }
0x21f: {  	v28 =	vld.idx.msk [tilespmem:v1+s14+$0x290 ss:$0x1], $0xffff;
	[tilespmem:s16+$0xFFFFFE20] =	vst v30;
	v29 =	vmul.f32 v29, v38  }
0x220: {  	v30 =	vshll.u32 v31, $0x10;
	v31 =	vand.u32 $0xFFFF0000, v31;
	[tilespmem:s16+$0x280] =	vst v36  }
0x221: {  	[tilespmem:s16+$0x290] =	vst v29;
	v29 =	vmul.f32 v30, v10;
	v30 =	vmul.f32 v31, v10  }
0x222: {  	v31 =	vshll.u32 v35, $0x10;
	v35 =	vand.u32 $0xFFFF0000, v35;
	[tilespmem:s16+$0xFFFFFE30] =	vst v32;
	v32 =	vld.idx.msk [tilespmem:v1+s17+$0x350 ss:$0x1], $0xffff  }
0x223: {  	v31 =	vmul.f32 v31, v25;
	v35 =	vmul.f32 v35, v25;
	v36 =	vld.idx.msk [tilespmem:v1+s17+$0x120 ss:$0x1], $0xffff;
	[tilespmem:s9+$0xFFFFFF40] =	vst v29;
	v29 =	vshll.u32 v34, $0x10  }
0x224: {  	[tilespmem:s9+$0xFFFFFF50] =	vst v30;
	v30 =	vand.u32 $0xFFFF0000, v34;
	v29 =	vmul.f32 v29, v4  }
0x225: {  	[tilespmem:s15+$0xFFFFFD00] =	vst v31;
	v31 =	vshll.u32 v28, $0x10;
	v34 =	vld.idx.msk [tilespmem:v1+s10+$0x1B0 ss:$0x1], $0xffff;
	v30 =	vmul.f32 v30, v4  }
0x226: {  	v28 =	vand.u32 $0xFFFF0000, v28;
	[tilespmem:s15+$0xFFFFFD10] =	vst v35;
	v31 =	vmul.f32 v31, v33  }
0x227: {  	v28 =	vmul.f32 v28, v33;
	v35 =	vld.idx.msk [tilespmem:v1+s14+$0x90 ss:$0x1], $0xffff;
	[tilespmem:s1+$0xFFFFFFC0] =	vst v29  }
0x228: {  	v29 =	vshll.u32 v32, $0x10;
	[tilespmem:s15+$0x120] =	vst v31  }
0x229: {  	v31 =	vand.u32 $0xFFFF0000, v32;
	v29 =	vmul.f32 v29, v38;
	[tilespmem:s15+$0x130] =	vst v28;
	v28 =	vshll.u32 v36, $0x10  }
0x22a: {  	v33 =	vand.u32 $0xFFFF0000, v36;
	v31 =	vmul.f32 v31, v38;
	v32 =	vld.idx.msk [tilespmem:v1+s14+$0x2A0 ss:$0x1], $0xffff;
	v28 =	vmul.f32 v28, v18;
	[tilespmem:s1+$0xFFFFFFD0] =	vst v30  }
0x22b: {  	v30 =	vmul.f32 v33, v18;
	v33 =	vand.u32 $0xFFFF0000, v34;
	[tilespmem:s16+$0x2A0] =	vst v29;
	v29 =	vshll.u32 v34, $0x10;
	v34 =	vld.idx.msk [tilespmem:v1+s29+$0x1F0 ss:$0x1], $0xffff;
	s29 =	smov.u32 s10;
	s10 =	smov.u32 s17;
	s17 =	smov.u32 s14  }
0x22c: {  	v33 =	vmul.f32 v33, v10;
	[tilespmem:s16+$0x2B0] =	vst v31;
	v31 =	vmul.f32 v29, v10;
	v10 =	vmovc v11;
	v11 =	vmov v27  }
0x22d: {  	v27 =	vshll.u32 v35, $0x10;
	v29 =	vand.u32 $0xFFFF0000, v35;
	[tilespmem:s16+$0xFFFFFE40] =	vst v28;
	v28 =	vld.idx.msk [tilespmem:v1+s10+$0x360 ss:$0x1], $0xffff  }
0x22e: {  	v27 =	vmul.f32 v27, v25;
	v25 =	vmul.f32 v29, v25;
	[tilespmem:s16+$0xFFFFFE50] =	vst v30  }
0x22f: {  	v29 =	vbroadcast v3, $0x5;
	v30 =	vld.idx.msk [tilespmem:v1+s10+$0x130 ss:$0x1], $0xffff;
	[tilespmem:s9+$0xFFFFFF60] =	vst v31  }
0x230: {  	[tilespmem:s15+$0xFFFFFD20] =	vst v27;
	v27 =	vshll.u32 v32, $0x10  }
0x231: {  	[tilespmem:s15+$0xFFFFFD30] =	vst v25;
	v25 =	vand.u32 $0xFFFF0000, v32;
	v31 =	vmul.f32 v27, v29;
	v32 =	vshll.u32 v34, $0x10  }
0x232: {  	v27 =	vbroadcast v2, $0xB;
	v35 =	vld.idx.msk [tilespmem:v1+s14+$0xA0 ss:$0x1], $0xffff;
	v25 =	vmul.f32 v25, v29;
	[tilespmem:s9+$0xFFFFFF70] =	vst v33;
	v33 =	vand.u32 $0xFFFF0000, v34  }
0x233: {  	v32 =	vmul.f32 v32, v4;
	[tilespmem:s15+$0x140] =	vst v31;
	v31 =	vshll.u32 v28, $0x10;
	v34 =	vld.idx.msk [tilespmem:v1+s29+$0x1C0 ss:$0x1], $0xffff;
	v33 =	vmul.f32 v33, v4  }
0x234: {  	v4 =	vmovc v5;
	v5 =	vmovc v7;
	v7 =	vmov v26;
	[tilespmem:s15+$0x150] =	vst v25;
	v25 =	vand.u32 $0xFFFF0000, v28;
	v28 =	vmul.f32 v31, v27  }
0x235: {  	v26 =	vshll.u32 v30, $0x10;
	v30 =	vand.u32 $0xFFFF0000, v30;
	v31 =	vld.idx.msk [tilespmem:v1+s14+$0x2B0 ss:$0x1], $0xffff;
	v25 =	vmul.f32 v25, v27;
	[tilespmem:s1+$0xFFFFFFE0] =	vst v32  }
0x236: {  	v26 =	vmul.f32 v26, v18;
	v30 =	vmul.f32 v30, v18;
	v18 =	vmov v24;
	[tilespmem:s16+$0x2C0] =	vst v28  }
.Ltmp1:
0x237: {  	[tilespmem:s16+$0x2D0] =	vst v25;
	(pc) =	sbr.rel @p0 .LBB2_5-.Ltmp1, $4  }
0x238: {  	v24 =	vshll.u32 v35, $0x10;
	v25 =	vand.u32 $0xFFFF0000, v35;
	[tilespmem:s16+$0xFFFFFE60] =	vst v26;
	v26 =	vld.idx.msk [tilespmem:v1+s10+$0x370 ss:$0x1], $0xffff  }
0x239: {  	v24 =	vmul.f32 v24, v22;
	v32 =	vmul.f32 v25, v22;
	v25 =	vshll.u32 v34, $0x10;
	[tilespmem:s16+$0xFFFFFE70] =	vst v30  }
0x23a: {  	v30 =	vand.u32 $0xFFFF0000, v34;
	v25 =	vmul.f32 v25, v6;
	v28 =	vld.idx.msk [tilespmem:v1+s10+$0x140 ss:$0x1], $0xffff;
	[tilespmem:s1+$0xFFFFFFF0] =	vst v33;
	s1 =	smov.u32 s9;
	s9 =	smov.u32 s16;
	s16 =	smov.u32 s15  }
0x23b: {  	s23 =	sadd.s32 $0x20, s23;
	v33 =	vshll.u32 v31, $0x10;
	[tilespmem:s15+$0xFFFFFD40] =	vst v24;
	v24 =	vmul.f32 v30, v6  }
0x23c: {  	_ =	sdelay $0x2  }
0x23d: {  	[tilespmem:s15+$0xFFFFFD50] =	vst v32  }
0x23e: {  	v30 =	vld.idx.msk [tilespmem:v1+s17+$0xB0 ss:$0x1], $0xffff  }
0x23f: {  	v31 =	vand.u32 $0xFFFF0000, v31;
	v63 =	vmul.f32 v33, v29  }
0x240: {  	v35 =	vmul.f32 v31, v29  }
0x241: {  	[tilespmem:s15+$0x160] =	vst v63  }
0x242: {  	[tilespmem:s15+$0x170] =	vst v35  }
0x243: {  	v29 =	vld.idx.msk [tilespmem:v1+s17+$0x2C0 ss:$0x1], $0xffff;
	v36 =	vshll.u32 v30, $0x10  }
0x244: {  	v30 =	vand.u32 $0xFFFF0000, v30;
	v31 =	vmul.f32 v36, v22  }
0x245: {  	v37 =	vmul.f32 v30, v22  }
0x246: {  	[tilespmem:s16+$0xFFFFFD60] =	vst v31  }
0x247: {  	v38 =	vbroadcast v3, $0x6;
	[tilespmem:s16+$0xFFFFFD70] =	vst v37  }
0x248: {  	v39 =	vshll.u32 v29, $0x10;
	v31 =	vld.idx.msk [tilespmem:v1+s17+$0xC0 ss:$0x1], $0xffff  }
0x249: {  	v29 =	vand.u32 $0xFFFF0000, v29;
	v22 =	vmul.f32 v39, v38  }
0x24a: {  	v29 =	vmul.f32 v29, v38  }
0x24b: {  	[tilespmem:s16+$0x180] =	vst v22  }
0x24c: {  	[tilespmem:s16+$0x190] =	vst v29  }
0x24d: {  	v22 =	vld.idx.msk [tilespmem:v1+s17+$0x2D0 ss:$0x1], $0xffff;
	v40 =	vshll.u32 v31, $0x10  }
0x24e: {  	v31 =	vand.u32 $0xFFFF0000, v31;
	v29 =	vmul.f32 v40, v21  }
0x24f: {  	v31 =	vmul.f32 v31, v21  }
0x250: {  	[tilespmem:s16+$0xFFFFFD80] =	vst v29  }
0x251: {  	[tilespmem:s16+$0xFFFFFD90] =	vst v31  }
0x252: {  	v41 =	vshll.u32 v22, $0x10;
	v31 =	vld.idx.msk [tilespmem:v1+s17+$0xD0 ss:$0x1], $0xffff  }
0x253: {  	v22 =	vand.u32 $0xFFFF0000, v22;
	v29 =	vmul.f32 v41, v38  }
0x254: {  	v22 =	vmul.f32 v22, v38  }
0x255: {  	[tilespmem:s16+$0x1A0] =	vst v29  }
0x256: {  	[tilespmem:s16+$0x1B0] =	vst v22  }
0x257: {  	v22 =	vld.idx.msk [tilespmem:v1+s17+$0x2E0 ss:$0x1], $0xffff;
	v42 =	vshll.u32 v31, $0x10  }
0x258: {  	v43 =	vand.u32 $0xFFFF0000, v31;
	v29 =	vmul.f32 v42, v21  }
0x259: {  	v44 =	vmul.f32 v43, v21  }
0x25a: {  	[tilespmem:s16+$0xFFFFFDA0] =	vst v29  }
0x25b: {  	v45 =	vbroadcast v3, $0x7;
	[tilespmem:s16+$0xFFFFFDB0] =	vst v44  }
0x25c: {  	v46 =	vshll.u32 v22, $0x10;
	v47 =	vld.idx.msk [tilespmem:v1+s17+$0xE0 ss:$0x1], $0xffff  }
0x25d: {  	v22 =	vand.u32 $0xFFFF0000, v22;
	v21 =	vmul.f32 v46, v45  }
0x25e: {  	v22 =	vmul.f32 v22, v45  }
0x25f: {  	[tilespmem:s16+$0x1C0] =	vst v21  }
0x260: {  	[tilespmem:s16+$0x1D0] =	vst v22  }
0x261: {  	v21 =	vld.idx.msk [tilespmem:v1+s17+$0x2F0 ss:$0x1], $0xffff;
	v48 =	vshll.u32 v47, $0x10  }
0x262: {  	v30 =	vand.u32 $0xFFFF0000, v47;
	v22 =	vmul.f32 v48, v20  }
0x263: {  	v30 =	vmul.f32 v30, v20  }
0x264: {  	[tilespmem:s16+$0xFFFFFDC0] =	vst v22  }
0x265: {  	[tilespmem:s16+$0xFFFFFDD0] =	vst v30  }
0x266: {  	v49 =	vshll.u32 v21, $0x10;
	v30 =	vld.idx.msk [tilespmem:v1+s17+$0xF0 ss:$0x1], $0xffff  }
0x267: {  	v21 =	vand.u32 $0xFFFF0000, v21;
	v22 =	vmul.f32 v49, v45  }
0x268: {  	v21 =	vmul.f32 v21, v45  }
0x269: {  	[tilespmem:s16+$0x1E0] =	vst v22  }
0x26a: {  	[tilespmem:s16+$0x1F0] =	vst v21  }
0x26b: {  	v21 =	vld.idx.msk [tilespmem:v1+s17+$0x300 ss:$0x1], $0xffff;
	v50 =	vshll.u32 v30, $0x10  }
0x26c: {  	v51 =	vand.u32 $0xFFFF0000, v30;
	v22 =	vmul.f32 v50, v20  }
0x26d: {  	v52 =	vmul.f32 v51, v20  }
0x26e: {  	[tilespmem:s16+$0xFFFFFDE0] =	vst v22  }
0x26f: {  	v53 =	vbroadcast v3, $0x8;
	[tilespmem:s16+$0xFFFFFDF0] =	vst v52  }
0x270: {  	v54 =	vshll.u32 v21, $0x10;
	v55 =	vld.idx.msk [tilespmem:v1+s17+$0x100 ss:$0x1], $0xffff  }
0x271: {  	v21 =	vand.u32 $0xFFFF0000, v21;
	v20 =	vmul.f32 v54, v53  }
0x272: {  	v21 =	vmul.f32 v21, v53  }
0x273: {  	[tilespmem:s16+$0x200] =	vst v20  }
0x274: {  	[tilespmem:s16+$0x210] =	vst v21  }
0x275: {  	v20 =	vld.idx.msk [tilespmem:v1+s17+$0x310 ss:$0x1], $0xffff;
	v56 =	vshll.u32 v55, $0x10  }
0x276: {  	v29 =	vand.u32 $0xFFFF0000, v55;
	v21 =	vmul.f32 v56, v19  }
0x277: {  	v29 =	vmul.f32 v29, v19  }
0x278: {  	[tilespmem:s16+$0xFFFFFE00] =	vst v21  }
0x279: {  	[tilespmem:s16+$0xFFFFFE10] =	vst v29  }
0x27a: {  	v57 =	vshll.u32 v20, $0x10;
	v29 =	vld.idx.msk [tilespmem:v1+s17+$0x110 ss:$0x1], $0xffff  }
0x27b: {  	v20 =	vand.u32 $0xFFFF0000, v20;
	v21 =	vmul.f32 v57, v53  }
0x27c: {  	v20 =	vmul.f32 v20, v53  }
0x27d: {  	[tilespmem:s16+$0x220] =	vst v21  }
0x27e: {  	[tilespmem:s16+$0x230] =	vst v20  }
0x27f: {  	v20 =	vld.idx.msk [tilespmem:v1+s17+$0x320 ss:$0x1], $0xffff;
	v58 =	vshll.u32 v29, $0x10  }
0x280: {  	v59 =	vand.u32 $0xFFFF0000, v29;
	v21 =	vmul.f32 v58, v19  }
0x281: {  	v60 =	vmul.f32 v59, v19  }
0x282: {  	[tilespmem:s16+$0xFFFFFE20] =	vst v21  }
0x283: {  	v61 =	vbroadcast v3, $0x9;
	[tilespmem:s16+$0xFFFFFE30] =	vst v60  }
0x284: {  	v62 =	vshll.u32 v20, $0x10;
	v63 =	vld.idx.msk [tilespmem:v1+s17+$0x120 ss:$0x1], $0xffff  }
0x285: {  	v20 =	vand.u32 $0xFFFF0000, v20;
	v19 =	vmul.f32 v62, v61  }
0x286: {  	v20 =	vmul.f32 v20, v61  }
0x287: {  	[tilespmem:s16+$0x240] =	vst v19  }
0x288: {  	[tilespmem:s16+$0x250] =	vst v20  }
0x289: {  	v19 =	vld.idx.msk [tilespmem:v1+s17+$0x330 ss:$0x1], $0xffff;
	v29 =	vshll.u32 v63, $0x10  }
0x28a: {  	v22 =	vand.u32 $0xFFFF0000, v63;
	v20 =	vmul.f32 v29, v18  }
0x28b: {  	v22 =	vmul.f32 v22, v18  }
0x28c: {  	[tilespmem:s16+$0xFFFFFE40] =	vst v20  }
0x28d: {  	[tilespmem:s16+$0xFFFFFE50] =	vst v22  }
0x28e: {  	v30 =	vshll.u32 v19, $0x10;
	v22 =	vld.idx.msk [tilespmem:v1+s17+$0x130 ss:$0x1], $0xffff  }
0x28f: {  	v19 =	vand.u32 $0xFFFF0000, v19;
	v20 =	vmul.f32 v30, v61  }
0x290: {  	v19 =	vmul.f32 v19, v61  }
0x291: {  	[tilespmem:s16+$0x260] =	vst v20  }
0x292: {  	[tilespmem:s16+$0x270] =	vst v19  }
0x293: {  	v19 =	vld.idx.msk [tilespmem:v1+s17+$0x340 ss:$0x1], $0xffff;
	v31 =	vshll.u32 v22, $0x10  }
0x294: {  	v32 =	vand.u32 $0xFFFF0000, v22;
	v20 =	vmul.f32 v31, v18  }
0x295: {  	v33 =	vmul.f32 v32, v18  }
0x296: {  	[tilespmem:s16+$0xFFFFFE60] =	vst v20  }
0x297: {  	v34 =	vbroadcast v3, $0xA;
	[tilespmem:s16+$0xFFFFFE70] =	vst v33  }
0x298: {  	v35 =	vshll.u32 v19, $0x10;
	v36 =	vld.idx.msk [tilespmem:v1+s17+$0x140 ss:$0x1], $0xffff  }
0x299: {  	v19 =	vand.u32 $0xFFFF0000, v19;
	v18 =	vmul.f32 v35, v34  }
0x29a: {  	v38 =	vand.u32 $0xFFFF0000, v28;
	v19 =	vmul.f32 v19, v34  }
0x29b: {  	v37 =	vshll.u32 v28, $0x10;
	v39 =	vmul.f32 v38, v16;
	[tilespmem:s16+$0x280] =	vst v18  }
0x29c: {  	v22 =	vmul.f32 v37, v16;
	[tilespmem:s16+$0x290] =	vst v19  }
0x29d: {  	[tilespmem:s9+$0xFFFFFE90] =	vst v39;
	v19 =	vld.idx.msk [tilespmem:v1+s17+$0x350 ss:$0x1], $0xffff;
	v40 =	vshll.u32 v36, $0x10  }
0x29e: {  	[tilespmem:s9+$0xFFFFFE80] =	vst v22;
	v41 =	vand.u32 $0xFFFF0000, v36;
	v42 =	vmul.f32 v40, v17  }
0x29f: {  	v43 =	vld.idx.msk [tilespmem:v1+s10+$0x150 ss:$0x1], $0xffff;
	v18 =	vmul.f32 v41, v17  }
0x2a0: {  	[tilespmem:s16+$0xFFFFFE80] =	vst v42  }
0x2a1: {  	[tilespmem:s16+$0xFFFFFE90] =	vst v18  }
0x2a2: {  	v44 =	vshll.u32 v19, $0x10;
	v21 =	vld.idx.msk [tilespmem:v1+s17+$0x150 ss:$0x1], $0xffff  }
0x2a3: {  	v19 =	vand.u32 $0xFFFF0000, v19;
	v18 =	vmul.f32 v44, v34  }
0x2a4: {  	v45 =	vshll.u32 v43, $0x10;
	v19 =	vmul.f32 v19, v34  }
0x2a5: {  	v46 =	vand.u32 $0xFFFF0000, v43;
	v47 =	vmul.f32 v45, v16;
	[tilespmem:s16+$0x2A0] =	vst v18  }
0x2a6: {  	v48 =	vmul.f32 v46, v16;
	[tilespmem:s16+$0x2B0] =	vst v19  }
0x2a7: {  	[tilespmem:s9+$0xFFFFFEA0] =	vst v47;
	v18 =	vld.idx.msk [tilespmem:v1+s17+$0x360 ss:$0x1], $0xffff;
	v49 =	vshll.u32 v21, $0x10  }
0x2a8: {  	[tilespmem:s9+$0xFFFFFEB0] =	vst v48;
	v50 =	vand.u32 $0xFFFF0000, v21;
	v19 =	vmul.f32 v49, v17  }
0x2a9: {  	v51 =	vld.idx.msk [tilespmem:v1+s10+$0x160 ss:$0x1], $0xffff;
	v16 =	vmul.f32 v50, v17  }
0x2aa: {  	v53 =	vand.u32 $0xFFFF0000, v26;
	[tilespmem:s16+$0xFFFFFEA0] =	vst v19  }
0x2ab: {  	v52 =	vshll.u32 v26, $0x10;
	v54 =	vbroadcast v3, $0xB;
	v55 =	vmul.f32 v53, v27;
	[tilespmem:s16+$0xFFFFFEB0] =	vst v16  }
0x2ac: {  	v17 =	vmul.f32 v52, v27;
	v56 =	vshll.u32 v18, $0x10;
	v57 =	vld.idx.msk [tilespmem:v1+s17+$0x160 ss:$0x1], $0xffff  }
0x2ad: {  	[tilespmem:s9+$0x2F0] =	vst v55;
	v58 =	vand.u32 $0xFFFF0000, v18;
	v59 =	vmul.f32 v56, v54  }
0x2ae: {  	v20 =	vand.u32 $0xFFFF0000, v51;
	[tilespmem:s9+$0x2E0] =	vst v17;
	v17 =	vmul.f32 v58, v54  }
0x2af: {  	v60 =	vshll.u32 v51, $0x10;
	v62 =	vmul.f32 v20, v13;
	v61 =	vld.idx.msk [tilespmem:v1+s10+$0x380 ss:$0x1], $0xffff;
	[tilespmem:s16+$0x2C0] =	vst v59  }
0x2b0: {  	v16 =	vmul.f32 v60, v13;
	[tilespmem:s16+$0x2D0] =	vst v17  }
0x2b1: {  	[tilespmem:s9+$0xFFFFFED0] =	vst v62;
	v63 =	vld.idx.msk [tilespmem:v1+s17+$0x370 ss:$0x1], $0xffff;
	v26 =	vshll.u32 v57, $0x10  }
0x2b2: {  	[tilespmem:s9+$0xFFFFFEC0] =	vst v16;
	v27 =	vand.u32 $0xFFFF0000, v57;
	v17 =	vmul.f32 v26, v15  }
0x2b3: {  	v28 =	vbroadcast v2, $0xC;
	v29 =	vld.idx.msk [tilespmem:v1+s10+$0x170 ss:$0x1], $0xffff;
	v18 =	vmul.f32 v27, v15  }
0x2b4: {  	v30 =	vshll.u32 v61, $0x10;
	[tilespmem:s16+$0xFFFFFEC0] =	vst v17  }
0x2b5: {  	v31 =	vand.u32 $0xFFFF0000, v61;
	v32 =	vmul.f32 v30, v28;
	[tilespmem:s16+$0xFFFFFED0] =	vst v18  }
0x2b6: {  	v17 =	vmul.f32 v31, v28;
	v33 =	vshll.u32 v63, $0x10;
	v34 =	vld.idx.msk [tilespmem:v1+s17+$0x170 ss:$0x1], $0xffff  }
0x2b7: {  	[tilespmem:s9+$0x300] =	vst v32;
	v16 =	vand.u32 $0xFFFF0000, v63;
	v18 =	vmul.f32 v33, v54  }
0x2b8: {  	v36 =	vand.u32 $0xFFFF0000, v29;
	v16 =	vmul.f32 v16, v54;
	[tilespmem:s9+$0x310] =	vst v17  }
0x2b9: {  	v35 =	vshll.u32 v29, $0x10;
	v37 =	vmul.f32 v36, v13;
	v19 =	vld.idx.msk [tilespmem:v1+s10+$0x390 ss:$0x1], $0xffff;
	[tilespmem:s16+$0x2E0] =	vst v18  }
0x2ba: {  	v17 =	vmul.f32 v35, v13;
	[tilespmem:s16+$0x2F0] =	vst v16  }
0x2bb: {  	[tilespmem:s9+$0xFFFFFEF0] =	vst v37;
	v16 =	vld.idx.msk [tilespmem:v1+s17+$0x380 ss:$0x1], $0xffff;
	v38 =	vshll.u32 v34, $0x10  }
0x2bc: {  	[tilespmem:s9+$0xFFFFFEE0] =	vst v17;
	v39 =	vand.u32 $0xFFFF0000, v34;
	v17 =	vmul.f32 v38, v15  }
0x2bd: {  	v40 =	vld.idx.msk [tilespmem:v1+s10+$0x180 ss:$0x1], $0xffff;
	v13 =	vmul.f32 v39, v15  }
0x2be: {  	v41 =	vshll.u32 v19, $0x10;
	[tilespmem:s16+$0xFFFFFEE0] =	vst v17  }
0x2bf: {  	v43 =	vbroadcast v3, $0xC;
	v42 =	vand.u32 $0xFFFF0000, v19;
	v15 =	vmul.f32 v41, v28;
	[tilespmem:s16+$0xFFFFFEF0] =	vst v13  }
0x2c0: {  	v44 =	vmul.f32 v42, v28;
	v45 =	vshll.u32 v16, $0x10;
	v46 =	vld.idx.msk [tilespmem:v1+s17+$0x180 ss:$0x1], $0xffff  }
0x2c1: {  	v47 =	vand.u32 $0xFFFF0000, v16;
	v48 =	vmul.f32 v45, v43;
	[tilespmem:s9+$0x320] =	vst v15  }
0x2c2: {  	v49 =	vshll.u32 v40, $0x10;
	[tilespmem:s9+$0x330] =	vst v44;
	v15 =	vmul.f32 v47, v43  }
0x2c3: {  	v18 =	vand.u32 $0xFFFF0000, v40;
	v13 =	vmul.f32 v49, v12;
	v50 =	vld.idx.msk [tilespmem:v1+s10+$0x3A0 ss:$0x1], $0xffff;
	[tilespmem:s16+$0x300] =	vst v48  }
0x2c4: {  	v51 =	vmul.f32 v18, v12;
	[tilespmem:s16+$0x310] =	vst v15  }
0x2c5: {  	[tilespmem:s9+$0xFFFFFF00] =	vst v13;
	v52 =	vld.idx.msk [tilespmem:v1+s17+$0x390 ss:$0x1], $0xffff;
	v53 =	vshll.u32 v46, $0x10  }
0x2c6: {  	[tilespmem:s9+$0xFFFFFF10] =	vst v51;
	v54 =	vand.u32 $0xFFFF0000, v46;
	v15 =	vmul.f32 v53, v14  }
0x2c7: {  	v55 =	vbroadcast v2, $0xD;
	v56 =	vld.idx.msk [tilespmem:v1+s10+$0x190 ss:$0x1], $0xffff;
	v16 =	vmul.f32 v54, v14  }
0x2c8: {  	v57 =	vshll.u32 v50, $0x10;
	[tilespmem:s16+$0xFFFFFF00] =	vst v15  }
0x2c9: {  	v58 =	vand.u32 $0xFFFF0000, v50;
	v59 =	vmul.f32 v57, v55;
	[tilespmem:s16+$0xFFFFFF10] =	vst v16  }
0x2ca: {  	v15 =	vmul.f32 v58, v55;
	v60 =	vshll.u32 v52, $0x10;
	v61 =	vld.idx.msk [tilespmem:v1+s17+$0x190 ss:$0x1], $0xffff  }
0x2cb: {  	v13 =	vand.u32 $0xFFFF0000, v52;
	[tilespmem:s9+$0x340] =	vst v59;
	v16 =	vmul.f32 v60, v43  }
0x2cc: {  	v62 =	vshll.u32 v56, $0x10;
	[tilespmem:s9+$0x350] =	vst v15;
	v13 =	vmul.f32 v13, v43  }
0x2cd: {  	v63 =	vand.u32 $0xFFFF0000, v56;
	v15 =	vmul.f32 v62, v12;
	v17 =	vld.idx.msk [tilespmem:v1+s10+$0x3B0 ss:$0x1], $0xffff;
	[tilespmem:s16+$0x320] =	vst v16  }
0x2ce: {  	v19 =	vmul.f32 v63, v12;
	[tilespmem:s16+$0x330] =	vst v13  }
0x2cf: {  	[tilespmem:s9+$0xFFFFFF20] =	vst v15;
	v13 =	vld.idx.msk [tilespmem:v1+s17+$0x3A0 ss:$0x1], $0xffff;
	v20 =	vshll.u32 v61, $0x10  }
0x2d0: {  	[tilespmem:s9+$0xFFFFFF30] =	vst v19;
	v22 =	vand.u32 $0xFFFF0000, v61;
	v15 =	vmul.f32 v20, v14  }
0x2d1: {  	v26 =	vld.idx.msk [tilespmem:v1+s10+$0x1A0 ss:$0x1], $0xffff;
	v12 =	vmul.f32 v22, v14  }
0x2d2: {  	v27 =	vshll.u32 v17, $0x10;
	[tilespmem:s16+$0xFFFFFF20] =	vst v15  }
0x2d3: {  	v29 =	vbroadcast v3, $0xD;
	v28 =	vand.u32 $0xFFFF0000, v17;
	v14 =	vmul.f32 v27, v55;
	[tilespmem:s16+$0xFFFFFF30] =	vst v12  }
0x2d4: {  	v30 =	vmul.f32 v28, v55;
	v31 =	vshll.u32 v13, $0x10;
	v32 =	vld.idx.msk [tilespmem:v1+s17+$0x1A0 ss:$0x1], $0xffff  }
0x2d5: {  	v13 =	vand.u32 $0xFFFF0000, v13;
	[tilespmem:s9+$0x360] =	vst v14;
	v33 =	vmul.f32 v31, v29  }
0x2d6: {  	v34 =	vshll.u32 v26, $0x10;
	[tilespmem:s9+$0x370] =	vst v30;
	v13 =	vmul.f32 v13, v29  }
0x2d7: {  	v16 =	vand.u32 $0xFFFF0000, v26;
	v12 =	vmul.f32 v34, v10;
	[tilespmem:s16+$0x340] =	vst v33  }
0x2d8: {  	v36 =	vmul.f32 v16, v10;
	v35 =	vld.idx.msk [tilespmem:v1+s10+$0x3C0 ss:$0x1], $0xffff;
	[tilespmem:s16+$0x350] =	vst v13  }
0x2d9: {  	[tilespmem:s9+$0xFFFFFF40] =	vst v12;
	v37 =	vld.idx.msk [tilespmem:v1+s17+$0x3B0 ss:$0x1], $0xffff;
	v38 =	vshll.u32 v32, $0x10  }
0x2da: {  	[tilespmem:s9+$0xFFFFFF50] =	vst v36;
	v39 =	vand.u32 $0xFFFF0000, v32;
	v13 =	vmul.f32 v38, v11  }
0x2db: {  	v41 =	vld.idx.msk [tilespmem:v1+s10+$0x1B0 ss:$0x1], $0xffff;
	v14 =	vmul.f32 v39, v11  }
0x2dc: {  	v40 =	vbroadcast v2, $0xE;
	[tilespmem:s16+$0xFFFFFF40] =	vst v13  }
0x2dd: {  	v43 =	vand.u32 $0xFFFF0000, v35;
	[tilespmem:s16+$0xFFFFFF50] =	vst v14  }
0x2de: {  	[tilespmem:s1+$0xFFFFFF80] =	vst v25;
	v13 =	vmul.f32 v43, v40;
	v45 =	vshll.u32 v37, $0x10;
	v46 =	vld.idx.msk [tilespmem:v1+s17+$0x1B0 ss:$0x1], $0xffff  }
0x2df: {  	[tilespmem:s1+$0xFFFFFF90] =	vst v24;
	v12 =	vand.u32 $0xFFFF0000, v37;
	v14 =	vmul.f32 v45, v29  }
0x2e0: {  	v47 =	vshll.u32 v41, $0x10;
	[tilespmem:s9+$0x390] =	vst v13;
	v12 =	vmul.f32 v12, v29  }
0x2e1: {  	v48 =	vand.u32 $0xFFFF0000, v41;
	v13 =	vmul.f32 v47, v10;
	[tilespmem:s16+$0x360] =	vst v14  }
0x2e2: {  	v60 =	vld.idx.msk [tilespmem:v1+s29+$0x1D0 ss:$0x1], $0xffff;
	v50 =	vmul.f32 v48, v10;
	[tilespmem:s16+$0x370] =	vst v12  }
0x2e3: {  	[tilespmem:s9+$0xFFFFFF60] =	vst v13;
	v12 =	vld.idx.msk [tilespmem:v1+s17+$0x3C0 ss:$0x1], $0xffff;
	v51 =	vshll.u32 v46, $0x10  }
0x2e4: {  	[tilespmem:s9+$0xFFFFFF70] =	vst v50;
	v52 =	vand.u32 $0xFFFF0000, v46;
	v13 =	vmul.f32 v51, v11  }
0x2e5: {  	v53 =	vld.idx.msk [tilespmem:v1+s10+$0x1C0 ss:$0x1], $0xffff;
	v10 =	vmul.f32 v52, v11  }
0x2e6: {  	v42 =	vshll.u32 v35, $0x10;
	[tilespmem:s16+$0xFFFFFF60] =	vst v13  }
0x2e7: {  	v24 =	vand.u32 $0xFFFF0000, v60;
	v55 =	vbroadcast v3, $0xE;
	v44 =	vmul.f32 v42, v40;
	[tilespmem:s16+$0xFFFFFF70] =	vst v10  }
0x2e8: {  	v26 =	vmul.f32 v24, v6;
	v57 =	vshll.u32 v12, $0x10;
	v58 =	vld.idx.msk [tilespmem:v1+s17+$0x1C0 ss:$0x1], $0xffff  }
0x2e9: {  	[tilespmem:s9+$0x380] =	vst v44;
	v12 =	vand.u32 $0xFFFF0000, v12;
	v11 =	vmul.f32 v57, v55  }
0x2ea: {  	[tilespmem:s1+$0xFFFFFFB0] =	vst v26;
	v49 =	vld.idx.msk [tilespmem:v1+s10+$0x3D0 ss:$0x1], $0xffff;
	v59 =	vshll.u32 v53, $0x10;
	v12 =	vmul.f32 v12, v55  }
0x2eb: {  	v15 =	vand.u32 $0xFFFF0000, v53;
	v10 =	vmul.f32 v59, v8;
	[tilespmem:s16+$0x380] =	vst v11  }
0x2ec: {  	v22 =	vshll.u32 v60, $0x10;
	v62 =	vmul.f32 v15, v8;
	[tilespmem:s16+$0x390] =	vst v12  }
0x2ed: {  	v15 =	vmul.f32 v22, v6;
	[tilespmem:s9+$0xFFFFFF80] =	vst v10;
	v63 =	vld.idx.msk [tilespmem:v1+s17+$0x3D0 ss:$0x1], $0xffff;
	v19 =	vshll.u32 v58, $0x10  }
0x2ee: {  	[tilespmem:s9+$0xFFFFFF90] =	vst v62;
	v20 =	vand.u32 $0xFFFF0000, v58;
	v12 =	vmul.f32 v19, v9  }
0x2ef: {  	v54 =	vshll.u32 v49, $0x10;
	[tilespmem:s1+$0xFFFFFFA0] =	vst v15;
	v21 =	vld.idx.msk [tilespmem:v1+s10+$0x1D0 ss:$0x1], $0xffff;
	v14 =	vmul.f32 v20, v9  }
0x2f0: {  	v61 =	vand.u32 $0xFFFF0000, v49;
	v56 =	vmul.f32 v54, v40;
	[tilespmem:s16+$0xFFFFFF80] =	vst v12  }
0x2f1: {  	v11 =	vmul.f32 v61, v40;
	v29 =	vld.idx.msk [tilespmem:v1+s29+$0x1E0 ss:$0x1], $0xffff;
	[tilespmem:s16+$0xFFFFFF90] =	vst v14  }
0x2f2: {  	[tilespmem:s9+$0x3A0] =	vst v56;
	v27 =	vshll.u32 v63, $0x10;
	v14 =	vld.idx.msk [tilespmem:v1+s17+$0x1D0 ss:$0x1], $0xffff  }
0x2f3: {  	[tilespmem:s9+$0x3B0] =	vst v11;
	v10 =	vand.u32 $0xFFFF0000, v63;
	v12 =	vmul.f32 v27, v55  }
0x2f4: {  	v25 =	vld.idx.msk [tilespmem:v1+s10+$0x3E0 ss:$0x1], $0xffff;
	v28 =	vshll.u32 v21, $0x10;
	v10 =	vmul.f32 v10, v55  }
0x2f5: {  	v11 =	vand.u32 $0xFFFF0000, v21;
	v6 =	vmul.f32 v28, v8;
	[tilespmem:s16+$0x3A0] =	vst v12  }
0x2f6: {  	v40 =	vand.u32 $0xFFFF0000, v29;
	v31 =	vmul.f32 v11, v8;
	[tilespmem:s16+$0x3B0] =	vst v10  }
0x2f7: {  	v41 =	vmul.f32 v40, v4;
	[tilespmem:s9+$0xFFFFFFA0] =	vst v6;
	v33 =	vld.idx.msk [tilespmem:v1+s17+$0x3E0 ss:$0x1], $0xffff;
	v34 =	vshll.u32 v14, $0x10  }
0x2f8: {  	v2 =	vbroadcast v2, $0xF;
	[tilespmem:s9+$0xFFFFFFB0] =	vst v31;
	v35 =	vand.u32 $0xFFFF0000, v14;
	v11 =	vmul.f32 v34, v9  }
0x2f9: {  	v30 =	vshll.u32 v25, $0x10;
	[tilespmem:s1+$0xFFFFFFD0] =	vst v41;
	v37 =	vld.idx.msk [tilespmem:v1+s10+$0x1E0 ss:$0x1], $0xffff;
	v8 =	vmul.f32 v35, v9  }
0x2fa: {  	v36 =	vand.u32 $0xFFFF0000, v25;
	v32 =	vmul.f32 v30, v2;
	[tilespmem:s16+$0xFFFFFFA0] =	vst v11  }
0x2fb: {  	v3 =	vbroadcast v3, $0xF;
	v39 =	vshll.u32 v29, $0x10;
	v38 =	vmul.f32 v36, v2;
	[tilespmem:s16+$0xFFFFFFB0] =	vst v8  }
0x2fc: {  	v12 =	vmul.f32 v39, v4;
	[tilespmem:s9+$0x3C0] =	vst v32;
	v42 =	vshll.u32 v33, $0x10;
	v43 =	vld.idx.msk [tilespmem:v1+s17+$0x1E0 ss:$0x1], $0xffff  }
0x2fd: {  	[tilespmem:s9+$0x3D0] =	vst v38;
	v6 =	vand.u32 $0xFFFF0000, v33;
	v9 =	vmul.f32 v42, v3  }
0x2fe: {  	[tilespmem:s1+$0xFFFFFFC0] =	vst v12;
	v44 =	vld.idx.msk [tilespmem:v1+s10+$0x3F0 ss:$0x1], $0xffff;
	v45 =	vshll.u32 v37, $0x10;
	v6 =	vmul.f32 v6, v3  }
0x2ff: {  	v46 =	vld.idx.msk [tilespmem:v1+s29+$0x1F0 ss:$0x1], $0xffff;
	v47 =	vand.u32 $0xFFFF0000, v37;
	v8 =	vmul.f32 v45, v5;
	[tilespmem:s16+$0x3C0] =	vst v9  }
0x300: {  	v48 =	vmul.f32 v47, v5;
	[tilespmem:s16+$0x3D0] =	vst v6  }
0x301: {  	[tilespmem:s9+$0xFFFFFFC0] =	vst v8;
	v49 =	vshll.u32 v43, $0x10  }
0x302: {  	[tilespmem:s9+$0xFFFFFFD0] =	vst v48;
	v50 =	vld.idx.msk [tilespmem:v1+s17+$0x3F0 ss:$0x1], $0xffff;
	v51 =	vand.u32 $0xFFFF0000, v43;
	v8 =	vmul.f32 v49, v7  }
0x303: {  	[tilespmem:s1+$0x3E0] =	vst v23;
	v52 =	vand.u32 $0xFFFF0000, v44;
	v53 =	vld.idx.msk [tilespmem:v1+s10+$0x1F0 ss:$0x1], $0xffff;
	v6 =	vmul.f32 v51, v7  }
0x304: {  	v54 =	vshll.u32 v46, $0x10;
	v10 =	vmul.f32 v52, v2;
	[tilespmem:s16+$0xFFFFFFC0] =	vst v8  }
0x305: {  	v55 =	vand.u32 $0xFFFF0000, v46;
	v56 =	vmul.f32 v54, v4;
	[tilespmem:s16+$0xFFFFFFD0] =	vst v6  }
0x306: {  	v57 =	vshll.u32 v44, $0x10;
	v58 =	vmul.f32 v55, v4;
	[tilespmem:s9+$0x3F0] =	vst v10;
	v1 =	vld.idx.msk [tilespmem:v1+s17+$0x1F0 ss:$0x1], $0xffff  }
0x307: {  	v2 =	vmul.f32 v57, v2;
	[tilespmem:s1+$0xFFFFFFE0] =	vst v56;
	v59 =	vand.u32 $0xFFFF0000, v50  }
0x308: {  	[tilespmem:s1+$0xFFFFFFF0] =	vst v58;
	v61 =	vshll.u32 v53, $0x10;
	v60 =	vmul.f32 v59, v3  }
0x309: {  	[tilespmem:s9+$0x3E0] =	vst v2;
	v2 =	vand.u32 $0xFFFF0000, v53;
	v6 =	vmul.f32 v61, v5  }
0x30a: {  	s25 =	sadd.s32 $0x1, s25;
	v62 =	vshll.u32 v50, $0x10;
	v2 =	vmul.f32 v2, v5;
	[tilespmem:s16+$0x3F0] =	vst v60  }
0x30b: {  	p0 =	sne.s32 s25, $0xA0;
	v3 =	vmul.f32 v62, v3;
	[tilespmem:s9+$0xFFFFFFE0] =	vst v6;
	v63 =	vshll.u32 v1, $0x10  }
.Ltmp2:
0x30c: {  	[tilespmem:s9+$0xFFFFFFF0] =	vst v2;
	v1 =	vand.u32 $0xFFFF0000, v1;
	v2 =	vmul.f32 v63, v7;
	(pc) =	sbr.rel @p0 .LBB2_4-.Ltmp2, $4  }
0x30d: {  	s22 =	sshrl.u32 s11, $0x2;
	s23 =	sshrl.u32 s12, $0x2;
	[tilespmem:s16+$0x3E0] =	vst v3;
	v1 =	vmul.f32 v1, v7  }
0x30e: {  	s31 =	sadd.s32 $0x1000, s31;
	s30 =	sadd.s32 $0x1, s30;
	s1 =	sadd.s32 s23, s22;
	[tilespmem:s16+$0xFFFFFFE0] =	vst v2  }
0x30f: {  	s28 =	sadd.s32 $0x1, s28;
	s29 =	sadd.s32 $0x7, s26;
	s1 =	sadd.s32 $0x1000, s1;
	[tilespmem:s16+$0xFFFFFFF0] =	vst v1  }
0x310: {  	[spmem:s2] =	stream.indirect.scatter.add.f32 [tilespmem:s13], [sflag:s29], $0x40, s1, s24, $0xb8;
	[tilespmem:$0x1AC40] =	vst v63  }
0x311: {  	s1 =	simm.s32 $0x7  }
0x312: {  	_ =	swait.ge [sflag:s1], $0x2000  }
0x313: {  	[sflag:s1] =	ssyncset.done $0x0  }
0x314: {  	[sflag:s1] =	ssyncadd.s32 $0xFFFFE000  }
0x315: {  	_ =	swait.ge [sflag:s0], $0x2000  }
0x316: {  	[sflag:s0] =	ssyncset.done $0x0  }
0x317: {  	s28 =	simm.s32 $0x9;
	[sflag:s0] =	ssyncadd.s32 $0xFFFFE000  }
0x318: {  	_ =	swait.ge [sflag:s28], $0x2000  }
0x319: {  	[sflag:s28] =	ssyncset.done $0x0  }
0x31a: {  	s29 =	simm.s32 $0xA;
	[sflag:s28] =	ssyncadd.s32 $0xFFFFE000  }
0x31b: {  	_ =	swait.ge [sflag:s29], $0x2000  }
0x31c: {  	[sflag:s29] =	ssyncset.done $0x0  }
0x31d: {  	s30 =	stileid.u32;
	s9 =	sshrl.u32 s7, $0x3;
	[sflag:s29] =	ssyncadd.s32 $0xFFFFE000  }
0x31e: {  	s11 =	simm.s32 $0x1;
	s1 =	sshll.u32 s30, $0x6;
	[bflag:$0x0] =	sbarrier.arrive $0xFFFF  }
0x31f: {  	s12 =	simm.s32 $0x10;
	s1 =	sor.u32 $0x1C0D, s1;
	s10 =	rddreg [dreg:$0xb]  }
0x320: {  	[hbm:s10@s12], [sflag:s1] =	dma.strided [spmem:s9@s0], $0x1388, s11, $0x8   }
0x321: {  	_ =	swait.ge [sflag:s21], $0x1388  }
0x322: {  	s3 =	sadd.s32 $0x1, s3;
	s31 =	rddreg [dreg:$0xc]  }
0x323: {  	p0 =	sne.s32 s3, s31  }
.Ltmp3:
0x324: {  	_ = 	snop;
	(pc) =	sbr.rel @p0 .LBB2_1-.Ltmp3, $3  }
0x325: {  	_ =	sdelay $0x1  }
0x326: {  	[sflag:s21] =	ssyncset.done $0x0  }
0x327: {  	[sflag:s21] =	ssyncadd.s32 $0xFFFFEC78  }
0x328: {  	_ =	sfence.sel $0x180000  }
0x329: {  	[bflag:$0x0] =	sbarrier.arrive $0xFFFF  }
0x32a: {  	_ =	strace $0x90000047  }
0x32b: {  	s0 =	stileid.u32;
	[bflag:$0x2] =	sbarrier.arrive $0xFFFF  }
0x32c: {  	p0 =	sne.s32 s0, $0x0;
	s0 =	rddreg [dreg:$0x3]  }
0x32d: {  	s0 =	sadd.s32 @!p0 $0x100000, s0  }
0x32e: {  	[sflag:s0] =	ssyncadd.tile.s32 @!p0 $0x1;
	_ =	shalt  }
.Lfunc_end2:
_tile_overlayer_lowered:
.L_overlay_start_2:
0x32f: {  	(tag) =	ssettag $0x2  }
0x330: {  	s0 =	rddreg [dreg:$0x0];
	s2 =	stileid.u32  }
0x331: {  	s1 =	rddreg [dreg:$0x1];
	p0 =	sne.s32 s2, $0x0  }
0x332: {  	s3 =	rddreg [dreg:$0x2];
	[bflag:$0x3] =	sbarrier.arrive $0xFFFF;
	s2 =	simm.s32 @!p0 $0x1C0D  }
0x333: {  	[timem:s3], [sflag:s2] =	dma.local @!p0 [hbm:s0], s1  }
0x334: {  	s0 =	simm.s32 @!p0 $0xD  }
0x335: {  	_ =	swait.ge @!p0 [sflag:s0], s1  }
0x336: {  	s1 =	ssub.s32 @!p0 $0x0, s1;
	[sflag:s0] =	ssyncset.done @!p0 $0x0  }
0x337: {  	[sflag:s0] =	ssyncadd.s32 @!p0 s1  }
0x338: {  	[bflag:$0x3] =	sbarrier.arrive $0xFFFF  }
0x339: {  	_ =	shalt  }

</sc_bundles>
